<compile_context>
chip_gen: v7x
topology: tpu7x:2x2x1
jax: 0.10.2.dev20260603
libtpu: 0.0.44.dev20260713+nightly
codegen_flags: <defaults>
</compile_context>

<pallas_src>
import functools

import jax
import jax.numpy as jnp
from jax import lax
from jax.experimental import pallas as pl
from jax.experimental.pallas import tpu as pltpu, tpu_sc as plsc

N = 10000
D = 128
DH = D // 2
E = 320000

C = 240
NCHUNK = 87
EPT = NCHUNK * C
ETOT = 16 * EPT
NPAD = 10240
ROWS_PER_TILE = NPAD // 16

_BLK = 512



def _tc_in_body(x_ref, w_ref, asrc_ref, adst_ref, h_ref, es_ref, ed_ref):
    h = jnp.dot(x_ref[...], w_ref[...], preferred_element_type=jnp.float32)
    h_ref[0] = h[:, :DH]
    h_ref[1] = h[:, DH:]
    es_ref[...] = jnp.sum(h * asrc_ref[...], axis=-1, keepdims=True)
    ed_ref[...] = jnp.sum(h * adst_ref[...], axis=-1, keepdims=True)


def _tc_in(x_pad, w, asrc, adst):
    grid = (NPAD // _BLK,)
    return pl.pallas_call(
        _tc_in_body,
        grid=grid,
        in_specs=[
            pl.BlockSpec((_BLK, D), lambda i: (i, 0)),
            pl.BlockSpec((D, D), lambda i: (0, 0)),
            pl.BlockSpec((1, D), lambda i: (0, 0)),
            pl.BlockSpec((1, D), lambda i: (0, 0)),
        ],
        out_specs=[
            pl.BlockSpec((2, _BLK, DH), lambda i: (0, i, 0)),
            pl.BlockSpec((_BLK, 1), lambda i: (i, 0)),
            pl.BlockSpec((_BLK, 1), lambda i: (i, 0)),
        ],
        out_shape=[
            jax.ShapeDtypeStruct((2, NPAD, DH), jnp.float32),
            jax.ShapeDtypeStruct((NPAD, 1), jnp.float32),
            jax.ShapeDtypeStruct((NPAD, 1), jnp.float32),
        ],
    )(x_pad, w, asrc, adst)


def _tc_mid_body(u_ref, d_ref, w_ref, asrc_ref, adst_ref,
                 h_ref, es_ref, ed_ref):
    den = jnp.maximum(d_ref[...], 1e-30)
    u = jnp.concatenate([u_ref[0], u_ref[1]], axis=-1)
    g = jnp.maximum(u, 0.0) / den
    h = jnp.dot(g, w_ref[...], preferred_element_type=jnp.float32)
    h_ref[0] = h[:, :DH]
    h_ref[1] = h[:, DH:]
    es_ref[...] = jnp.sum(h * asrc_ref[...], axis=-1, keepdims=True)
    ed_ref[...] = jnp.sum(h * adst_ref[...], axis=-1, keepdims=True)


def _tc_mid(u, d, w, asrc, adst):
    grid = (NPAD // _BLK,)
    return pl.pallas_call(
        _tc_mid_body,
        grid=grid,
        in_specs=[
            pl.BlockSpec((2, _BLK, DH), lambda i: (0, i, 0)),
            pl.BlockSpec((_BLK, 1), lambda i: (i, 0)),
            pl.BlockSpec((D, D), lambda i: (0, 0)),
            pl.BlockSpec((1, D), lambda i: (0, 0)),
            pl.BlockSpec((1, D), lambda i: (0, 0)),
        ],
        out_specs=[
            pl.BlockSpec((2, _BLK, DH), lambda i: (0, i, 0)),
            pl.BlockSpec((_BLK, 1), lambda i: (i, 0)),
            pl.BlockSpec((_BLK, 1), lambda i: (i, 0)),
        ],
        out_shape=[
            jax.ShapeDtypeStruct((2, NPAD, DH), jnp.float32),
            jax.ShapeDtypeStruct((NPAD, 1), jnp.float32),
            jax.ShapeDtypeStruct((NPAD, 1), jnp.float32),
        ],
    )(u, d, w, asrc, adst)


_OBLK = 400


def _tc_out_body(u_ref, d_ref, o_ref):
    den = jnp.maximum(d_ref[...], 1e-30)
    g = jnp.concatenate([u_ref[0], u_ref[1]], axis=-1) / den
    m = jnp.max(g, axis=-1, keepdims=True)
    l = g - m
    o_ref[...] = l - jnp.log(jnp.sum(jnp.exp(l), axis=-1, keepdims=True))


def _tc_out(u, d):
    grid = (N // _OBLK,)
    return pl.pallas_call(
        _tc_out_body,
        grid=grid,
        in_specs=[
            pl.BlockSpec((2, _OBLK, DH), lambda i: (0, i, 0)),
            pl.BlockSpec((_OBLK, 1), lambda i: (i, 0)),
        ],
        out_specs=pl.BlockSpec((_OBLK, D), lambda i: (i, 0)),
        out_shape=jax.ShapeDtypeStruct((N, D), jnp.float32),
    )(u, d)



def _edge_body(h_hbm, es_hbm, ed_hbm, src_hbm, dst_hbm,
               u_hbm, den_hbm,
               es_l, ed_l,
               src0, src1, src2, dst0, dst1, dst2,
               rows0, rows1, rows2, ee0, ee1, ee2, zden,
               u_sh, den_sh,
               g0, g1, g2, s0, s1, s2, d0, d1, d2, i0, i1, i2):
    c = lax.axis_index("c")
    s = lax.axis_index("s")

    src_bufs = (src0, src1, src2)
    dst_bufs = (dst0, dst1, dst2)
    rows_bufs = (rows0, rows1, rows2)
    ee_bufs = (ee0, ee1, ee2)
    gsems = (g0, g1, g2)
    ssems = (s0, s1, s2)
    dsems = (d0, d1, d2)
    isems = (i0, i1, i2)

    z16 = jnp.zeros((16,), jnp.float32)

    def _zrow(i, carry):
        for j in range(DH // 16):
            rows0[i, pl.ds(j * 16, 16)] = z16
        return carry
    lax.fori_loop(0, C, _zrow, 0)
    for t in range(ROWS_PER_TILE // 16):
        zden[pl.ds(t * 16, 16)] = z16

    row0 = pl.multiple_of(s * ROWS_PER_TILE, 8)
    for t in range(ROWS_PER_TILE // C):
        pltpu.sync_copy(rows0, u_sh.at[pl.ds(row0 + t * C, C)])
    _rem = ROWS_PER_TILE % C
    if _rem:
        pltpu.sync_copy(rows0.at[pl.ds(0, _rem)],
                        u_sh.at[pl.ds(row0 + (ROWS_PER_TILE // C) * C, _rem)])
    pltpu.sync_copy(zden, den_sh.at[pl.ds(row0, ROWS_PER_TILE)])

    pltpu.sync_copy(es_hbm, es_l)
    pltpu.sync_copy(ed_hbm, ed_l)

    plsc.subcore_barrier()

    h_mine = h_hbm.at[c]
    ebase = pl.multiple_of(s * EPT, 8)

    def _idx_start(k, b):
        base = pl.multiple_of(ebase + k * C, 8)
        pltpu.async_copy(src_hbm.at[pl.ds(base, C)], src_bufs[b], isems[b])
        pltpu.async_copy(dst_hbm.at[pl.ds(base, C)], dst_bufs[b], isems[b])

    def _idx_wait(b):
        pltpu.make_async_copy(
            src_hbm.at[pl.ds(0, C)], src_bufs[b], isems[b]).wait()
        pltpu.make_async_copy(
            dst_hbm.at[pl.ds(0, C)], dst_bufs[b], isems[b]).wait()

    def _gather_start(b):
        pltpu.async_copy(h_mine.at[src_bufs[b]], rows_bufs[b], gsems[b])

    def _gather_wait(b):
        pltpu.make_async_copy(
            h_mine.at[src_bufs[b]], rows_bufs[b], gsems[b]).wait()

    def _scat_start(b):
        pltpu.async_copy(rows_bufs[b], u_sh.at[dst_bufs[b]], ssems[b],
                         add=True)
        pltpu.async_copy(ee_bufs[b], den_sh.at[dst_bufs[b]], dsems[b],
                         add=True)

    def _scat_wait(b):
        pltpu.make_async_copy(
            rows_bufs[b], u_sh.at[dst_bufs[b]], ssems[b]).wait()
        pltpu.make_async_copy(
            ee_bufs[b], den_sh.at[dst_bufs[b]], dsems[b]).wait()

    def _compute(b):
        src_b = src_bufs[b]
        dst_b = dst_bufs[b]
        rows_b = rows_bufs[b]
        ee_b = ee_bufs[b]
        for g in range(C // 16):
            sl = pl.ds(g * 16, 16)
            sv = src_b[sl]
            dv = dst_b[sl]
            e = plsc.load_gather(es_l, [sv]) + plsc.load_gather(ed_l, [dv])
            e = jnp.where(e >= 0.0, e, e * jnp.float32(0.2))
            ee_b[sl] = jnp.exp(e)

        def _scale(i, carry):
            eei = plsc.load_gather(ee_b, [jnp.full((16,), i, jnp.int32)])
            for j in range(DH // 16):
                sl = pl.ds(j * 16, 16)
                rows_b[i, sl] = rows_b[i, sl] * eei
            return carry
        lax.fori_loop(0, C, _scale, 0)

    _idx_start(0, 0)
    _idx_start(1, 1)
    _idx_wait(0)
    _gather_start(0)

    def _step(t, carry):
        for b in range(3):
            k = t * 3 + b
            nb = (b + 2) % 3

            @pl.when(k + 1 < NCHUNK)
            def _():
                _idx_wait((b + 1) % 3)
                _gather_start((b + 1) % 3)

            _gather_wait(b)
            _compute(b)
            _scat_start(b)

            @pl.when(k >= 1)
            def _():
                _scat_wait(nb)

            @pl.when(k + 2 < NCHUNK)
            def _():
                _idx_start(k + 2, nb)
        return carry

    lax.fori_loop(0, NCHUNK // 3, _step, 0)

    _scat_wait((NCHUNK - 1) % 3)

    plsc.subcore_barrier()

    pltpu.sync_copy(u_sh.at[pl.ds(row0, ROWS_PER_TILE)],
                    u_hbm.at[c, pl.ds(row0, ROWS_PER_TILE)])

    @pl.when(c == 0)
    def _():
        pltpu.sync_copy(den_sh.at[pl.ds(row0, ROWS_PER_TILE)],
                        den_hbm.at[pl.ds(row0, ROWS_PER_TILE)])


@functools.partial(
    pl.kernel,
    out_type=[
        jax.ShapeDtypeStruct((2, NPAD, DH), jnp.float32),
        jax.ShapeDtypeStruct((NPAD,), jnp.float32),
    ],
    mesh=plsc.VectorSubcoreMesh(core_axis_name="c", subcore_axis_name="s"),
    compiler_params=pltpu.CompilerParams(
        needs_layout_passes=False, use_tc_tiling_on_sc=False),
    scratch_types=[
        pltpu.VMEM((NPAD,), jnp.float32),
        pltpu.VMEM((NPAD,), jnp.float32),
        pltpu.VMEM((C,), jnp.int32),
        pltpu.VMEM((C,), jnp.int32),
        pltpu.VMEM((C,), jnp.int32),
        pltpu.VMEM((C,), jnp.int32),
        pltpu.VMEM((C,), jnp.int32),
        pltpu.VMEM((C,), jnp.int32),
        pltpu.VMEM((C, DH), jnp.float32),
        pltpu.VMEM((C, DH), jnp.float32),
        pltpu.VMEM((C, DH), jnp.float32),
        pltpu.VMEM((C,), jnp.float32),
        pltpu.VMEM((C,), jnp.float32),
        pltpu.VMEM((C,), jnp.float32),
        pltpu.VMEM((ROWS_PER_TILE,), jnp.float32),
        pltpu.VMEM_SHARED((NPAD, DH), jnp.float32),
        pltpu.VMEM_SHARED((NPAD,), jnp.float32),
        pltpu.SemaphoreType.DMA,
        pltpu.SemaphoreType.DMA,
        pltpu.SemaphoreType.DMA,
        pltpu.SemaphoreType.DMA,
        pltpu.SemaphoreType.DMA,
        pltpu.SemaphoreType.DMA,
        pltpu.SemaphoreType.DMA,
        pltpu.SemaphoreType.DMA,
        pltpu.SemaphoreType.DMA,
        pltpu.SemaphoreType.DMA,
        pltpu.SemaphoreType.DMA,
        pltpu.SemaphoreType.DMA,
    ],
)
def _edge_pass(h_hbm, es_hbm, ed_hbm, src_hbm, dst_hbm, u_hbm, den_hbm,
               es_l, ed_l, src0, src1, src2, dst0, dst1, dst2,
               rows0, rows1, rows2, ee0, ee1, ee2, zden, u_sh, den_sh,
               g0, g1, g2, s0, s1, s2, d0, d1, d2, i0, i1, i2):
    _edge_body(h_hbm, es_hbm, ed_hbm, src_hbm, dst_hbm, u_hbm, den_hbm,
               es_l, ed_l, src0, src1, src2, dst0, dst1, dst2,
               rows0, rows1, rows2, ee0, ee1, ee2, zden, u_sh, den_sh,
               g0, g1, g2, s0, s1, s2, d0, d1, d2, i0, i1, i2)



def kernel(x, edge_index, W1, a_src1, a_dst1, W2, a_src2, a_dst2):
    x = x.astype(jnp.float32)
    x_pad = jnp.concatenate(
        [x, jnp.zeros((NPAD - N, D), jnp.float32)], axis=0)

    loop = jnp.arange(N, dtype=jnp.int32)
    padv = jnp.full((ETOT - E - N,), N, jnp.int32)
    src = jnp.concatenate([edge_index[0], loop, padv])
    dst = jnp.concatenate([edge_index[1], loop, padv])

    h1, es1, ed1 = _tc_in(x_pad, W1, a_src1.reshape(1, D), a_dst1.reshape(1, D))
    u1, den1 = _edge_pass(h1, es1.reshape(NPAD), ed1.reshape(NPAD), src, dst)

    h2, es2, ed2 = _tc_mid(u1, den1.reshape(NPAD, 1),
                           W2, a_src2.reshape(1, D), a_dst2.reshape(1, D))
    u2, den2 = _edge_pass(h2, es2.reshape(NPAD), ed2.reshape(NPAD), src, dst)

    return _tc_out(u2, den2.reshape(NPAD, 1))

# --- scband reference (transcript-rebuilt; emitter-appended) ---
"""Pipeline reference for scband-gat-5282809775004 (READ-ONLY COPY).

The authoritative reference and input builder live on the scoring server;
editing this copy changes nothing except your own understanding.
"""

import jax, jax.numpy as jnp
import numpy as np

N = 10000
E = 320000
D_IN = 128
D_HID = 128
D_OUT = 128


def _xavier(key, fan_in, fan_out):
    gain = np.sqrt(2.0)  # relu gain, per init_weights
    bound = gain * np.sqrt(6.0 / (fan_in + fan_out))
    return jax.random.uniform(key, (fan_in, fan_out), minval=-bound, maxval=bound, dtype=jnp.float32)


def setup_inputs(seed: int = 0) -> dict:
    key = jax.random.key(seed)
    ks = jax.random.split(key, 8)
    x = jax.random.normal(ks[0], (N, D_IN), dtype=jnp.float32)
    edge_index = jax.random.randint(ks[1], (2, E), 0, N, dtype=jnp.int32)
    W1 = _xavier(ks[2], D_IN, D_HID)
    a_src1 = jax.random.normal(ks[3], (D_HID,), dtype=jnp.float32) * 0.1
    a_dst1 = jax.random.normal(ks[4], (D_HID,), dtype=jnp.float32) * 0.1
    W2 = _xavier(ks[5], D_HID, D_OUT)
    a_src2 = jax.random.normal(ks[6], (D_OUT,), dtype=jnp.float32) * 0.1
    a_dst2 = jax.random.normal(ks[7], (D_OUT,), dtype=jnp.float32) * 0.1
    return {"x": x, "edge_index": edge_index, "W1": W1, "a_src1": a_src1, "a_dst1": a_dst1,
            "W2": W2, "a_src2": a_src2, "a_dst2": a_dst2}


def _gat_conv(x, edge_index, W, a_src, a_dst):
    # PyG GATConv: heads=1, bias=False, add_self_loops=True, negative_slope=0.2
    n = x.shape[0]
    h = x @ W  # [N, D_out]
    loop = jnp.arange(n, dtype=edge_index.dtype)
    src = jnp.concatenate([edge_index[0], loop])
    dst = jnp.concatenate([edge_index[1], loop])
    e_src = jnp.sum(h * a_src, axis=-1)  # [N]
    e_dst = jnp.sum(h * a_dst, axis=-1)  # [N]
    e = jax.nn.leaky_relu(e_src[src] + e_dst[dst], negative_slope=0.2)  # [E+N]
    # softmax over incoming edges per destination node
    e_max = jax.ops.segment_max(e, dst, num_segments=n)
    ee = jnp.exp(e - e_max[dst])
    denom = jax.ops.segment_sum(ee, dst, num_segments=n)
    alpha = ee / denom[dst]
    out = jax.ops.segment_sum(alpha[:, None] * h[src], dst, num_segments=n)
    return out


def reference(x, edge_index, W1, a_src1, a_dst1, W2, a_src2, a_dst2):
    x = x.astype(jnp.float32)
    # layer 1
    h = _gat_conv(x, edge_index, W1, a_src1, a_dst1)
    h = jax.nn.relu(h)
    # dropout is identity in eval mode
    # layer 2 (final)
    h = _gat_conv(h, edge_index, W2, a_src2, a_dst2)
    return jax.nn.log_softmax(h, axis=-1)

if __name__ == "__main__":
    import jax
    _d = setup_inputs()
    print(jax.jit(kernel)(*tuple(_d.values())))

</pallas_src>

<mosaic_0001>
#map = affine_map<(d0, d1) -> (0, 0, 0)>
#map1 = affine_map<(d0, d1) -> (0)>
module attributes {stable_mosaic.version = 14 : i64} {
  func.func @_edge_pass(%arg0: i32, %arg1: i32, %arg2: memref<2x10240x64xf32, #tpu.memory_space<hbm>>, %arg3: memref<10240xf32, #tpu.memory_space<hbm>>, %arg4: memref<10240xf32, #tpu.memory_space<hbm>>, %arg5: memref<334080xi32, #tpu.memory_space<hbm>>, %arg6: memref<334080xi32, #tpu.memory_space<hbm>>, %arg7: memref<2x10240x64xf32, #tpu.memory_space<hbm>>, %arg8: memref<10240xf32, #tpu.memory_space<hbm>>, %arg9: memref<10240xf32, #tpu.memory_space<vmem>>, %arg10: memref<10240xf32, #tpu.memory_space<vmem>>, %arg11: memref<240xi32, #tpu.memory_space<vmem>>, %arg12: memref<240xi32, #tpu.memory_space<vmem>>, %arg13: memref<240xi32, #tpu.memory_space<vmem>>, %arg14: memref<240xi32, #tpu.memory_space<vmem>>, %arg15: memref<240xi32, #tpu.memory_space<vmem>>, %arg16: memref<240xi32, #tpu.memory_space<vmem>>, %arg17: memref<240x64xf32, #tpu.memory_space<vmem>>, %arg18: memref<240x64xf32, #tpu.memory_space<vmem>>, %arg19: memref<240x64xf32, #tpu.memory_space<vmem>>, %arg20: memref<240xf32, #tpu.memory_space<vmem>>, %arg21: memref<240xf32, #tpu.memory_space<vmem>>, %arg22: memref<240xf32, #tpu.memory_space<vmem>>, %arg23: memref<640xf32, #tpu.memory_space<vmem>>, %arg24: memref<10240x64xf32, #tpu.memory_space<vmem_shared>>, %arg25: memref<10240xf32, #tpu.memory_space<vmem_shared>>, %arg26: memref<!tpu.dma_semaphore, #tpu.memory_space<semaphore_mem>>, %arg27: memref<!tpu.dma_semaphore, #tpu.memory_space<semaphore_mem>>, %arg28: memref<!tpu.dma_semaphore, #tpu.memory_space<semaphore_mem>>, %arg29: memref<!tpu.dma_semaphore, #tpu.memory_space<semaphore_mem>>, %arg30: memref<!tpu.dma_semaphore, #tpu.memory_space<semaphore_mem>>, %arg31: memref<!tpu.dma_semaphore, #tpu.memory_space<semaphore_mem>>, %arg32: memref<!tpu.dma_semaphore, #tpu.memory_space<semaphore_mem>>, %arg33: memref<!tpu.dma_semaphore, #tpu.memory_space<semaphore_mem>>, %arg34: memref<!tpu.dma_semaphore, #tpu.memory_space<semaphore_mem>>, %arg35: memref<!tpu.dma_semaphore, #tpu.memory_space<semaphore_mem>>, %arg36: memref<!tpu.dma_semaphore, #tpu.memory_space<semaphore_mem>>, %arg37: memref<!tpu.dma_semaphore, #tpu.memory_space<semaphore_mem>>) attributes {dimension_semantics = [#tpu.dimension_semantics<core_parallel>, #tpu.dimension_semantics<subcore_parallel>], iteration_bounds = array<i64: 2, 16>, scalar_prefetch = 0 : i64, scratch_operands = 29 : i64, tpu.core_type = #tpu.core_type<sc_vector_subcore>, window_params = [{transform_indices = #map}, {transform_indices = #map1}, {transform_indices = #map1}, {transform_indices = #map1}, {transform_indices = #map1}, {transform_indices = #map}, {transform_indices = #map1}]} {
    %broadcast_in_dim3A = arith.constant 0.000000e+00 : f32
    %broadcast_in_dim3A_0 = vector.broadcast %broadcast_in_dim3A : f32 to vector<16xf32>
    %scan3A = arith.constant 0 : i32
    %scan3A_1 = arith.constant 0 : i32
    %scan3A_2 = arith.constant 240 : i32
    %scan3A_3 = arith.addi %scan3A_1, %scan3A_2 : i32
    %scan3A_4 = arith.constant 1 : i32
    scf.for %scan3A_135 = %scan3A_1 to %scan3A_3 step %scan3A_4  : i32 {
      %swap3A_136 = arith.index_cast %scan3A_135 : i32 to index
      %swap3A_137 = arith.constant 0 : index
      %swap3A_138 = tpu.vector_load %arg17[%swap3A_136, %swap3A_137] {strides = array<i32>} : memref<240x64xf32, #tpu.memory_space<vmem>>, vector<16xf32>,
      tpu.vector_store %arg17[%swap3A_136, %swap3A_137], %broadcast_in_dim3A_0 {strides = array<i32>} : memref<240x64xf32, #tpu.memory_space<vmem>>, vector<16xf32>,
      %swap3A_139 = arith.index_cast %scan3A_135 : i32 to index
      %swap3A_140 = arith.constant 16 : index
      %swap3A_141 = tpu.vector_load %arg17[%swap3A_139, %swap3A_140] {strides = array<i32>} : memref<240x64xf32, #tpu.memory_space<vmem>>, vector<16xf32>,
      tpu.vector_store %arg17[%swap3A_139, %swap3A_140], %broadcast_in_dim3A_0 {strides = array<i32>} : memref<240x64xf32, #tpu.memory_space<vmem>>, vector<16xf32>,
      %swap3A_142 = arith.index_cast %scan3A_135 : i32 to index
      %swap3A_143 = arith.constant 32 : index
      %swap3A_144 = tpu.vector_load %arg17[%swap3A_142, %swap3A_143] {strides = array<i32>} : memref<240x64xf32, #tpu.memory_space<vmem>>, vector<16xf32>,
      tpu.vector_store %arg17[%swap3A_142, %swap3A_143], %broadcast_in_dim3A_0 {strides = array<i32>} : memref<240x64xf32, #tpu.memory_space<vmem>>, vector<16xf32>,
      %swap3A_145 = arith.index_cast %scan3A_135 : i32 to index
      %swap3A_146 = arith.constant 48 : index
      %swap3A_147 = tpu.vector_load %arg17[%swap3A_145, %swap3A_146] {strides = array<i32>} : memref<240x64xf32, #tpu.memory_space<vmem>>, vector<16xf32>,
      tpu.vector_store %arg17[%swap3A_145, %swap3A_146], %broadcast_in_dim3A_0 {strides = array<i32>} : memref<240x64xf32, #tpu.memory_space<vmem>>, vector<16xf32>,
    }
    %scan3A_5 = arith.constant 240 : i32
    %swap3A = arith.constant 0 : index
    %swap3A_6 = tpu.vector_load %arg23[%swap3A] {strides = array<i32>} : memref<640xf32, #tpu.memory_space<vmem>>, vector<16xf32>,
    tpu.vector_store %arg23[%swap3A], %broadcast_in_dim3A_0 {strides = array<i32>} : memref<640xf32, #tpu.memory_space<vmem>>, vector<16xf32>,
    %swap3A_7 = arith.constant 16 : index
    %swap3A_8 = tpu.vector_load %arg23[%swap3A_7] {strides = array<i32>} : memref<640xf32, #tpu.memory_space<vmem>>, vector<16xf32>,
    tpu.vector_store %arg23[%swap3A_7], %broadcast_in_dim3A_0 {strides = array<i32>} : memref<640xf32, #tpu.memory_space<vmem>>, vector<16xf32>,
    %swap3A_9 = arith.constant 32 : index
    %swap3A_10 = tpu.vector_load %arg23[%swap3A_9] {strides = array<i32>} : memref<640xf32, #tpu.memory_space<vmem>>, vector<16xf32>,
    tpu.vector_store %arg23[%swap3A_9], %broadcast_in_dim3A_0 {strides = array<i32>} : memref<640xf32, #tpu.memory_space<vmem>>, vector<16xf32>,
    %swap3A_11 = arith.constant 48 : index
    %swap3A_12 = tpu.vector_load %arg23[%swap3A_11] {strides = array<i32>} : memref<640xf32, #tpu.memory_space<vmem>>, vector<16xf32>,
    tpu.vector_store %arg23[%swap3A_11], %broadcast_in_dim3A_0 {strides = array<i32>} : memref<640xf32, #tpu.memory_space<vmem>>, vector<16xf32>,
    %swap3A_13 = arith.constant 64 : index
    %swap3A_14 = tpu.vector_load %arg23[%swap3A_13] {strides = array<i32>} : memref<640xf32, #tpu.memory_space<vmem>>, vector<16xf32>,
    tpu.vector_store %arg23[%swap3A_13], %broadcast_in_dim3A_0 {strides = array<i32>} : memref<640xf32, #tpu.memory_space<vmem>>, vector<16xf32>,
    %swap3A_15 = arith.constant 80 : index
    %swap3A_16 = tpu.vector_load %arg23[%swap3A_15] {strides = array<i32>} : memref<640xf32, #tpu.memory_space<vmem>>, vector<16xf32>,
    tpu.vector_store %arg23[%swap3A_15], %broadcast_in_dim3A_0 {strides = array<i32>} : memref<640xf32, #tpu.memory_space<vmem>>, vector<16xf32>,
    %swap3A_17 = arith.constant 96 : index
    %swap3A_18 = tpu.vector_load %arg23[%swap3A_17] {strides = array<i32>} : memref<640xf32, #tpu.memory_space<vmem>>, vector<16xf32>,
    tpu.vector_store %arg23[%swap3A_17], %broadcast_in_dim3A_0 {strides = array<i32>} : memref<640xf32, #tpu.memory_space<vmem>>, vector<16xf32>,
    %swap3A_19 = arith.constant 112 : index
    %swap3A_20 = tpu.vector_load %arg23[%swap3A_19] {strides = array<i32>} : memref<640xf32, #tpu.memory_space<vmem>>, vector<16xf32>,
    tpu.vector_store %arg23[%swap3A_19], %broadcast_in_dim3A_0 {strides = array<i32>} : memref<640xf32, #tpu.memory_space<vmem>>, vector<16xf32>,
    %swap3A_21 = arith.constant 128 : index
    %swap3A_22 = tpu.vector_load %arg23[%swap3A_21] {strides = array<i32>} : memref<640xf32, #tpu.memory_space<vmem>>, vector<16xf32>,
    tpu.vector_store %arg23[%swap3A_21], %broadcast_in_dim3A_0 {strides = array<i32>} : memref<640xf32, #tpu.memory_space<vmem>>, vector<16xf32>,
    %swap3A_23 = arith.constant 144 : index
    %swap3A_24 = tpu.vector_load %arg23[%swap3A_23] {strides = array<i32>} : memref<640xf32, #tpu.memory_space<vmem>>, vector<16xf32>,
    tpu.vector_store %arg23[%swap3A_23], %broadcast_in_dim3A_0 {strides = array<i32>} : memref<640xf32, #tpu.memory_space<vmem>>, vector<16xf32>,
    %swap3A_25 = arith.constant 160 : index
    %swap3A_26 = tpu.vector_load %arg23[%swap3A_25] {strides = array<i32>} : memref<640xf32, #tpu.memory_space<vmem>>, vector<16xf32>,
    tpu.vector_store %arg23[%swap3A_25], %broadcast_in_dim3A_0 {strides = array<i32>} : memref<640xf32, #tpu.memory_space<vmem>>, vector<16xf32>,
    %swap3A_27 = arith.constant 176 : index
    %swap3A_28 = tpu.vector_load %arg23[%swap3A_27] {strides = array<i32>} : memref<640xf32, #tpu.memory_space<vmem>>, vector<16xf32>,
    tpu.vector_store %arg23[%swap3A_27], %broadcast_in_dim3A_0 {strides = array<i32>} : memref<640xf32, #tpu.memory_space<vmem>>, vector<16xf32>,
    %swap3A_29 = arith.constant 192 : index
    %swap3A_30 = tpu.vector_load %arg23[%swap3A_29] {strides = array<i32>} : memref<640xf32, #tpu.memory_space<vmem>>, vector<16xf32>,
    tpu.vector_store %arg23[%swap3A_29], %broadcast_in_dim3A_0 {strides = array<i32>} : memref<640xf32, #tpu.memory_space<vmem>>, vector<16xf32>,
    %swap3A_31 = arith.constant 208 : index
    %swap3A_32 = tpu.vector_load %arg23[%swap3A_31] {strides = array<i32>} : memref<640xf32, #tpu.memory_space<vmem>>, vector<16xf32>,
    tpu.vector_store %arg23[%swap3A_31], %broadcast_in_dim3A_0 {strides = array<i32>} : memref<640xf32, #tpu.memory_space<vmem>>, vector<16xf32>,
    %swap3A_33 = arith.constant 224 : index
    %swap3A_34 = tpu.vector_load %arg23[%swap3A_33] {strides = array<i32>} : memref<640xf32, #tpu.memory_space<vmem>>, vector<16xf32>,
    tpu.vector_store %arg23[%swap3A_33], %broadcast_in_dim3A_0 {strides = array<i32>} : memref<640xf32, #tpu.memory_space<vmem>>, vector<16xf32>,
    %swap3A_35 = arith.constant 240 : index
    %swap3A_36 = tpu.vector_load %arg23[%swap3A_35] {strides = array<i32>} : memref<640xf32, #tpu.memory_space<vmem>>, vector<16xf32>,
    tpu.vector_store %arg23[%swap3A_35], %broadcast_in_dim3A_0 {strides = array<i32>} : memref<640xf32, #tpu.memory_space<vmem>>, vector<16xf32>,
    %swap3A_37 = arith.constant 256 : index
    %swap3A_38 = tpu.vector_load %arg23[%swap3A_37] {strides = array<i32>} : memref<640xf32, #tpu.memory_space<vmem>>, vector<16xf32>,
    tpu.vector_store %arg23[%swap3A_37], %broadcast_in_dim3A_0 {strides = array<i32>} : memref<640xf32, #tpu.memory_space<vmem>>, vector<16xf32>,
    %swap3A_39 = arith.constant 272 : index
    %swap3A_40 = tpu.vector_load %arg23[%swap3A_39] {strides = array<i32>} : memref<640xf32, #tpu.memory_space<vmem>>, vector<16xf32>,
    tpu.vector_store %arg23[%swap3A_39], %broadcast_in_dim3A_0 {strides = array<i32>} : memref<640xf32, #tpu.memory_space<vmem>>, vector<16xf32>,
    %swap3A_41 = arith.constant 288 : index
    %swap3A_42 = tpu.vector_load %arg23[%swap3A_41] {strides = array<i32>} : memref<640xf32, #tpu.memory_space<vmem>>, vector<16xf32>,
    tpu.vector_store %arg23[%swap3A_41], %broadcast_in_dim3A_0 {strides = array<i32>} : memref<640xf32, #tpu.memory_space<vmem>>, vector<16xf32>,
    %swap3A_43 = arith.constant 304 : index
    %swap3A_44 = tpu.vector_load %arg23[%swap3A_43] {strides = array<i32>} : memref<640xf32, #tpu.memory_space<vmem>>, vector<16xf32>,
    tpu.vector_store %arg23[%swap3A_43], %broadcast_in_dim3A_0 {strides = array<i32>} : memref<640xf32, #tpu.memory_space<vmem>>, vector<16xf32>,
    %swap3A_45 = arith.constant 320 : index
    %swap3A_46 = tpu.vector_load %arg23[%swap3A_45] {strides = array<i32>} : memref<640xf32, #tpu.memory_space<vmem>>, vector<16xf32>,
    tpu.vector_store %arg23[%swap3A_45], %broadcast_in_dim3A_0 {strides = array<i32>} : memref<640xf32, #tpu.memory_space<vmem>>, vector<16xf32>,
    %swap3A_47 = arith.constant 336 : index
    %swap3A_48 = tpu.vector_load %arg23[%swap3A_47] {strides = array<i32>} : memref<640xf32, #tpu.memory_space<vmem>>, vector<16xf32>,
    tpu.vector_store %arg23[%swap3A_47], %broadcast_in_dim3A_0 {strides = array<i32>} : memref<640xf32, #tpu.memory_space<vmem>>, vector<16xf32>,
    %swap3A_49 = arith.constant 352 : index
    %swap3A_50 = tpu.vector_load %arg23[%swap3A_49] {strides = array<i32>} : memref<640xf32, #tpu.memory_space<vmem>>, vector<16xf32>,
    tpu.vector_store %arg23[%swap3A_49], %broadcast_in_dim3A_0 {strides = array<i32>} : memref<640xf32, #tpu.memory_space<vmem>>, vector<16xf32>,
    %swap3A_51 = arith.constant 368 : index
    %swap3A_52 = tpu.vector_load %arg23[%swap3A_51] {strides = array<i32>} : memref<640xf32, #tpu.memory_space<vmem>>, vector<16xf32>,
    tpu.vector_store %arg23[%swap3A_51], %broadcast_in_dim3A_0 {strides = array<i32>} : memref<640xf32, #tpu.memory_space<vmem>>, vector<16xf32>,
    %swap3A_53 = arith.constant 384 : index
    %swap3A_54 = tpu.vector_load %arg23[%swap3A_53] {strides = array<i32>} : memref<640xf32, #tpu.memory_space<vmem>>, vector<16xf32>,
    tpu.vector_store %arg23[%swap3A_53], %broadcast_in_dim3A_0 {strides = array<i32>} : memref<640xf32, #tpu.memory_space<vmem>>, vector<16xf32>,
    %swap3A_55 = arith.constant 400 : index
    %swap3A_56 = tpu.vector_load %arg23[%swap3A_55] {strides = array<i32>} : memref<640xf32, #tpu.memory_space<vmem>>, vector<16xf32>,
    tpu.vector_store %arg23[%swap3A_55], %broadcast_in_dim3A_0 {strides = array<i32>} : memref<640xf32, #tpu.memory_space<vmem>>, vector<16xf32>,
    %swap3A_57 = arith.constant 416 : index
    %swap3A_58 = tpu.vector_load %arg23[%swap3A_57] {strides = array<i32>} : memref<640xf32, #tpu.memory_space<vmem>>, vector<16xf32>,
    tpu.vector_store %arg23[%swap3A_57], %broadcast_in_dim3A_0 {strides = array<i32>} : memref<640xf32, #tpu.memory_space<vmem>>, vector<16xf32>,
    %swap3A_59 = arith.constant 432 : index
    %swap3A_60 = tpu.vector_load %arg23[%swap3A_59] {strides = array<i32>} : memref<640xf32, #tpu.memory_space<vmem>>, vector<16xf32>,
    tpu.vector_store %arg23[%swap3A_59], %broadcast_in_dim3A_0 {strides = array<i32>} : memref<640xf32, #tpu.memory_space<vmem>>, vector<16xf32>,
    %swap3A_61 = arith.constant 448 : index
    %swap3A_62 = tpu.vector_load %arg23[%swap3A_61] {strides = array<i32>} : memref<640xf32, #tpu.memory_space<vmem>>, vector<16xf32>,
    tpu.vector_store %arg23[%swap3A_61], %broadcast_in_dim3A_0 {strides = array<i32>} : memref<640xf32, #tpu.memory_space<vmem>>, vector<16xf32>,
    %swap3A_63 = arith.constant 464 : index
    %swap3A_64 = tpu.vector_load %arg23[%swap3A_63] {strides = array<i32>} : memref<640xf32, #tpu.memory_space<vmem>>, vector<16xf32>,
    tpu.vector_store %arg23[%swap3A_63], %broadcast_in_dim3A_0 {strides = array<i32>} : memref<640xf32, #tpu.memory_space<vmem>>, vector<16xf32>,
    %swap3A_65 = arith.constant 480 : index
    %swap3A_66 = tpu.vector_load %arg23[%swap3A_65] {strides = array<i32>} : memref<640xf32, #tpu.memory_space<vmem>>, vector<16xf32>,
    tpu.vector_store %arg23[%swap3A_65], %broadcast_in_dim3A_0 {strides = array<i32>} : memref<640xf32, #tpu.memory_space<vmem>>, vector<16xf32>,
    %swap3A_67 = arith.constant 496 : index
    %swap3A_68 = tpu.vector_load %arg23[%swap3A_67] {strides = array<i32>} : memref<640xf32, #tpu.memory_space<vmem>>, vector<16xf32>,
    tpu.vector_store %arg23[%swap3A_67], %broadcast_in_dim3A_0 {strides = array<i32>} : memref<640xf32, #tpu.memory_space<vmem>>, vector<16xf32>,
    %swap3A_69 = arith.constant 512 : index
    %swap3A_70 = tpu.vector_load %arg23[%swap3A_69] {strides = array<i32>} : memref<640xf32, #tpu.memory_space<vmem>>, vector<16xf32>,
    tpu.vector_store %arg23[%swap3A_69], %broadcast_in_dim3A_0 {strides = array<i32>} : memref<640xf32, #tpu.memory_space<vmem>>, vector<16xf32>,
    %swap3A_71 = arith.constant 528 : index
    %swap3A_72 = tpu.vector_load %arg23[%swap3A_71] {strides = array<i32>} : memref<640xf32, #tpu.memory_space<vmem>>, vector<16xf32>,
    tpu.vector_store %arg23[%swap3A_71], %broadcast_in_dim3A_0 {strides = array<i32>} : memref<640xf32, #tpu.memory_space<vmem>>, vector<16xf32>,
    %swap3A_73 = arith.constant 544 : index
    %swap3A_74 = tpu.vector_load %arg23[%swap3A_73] {strides = array<i32>} : memref<640xf32, #tpu.memory_space<vmem>>, vector<16xf32>,
    tpu.vector_store %arg23[%swap3A_73], %broadcast_in_dim3A_0 {strides = array<i32>} : memref<640xf32, #tpu.memory_space<vmem>>, vector<16xf32>,
    %swap3A_75 = arith.constant 560 : index
    %swap3A_76 = tpu.vector_load %arg23[%swap3A_75] {strides = array<i32>} : memref<640xf32, #tpu.memory_space<vmem>>, vector<16xf32>,
    tpu.vector_store %arg23[%swap3A_75], %broadcast_in_dim3A_0 {strides = array<i32>} : memref<640xf32, #tpu.memory_space<vmem>>, vector<16xf32>,
    %swap3A_77 = arith.constant 576 : index
    %swap3A_78 = tpu.vector_load %arg23[%swap3A_77] {strides = array<i32>} : memref<640xf32, #tpu.memory_space<vmem>>, vector<16xf32>,
    tpu.vector_store %arg23[%swap3A_77], %broadcast_in_dim3A_0 {strides = array<i32>} : memref<640xf32, #tpu.memory_space<vmem>>, vector<16xf32>,
    %swap3A_79 = arith.constant 592 : index
    %swap3A_80 = tpu.vector_load %arg23[%swap3A_79] {strides = array<i32>} : memref<640xf32, #tpu.memory_space<vmem>>, vector<16xf32>,
    tpu.vector_store %arg23[%swap3A_79], %broadcast_in_dim3A_0 {strides = array<i32>} : memref<640xf32, #tpu.memory_space<vmem>>, vector<16xf32>,
    %swap3A_81 = arith.constant 608 : index
    %swap3A_82 = tpu.vector_load %arg23[%swap3A_81] {strides = array<i32>} : memref<640xf32, #tpu.memory_space<vmem>>, vector<16xf32>,
    tpu.vector_store %arg23[%swap3A_81], %broadcast_in_dim3A_0 {strides = array<i32>} : memref<640xf32, #tpu.memory_space<vmem>>, vector<16xf32>,
    %swap3A_83 = arith.constant 624 : index
    %swap3A_84 = tpu.vector_load %arg23[%swap3A_83] {strides = array<i32>} : memref<640xf32, #tpu.memory_space<vmem>>, vector<16xf32>,
    tpu.vector_store %arg23[%swap3A_83], %broadcast_in_dim3A_0 {strides = array<i32>} : memref<640xf32, #tpu.memory_space<vmem>>, vector<16xf32>,
    %mul3A = arith.constant 640 : i32
    %mul3A_85 = arith.muli %arg1, %mul3A : i32
    %multiple_of3A = tpu.assume_multiple %mul3A_85, 8 : i32
    %add3A = arith.constant 0 : i32
    %add3A_86 = arith.addi %multiple_of3A, %add3A : i32
    "tpu.region"() ({
      %run_scoped3A = tpu.sem_alloc : memref<!tpu.dma_semaphore, #tpu.memory_space<semaphore_mem>>
      %dma_start3A_135 = arith.constant 0 : i32
      %dma_start3A_136 = tpu.memref_slice %arg24[%add3A_86, %dma_start3A_135] : memref<10240x64xf32, #tpu.memory_space<vmem_shared>> -> memref<240x64xf32, #tpu.memory_space<vmem_shared>>
      %dma_start3A_137 = arith.constant 0 : i32
      %dma_start3A_138 = tpu.memref_slice %arg24[%add3A_86, %dma_start3A_137] : memref<10240x64xf32, #tpu.memory_space<vmem_shared>> -> memref<240x64xf32, #tpu.memory_space<vmem_shared>>
      tpu.enqueue_dma source(%arg17 : memref<240x64xf32, #tpu.memory_space<vmem>>) target(%dma_start3A_138 : memref<240x64xf32, #tpu.memory_space<vmem_shared>>) target_semaphore(%run_scoped3A : memref<!tpu.dma_semaphore, #tpu.memory_space<semaphore_mem>>)
      %dma_wait3A_139 = arith.constant 0 : i32
      %dma_wait3A_140 = tpu.memref_slice %arg24[%add3A_86, %dma_wait3A_139] : memref<10240x64xf32, #tpu.memory_space<vmem_shared>> -> memref<240x64xf32, #tpu.memory_space<vmem_shared>>
      %dma_wait3A_141 = arith.constant 0 : i32
      %dma_wait3A_142 = tpu.memref_slice %arg24[%add3A_86, %dma_wait3A_141] : memref<10240x64xf32, #tpu.memory_space<vmem_shared>> -> memref<240x64xf32, #tpu.memory_space<vmem_shared>>
      tpu.wait_dma2 semaphore(%run_scoped3A : memref<!tpu.dma_semaphore, #tpu.memory_space<semaphore_mem>>) src(%arg17 : memref<240x64xf32, #tpu.memory_space<vmem>>) dst(%dma_wait3A_142 : memref<240x64xf32, #tpu.memory_space<vmem_shared>>)
      tpu.yield
    }) : () -> ()
    %add3A_87 = arith.constant 240 : i32
    %add3A_88 = arith.addi %multiple_of3A, %add3A_87 : i32
    "tpu.region"() ({
      %run_scoped3A = tpu.sem_alloc : memref<!tpu.dma_semaphore, #tpu.memory_space<semaphore_mem>>
      %dma_start3A_135 = arith.constant 0 : i32
      %dma_start3A_136 = tpu.memref_slice %arg24[%add3A_88, %dma_start3A_135] : memref<10240x64xf32, #tpu.memory_space<vmem_shared>> -> memref<240x64xf32, #tpu.memory_space<vmem_shared>>
      %dma_start3A_137 = arith.constant 0 : i32
      %dma_start3A_138 = tpu.memref_slice %arg24[%add3A_88, %dma_start3A_137] : memref<10240x64xf32, #tpu.memory_space<vmem_shared>> -> memref<240x64xf32, #tpu.memory_space<vmem_shared>>
      tpu.enqueue_dma source(%arg17 : memref<240x64xf32, #tpu.memory_space<vmem>>) target(%dma_start3A_138 : memref<240x64xf32, #tpu.memory_space<vmem_shared>>) target_semaphore(%run_scoped3A : memref<!tpu.dma_semaphore, #tpu.memory_space<semaphore_mem>>)
      %dma_wait3A_139 = arith.constant 0 : i32
      %dma_wait3A_140 = tpu.memref_slice %arg24[%add3A_88, %dma_wait3A_139] : memref<10240x64xf32, #tpu.memory_space<vmem_shared>> -> memref<240x64xf32, #tpu.memory_space<vmem_shared>>
      %dma_wait3A_141 = arith.constant 0 : i32
      %dma_wait3A_142 = tpu.memref_slice %arg24[%add3A_88, %dma_wait3A_141] : memref<10240x64xf32, #tpu.memory_space<vmem_shared>> -> memref<240x64xf32, #tpu.memory_space<vmem_shared>>
      tpu.wait_dma2 semaphore(%run_scoped3A : memref<!tpu.dma_semaphore, #tpu.memory_space<semaphore_mem>>) src(%arg17 : memref<240x64xf32, #tpu.memory_space<vmem>>) dst(%dma_wait3A_142 : memref<240x64xf32, #tpu.memory_space<vmem_shared>>)
      tpu.yield
    }) : () -> ()
    %add3A_89 = arith.constant 480 : i32
    %add3A_90 = arith.addi %multiple_of3A, %add3A_89 : i32
    "tpu.region"() ({
      %run_scoped3A = tpu.sem_alloc : memref<!tpu.dma_semaphore, #tpu.memory_space<semaphore_mem>>
      %dma_start3A_135 = arith.constant 0 : i32
      %dma_start3A_136 = arith.constant 0 : i32
      %dma_start3A_137 = tpu.memref_slice %arg17[%dma_start3A_135, %dma_start3A_136] : memref<240x64xf32, #tpu.memory_space<vmem>> -> memref<160x64xf32, #tpu.memory_space<vmem>>
      %dma_start3A_138 = arith.constant 0 : i32
      %dma_start3A_139 = tpu.memref_slice %arg24[%add3A_90, %dma_start3A_138] : memref<10240x64xf32, #tpu.memory_space<vmem_shared>> -> memref<160x64xf32, #tpu.memory_space<vmem_shared>>
      %dma_start3A_140 = arith.constant 0 : i32
      %dma_start3A_141 = tpu.memref_slice %arg24[%add3A_90, %dma_start3A_140] : memref<10240x64xf32, #tpu.memory_space<vmem_shared>> -> memref<160x64xf32, #tpu.memory_space<vmem_shared>>
      %dma_start3A_142 = arith.constant 0 : i32
      %dma_start3A_143 = arith.constant 0 : i32
      %dma_start3A_144 = tpu.memref_slice %arg17[%dma_start3A_142, %dma_start3A_143] : memref<240x64xf32, #tpu.memory_space<vmem>> -> memref<160x64xf32, #tpu.memory_space<vmem>>
      tpu.enqueue_dma source(%dma_start3A_144 : memref<160x64xf32, #tpu.memory_space<vmem>>) target(%dma_start3A_141 : memref<160x64xf32, #tpu.memory_space<vmem_shared>>) target_semaphore(%run_scoped3A : memref<!tpu.dma_semaphore, #tpu.memory_space<semaphore_mem>>)
      %dma_wait3A_145 = arith.constant 0 : i32
      %dma_wait3A_146 = arith.constant 0 : i32
      %dma_wait3A_147 = tpu.memref_slice %arg17[%dma_wait3A_145, %dma_wait3A_146] : memref<240x64xf32, #tpu.memory_space<vmem>> -> memref<160x64xf32, #tpu.memory_space<vmem>>
      %dma_wait3A_148 = arith.constant 0 : i32
      %dma_wait3A_149 = tpu.memref_slice %arg24[%add3A_90, %dma_wait3A_148] : memref<10240x64xf32, #tpu.memory_space<vmem_shared>> -> memref<160x64xf32, #tpu.memory_space<vmem_shared>>
      %dma_wait3A_150 = arith.constant 0 : i32
      %dma_wait3A_151 = tpu.memref_slice %arg24[%add3A_90, %dma_wait3A_150] : memref<10240x64xf32, #tpu.memory_space<vmem_shared>> -> memref<160x64xf32, #tpu.memory_space<vmem_shared>>
      %dma_wait3A_152 = arith.constant 0 : i32
      %dma_wait3A_153 = arith.constant 0 : i32
      %dma_wait3A_154 = tpu.memref_slice %arg17[%dma_wait3A_152, %dma_wait3A_153] : memref<240x64xf32, #tpu.memory_space<vmem>> -> memref<160x64xf32, #tpu.memory_space<vmem>>
      tpu.wait_dma2 semaphore(%run_scoped3A : memref<!tpu.dma_semaphore, #tpu.memory_space<semaphore_mem>>) src(%dma_wait3A_154 : memref<160x64xf32, #tpu.memory_space<vmem>>) dst(%dma_wait3A_151 : memref<160x64xf32, #tpu.memory_space<vmem_shared>>)
      tpu.yield
    }) : () -> ()
    "tpu.region"() ({
      %run_scoped3A = tpu.sem_alloc : memref<!tpu.dma_semaphore, #tpu.memory_space<semaphore_mem>>
      %dma_start3A_135 = tpu.memref_slice %arg25[%multiple_of3A] : memref<10240xf32, #tpu.memory_space<vmem_shared>> -> memref<640xf32, #tpu.memory_space<vmem_shared>>
      %dma_start3A_136 = tpu.memref_slice %arg25[%multiple_of3A] : memref<10240xf32, #tpu.memory_space<vmem_shared>> -> memref<640xf32, #tpu.memory_space<vmem_shared>>
      tpu.enqueue_dma source(%arg23 : memref<640xf32, #tpu.memory_space<vmem>>) target(%dma_start3A_136 : memref<640xf32, #tpu.memory_space<vmem_shared>>) target_semaphore(%run_scoped3A : memref<!tpu.dma_semaphore, #tpu.memory_space<semaphore_mem>>)
      %dma_wait3A_137 = tpu.memref_slice %arg25[%multiple_of3A] : memref<10240xf32, #tpu.memory_space<vmem_shared>> -> memref<640xf32, #tpu.memory_space<vmem_shared>>
      %dma_wait3A_138 = tpu.memref_slice %arg25[%multiple_of3A] : memref<10240xf32, #tpu.memory_space<vmem_shared>> -> memref<640xf32, #tpu.memory_space<vmem_shared>>
      tpu.wait_dma2 semaphore(%run_scoped3A : memref<!tpu.dma_semaphore, #tpu.memory_space<semaphore_mem>>) src(%arg23 : memref<640xf32, #tpu.memory_space<vmem>>) dst(%dma_wait3A_138 : memref<640xf32, #tpu.memory_space<vmem_shared>>)
      tpu.yield
    }) : () -> ()
    "tpu.region"() ({
      %run_scoped3A = tpu.sem_alloc : memref<!tpu.dma_semaphore, #tpu.memory_space<semaphore_mem>>
      tpu.enqueue_dma source(%arg3 : memref<10240xf32, #tpu.memory_space<hbm>>) target(%arg9 : memref<10240xf32, #tpu.memory_space<vmem>>) target_semaphore(%run_scoped3A : memref<!tpu.dma_semaphore, #tpu.memory_space<semaphore_mem>>)
      tpu.wait_dma2 semaphore(%run_scoped3A : memref<!tpu.dma_semaphore, #tpu.memory_space<semaphore_mem>>) src(%arg3 : memref<10240xf32, #tpu.memory_space<hbm>>) dst(%arg9 : memref<10240xf32, #tpu.memory_space<vmem>>)
      tpu.yield
    }) : () -> ()
    "tpu.region"() ({
      %run_scoped3A = tpu.sem_alloc : memref<!tpu.dma_semaphore, #tpu.memory_space<semaphore_mem>>
      tpu.enqueue_dma source(%arg4 : memref<10240xf32, #tpu.memory_space<hbm>>) target(%arg10 : memref<10240xf32, #tpu.memory_space<vmem>>) target_semaphore(%run_scoped3A : memref<!tpu.dma_semaphore, #tpu.memory_space<semaphore_mem>>)
      tpu.wait_dma2 semaphore(%run_scoped3A : memref<!tpu.dma_semaphore, #tpu.memory_space<semaphore_mem>>) src(%arg4 : memref<10240xf32, #tpu.memory_space<hbm>>) dst(%arg10 : memref<10240xf32, #tpu.memory_space<vmem>>)
      tpu.yield
    }) : () -> ()
    %barrier3A = arith.constant 0 : index
    tpu.barrier barrier_id(%barrier3A)
    %mul3A_91 = arith.constant 20880 : i32
    %mul3A_92 = arith.muli %arg1, %mul3A_91 : i32
    %multiple_of3A_93 = tpu.assume_multiple %mul3A_92, 8 : i32
    %add3A_94 = arith.constant 0 : i32
    %add3A_95 = arith.addi %multiple_of3A_93, %add3A_94 : i32
    %multiple_of3A_96 = tpu.assume_multiple %add3A_95, 8 : i32
    %dma_start3A = tpu.memref_slice %arg5[%multiple_of3A_96] : memref<334080xi32, #tpu.memory_space<hbm>> -> memref<240xi32, #tpu.memory_space<hbm>>
    %dma_start3A_97 = tpu.memref_slice %arg5[%multiple_of3A_96] : memref<334080xi32, #tpu.memory_space<hbm>> -> memref<240xi32, #tpu.memory_space<hbm>>
    tpu.enqueue_dma source(%dma_start3A_97 : memref<240xi32, #tpu.memory_space<hbm>>) target(%arg11 : memref<240xi32, #tpu.memory_space<vmem>>) target_semaphore(%arg35 : memref<!tpu.dma_semaphore, #tpu.memory_space<semaphore_mem>>)
    %dma_start3A_98 = tpu.memref_slice %arg6[%multiple_of3A_96] : memref<334080xi32, #tpu.memory_space<hbm>> -> memref<240xi32, #tpu.memory_space<hbm>>
    %dma_start3A_99 = tpu.memref_slice %arg6[%multiple_of3A_96] : memref<334080xi32, #tpu.memory_space<hbm>> -> memref<240xi32, #tpu.memory_space<hbm>>
    tpu.enqueue_dma source(%dma_start3A_99 : memref<240xi32, #tpu.memory_space<hbm>>) target(%arg14 : memref<240xi32, #tpu.memory_space<vmem>>) target_semaphore(%arg35 : memref<!tpu.dma_semaphore, #tpu.memory_space<semaphore_mem>>)
    %add3A_100 = arith.constant 240 : i32
    %add3A_101 = arith.addi %multiple_of3A_93, %add3A_100 : i32
    %multiple_of3A_102 = tpu.assume_multiple %add3A_101, 8 : i32
    %dma_start3A_103 = tpu.memref_slice %arg5[%multiple_of3A_102] : memref<334080xi32, #tpu.memory_space<hbm>> -> memref<240xi32, #tpu.memory_space<hbm>>
    %dma_start3A_104 = tpu.memref_slice %arg5[%multiple_of3A_102] : memref<334080xi32, #tpu.memory_space<hbm>> -> memref<240xi32, #tpu.memory_space<hbm>>
    tpu.enqueue_dma source(%dma_start3A_104 : memref<240xi32, #tpu.memory_space<hbm>>) target(%arg12 : memref<240xi32, #tpu.memory_space<vmem>>) target_semaphore(%arg36 : memref<!tpu.dma_semaphore, #tpu.memory_space<semaphore_mem>>)
    %dma_start3A_105 = tpu.memref_slice %arg6[%multiple_of3A_102] : memref<334080xi32, #tpu.memory_space<hbm>> -> memref<240xi32, #tpu.memory_space<hbm>>
    %dma_start3A_106 = tpu.memref_slice %arg6[%multiple_of3A_102] : memref<334080xi32, #tpu.memory_space<hbm>> -> memref<240xi32, #tpu.memory_space<hbm>>
    tpu.enqueue_dma source(%dma_start3A_106 : memref<240xi32, #tpu.memory_space<hbm>>) target(%arg15 : memref<240xi32, #tpu.memory_space<vmem>>) target_semaphore(%arg36 : memref<!tpu.dma_semaphore, #tpu.memory_space<semaphore_mem>>)
    %dma_wait3A = arith.constant 0 : i32
    %dma_wait3A_107 = tpu.memref_slice %arg5[%dma_wait3A] : memref<334080xi32, #tpu.memory_space<hbm>> -> memref<240xi32, #tpu.memory_space<hbm>>
    %dma_wait3A_108 = arith.constant 0 : i32
    %dma_wait3A_109 = tpu.memref_slice %arg5[%dma_wait3A_108] : memref<334080xi32, #tpu.memory_space<hbm>> -> memref<240xi32, #tpu.memory_space<hbm>>
    tpu.wait_dma2 semaphore(%arg35 : memref<!tpu.dma_semaphore, #tpu.memory_space<semaphore_mem>>) src(%dma_wait3A_109 : memref<240xi32, #tpu.memory_space<hbm>>) dst(%arg11 : memref<240xi32, #tpu.memory_space<vmem>>)
    %dma_wait3A_110 = arith.constant 0 : i32
    %dma_wait3A_111 = tpu.memref_slice %arg6[%dma_wait3A_110] : memref<334080xi32, #tpu.memory_space<hbm>> -> memref<240xi32, #tpu.memory_space<hbm>>
    %dma_wait3A_112 = arith.constant 0 : i32
    %dma_wait3A_113 = tpu.memref_slice %arg6[%dma_wait3A_112] : memref<334080xi32, #tpu.memory_space<hbm>> -> memref<240xi32, #tpu.memory_space<hbm>>
    tpu.wait_dma2 semaphore(%arg35 : memref<!tpu.dma_semaphore, #tpu.memory_space<semaphore_mem>>) src(%dma_wait3A_113 : memref<240xi32, #tpu.memory_space<hbm>>) dst(%arg14 : memref<240xi32, #tpu.memory_space<vmem>>)
    %dma_start3A_114 = arith.constant 0 : i32
    %dma_start3A_115 = arith.constant 0 : i32
    %dma_start3A_116 = tpu.memref_slice %arg2[%arg0, %dma_start3A_114, %dma_start3A_115] : memref<2x10240x64xf32, #tpu.memory_space<hbm>> -> memref<1x10240x64xf32, #tpu.memory_space<hbm>>
    %dma_start3A_117 = tpu.memref_squeeze %dma_start3A_116 : memref<1x10240x64xf32, #tpu.memory_space<hbm>> -> memref<10240x64xf32, #tpu.memory_space<hbm>>
    %dma_start3A_118 = arith.constant 0 : i32
    %dma_start3A_119 = arith.constant 0 : i32
    %dma_start3A_120 = tpu.memref_slice %dma_start3A_117[%dma_start3A_118, %dma_start3A_119] : memref<10240x64xf32, #tpu.memory_space<hbm>> -> memref<10240x64xf32, #tpu.memory_space<hbm>>
    tpu.enqueue_indirect_dma source(%dma_start3A_120 : memref<10240x64xf32, #tpu.memory_space<hbm>>) target(%arg17 : memref<240x64xf32, #tpu.memory_space<vmem>>) offsets(%arg11 : memref<240xi32, #tpu.memory_space<vmem>>) semaphore(%arg26 : memref<!tpu.dma_semaphore, #tpu.memory_space<semaphore_mem>>)
    %scan3A_121 = arith.constant 0 : i32
    %scan3A_122 = arith.constant 0 : i32
    %scan3A_123 = arith.constant 29 : i32
    %scan3A_124 = arith.addi %scan3A_122, %scan3A_123 : i32
    %scan3A_125 = arith.constant 1 : i32
    scf.for %scan3A_135 = %scan3A_122 to %scan3A_124 step %scan3A_125  : i32 {
      %mul3A_136 = arith.constant 3 : i32
      %mul3A_137 = arith.muli %scan3A_135, %mul3A_136 : i32
      %add3A_138 = arith.constant 0 : i32
      %add3A_139 = arith.addi %mul3A_137, %add3A_138 : i32
      %add3A_140 = arith.constant 1 : i32
      %add3A_141 = arith.addi %add3A_139, %add3A_140 : i32
      %lt3A = arith.constant 87 : i32
      %lt3A_142 = arith.cmpi slt, %add3A_141, %lt3A : i32
      %convert_element_type3A_143 = arith.extui %lt3A_142 : i1 to i32
      %cond3A_144 = arith.constant 0 : i32
      %cond3A_145 = arith.cmpi ne, %convert_element_type3A_143, %cond3A_144 : i32
      scf.if %cond3A_145 {
        %dma_wait3A_1018 = arith.constant 0 : i32
        %dma_wait3A_1019 = tpu.memref_slice %arg5[%dma_wait3A_1018] : memref<334080xi32, #tpu.memory_space<hbm>> -> memref<240xi32, #tpu.memory_space<hbm>>
        %dma_wait3A_1020 = arith.constant 0 : i32
        %dma_wait3A_1021 = tpu.memref_slice %arg5[%dma_wait3A_1020] : memref<334080xi32, #tpu.memory_space<hbm>> -> memref<240xi32, #tpu.memory_space<hbm>>
        tpu.wait_dma2 semaphore(%arg36 : memref<!tpu.dma_semaphore, #tpu.memory_space<semaphore_mem>>) src(%dma_wait3A_1021 : memref<240xi32, #tpu.memory_space<hbm>>) dst(%arg12 : memref<240xi32, #tpu.memory_space<vmem>>)
        %dma_wait3A_1022 = arith.constant 0 : i32
        %dma_wait3A_1023 = tpu.memref_slice %arg6[%dma_wait3A_1022] : memref<334080xi32, #tpu.memory_space<hbm>> -> memref<240xi32, #tpu.memory_space<hbm>>
        %dma_wait3A_1024 = arith.constant 0 : i32
        %dma_wait3A_1025 = tpu.memref_slice %arg6[%dma_wait3A_1024] : memref<334080xi32, #tpu.memory_space<hbm>> -> memref<240xi32, #tpu.memory_space<hbm>>
        tpu.wait_dma2 semaphore(%arg36 : memref<!tpu.dma_semaphore, #tpu.memory_space<semaphore_mem>>) src(%dma_wait3A_1025 : memref<240xi32, #tpu.memory_space<hbm>>) dst(%arg15 : memref<240xi32, #tpu.memory_space<vmem>>)
        %dma_start3A_1026 = arith.constant 0 : i32
        %dma_start3A_1027 = arith.constant 0 : i32
        %dma_start3A_1028 = tpu.memref_slice %arg2[%arg0, %dma_start3A_1026, %dma_start3A_1027] : memref<2x10240x64xf32, #tpu.memory_space<hbm>> -> memref<1x10240x64xf32, #tpu.memory_space<hbm>>
        %dma_start3A_1029 = tpu.memref_squeeze %dma_start3A_1028 : memref<1x10240x64xf32, #tpu.memory_space<hbm>> -> memref<10240x64xf32, #tpu.memory_space<hbm>>
        %dma_start3A_1030 = arith.constant 0 : i32
        %dma_start3A_1031 = arith.constant 0 : i32
        %dma_start3A_1032 = tpu.memref_slice %dma_start3A_1029[%dma_start3A_1030, %dma_start3A_1031] : memref<10240x64xf32, #tpu.memory_space<hbm>> -> memref<10240x64xf32, #tpu.memory_space<hbm>>
        tpu.enqueue_indirect_dma source(%dma_start3A_1032 : memref<10240x64xf32, #tpu.memory_space<hbm>>) target(%arg18 : memref<240x64xf32, #tpu.memory_space<vmem>>) offsets(%arg12 : memref<240xi32, #tpu.memory_space<vmem>>) semaphore(%arg27 : memref<!tpu.dma_semaphore, #tpu.memory_space<semaphore_mem>>)
      } else {
      }
      %dma_wait3A_146 = arith.constant 0 : i32
      %dma_wait3A_147 = arith.constant 0 : i32
      %dma_wait3A_148 = tpu.memref_slice %arg2[%arg0, %dma_wait3A_146, %dma_wait3A_147] : memref<2x10240x64xf32, #tpu.memory_space<hbm>> -> memref<1x10240x64xf32, #tpu.memory_space<hbm>>
      %dma_wait3A_149 = tpu.memref_squeeze %dma_wait3A_148 : memref<1x10240x64xf32, #tpu.memory_space<hbm>> -> memref<10240x64xf32, #tpu.memory_space<hbm>>
      %dma_wait3A_150 = arith.constant 0 : i32
      %dma_wait3A_151 = arith.constant 0 : i32
      %dma_wait3A_152 = tpu.memref_slice %dma_wait3A_149[%dma_wait3A_150, %dma_wait3A_151] : memref<10240x64xf32, #tpu.memory_space<hbm>> -> memref<10240x64xf32, #tpu.memory_space<hbm>>
      tpu.wait_indirect_dma semaphore(%arg26 : memref<!tpu.dma_semaphore, #tpu.memory_space<semaphore_mem>>) src(%dma_wait3A_152 : memref<10240x64xf32, #tpu.memory_space<hbm>>) dst(%arg17 : memref<240x64xf32, #tpu.memory_space<vmem>>)
      %get3A = arith.constant 0 : index
      %get3A_153 = tpu.vector_load %arg11[%get3A] {strides = array<i32>} : memref<240xi32, #tpu.memory_space<vmem>>, vector<16xi32>,
      %get3A_154 = arith.constant 0 : index
      %get3A_155 = tpu.vector_load %arg14[%get3A_154] {strides = array<i32>} : memref<240xi32, #tpu.memory_space<vmem>>, vector<16xi32>,
      %gather3A = tpu.vector_load_idx %arg9[%get3A_153] : memref<10240xf32, #tpu.memory_space<vmem>>[vector<16xi32>], vector<16xf32>,
      %gather3A_156 = tpu.vector_load_idx %arg10[%get3A_155] : memref<10240xf32, #tpu.memory_space<vmem>>[vector<16xi32>], vector<16xf32>,
      %add3A_157 = arith.addf %gather3A, %gather3A_156 : vector<16xf32>
      %ge3A = arith.constant 0.000000e+00 : f32
      %ge3A_158 = vector.broadcast %ge3A : f32 to vector<16xf32>
      %ge3A_159 = arith.cmpf oge, %add3A_157, %ge3A_158 : vector<16xf32>
      %mul3A_160 = arith.constant 2.000000e-01 : f32
      %mul3A_161 = vector.broadcast %mul3A_160 : f32 to vector<16xf32>
      %mul3A_162 = arith.mulf %add3A_157, %mul3A_161 : vector<16xf32>
      %select_n3A = arith.select %ge3A_159, %add3A_157, %mul3A_162 : vector<16xi1>, vector<16xf32>
      %exp3A = math.exp %select_n3A : vector<16xf32>
      %swap3A_163 = arith.constant 0 : index
      %swap3A_164 = tpu.vector_load %arg20[%swap3A_163] {strides = array<i32>} : memref<240xf32, #tpu.memory_space<vmem>>, vector<16xf32>,
      tpu.vector_store %arg20[%swap3A_163], %exp3A {strides = array<i32>} : memref<240xf32, #tpu.memory_space<vmem>>, vector<16xf32>,
      %get3A_165 = arith.constant 16 : index
      %get3A_166 = tpu.vector_load %arg11[%get3A_165] {strides = array<i32>} : memref<240xi32, #tpu.memory_space<vmem>>, vector<16xi32>,
      %get3A_167 = arith.constant 16 : index
      %get3A_168 = tpu.vector_load %arg14[%get3A_167] {strides = array<i32>} : memref<240xi32, #tpu.memory_space<vmem>>, vector<16xi32>,
      %gather3A_169 = tpu.vector_load_idx %arg9[%get3A_166] : memref<10240xf32, #tpu.memory_space<vmem>>[vector<16xi32>], vector<16xf32>,
      %gather3A_170 = tpu.vector_load_idx %arg10[%get3A_168] : memref<10240xf32, #tpu.memory_space<vmem>>[vector<16xi32>], vector<16xf32>,
      %add3A_171 = arith.addf %gather3A_169, %gather3A_170 : vector<16xf32>
      %ge3A_172 = arith.constant 0.000000e+00 : f32
      %ge3A_173 = vector.broadcast %ge3A_172 : f32 to vector<16xf32>
      %ge3A_174 = arith.cmpf oge, %add3A_171, %ge3A_173 : vector<16xf32>
      %mul3A_175 = arith.constant 2.000000e-01 : f32
      %mul3A_176 = vector.broadcast %mul3A_175 : f32 to vector<16xf32>
      %mul3A_177 = arith.mulf %add3A_171, %mul3A_176 : vector<16xf32>
      %select_n3A_178 = arith.select %ge3A_174, %add3A_171, %mul3A_177 : vector<16xi1>, vector<16xf32>
      %exp3A_179 = math.exp %select_n3A_178 : vector<16xf32>
      %swap3A_180 = arith.constant 16 : index
      %swap3A_181 = tpu.vector_load %arg20[%swap3A_180] {strides = array<i32>} : memref<240xf32, #tpu.memory_space<vmem>>, vector<16xf32>,
      tpu.vector_store %arg20[%swap3A_180], %exp3A_179 {strides = array<i32>} : memref<240xf32, #tpu.memory_space<vmem>>, vector<16xf32>,
      %get3A_182 = arith.constant 32 : index
      %get3A_183 = tpu.vector_load %arg11[%get3A_182] {strides = array<i32>} : memref<240xi32, #tpu.memory_space<vmem>>, vector<16xi32>,
      %get3A_184 = arith.constant 32 : index
      %get3A_185 = tpu.vector_load %arg14[%get3A_184] {strides = array<i32>} : memref<240xi32, #tpu.memory_space<vmem>>, vector<16xi32>,
      %gather3A_186 = tpu.vector_load_idx %arg9[%get3A_183] : memref<10240xf32, #tpu.memory_space<vmem>>[vector<16xi32>], vector<16xf32>,
      %gather3A_187 = tpu.vector_load_idx %arg10[%get3A_185] : memref<10240xf32, #tpu.memory_space<vmem>>[vector<16xi32>], vector<16xf32>,
      %add3A_188 = arith.addf %gather3A_186, %gather3A_187 : vector<16xf32>
      %ge3A_189 = arith.constant 0.000000e+00 : f32
      %ge3A_190 = vector.broadcast %ge3A_189 : f32 to vector<16xf32>
      %ge3A_191 = arith.cmpf oge, %add3A_188, %ge3A_190 : vector<16xf32>
      %mul3A_192 = arith.constant 2.000000e-01 : f32
      %mul3A_193 = vector.broadcast %mul3A_192 : f32 to vector<16xf32>
      %mul3A_194 = arith.mulf %add3A_188, %mul3A_193 : vector<16xf32>
      %select_n3A_195 = arith.select %ge3A_191, %add3A_188, %mul3A_194 : vector<16xi1>, vector<16xf32>
      %exp3A_196 = math.exp %select_n3A_195 : vector<16xf32>
      %swap3A_197 = arith.constant 32 : index
      %swap3A_198 = tpu.vector_load %arg20[%swap3A_197] {strides = array<i32>} : memref<240xf32, #tpu.memory_space<vmem>>, vector<16xf32>,
      tpu.vector_store %arg20[%swap3A_197], %exp3A_196 {strides = array<i32>} : memref<240xf32, #tpu.memory_space<vmem>>, vector<16xf32>,
      %get3A_199 = arith.constant 48 : index
      %get3A_200 = tpu.vector_load %arg11[%get3A_199] {strides = array<i32>} : memref<240xi32, #tpu.memory_space<vmem>>, vector<16xi32>,
      %get3A_201 = arith.constant 48 : index
      %get3A_202 = tpu.vector_load %arg14[%get3A_201] {strides = array<i32>} : memref<240xi32, #tpu.memory_space<vmem>>, vector<16xi32>,
      %gather3A_203 = tpu.vector_load_idx %arg9[%get3A_200] : memref<10240xf32, #tpu.memory_space<vmem>>[vector<16xi32>], vector<16xf32>,
      %gather3A_204 = tpu.vector_load_idx %arg10[%get3A_202] : memref<10240xf32, #tpu.memory_space<vmem>>[vector<16xi32>], vector<16xf32>,
      %add3A_205 = arith.addf %gather3A_203, %gather3A_204 : vector<16xf32>
      %ge3A_206 = arith.constant 0.000000e+00 : f32
      %ge3A_207 = vector.broadcast %ge3A_206 : f32 to vector<16xf32>
      %ge3A_208 = arith.cmpf oge, %add3A_205, %ge3A_207 : vector<16xf32>
      %mul3A_209 = arith.constant 2.000000e-01 : f32
      %mul3A_210 = vector.broadcast %mul3A_209 : f32 to vector<16xf32>
      %mul3A_211 = arith.mulf %add3A_205, %mul3A_210 : vector<16xf32>
      %select_n3A_212 = arith.select %ge3A_208, %add3A_205, %mul3A_211 : vector<16xi1>, vector<16xf32>
      %exp3A_213 = math.exp %select_n3A_212 : vector<16xf32>
      %swap3A_214 = arith.constant 48 : index
      %swap3A_215 = tpu.vector_load %arg20[%swap3A_214] {strides = array<i32>} : memref<240xf32, #tpu.memory_space<vmem>>, vector<16xf32>,
      tpu.vector_store %arg20[%swap3A_214], %exp3A_213 {strides = array<i32>} : memref<240xf32, #tpu.memory_space<vmem>>, vector<16xf32>,
      %get3A_216 = arith.constant 64 : index
      %get3A_217 = tpu.vector_load %arg11[%get3A_216] {strides = array<i32>} : memref<240xi32, #tpu.memory_space<vmem>>, vector<16xi32>,
      %get3A_218 = arith.constant 64 : index
      %get3A_219 = tpu.vector_load %arg14[%get3A_218] {strides = array<i32>} : memref<240xi32, #tpu.memory_space<vmem>>, vector<16xi32>,
      %gather3A_220 = tpu.vector_load_idx %arg9[%get3A_217] : memref<10240xf32, #tpu.memory_space<vmem>>[vector<16xi32>], vector<16xf32>,
      %gather3A_221 = tpu.vector_load_idx %arg10[%get3A_219] : memref<10240xf32, #tpu.memory_space<vmem>>[vector<16xi32>], vector<16xf32>,
      %add3A_222 = arith.addf %gather3A_220, %gather3A_221 : vector<16xf32>
      %ge3A_223 = arith.constant 0.000000e+00 : f32
      %ge3A_224 = vector.broadcast %ge3A_223 : f32 to vector<16xf32>
      %ge3A_225 = arith.cmpf oge, %add3A_222, %ge3A_224 : vector<16xf32>
      %mul3A_226 = arith.constant 2.000000e-01 : f32
      %mul3A_227 = vector.broadcast %mul3A_226 : f32 to vector<16xf32>
      %mul3A_228 = arith.mulf %add3A_222, %mul3A_227 : vector<16xf32>
      %select_n3A_229 = arith.select %ge3A_225, %add3A_222, %mul3A_228 : vector<16xi1>, vector<16xf32>
      %exp3A_230 = math.exp %select_n3A_229 : vector<16xf32>
      %swap3A_231 = arith.constant 64 : index
      %swap3A_232 = tpu.vector_load %arg20[%swap3A_231] {strides = array<i32>} : memref<240xf32, #tpu.memory_space<vmem>>, vector<16xf32>,
      tpu.vector_store %arg20[%swap3A_231], %exp3A_230 {strides = array<i32>} : memref<240xf32, #tpu.memory_space<vmem>>, vector<16xf32>,
      %get3A_233 = arith.constant 80 : index
      %get3A_234 = tpu.vector_load %arg11[%get3A_233] {strides = array<i32>} : memref<240xi32, #tpu.memory_space<vmem>>, vector<16xi32>,
      %get3A_235 = arith.constant 80 : index
      %get3A_236 = tpu.vector_load %arg14[%get3A_235] {strides = array<i32>} : memref<240xi32, #tpu.memory_space<vmem>>, vector<16xi32>,
      %gather3A_237 = tpu.vector_load_idx %arg9[%get3A_234] : memref<10240xf32, #tpu.memory_space<vmem>>[vector<16xi32>], vector<16xf32>,
      %gather3A_238 = tpu.vector_load_idx %arg10[%get3A_236] : memref<10240xf32, #tpu.memory_space<vmem>>[vector<16xi32>], vector<16xf32>,
      %add3A_239 = arith.addf %gather3A_237, %gather3A_238 : vector<16xf32>
      %ge3A_240 = arith.constant 0.000000e+00 : f32
      %ge3A_241 = vector.broadcast %ge3A_240 : f32 to vector<16xf32>
      %ge3A_242 = arith.cmpf oge, %add3A_239, %ge3A_241 : vector<16xf32>
      %mul3A_243 = arith.constant 2.000000e-01 : f32
      %mul3A_244 = vector.broadcast %mul3A_243 : f32 to vector<16xf32>
      %mul3A_245 = arith.mulf %add3A_239, %mul3A_244 : vector<16xf32>
      %select_n3A_246 = arith.select %ge3A_242, %add3A_239, %mul3A_245 : vector<16xi1>, vector<16xf32>
      %exp3A_247 = math.exp %select_n3A_246 : vector<16xf32>
      %swap3A_248 = arith.constant 80 : index
      %swap3A_249 = tpu.vector_load %arg20[%swap3A_248] {strides = array<i32>} : memref<240xf32, #tpu.memory_space<vmem>>, vector<16xf32>,
      tpu.vector_store %arg20[%swap3A_248], %exp3A_247 {strides = array<i32>} : memref<240xf32, #tpu.memory_space<vmem>>, vector<16xf32>,
      %get3A_250 = arith.constant 96 : index
      %get3A_251 = tpu.vector_load %arg11[%get3A_250] {strides = array<i32>} : memref<240xi32, #tpu.memory_space<vmem>>, vector<16xi32>,
      %get3A_252 = arith.constant 96 : index
      %get3A_253 = tpu.vector_load %arg14[%get3A_252] {strides = array<i32>} : memref<240xi32, #tpu.memory_space<vmem>>, vector<16xi32>,
      %gather3A_254 = tpu.vector_load_idx %arg9[%get3A_251] : memref<10240xf32, #tpu.memory_space<vmem>>[vector<16xi32>], vector<16xf32>,
      %gather3A_255 = tpu.vector_load_idx %arg10[%get3A_253] : memref<10240xf32, #tpu.memory_space<vmem>>[vector<16xi32>], vector<16xf32>,
      %add3A_256 = arith.addf %gather3A_254, %gather3A_255 : vector<16xf32>
      %ge3A_257 = arith.constant 0.000000e+00 : f32
      %ge3A_258 = vector.broadcast %ge3A_257 : f32 to vector<16xf32>
      %ge3A_259 = arith.cmpf oge, %add3A_256, %ge3A_258 : vector<16xf32>
      %mul3A_260 = arith.constant 2.000000e-01 : f32
      %mul3A_261 = vector.broadcast %mul3A_260 : f32 to vector<16xf32>
      %mul3A_262 = arith.mulf %add3A_256, %mul3A_261 : vector<16xf32>
      %select_n3A_263 = arith.select %ge3A_259, %add3A_256, %mul3A_262 : vector<16xi1>, vector<16xf32>
      %exp3A_264 = math.exp %select_n3A_263 : vector<16xf32>
      %swap3A_265 = arith.constant 96 : index
      %swap3A_266 = tpu.vector_load %arg20[%swap3A_265] {strides = array<i32>} : memref<240xf32, #tpu.memory_space<vmem>>, vector<16xf32>,
      tpu.vector_store %arg20[%swap3A_265], %exp3A_264 {strides = array<i32>} : memref<240xf32, #tpu.memory_space<vmem>>, vector<16xf32>,
      %get3A_267 = arith.constant 112 : index
      %get3A_268 = tpu.vector_load %arg11[%get3A_267] {strides = array<i32>} : memref<240xi32, #tpu.memory_space<vmem>>, vector<16xi32>,
      %get3A_269 = arith.constant 112 : index
      %get3A_270 = tpu.vector_load %arg14[%get3A_269] {strides = array<i32>} : memref<240xi32, #tpu.memory_space<vmem>>, vector<16xi32>,
      %gather3A_271 = tpu.vector_load_idx %arg9[%get3A_268] : memref<10240xf32, #tpu.memory_space<vmem>>[vector<16xi32>], vector<16xf32>,
      %gather3A_272 = tpu.vector_load_idx %arg10[%get3A_270] : memref<10240xf32, #tpu.memory_space<vmem>>[vector<16xi32>], vector<16xf32>,
      %add3A_273 = arith.addf %gather3A_271, %gather3A_272 : vector<16xf32>
      %ge3A_274 = arith.constant 0.000000e+00 : f32
      %ge3A_275 = vector.broadcast %ge3A_274 : f32 to vector<16xf32>
      %ge3A_276 = arith.cmpf oge, %add3A_273, %ge3A_275 : vector<16xf32>
      %mul3A_277 = arith.constant 2.000000e-01 : f32
      %mul3A_278 = vector.broadcast %mul3A_277 : f32 to vector<16xf32>
      %mul3A_279 = arith.mulf %add3A_273, %mul3A_278 : vector<16xf32>
      %select_n3A_280 = arith.select %ge3A_276, %add3A_273, %mul3A_279 : vector<16xi1>, vector<16xf32>
      %exp3A_281 = math.exp %select_n3A_280 : vector<16xf32>
      %swap3A_282 = arith.constant 112 : index
      %swap3A_283 = tpu.vector_load %arg20[%swap3A_282] {strides = array<i32>} : memref<240xf32, #tpu.memory_space<vmem>>, vector<16xf32>,
      tpu.vector_store %arg20[%swap3A_282], %exp3A_281 {strides = array<i32>} : memref<240xf32, #tpu.memory_space<vmem>>, vector<16xf32>,
      %get3A_284 = arith.constant 128 : index
      %get3A_285 = tpu.vector_load %arg11[%get3A_284] {strides = array<i32>} : memref<240xi32, #tpu.memory_space<vmem>>, vector<16xi32>,
      %get3A_286 = arith.constant 128 : index
      %get3A_287 = tpu.vector_load %arg14[%get3A_286] {strides = array<i32>} : memref<240xi32, #tpu.memory_space<vmem>>, vector<16xi32>,
      %gather3A_288 = tpu.vector_load_idx %arg9[%get3A_285] : memref<10240xf32, #tpu.memory_space<vmem>>[vector<16xi32>], vector<16xf32>,
      %gather3A_289 = tpu.vector_load_idx %arg10[%get3A_287] : memref<10240xf32, #tpu.memory_space<vmem>>[vector<16xi32>], vector<16xf32>,
      %add3A_290 = arith.addf %gather3A_288, %gather3A_289 : vector<16xf32>
      %ge3A_291 = arith.constant 0.000000e+00 : f32
      %ge3A_292 = vector.broadcast %ge3A_291 : f32 to vector<16xf32>
      %ge3A_293 = arith.cmpf oge, %add3A_290, %ge3A_292 : vector<16xf32>
      %mul3A_294 = arith.constant 2.000000e-01 : f32
      %mul3A_295 = vector.broadcast %mul3A_294 : f32 to vector<16xf32>
      %mul3A_296 = arith.mulf %add3A_290, %mul3A_295 : vector<16xf32>
      %select_n3A_297 = arith.select %ge3A_293, %add3A_290, %mul3A_296 : vector<16xi1>, vector<16xf32>
      %exp3A_298 = math.exp %select_n3A_297 : vector<16xf32>
      %swap3A_299 = arith.constant 128 : index
      %swap3A_300 = tpu.vector_load %arg20[%swap3A_299] {strides = array<i32>} : memref<240xf32, #tpu.memory_space<vmem>>, vector<16xf32>,
      tpu.vector_store %arg20[%swap3A_299], %exp3A_298 {strides = array<i32>} : memref<240xf32, #tpu.memory_space<vmem>>, vector<16xf32>,
      %get3A_301 = arith.constant 144 : index
      %get3A_302 = tpu.vector_load %arg11[%get3A_301] {strides = array<i32>} : memref<240xi32, #tpu.memory_space<vmem>>, vector<16xi32>,
      %get3A_303 = arith.constant 144 : index
      %get3A_304 = tpu.vector_load %arg14[%get3A_303] {strides = array<i32>} : memref<240xi32, #tpu.memory_space<vmem>>, vector<16xi32>,
      %gather3A_305 = tpu.vector_load_idx %arg9[%get3A_302] : memref<10240xf32, #tpu.memory_space<vmem>>[vector<16xi32>], vector<16xf32>,
      %gather3A_306 = tpu.vector_load_idx %arg10[%get3A_304] : memref<10240xf32, #tpu.memory_space<vmem>>[vector<16xi32>], vector<16xf32>,
      %add3A_307 = arith.addf %gather3A_305, %gather3A_306 : vector<16xf32>
      %ge3A_308 = arith.constant 0.000000e+00 : f32
      %ge3A_309 = vector.broadcast %ge3A_308 : f32 to vector<16xf32>
      %ge3A_310 = arith.cmpf oge, %add3A_307, %ge3A_309 : vector<16xf32>
      %mul3A_311 = arith.constant 2.000000e-01 : f32
      %mul3A_312 = vector.broadcast %mul3A_311 : f32 to vector<16xf32>
      %mul3A_313 = arith.mulf %add3A_307, %mul3A_312 : vector<16xf32>
      %select_n3A_314 = arith.select %ge3A_310, %add3A_307, %mul3A_313 : vector<16xi1>, vector<16xf32>
      %exp3A_315 = math.exp %select_n3A_314 : vector<16xf32>
      %swap3A_316 = arith.constant 144 : index
      %swap3A_317 = tpu.vector_load %arg20[%swap3A_316] {strides = array<i32>} : memref<240xf32, #tpu.memory_space<vmem>>, vector<16xf32>,
      tpu.vector_store %arg20[%swap3A_316], %exp3A_315 {strides = array<i32>} : memref<240xf32, #tpu.memory_space<vmem>>, vector<16xf32>,
      %get3A_318 = arith.constant 160 : index
      %get3A_319 = tpu.vector_load %arg11[%get3A_318] {strides = array<i32>} : memref<240xi32, #tpu.memory_space<vmem>>, vector<16xi32>,
      %get3A_320 = arith.constant 160 : index
      %get3A_321 = tpu.vector_load %arg14[%get3A_320] {strides = array<i32>} : memref<240xi32, #tpu.memory_space<vmem>>, vector<16xi32>,
      %gather3A_322 = tpu.vector_load_idx %arg9[%get3A_319] : memref<10240xf32, #tpu.memory_space<vmem>>[vector<16xi32>], vector<16xf32>,
      %gather3A_323 = tpu.vector_load_idx %arg10[%get3A_321] : memref<10240xf32, #tpu.memory_space<vmem>>[vector<16xi32>], vector<16xf32>,
      %add3A_324 = arith.addf %gather3A_322, %gather3A_323 : vector<16xf32>
      %ge3A_325 = arith.constant 0.000000e+00 : f32
      %ge3A_326 = vector.broadcast %ge3A_325 : f32 to vector<16xf32>
      %ge3A_327 = arith.cmpf oge, %add3A_324, %ge3A_326 : vector<16xf32>
      %mul3A_328 = arith.constant 2.000000e-01 : f32
      %mul3A_329 = vector.broadcast %mul3A_328 : f32 to vector<16xf32>
      %mul3A_330 = arith.mulf %add3A_324, %mul3A_329 : vector<16xf32>
      %select_n3A_331 = arith.select %ge3A_327, %add3A_324, %mul3A_330 : vector<16xi1>, vector<16xf32>
      %exp3A_332 = math.exp %select_n3A_331 : vector<16xf32>
      %swap3A_333 = arith.constant 160 : index
      %swap3A_334 = tpu.vector_load %arg20[%swap3A_333] {strides = array<i32>} : memref<240xf32, #tpu.memory_space<vmem>>, vector<16xf32>,
      tpu.vector_store %arg20[%swap3A_333], %exp3A_332 {strides = array<i32>} : memref<240xf32, #tpu.memory_space<vmem>>, vector<16xf32>,
      %get3A_335 = arith.constant 176 : index
      %get3A_336 = tpu.vector_load %arg11[%get3A_335] {strides = array<i32>} : memref<240xi32, #tpu.memory_space<vmem>>, vector<16xi32>,
      %get3A_337 = arith.constant 176 : index
      %get3A_338 = tpu.vector_load %arg14[%get3A_337] {strides = array<i32>} : memref<240xi32, #tpu.memory_space<vmem>>, vector<16xi32>,
      %gather3A_339 = tpu.vector_load_idx %arg9[%get3A_336] : memref<10240xf32, #tpu.memory_space<vmem>>[vector<16xi32>], vector<16xf32>,
      %gather3A_340 = tpu.vector_load_idx %arg10[%get3A_338] : memref<10240xf32, #tpu.memory_space<vmem>>[vector<16xi32>], vector<16xf32>,
      %add3A_341 = arith.addf %gather3A_339, %gather3A_340 : vector<16xf32>
      %ge3A_342 = arith.constant 0.000000e+00 : f32
      %ge3A_343 = vector.broadcast %ge3A_342 : f32 to vector<16xf32>
      %ge3A_344 = arith.cmpf oge, %add3A_341, %ge3A_343 : vector<16xf32>
      %mul3A_345 = arith.constant 2.000000e-01 : f32
      %mul3A_346 = vector.broadcast %mul3A_345 : f32 to vector<16xf32>
      %mul3A_347 = arith.mulf %add3A_341, %mul3A_346 : vector<16xf32>
      %select_n3A_348 = arith.select %ge3A_344, %add3A_341, %mul3A_347 : vector<16xi1>, vector<16xf32>
      %exp3A_349 = math.exp %select_n3A_348 : vector<16xf32>
      %swap3A_350 = arith.constant 176 : index
      %swap3A_351 = tpu.vector_load %arg20[%swap3A_350] {strides = array<i32>} : memref<240xf32, #tpu.memory_space<vmem>>, vector<16xf32>,
      tpu.vector_store %arg20[%swap3A_350], %exp3A_349 {strides = array<i32>} : memref<240xf32, #tpu.memory_space<vmem>>, vector<16xf32>,
      %get3A_352 = arith.constant 192 : index
      %get3A_353 = tpu.vector_load %arg11[%get3A_352] {strides = array<i32>} : memref<240xi32, #tpu.memory_space<vmem>>, vector<16xi32>,
      %get3A_354 = arith.constant 192 : index
      %get3A_355 = tpu.vector_load %arg14[%get3A_354] {strides = array<i32>} : memref<240xi32, #tpu.memory_space<vmem>>, vector<16xi32>,
      %gather3A_356 = tpu.vector_load_idx %arg9[%get3A_353] : memref<10240xf32, #tpu.memory_space<vmem>>[vector<16xi32>], vector<16xf32>,
      %gather3A_357 = tpu.vector_load_idx %arg10[%get3A_355] : memref<10240xf32, #tpu.memory_space<vmem>>[vector<16xi32>], vector<16xf32>,
      %add3A_358 = arith.addf %gather3A_356, %gather3A_357 : vector<16xf32>
      %ge3A_359 = arith.constant 0.000000e+00 : f32
      %ge3A_360 = vector.broadcast %ge3A_359 : f32 to vector<16xf32>
      %ge3A_361 = arith.cmpf oge, %add3A_358, %ge3A_360 : vector<16xf32>
      %mul3A_362 = arith.constant 2.000000e-01 : f32
      %mul3A_363 = vector.broadcast %mul3A_362 : f32 to vector<16xf32>
      %mul3A_364 = arith.mulf %add3A_358, %mul3A_363 : vector<16xf32>
      %select_n3A_365 = arith.select %ge3A_361, %add3A_358, %mul3A_364 : vector<16xi1>, vector<16xf32>
      %exp3A_366 = math.exp %select_n3A_365 : vector<16xf32>
      %swap3A_367 = arith.constant 192 : index
      %swap3A_368 = tpu.vector_load %arg20[%swap3A_367] {strides = array<i32>} : memref<240xf32, #tpu.memory_space<vmem>>, vector<16xf32>,
      tpu.vector_store %arg20[%swap3A_367], %exp3A_366 {strides = array<i32>} : memref<240xf32, #tpu.memory_space<vmem>>, vector<16xf32>,
      %get3A_369 = arith.constant 208 : index
      %get3A_370 = tpu.vector_load %arg11[%get3A_369] {strides = array<i32>} : memref<240xi32, #tpu.memory_space<vmem>>, vector<16xi32>,
      %get3A_371 = arith.constant 208 : index
      %get3A_372 = tpu.vector_load %arg14[%get3A_371] {strides = array<i32>} : memref<240xi32, #tpu.memory_space<vmem>>, vector<16xi32>,
      %gather3A_373 = tpu.vector_load_idx %arg9[%get3A_370] : memref<10240xf32, #tpu.memory_space<vmem>>[vector<16xi32>], vector<16xf32>,
      %gather3A_374 = tpu.vector_load_idx %arg10[%get3A_372] : memref<10240xf32, #tpu.memory_space<vmem>>[vector<16xi32>], vector<16xf32>,
      %add3A_375 = arith.addf %gather3A_373, %gather3A_374 : vector<16xf32>
      %ge3A_376 = arith.constant 0.000000e+00 : f32
      %ge3A_377 = vector.broadcast %ge3A_376 : f32 to vector<16xf32>
      %ge3A_378 = arith.cmpf oge, %add3A_375, %ge3A_377 : vector<16xf32>
      %mul3A_379 = arith.constant 2.000000e-01 : f32
      %mul3A_380 = vector.broadcast %mul3A_379 : f32 to vector<16xf32>
      %mul3A_381 = arith.mulf %add3A_375, %mul3A_380 : vector<16xf32>
      %select_n3A_382 = arith.select %ge3A_378, %add3A_375, %mul3A_381 : vector<16xi1>, vector<16xf32>
      %exp3A_383 = math.exp %select_n3A_382 : vector<16xf32>
      %swap3A_384 = arith.constant 208 : index
      %swap3A_385 = tpu.vector_load %arg20[%swap3A_384] {strides = array<i32>} : memref<240xf32, #tpu.memory_space<vmem>>, vector<16xf32>,
      tpu.vector_store %arg20[%swap3A_384], %exp3A_383 {strides = array<i32>} : memref<240xf32, #tpu.memory_space<vmem>>, vector<16xf32>,
      %get3A_386 = arith.constant 224 : index
      %get3A_387 = tpu.vector_load %arg11[%get3A_386] {strides = array<i32>} : memref<240xi32, #tpu.memory_space<vmem>>, vector<16xi32>,
      %get3A_388 = arith.constant 224 : index
      %get3A_389 = tpu.vector_load %arg14[%get3A_388] {strides = array<i32>} : memref<240xi32, #tpu.memory_space<vmem>>, vector<16xi32>,
      %gather3A_390 = tpu.vector_load_idx %arg9[%get3A_387] : memref<10240xf32, #tpu.memory_space<vmem>>[vector<16xi32>], vector<16xf32>,
      %gather3A_391 = tpu.vector_load_idx %arg10[%get3A_389] : memref<10240xf32, #tpu.memory_space<vmem>>[vector<16xi32>], vector<16xf32>,
      %add3A_392 = arith.addf %gather3A_390, %gather3A_391 : vector<16xf32>
      %ge3A_393 = arith.constant 0.000000e+00 : f32
      %ge3A_394 = vector.broadcast %ge3A_393 : f32 to vector<16xf32>
      %ge3A_395 = arith.cmpf oge, %add3A_392, %ge3A_394 : vector<16xf32>
      %mul3A_396 = arith.constant 2.000000e-01 : f32
      %mul3A_397 = vector.broadcast %mul3A_396 : f32 to vector<16xf32>
      %mul3A_398 = arith.mulf %add3A_392, %mul3A_397 : vector<16xf32>
      %select_n3A_399 = arith.select %ge3A_395, %add3A_392, %mul3A_398 : vector<16xi1>, vector<16xf32>
      %exp3A_400 = math.exp %select_n3A_399 : vector<16xf32>
      %swap3A_401 = arith.constant 224 : index
      %swap3A_402 = tpu.vector_load %arg20[%swap3A_401] {strides = array<i32>} : memref<240xf32, #tpu.memory_space<vmem>>, vector<16xf32>,
      tpu.vector_store %arg20[%swap3A_401], %exp3A_400 {strides = array<i32>} : memref<240xf32, #tpu.memory_space<vmem>>, vector<16xf32>,
      %scan3A_403 = arith.constant 0 : i32
      %scan3A_404 = arith.constant 0 : i32
      %scan3A_405 = arith.constant 240 : i32
      %scan3A_406 = arith.addi %scan3A_404, %scan3A_405 : i32
      %scan3A_407 = arith.constant 1 : i32
      scf.for %scan3A_1018 = %scan3A_404 to %scan3A_406 step %scan3A_407  : i32 {
        %broadcast_in_dim3A_1019 = vector.broadcast %scan3A_1018 : i32 to vector<16xi32>
        %gather3A_1020 = tpu.vector_load_idx %arg20[%broadcast_in_dim3A_1019] : memref<240xf32, #tpu.memory_space<vmem>>[vector<16xi32>], vector<16xf32>,
        %get3A_1021 = arith.index_cast %scan3A_1018 : i32 to index
        %get3A_1022 = arith.constant 0 : index
        %get3A_1023 = tpu.vector_load %arg17[%get3A_1021, %get3A_1022] {strides = array<i32>} : memref<240x64xf32, #tpu.memory_space<vmem>>, vector<16xf32>,
        %mul3A_1024 = arith.mulf %get3A_1023, %gather3A_1020 : vector<16xf32>
        %swap3A_1025 = arith.index_cast %scan3A_1018 : i32 to index
        %swap3A_1026 = arith.constant 0 : index
        %swap3A_1027 = tpu.vector_load %arg17[%swap3A_1025, %swap3A_1026] {strides = array<i32>} : memref<240x64xf32, #tpu.memory_space<vmem>>, vector<16xf32>,
        tpu.vector_store %arg17[%swap3A_1025, %swap3A_1026], %mul3A_1024 {strides = array<i32>} : memref<240x64xf32, #tpu.memory_space<vmem>>, vector<16xf32>,
        %get3A_1028 = arith.index_cast %scan3A_1018 : i32 to index
        %get3A_1029 = arith.constant 16 : index
        %get3A_1030 = tpu.vector_load %arg17[%get3A_1028, %get3A_1029] {strides = array<i32>} : memref<240x64xf32, #tpu.memory_space<vmem>>, vector<16xf32>,
        %mul3A_1031 = arith.mulf %get3A_1030, %gather3A_1020 : vector<16xf32>
        %swap3A_1032 = arith.index_cast %scan3A_1018 : i32 to index
        %swap3A_1033 = arith.constant 16 : index
        %swap3A_1034 = tpu.vector_load %arg17[%swap3A_1032, %swap3A_1033] {strides = array<i32>} : memref<240x64xf32, #tpu.memory_space<vmem>>, vector<16xf32>,
        tpu.vector_store %arg17[%swap3A_1032, %swap3A_1033], %mul3A_1031 {strides = array<i32>} : memref<240x64xf32, #tpu.memory_space<vmem>>, vector<16xf32>,
        %get3A_1035 = arith.index_cast %scan3A_1018 : i32 to index
        %get3A_1036 = arith.constant 32 : index
        %get3A_1037 = tpu.vector_load %arg17[%get3A_1035, %get3A_1036] {strides = array<i32>} : memref<240x64xf32, #tpu.memory_space<vmem>>, vector<16xf32>,
        %mul3A_1038 = arith.mulf %get3A_1037, %gather3A_1020 : vector<16xf32>
        %swap3A_1039 = arith.index_cast %scan3A_1018 : i32 to index
        %swap3A_1040 = arith.constant 32 : index
        %swap3A_1041 = tpu.vector_load %arg17[%swap3A_1039, %swap3A_1040] {strides = array<i32>} : memref<240x64xf32, #tpu.memory_space<vmem>>, vector<16xf32>,
        tpu.vector_store %arg17[%swap3A_1039, %swap3A_1040], %mul3A_1038 {strides = array<i32>} : memref<240x64xf32, #tpu.memory_space<vmem>>, vector<16xf32>,
        %get3A_1042 = arith.index_cast %scan3A_1018 : i32 to index
        %get3A_1043 = arith.constant 48 : index
        %get3A_1044 = tpu.vector_load %arg17[%get3A_1042, %get3A_1043] {strides = array<i32>} : memref<240x64xf32, #tpu.memory_space<vmem>>, vector<16xf32>,
        %mul3A_1045 = arith.mulf %get3A_1044, %gather3A_1020 : vector<16xf32>
        %swap3A_1046 = arith.index_cast %scan3A_1018 : i32 to index
        %swap3A_1047 = arith.constant 48 : index
        %swap3A_1048 = tpu.vector_load %arg17[%swap3A_1046, %swap3A_1047] {strides = array<i32>} : memref<240x64xf32, #tpu.memory_space<vmem>>, vector<16xf32>,
        tpu.vector_store %arg17[%swap3A_1046, %swap3A_1047], %mul3A_1045 {strides = array<i32>} : memref<240x64xf32, #tpu.memory_space<vmem>>, vector<16xf32>,
      }
      %scan3A_408 = arith.constant 240 : i32
      %dma_start3A_409 = arith.constant 0 : i32
      %dma_start3A_410 = arith.constant 0 : i32
      %dma_start3A_411 = tpu.memref_slice %arg24[%dma_start3A_409, %dma_start3A_410] : memref<10240x64xf32, #tpu.memory_space<vmem_shared>> -> memref<10240x64xf32, #tpu.memory_space<vmem_shared>>
      tpu.enqueue_indirect_dma source(%arg17 : memref<240x64xf32, #tpu.memory_space<vmem>>) target(%dma_start3A_411 : memref<10240x64xf32, #tpu.memory_space<vmem_shared>>) offsets(%arg14 : memref<240xi32, #tpu.memory_space<vmem>>) semaphore(%arg29 : memref<!tpu.dma_semaphore, #tpu.memory_space<semaphore_mem>>) {add = true}
      %dma_start3A_412 = arith.constant 0 : i32
      %dma_start3A_413 = tpu.memref_slice %arg25[%dma_start3A_412] : memref<10240xf32, #tpu.memory_space<vmem_shared>> -> memref<10240xf32, #tpu.memory_space<vmem_shared>>
      tpu.enqueue_indirect_dma source(%arg20 : memref<240xf32, #tpu.memory_space<vmem>>) target(%dma_start3A_413 : memref<10240xf32, #tpu.memory_space<vmem_shared>>) offsets(%arg14 : memref<240xi32, #tpu.memory_space<vmem>>) semaphore(%arg32 : memref<!tpu.dma_semaphore, #tpu.memory_space<semaphore_mem>>) {add = true}
      %ge3A_414 = arith.constant 1 : i32
      %ge3A_415 = arith.cmpi sge, %add3A_139, %ge3A_414 : i32
      %convert_element_type3A_416 = arith.extui %ge3A_415 : i1 to i32
      %cond3A_417 = arith.constant 0 : i32
      %cond3A_418 = arith.cmpi ne, %convert_element_type3A_416, %cond3A_417 : i32
      scf.if %cond3A_418 {
        %dma_wait3A_1018 = arith.constant 0 : i32
        %dma_wait3A_1019 = arith.constant 0 : i32
        %dma_wait3A_1020 = tpu.memref_slice %arg24[%dma_wait3A_1018, %dma_wait3A_1019] : memref<10240x64xf32, #tpu.memory_space<vmem_shared>> -> memref<10240x64xf32, #tpu.memory_space<vmem_shared>>
        tpu.wait_indirect_dma semaphore(%arg31 : memref<!tpu.dma_semaphore, #tpu.memory_space<semaphore_mem>>) src(%arg19 : memref<240x64xf32, #tpu.memory_space<vmem>>) dst(%dma_wait3A_1020 : memref<10240x64xf32, #tpu.memory_space<vmem_shared>>)
        %dma_wait3A_1021 = arith.constant 0 : i32
        %dma_wait3A_1022 = tpu.memref_slice %arg25[%dma_wait3A_1021] : memref<10240xf32, #tpu.memory_space<vmem_shared>> -> memref<10240xf32, #tpu.memory_space<vmem_shared>>
        tpu.wait_indirect_dma semaphore(%arg34 : memref<!tpu.dma_semaphore, #tpu.memory_space<semaphore_mem>>) src(%arg22 : memref<240xf32, #tpu.memory_space<vmem>>) dst(%dma_wait3A_1022 : memref<10240xf32, #tpu.memory_space<vmem_shared>>)
      } else {
      }
      %add3A_419 = arith.constant 2 : i32
      %add3A_420 = arith.addi %add3A_139, %add3A_419 : i32
      %lt3A_421 = arith.constant 87 : i32
      %lt3A_422 = arith.cmpi slt, %add3A_420, %lt3A_421 : i32
      %convert_element_type3A_423 = arith.extui %lt3A_422 : i1 to i32
      %cond3A_424 = arith.constant 0 : i32
      %cond3A_425 = arith.cmpi ne, %convert_element_type3A_423, %cond3A_424 : i32
      scf.if %cond3A_425 {
        %add3A_1018 = arith.constant 2 : i32
        %add3A_1019 = arith.addi %add3A_139, %add3A_1018 : i32
        %mul3A_1020 = arith.constant 240 : i32
        %mul3A_1021 = arith.muli %add3A_1019, %mul3A_1020 : i32
        %add3A_1022 = arith.addi %multiple_of3A_93, %mul3A_1021 : i32
        %multiple_of3A_1023 = tpu.assume_multiple %add3A_1022, 8 : i32
        %dma_start3A_1024 = tpu.memref_slice %arg5[%multiple_of3A_1023] : memref<334080xi32, #tpu.memory_space<hbm>> -> memref<240xi32, #tpu.memory_space<hbm>>
        %dma_start3A_1025 = tpu.memref_slice %arg5[%multiple_of3A_1023] : memref<334080xi32, #tpu.memory_space<hbm>> -> memref<240xi32, #tpu.memory_space<hbm>>
        tpu.enqueue_dma source(%dma_start3A_1025 : memref<240xi32, #tpu.memory_space<hbm>>) target(%arg13 : memref<240xi32, #tpu.memory_space<vmem>>) target_semaphore(%arg37 : memref<!tpu.dma_semaphore, #tpu.memory_space<semaphore_mem>>)
        %dma_start3A_1026 = tpu.memref_slice %arg6[%multiple_of3A_1023] : memref<334080xi32, #tpu.memory_space<hbm>> -> memref<240xi32, #tpu.memory_space<hbm>>
        %dma_start3A_1027 = tpu.memref_slice %arg6[%multiple_of3A_1023] : memref<334080xi32, #tpu.memory_space<hbm>> -> memref<240xi32, #tpu.memory_space<hbm>>
        tpu.enqueue_dma source(%dma_start3A_1027 : memref<240xi32, #tpu.memory_space<hbm>>) target(%arg16 : memref<240xi32, #tpu.memory_space<vmem>>) target_semaphore(%arg37 : memref<!tpu.dma_semaphore, #tpu.memory_space<semaphore_mem>>)
      } else {
      }
      %mul3A_426 = arith.constant 3 : i32
      %mul3A_427 = arith.muli %scan3A_135, %mul3A_426 : i32
      %add3A_428 = arith.constant 1 : i32
      %add3A_429 = arith.addi %mul3A_427, %add3A_428 : i32
      %add3A_430 = arith.constant 1 : i32
      %add3A_431 = arith.addi %add3A_429, %add3A_430 : i32
      %lt3A_432 = arith.constant 87 : i32
      %lt3A_433 = arith.cmpi slt, %add3A_431, %lt3A_432 : i32
      %convert_element_type3A_434 = arith.extui %lt3A_433 : i1 to i32
      %cond3A_435 = arith.constant 0 : i32
      %cond3A_436 = arith.cmpi ne, %convert_element_type3A_434, %cond3A_435 : i32
      scf.if %cond3A_436 {
        %dma_wait3A_1018 = arith.constant 0 : i32
        %dma_wait3A_1019 = tpu.memref_slice %arg5[%dma_wait3A_1018] : memref<334080xi32, #tpu.memory_space<hbm>> -> memref<240xi32, #tpu.memory_space<hbm>>
        %dma_wait3A_1020 = arith.constant 0 : i32
        %dma_wait3A_1021 = tpu.memref_slice %arg5[%dma_wait3A_1020] : memref<334080xi32, #tpu.memory_space<hbm>> -> memref<240xi32, #tpu.memory_space<hbm>>
        tpu.wait_dma2 semaphore(%arg37 : memref<!tpu.dma_semaphore, #tpu.memory_space<semaphore_mem>>) src(%dma_wait3A_1021 : memref<240xi32, #tpu.memory_space<hbm>>) dst(%arg13 : memref<240xi32, #tpu.memory_space<vmem>>)
        %dma_wait3A_1022 = arith.constant 0 : i32
        %dma_wait3A_1023 = tpu.memref_slice %arg6[%dma_wait3A_1022] : memref<334080xi32, #tpu.memory_space<hbm>> -> memref<240xi32, #tpu.memory_space<hbm>>
        %dma_wait3A_1024 = arith.constant 0 : i32
        %dma_wait3A_1025 = tpu.memref_slice %arg6[%dma_wait3A_1024] : memref<334080xi32, #tpu.memory_space<hbm>> -> memref<240xi32, #tpu.memory_space<hbm>>
        tpu.wait_dma2 semaphore(%arg37 : memref<!tpu.dma_semaphore, #tpu.memory_space<semaphore_mem>>) src(%dma_wait3A_1025 : memref<240xi32, #tpu.memory_space<hbm>>) dst(%arg16 : memref<240xi32, #tpu.memory_space<vmem>>)
        %dma_start3A_1026 = arith.constant 0 : i32
        %dma_start3A_1027 = arith.constant 0 : i32
        %dma_start3A_1028 = tpu.memref_slice %arg2[%arg0, %dma_start3A_1026, %dma_start3A_1027] : memref<2x10240x64xf32, #tpu.memory_space<hbm>> -> memref<1x10240x64xf32, #tpu.memory_space<hbm>>
        %dma_start3A_1029 = tpu.memref_squeeze %dma_start3A_1028 : memref<1x10240x64xf32, #tpu.memory_space<hbm>> -> memref<10240x64xf32, #tpu.memory_space<hbm>>
        %dma_start3A_1030 = arith.constant 0 : i32
        %dma_start3A_1031 = arith.constant 0 : i32
        %dma_start3A_1032 = tpu.memref_slice %dma_start3A_1029[%dma_start3A_1030, %dma_start3A_1031] : memref<10240x64xf32, #tpu.memory_space<hbm>> -> memref<10240x64xf32, #tpu.memory_space<hbm>>
        tpu.enqueue_indirect_dma source(%dma_start3A_1032 : memref<10240x64xf32, #tpu.memory_space<hbm>>) target(%arg19 : memref<240x64xf32, #tpu.memory_space<vmem>>) offsets(%arg13 : memref<240xi32, #tpu.memory_space<vmem>>) semaphore(%arg28 : memref<!tpu.dma_semaphore, #tpu.memory_space<semaphore_mem>>)
      } else {
      }
      %dma_wait3A_437 = arith.constant 0 : i32
      %dma_wait3A_438 = arith.constant 0 : i32
      %dma_wait3A_439 = tpu.memref_slice %arg2[%arg0, %dma_wait3A_437, %dma_wait3A_438] : memref<2x10240x64xf32, #tpu.memory_space<hbm>> -> memref<1x10240x64xf32, #tpu.memory_space<hbm>>
      %dma_wait3A_440 = tpu.memref_squeeze %dma_wait3A_439 : memref<1x10240x64xf32, #tpu.memory_space<hbm>> -> memref<10240x64xf32, #tpu.memory_space<hbm>>
      %dma_wait3A_441 = arith.constant 0 : i32
      %dma_wait3A_442 = arith.constant 0 : i32
      %dma_wait3A_443 = tpu.memref_slice %dma_wait3A_440[%dma_wait3A_441, %dma_wait3A_442] : memref<10240x64xf32, #tpu.memory_space<hbm>> -> memref<10240x64xf32, #tpu.memory_space<hbm>>
      tpu.wait_indirect_dma semaphore(%arg27 : memref<!tpu.dma_semaphore, #tpu.memory_space<semaphore_mem>>) src(%dma_wait3A_443 : memref<10240x64xf32, #tpu.memory_space<hbm>>) dst(%arg18 : memref<240x64xf32, #tpu.memory_space<vmem>>)
      %get3A_444 = arith.constant 0 : index
      %get3A_445 = tpu.vector_load %arg12[%get3A_444] {strides = array<i32>} : memref<240xi32, #tpu.memory_space<vmem>>, vector<16xi32>,
      %get3A_446 = arith.constant 0 : index
      %get3A_447 = tpu.vector_load %arg15[%get3A_446] {strides = array<i32>} : memref<240xi32, #tpu.memory_space<vmem>>, vector<16xi32>,
      %gather3A_448 = tpu.vector_load_idx %arg9[%get3A_445] : memref<10240xf32, #tpu.memory_space<vmem>>[vector<16xi32>], vector<16xf32>,
      %gather3A_449 = tpu.vector_load_idx %arg10[%get3A_447] : memref<10240xf32, #tpu.memory_space<vmem>>[vector<16xi32>], vector<16xf32>,
      %add3A_450 = arith.addf %gather3A_448, %gather3A_449 : vector<16xf32>
      %ge3A_451 = arith.constant 0.000000e+00 : f32
      %ge3A_452 = vector.broadcast %ge3A_451 : f32 to vector<16xf32>
      %ge3A_453 = arith.cmpf oge, %add3A_450, %ge3A_452 : vector<16xf32>
      %mul3A_454 = arith.constant 2.000000e-01 : f32
      %mul3A_455 = vector.broadcast %mul3A_454 : f32 to vector<16xf32>
      %mul3A_456 = arith.mulf %add3A_450, %mul3A_455 : vector<16xf32>
      %select_n3A_457 = arith.select %ge3A_453, %add3A_450, %mul3A_456 : vector<16xi1>, vector<16xf32>
      %exp3A_458 = math.exp %select_n3A_457 : vector<16xf32>
      %swap3A_459 = arith.constant 0 : index
      %swap3A_460 = tpu.vector_load %arg21[%swap3A_459] {strides = array<i32>} : memref<240xf32, #tpu.memory_space<vmem>>, vector<16xf32>,
      tpu.vector_store %arg21[%swap3A_459], %exp3A_458 {strides = array<i32>} : memref<240xf32, #tpu.memory_space<vmem>>, vector<16xf32>,
      %get3A_461 = arith.constant 16 : index
      %get3A_462 = tpu.vector_load %arg12[%get3A_461] {strides = array<i32>} : memref<240xi32, #tpu.memory_space<vmem>>, vector<16xi32>,
      %get3A_463 = arith.constant 16 : index
      %get3A_464 = tpu.vector_load %arg15[%get3A_463] {strides = array<i32>} : memref<240xi32, #tpu.memory_space<vmem>>, vector<16xi32>,
      %gather3A_465 = tpu.vector_load_idx %arg9[%get3A_462] : memref<10240xf32, #tpu.memory_space<vmem>>[vector<16xi32>], vector<16xf32>,
      %gather3A_466 = tpu.vector_load_idx %arg10[%get3A_464] : memref<10240xf32, #tpu.memory_space<vmem>>[vector<16xi32>], vector<16xf32>,
      %add3A_467 = arith.addf %gather3A_465, %gather3A_466 : vector<16xf32>
      %ge3A_468 = arith.constant 0.000000e+00 : f32
      %ge3A_469 = vector.broadcast %ge3A_468 : f32 to vector<16xf32>
      %ge3A_470 = arith.cmpf oge, %add3A_467, %ge3A_469 : vector<16xf32>
      %mul3A_471 = arith.constant 2.000000e-01 : f32
      %mul3A_472 = vector.broadcast %mul3A_471 : f32 to vector<16xf32>
      %mul3A_473 = arith.mulf %add3A_467, %mul3A_472 : vector<16xf32>
      %select_n3A_474 = arith.select %ge3A_470, %add3A_467, %mul3A_473 : vector<16xi1>, vector<16xf32>
      %exp3A_475 = math.exp %select_n3A_474 : vector<16xf32>
      %swap3A_476 = arith.constant 16 : index
      %swap3A_477 = tpu.vector_load %arg21[%swap3A_476] {strides = array<i32>} : memref<240xf32, #tpu.memory_space<vmem>>, vector<16xf32>,
      tpu.vector_store %arg21[%swap3A_476], %exp3A_475 {strides = array<i32>} : memref<240xf32, #tpu.memory_space<vmem>>, vector<16xf32>,
      %get3A_478 = arith.constant 32 : index
      %get3A_479 = tpu.vector_load %arg12[%get3A_478] {strides = array<i32>} : memref<240xi32, #tpu.memory_space<vmem>>, vector<16xi32>,
      %get3A_480 = arith.constant 32 : index
      %get3A_481 = tpu.vector_load %arg15[%get3A_480] {strides = array<i32>} : memref<240xi32, #tpu.memory_space<vmem>>, vector<16xi32>,
      %gather3A_482 = tpu.vector_load_idx %arg9[%get3A_479] : memref<10240xf32, #tpu.memory_space<vmem>>[vector<16xi32>], vector<16xf32>,
      %gather3A_483 = tpu.vector_load_idx %arg10[%get3A_481] : memref<10240xf32, #tpu.memory_space<vmem>>[vector<16xi32>], vector<16xf32>,
      %add3A_484 = arith.addf %gather3A_482, %gather3A_483 : vector<16xf32>
      %ge3A_485 = arith.constant 0.000000e+00 : f32
      %ge3A_486 = vector.broadcast %ge3A_485 : f32 to vector<16xf32>
      %ge3A_487 = arith.cmpf oge, %add3A_484, %ge3A_486 : vector<16xf32>
      %mul3A_488 = arith.constant 2.000000e-01 : f32
      %mul3A_489 = vector.broadcast %mul3A_488 : f32 to vector<16xf32>
      %mul3A_490 = arith.mulf %add3A_484, %mul3A_489 : vector<16xf32>
      %select_n3A_491 = arith.select %ge3A_487, %add3A_484, %mul3A_490 : vector<16xi1>, vector<16xf32>
      %exp3A_492 = math.exp %select_n3A_491 : vector<16xf32>
      %swap3A_493 = arith.constant 32 : index
      %swap3A_494 = tpu.vector_load %arg21[%swap3A_493] {strides = array<i32>} : memref<240xf32, #tpu.memory_space<vmem>>, vector<16xf32>,
      tpu.vector_store %arg21[%swap3A_493], %exp3A_492 {strides = array<i32>} : memref<240xf32, #tpu.memory_space<vmem>>, vector<16xf32>,
      %get3A_495 = arith.constant 48 : index
      %get3A_496 = tpu.vector_load %arg12[%get3A_495] {strides = array<i32>} : memref<240xi32, #tpu.memory_space<vmem>>, vector<16xi32>,
      %get3A_497 = arith.constant 48 : index
      %get3A_498 = tpu.vector_load %arg15[%get3A_497] {strides = array<i32>} : memref<240xi32, #tpu.memory_space<vmem>>, vector<16xi32>,
      %gather3A_499 = tpu.vector_load_idx %arg9[%get3A_496] : memref<10240xf32, #tpu.memory_space<vmem>>[vector<16xi32>], vector<16xf32>,
      %gather3A_500 = tpu.vector_load_idx %arg10[%get3A_498] : memref<10240xf32, #tpu.memory_space<vmem>>[vector<16xi32>], vector<16xf32>,
      %add3A_501 = arith.addf %gather3A_499, %gather3A_500 : vector<16xf32>
      %ge3A_502 = arith.constant 0.000000e+00 : f32
      %ge3A_503 = vector.broadcast %ge3A_502 : f32 to vector<16xf32>
      %ge3A_504 = arith.cmpf oge, %add3A_501, %ge3A_503 : vector<16xf32>
      %mul3A_505 = arith.constant 2.000000e-01 : f32
      %mul3A_506 = vector.broadcast %mul3A_505 : f32 to vector<16xf32>
      %mul3A_507 = arith.mulf %add3A_501, %mul3A_506 : vector<16xf32>
      %select_n3A_508 = arith.select %ge3A_504, %add3A_501, %mul3A_507 : vector<16xi1>, vector<16xf32>
      %exp3A_509 = math.exp %select_n3A_508 : vector<16xf32>
      %swap3A_510 = arith.constant 48 : index
      %swap3A_511 = tpu.vector_load %arg21[%swap3A_510] {strides = array<i32>} : memref<240xf32, #tpu.memory_space<vmem>>, vector<16xf32>,
      tpu.vector_store %arg21[%swap3A_510], %exp3A_509 {strides = array<i32>} : memref<240xf32, #tpu.memory_space<vmem>>, vector<16xf32>,
      %get3A_512 = arith.constant 64 : index
      %get3A_513 = tpu.vector_load %arg12[%get3A_512] {strides = array<i32>} : memref<240xi32, #tpu.memory_space<vmem>>, vector<16xi32>,
      %get3A_514 = arith.constant 64 : index
      %get3A_515 = tpu.vector_load %arg15[%get3A_514] {strides = array<i32>} : memref<240xi32, #tpu.memory_space<vmem>>, vector<16xi32>,
      %gather3A_516 = tpu.vector_load_idx %arg9[%get3A_513] : memref<10240xf32, #tpu.memory_space<vmem>>[vector<16xi32>], vector<16xf32>,
      %gather3A_517 = tpu.vector_load_idx %arg10[%get3A_515] : memref<10240xf32, #tpu.memory_space<vmem>>[vector<16xi32>], vector<16xf32>,
      %add3A_518 = arith.addf %gather3A_516, %gather3A_517 : vector<16xf32>
      %ge3A_519 = arith.constant 0.000000e+00 : f32
      %ge3A_520 = vector.broadcast %ge3A_519 : f32 to vector<16xf32>
      %ge3A_521 = arith.cmpf oge, %add3A_518, %ge3A_520 : vector<16xf32>
      %mul3A_522 = arith.constant 2.000000e-01 : f32
      %mul3A_523 = vector.broadcast %mul3A_522 : f32 to vector<16xf32>
      %mul3A_524 = arith.mulf %add3A_518, %mul3A_523 : vector<16xf32>
      %select_n3A_525 = arith.select %ge3A_521, %add3A_518, %mul3A_524 : vector<16xi1>, vector<16xf32>
      %exp3A_526 = math.exp %select_n3A_525 : vector<16xf32>
      %swap3A_527 = arith.constant 64 : index
      %swap3A_528 = tpu.vector_load %arg21[%swap3A_527] {strides = array<i32>} : memref<240xf32, #tpu.memory_space<vmem>>, vector<16xf32>,
      tpu.vector_store %arg21[%swap3A_527], %exp3A_526 {strides = array<i32>} : memref<240xf32, #tpu.memory_space<vmem>>, vector<16xf32>,
      %get3A_529 = arith.constant 80 : index
      %get3A_530 = tpu.vector_load %arg12[%get3A_529] {strides = array<i32>} : memref<240xi32, #tpu.memory_space<vmem>>, vector<16xi32>,
      %get3A_531 = arith.constant 80 : index
      %get3A_532 = tpu.vector_load %arg15[%get3A_531] {strides = array<i32>} : memref<240xi32, #tpu.memory_space<vmem>>, vector<16xi32>,
      %gather3A_533 = tpu.vector_load_idx %arg9[%get3A_530] : memref<10240xf32, #tpu.memory_space<vmem>>[vector<16xi32>], vector<16xf32>,
      %gather3A_534 = tpu.vector_load_idx %arg10[%get3A_532] : memref<10240xf32, #tpu.memory_space<vmem>>[vector<16xi32>], vector<16xf32>,
      %add3A_535 = arith.addf %gather3A_533, %gather3A_534 : vector<16xf32>
      %ge3A_536 = arith.constant 0.000000e+00 : f32
      %ge3A_537 = vector.broadcast %ge3A_536 : f32 to vector<16xf32>
      %ge3A_538 = arith.cmpf oge, %add3A_535, %ge3A_537 : vector<16xf32>
      %mul3A_539 = arith.constant 2.000000e-01 : f32
      %mul3A_540 = vector.broadcast %mul3A_539 : f32 to vector<16xf32>
      %mul3A_541 = arith.mulf %add3A_535, %mul3A_540 : vector<16xf32>
      %select_n3A_542 = arith.select %ge3A_538, %add3A_535, %mul3A_541 : vector<16xi1>, vector<16xf32>
      %exp3A_543 = math.exp %select_n3A_542 : vector<16xf32>
      %swap3A_544 = arith.constant 80 : index
      %swap3A_545 = tpu.vector_load %arg21[%swap3A_544] {strides = array<i32>} : memref<240xf32, #tpu.memory_space<vmem>>, vector<16xf32>,
      tpu.vector_store %arg21[%swap3A_544], %exp3A_543 {strides = array<i32>} : memref<240xf32, #tpu.memory_space<vmem>>, vector<16xf32>,
      %get3A_546 = arith.constant 96 : index
      %get3A_547 = tpu.vector_load %arg12[%get3A_546] {strides = array<i32>} : memref<240xi32, #tpu.memory_space<vmem>>, vector<16xi32>,
      %get3A_548 = arith.constant 96 : index
      %get3A_549 = tpu.vector_load %arg15[%get3A_548] {strides = array<i32>} : memref<240xi32, #tpu.memory_space<vmem>>, vector<16xi32>,
      %gather3A_550 = tpu.vector_load_idx %arg9[%get3A_547] : memref<10240xf32, #tpu.memory_space<vmem>>[vector<16xi32>], vector<16xf32>,
      %gather3A_551 = tpu.vector_load_idx %arg10[%get3A_549] : memref<10240xf32, #tpu.memory_space<vmem>>[vector<16xi32>], vector<16xf32>,
      %add3A_552 = arith.addf %gather3A_550, %gather3A_551 : vector<16xf32>
      %ge3A_553 = arith.constant 0.000000e+00 : f32
      %ge3A_554 = vector.broadcast %ge3A_553 : f32 to vector<16xf32>
      %ge3A_555 = arith.cmpf oge, %add3A_552, %ge3A_554 : vector<16xf32>
      %mul3A_556 = arith.constant 2.000000e-01 : f32
      %mul3A_557 = vector.broadcast %mul3A_556 : f32 to vector<16xf32>
      %mul3A_558 = arith.mulf %add3A_552, %mul3A_557 : vector<16xf32>
      %select_n3A_559 = arith.select %ge3A_555, %add3A_552, %mul3A_558 : vector<16xi1>, vector<16xf32>
      %exp3A_560 = math.exp %select_n3A_559 : vector<16xf32>
      %swap3A_561 = arith.constant 96 : index
      %swap3A_562 = tpu.vector_load %arg21[%swap3A_561] {strides = array<i32>} : memref<240xf32, #tpu.memory_space<vmem>>, vector<16xf32>,
      tpu.vector_store %arg21[%swap3A_561], %exp3A_560 {strides = array<i32>} : memref<240xf32, #tpu.memory_space<vmem>>, vector<16xf32>,
      %get3A_563 = arith.constant 112 : index
      %get3A_564 = tpu.vector_load %arg12[%get3A_563] {strides = array<i32>} : memref<240xi32, #tpu.memory_space<vmem>>, vector<16xi32>,
      %get3A_565 = arith.constant 112 : index
      %get3A_566 = tpu.vector_load %arg15[%get3A_565] {strides = array<i32>} : memref<240xi32, #tpu.memory_space<vmem>>, vector<16xi32>,
      %gather3A_567 = tpu.vector_load_idx %arg9[%get3A_564] : memref<10240xf32, #tpu.memory_space<vmem>>[vector<16xi32>], vector<16xf32>,
      %gather3A_568 = tpu.vector_load_idx %arg10[%get3A_566] : memref<10240xf32, #tpu.memory_space<vmem>>[vector<16xi32>], vector<16xf32>,
      %add3A_569 = arith.addf %gather3A_567, %gather3A_568 : vector<16xf32>
      %ge3A_570 = arith.constant 0.000000e+00 : f32
      %ge3A_571 = vector.broadcast %ge3A_570 : f32 to vector<16xf32>
      %ge3A_572 = arith.cmpf oge, %add3A_569, %ge3A_571 : vector<16xf32>
      %mul3A_573 = arith.constant 2.000000e-01 : f32
      %mul3A_574 = vector.broadcast %mul3A_573 : f32 to vector<16xf32>
      %mul3A_575 = arith.mulf %add3A_569, %mul3A_574 : vector<16xf32>
      %select_n3A_576 = arith.select %ge3A_572, %add3A_569, %mul3A_575 : vector<16xi1>, vector<16xf32>
      %exp3A_577 = math.exp %select_n3A_576 : vector<16xf32>
      %swap3A_578 = arith.constant 112 : index
      %swap3A_579 = tpu.vector_load %arg21[%swap3A_578] {strides = array<i32>} : memref<240xf32, #tpu.memory_space<vmem>>, vector<16xf32>,
      tpu.vector_store %arg21[%swap3A_578], %exp3A_577 {strides = array<i32>} : memref<240xf32, #tpu.memory_space<vmem>>, vector<16xf32>,
      %get3A_580 = arith.constant 128 : index
      %get3A_581 = tpu.vector_load %arg12[%get3A_580] {strides = array<i32>} : memref<240xi32, #tpu.memory_space<vmem>>, vector<16xi32>,
      %get3A_582 = arith.constant 128 : index
      %get3A_583 = tpu.vector_load %arg15[%get3A_582] {strides = array<i32>} : memref<240xi32, #tpu.memory_space<vmem>>, vector<16xi32>,
      %gather3A_584 = tpu.vector_load_idx %arg9[%get3A_581] : memref<10240xf32, #tpu.memory_space<vmem>>[vector<16xi32>], vector<16xf32>,
      %gather3A_585 = tpu.vector_load_idx %arg10[%get3A_583] : memref<10240xf32, #tpu.memory_space<vmem>>[vector<16xi32>], vector<16xf32>,
      %add3A_586 = arith.addf %gather3A_584, %gather3A_585 : vector<16xf32>
      %ge3A_587 = arith.constant 0.000000e+00 : f32
      %ge3A_588 = vector.broadcast %ge3A_587 : f32 to vector<16xf32>
      %ge3A_589 = arith.cmpf oge, %add3A_586, %ge3A_588 : vector<16xf32>
      %mul3A_590 = arith.constant 2.000000e-01 : f32
      %mul3A_591 = vector.broadcast %mul3A_590 : f32 to vector<16xf32>
      %mul3A_592 = arith.mulf %add3A_586, %mul3A_591 : vector<16xf32>
      %select_n3A_593 = arith.select %ge3A_589, %add3A_586, %mul3A_592 : vector<16xi1>, vector<16xf32>
      %exp3A_594 = math.exp %select_n3A_593 : vector<16xf32>
      %swap3A_595 = arith.constant 128 : index
      %swap3A_596 = tpu.vector_load %arg21[%swap3A_595] {strides = array<i32>} : memref<240xf32, #tpu.memory_space<vmem>>, vector<16xf32>,
      tpu.vector_store %arg21[%swap3A_595], %exp3A_594 {strides = array<i32>} : memref<240xf32, #tpu.memory_space<vmem>>, vector<16xf32>,
      %get3A_597 = arith.constant 144 : index
      %get3A_598 = tpu.vector_load %arg12[%get3A_597] {strides = array<i32>} : memref<240xi32, #tpu.memory_space<vmem>>, vector<16xi32>,
      %get3A_599 = arith.constant 144 : index
      %get3A_600 = tpu.vector_load %arg15[%get3A_599] {strides = array<i32>} : memref<240xi32, #tpu.memory_space<vmem>>, vector<16xi32>,
      %gather3A_601 = tpu.vector_load_idx %arg9[%get3A_598] : memref<10240xf32, #tpu.memory_space<vmem>>[vector<16xi32>], vector<16xf32>,
      %gather3A_602 = tpu.vector_load_idx %arg10[%get3A_600] : memref<10240xf32, #tpu.memory_space<vmem>>[vector<16xi32>], vector<16xf32>,
      %add3A_603 = arith.addf %gather3A_601, %gather3A_602 : vector<16xf32>
      %ge3A_604 = arith.constant 0.000000e+00 : f32
      %ge3A_605 = vector.broadcast %ge3A_604 : f32 to vector<16xf32>
      %ge3A_606 = arith.cmpf oge, %add3A_603, %ge3A_605 : vector<16xf32>
      %mul3A_607 = arith.constant 2.000000e-01 : f32
      %mul3A_608 = vector.broadcast %mul3A_607 : f32 to vector<16xf32>
      %mul3A_609 = arith.mulf %add3A_603, %mul3A_608 : vector<16xf32>
      %select_n3A_610 = arith.select %ge3A_606, %add3A_603, %mul3A_609 : vector<16xi1>, vector<16xf32>
      %exp3A_611 = math.exp %select_n3A_610 : vector<16xf32>
      %swap3A_612 = arith.constant 144 : index
      %swap3A_613 = tpu.vector_load %arg21[%swap3A_612] {strides = array<i32>} : memref<240xf32, #tpu.memory_space<vmem>>, vector<16xf32>,
      tpu.vector_store %arg21[%swap3A_612], %exp3A_611 {strides = array<i32>} : memref<240xf32, #tpu.memory_space<vmem>>, vector<16xf32>,
      %get3A_614 = arith.constant 160 : index
      %get3A_615 = tpu.vector_load %arg12[%get3A_614] {strides = array<i32>} : memref<240xi32, #tpu.memory_space<vmem>>, vector<16xi32>,
      %get3A_616 = arith.constant 160 : index
      %get3A_617 = tpu.vector_load %arg15[%get3A_616] {strides = array<i32>} : memref<240xi32, #tpu.memory_space<vmem>>, vector<16xi32>,
      %gather3A_618 = tpu.vector_load_idx %arg9[%get3A_615] : memref<10240xf32, #tpu.memory_space<vmem>>[vector<16xi32>], vector<16xf32>,
      %gather3A_619 = tpu.vector_load_idx %arg10[%get3A_617] : memref<10240xf32, #tpu.memory_space<vmem>>[vector<16xi32>], vector<16xf32>,
      %add3A_620 = arith.addf %gather3A_618, %gather3A_619 : vector<16xf32>
      %ge3A_621 = arith.constant 0.000000e+00 : f32
      %ge3A_622 = vector.broadcast %ge3A_621 : f32 to vector<16xf32>
      %ge3A_623 = arith.cmpf oge, %add3A_620, %ge3A_622 : vector<16xf32>
      %mul3A_624 = arith.constant 2.000000e-01 : f32
      %mul3A_625 = vector.broadcast %mul3A_624 : f32 to vector<16xf32>
      %mul3A_626 = arith.mulf %add3A_620, %mul3A_625 : vector<16xf32>
      %select_n3A_627 = arith.select %ge3A_623, %add3A_620, %mul3A_626 : vector<16xi1>, vector<16xf32>
      %exp3A_628 = math.exp %select_n3A_627 : vector<16xf32>
      %swap3A_629 = arith.constant 160 : index
      %swap3A_630 = tpu.vector_load %arg21[%swap3A_629] {strides = array<i32>} : memref<240xf32, #tpu.memory_space<vmem>>, vector<16xf32>,
      tpu.vector_store %arg21[%swap3A_629], %exp3A_628 {strides = array<i32>} : memref<240xf32, #tpu.memory_space<vmem>>, vector<16xf32>,
      %get3A_631 = arith.constant 176 : index
      %get3A_632 = tpu.vector_load %arg12[%get3A_631] {strides = array<i32>} : memref<240xi32, #tpu.memory_space<vmem>>, vector<16xi32>,
      %get3A_633 = arith.constant 176 : index
      %get3A_634 = tpu.vector_load %arg15[%get3A_633] {strides = array<i32>} : memref<240xi32, #tpu.memory_space<vmem>>, vector<16xi32>,
      %gather3A_635 = tpu.vector_load_idx %arg9[%get3A_632] : memref<10240xf32, #tpu.memory_space<vmem>>[vector<16xi32>], vector<16xf32>,
      %gather3A_636 = tpu.vector_load_idx %arg10[%get3A_634] : memref<10240xf32, #tpu.memory_space<vmem>>[vector<16xi32>], vector<16xf32>,
      %add3A_637 = arith.addf %gather3A_635, %gather3A_636 : vector<16xf32>
      %ge3A_638 = arith.constant 0.000000e+00 : f32
      %ge3A_639 = vector.broadcast %ge3A_638 : f32 to vector<16xf32>
      %ge3A_640 = arith.cmpf oge, %add3A_637, %ge3A_639 : vector<16xf32>
      %mul3A_641 = arith.constant 2.000000e-01 : f32
      %mul3A_642 = vector.broadcast %mul3A_641 : f32 to vector<16xf32>
      %mul3A_643 = arith.mulf %add3A_637, %mul3A_642 : vector<16xf32>
      %select_n3A_644 = arith.select %ge3A_640, %add3A_637, %mul3A_643 : vector<16xi1>, vector<16xf32>
      %exp3A_645 = math.exp %select_n3A_644 : vector<16xf32>
      %swap3A_646 = arith.constant 176 : index
      %swap3A_647 = tpu.vector_load %arg21[%swap3A_646] {strides = array<i32>} : memref<240xf32, #tpu.memory_space<vmem>>, vector<16xf32>,
      tpu.vector_store %arg21[%swap3A_646], %exp3A_645 {strides = array<i32>} : memref<240xf32, #tpu.memory_space<vmem>>, vector<16xf32>,
      %get3A_648 = arith.constant 192 : index
      %get3A_649 = tpu.vector_load %arg12[%get3A_648] {strides = array<i32>} : memref<240xi32, #tpu.memory_space<vmem>>, vector<16xi32>,
      %get3A_650 = arith.constant 192 : index
      %get3A_651 = tpu.vector_load %arg15[%get3A_650] {strides = array<i32>} : memref<240xi32, #tpu.memory_space<vmem>>, vector<16xi32>,
      %gather3A_652 = tpu.vector_load_idx %arg9[%get3A_649] : memref<10240xf32, #tpu.memory_space<vmem>>[vector<16xi32>], vector<16xf32>,
      %gather3A_653 = tpu.vector_load_idx %arg10[%get3A_651] : memref<10240xf32, #tpu.memory_space<vmem>>[vector<16xi32>], vector<16xf32>,
      %add3A_654 = arith.addf %gather3A_652, %gather3A_653 : vector<16xf32>
      %ge3A_655 = arith.constant 0.000000e+00 : f32
      %ge3A_656 = vector.broadcast %ge3A_655 : f32 to vector<16xf32>
      %ge3A_657 = arith.cmpf oge, %add3A_654, %ge3A_656 : vector<16xf32>
      %mul3A_658 = arith.constant 2.000000e-01 : f32
      %mul3A_659 = vector.broadcast %mul3A_658 : f32 to vector<16xf32>
      %mul3A_660 = arith.mulf %add3A_654, %mul3A_659 : vector<16xf32>
      %select_n3A_661 = arith.select %ge3A_657, %add3A_654, %mul3A_660 : vector<16xi1>, vector<16xf32>
      %exp3A_662 = math.exp %select_n3A_661 : vector<16xf32>
      %swap3A_663 = arith.constant 192 : index
      %swap3A_664 = tpu.vector_load %arg21[%swap3A_663] {strides = array<i32>} : memref<240xf32, #tpu.memory_space<vmem>>, vector<16xf32>,
      tpu.vector_store %arg21[%swap3A_663], %exp3A_662 {strides = array<i32>} : memref<240xf32, #tpu.memory_space<vmem>>, vector<16xf32>,
      %get3A_665 = arith.constant 208 : index
      %get3A_666 = tpu.vector_load %arg12[%get3A_665] {strides = array<i32>} : memref<240xi32, #tpu.memory_space<vmem>>, vector<16xi32>,
      %get3A_667 = arith.constant 208 : index
      %get3A_668 = tpu.vector_load %arg15[%get3A_667] {strides = array<i32>} : memref<240xi32, #tpu.memory_space<vmem>>, vector<16xi32>,
      %gather3A_669 = tpu.vector_load_idx %arg9[%get3A_666] : memref<10240xf32, #tpu.memory_space<vmem>>[vector<16xi32>], vector<16xf32>,
      %gather3A_670 = tpu.vector_load_idx %arg10[%get3A_668] : memref<10240xf32, #tpu.memory_space<vmem>>[vector<16xi32>], vector<16xf32>,
      %add3A_671 = arith.addf %gather3A_669, %gather3A_670 : vector<16xf32>
      %ge3A_672 = arith.constant 0.000000e+00 : f32
      %ge3A_673 = vector.broadcast %ge3A_672 : f32 to vector<16xf32>
      %ge3A_674 = arith.cmpf oge, %add3A_671, %ge3A_673 : vector<16xf32>
      %mul3A_675 = arith.constant 2.000000e-01 : f32
      %mul3A_676 = vector.broadcast %mul3A_675 : f32 to vector<16xf32>
      %mul3A_677 = arith.mulf %add3A_671, %mul3A_676 : vector<16xf32>
      %select_n3A_678 = arith.select %ge3A_674, %add3A_671, %mul3A_677 : vector<16xi1>, vector<16xf32>
      %exp3A_679 = math.exp %select_n3A_678 : vector<16xf32>
      %swap3A_680 = arith.constant 208 : index
      %swap3A_681 = tpu.vector_load %arg21[%swap3A_680] {strides = array<i32>} : memref<240xf32, #tpu.memory_space<vmem>>, vector<16xf32>,
      tpu.vector_store %arg21[%swap3A_680], %exp3A_679 {strides = array<i32>} : memref<240xf32, #tpu.memory_space<vmem>>, vector<16xf32>,
      %get3A_682 = arith.constant 224 : index
      %get3A_683 = tpu.vector_load %arg12[%get3A_682] {strides = array<i32>} : memref<240xi32, #tpu.memory_space<vmem>>, vector<16xi32>,
      %get3A_684 = arith.constant 224 : index
      %get3A_685 = tpu.vector_load %arg15[%get3A_684] {strides = array<i32>} : memref<240xi32, #tpu.memory_space<vmem>>, vector<16xi32>,
      %gather3A_686 = tpu.vector_load_idx %arg9[%get3A_683] : memref<10240xf32, #tpu.memory_space<vmem>>[vector<16xi32>], vector<16xf32>,
      %gather3A_687 = tpu.vector_load_idx %arg10[%get3A_685] : memref<10240xf32, #tpu.memory_space<vmem>>[vector<16xi32>], vector<16xf32>,
      %add3A_688 = arith.addf %gather3A_686, %gather3A_687 : vector<16xf32>
      %ge3A_689 = arith.constant 0.000000e+00 : f32
      %ge3A_690 = vector.broadcast %ge3A_689 : f32 to vector<16xf32>
      %ge3A_691 = arith.cmpf oge, %add3A_688, %ge3A_690 : vector<16xf32>
      %mul3A_692 = arith.constant 2.000000e-01 : f32
      %mul3A_693 = vector.broadcast %mul3A_692 : f32 to vector<16xf32>
      %mul3A_694 = arith.mulf %add3A_688, %mul3A_693 : vector<16xf32>
      %select_n3A_695 = arith.select %ge3A_691, %add3A_688, %mul3A_694 : vector<16xi1>, vector<16xf32>
      %exp3A_696 = math.exp %select_n3A_695 : vector<16xf32>
      %swap3A_697 = arith.constant 224 : index
      %swap3A_698 = tpu.vector_load %arg21[%swap3A_697] {strides = array<i32>} : memref<240xf32, #tpu.memory_space<vmem>>, vector<16xf32>,
      tpu.vector_store %arg21[%swap3A_697], %exp3A_696 {strides = array<i32>} : memref<240xf32, #tpu.memory_space<vmem>>, vector<16xf32>,
      %scan3A_699 = arith.constant 0 : i32
      %scan3A_700 = arith.constant 0 : i32
      %scan3A_701 = arith.constant 240 : i32
      %scan3A_702 = arith.addi %scan3A_700, %scan3A_701 : i32
      %scan3A_703 = arith.constant 1 : i32
      scf.for %scan3A_1018 = %scan3A_700 to %scan3A_702 step %scan3A_703  : i32 {
        %broadcast_in_dim3A_1019 = vector.broadcast %scan3A_1018 : i32 to vector<16xi32>
        %gather3A_1020 = tpu.vector_load_idx %arg21[%broadcast_in_dim3A_1019] : memref<240xf32, #tpu.memory_space<vmem>>[vector<16xi32>], vector<16xf32>,
        %get3A_1021 = arith.index_cast %scan3A_1018 : i32 to index
        %get3A_1022 = arith.constant 0 : index
        %get3A_1023 = tpu.vector_load %arg18[%get3A_1021, %get3A_1022] {strides = array<i32>} : memref<240x64xf32, #tpu.memory_space<vmem>>, vector<16xf32>,
        %mul3A_1024 = arith.mulf %get3A_1023, %gather3A_1020 : vector<16xf32>
        %swap3A_1025 = arith.index_cast %scan3A_1018 : i32 to index
        %swap3A_1026 = arith.constant 0 : index
        %swap3A_1027 = tpu.vector_load %arg18[%swap3A_1025, %swap3A_1026] {strides = array<i32>} : memref<240x64xf32, #tpu.memory_space<vmem>>, vector<16xf32>,
        tpu.vector_store %arg18[%swap3A_1025, %swap3A_1026], %mul3A_1024 {strides = array<i32>} : memref<240x64xf32, #tpu.memory_space<vmem>>, vector<16xf32>,
        %get3A_1028 = arith.index_cast %scan3A_1018 : i32 to index
        %get3A_1029 = arith.constant 16 : index
        %get3A_1030 = tpu.vector_load %arg18[%get3A_1028, %get3A_1029] {strides = array<i32>} : memref<240x64xf32, #tpu.memory_space<vmem>>, vector<16xf32>,
        %mul3A_1031 = arith.mulf %get3A_1030, %gather3A_1020 : vector<16xf32>
        %swap3A_1032 = arith.index_cast %scan3A_1018 : i32 to index
        %swap3A_1033 = arith.constant 16 : index
        %swap3A_1034 = tpu.vector_load %arg18[%swap3A_1032, %swap3A_1033] {strides = array<i32>} : memref<240x64xf32, #tpu.memory_space<vmem>>, vector<16xf32>,
        tpu.vector_store %arg18[%swap3A_1032, %swap3A_1033], %mul3A_1031 {strides = array<i32>} : memref<240x64xf32, #tpu.memory_space<vmem>>, vector<16xf32>,
        %get3A_1035 = arith.index_cast %scan3A_1018 : i32 to index
        %get3A_1036 = arith.constant 32 : index
        %get3A_1037 = tpu.vector_load %arg18[%get3A_1035, %get3A_1036] {strides = array<i32>} : memref<240x64xf32, #tpu.memory_space<vmem>>, vector<16xf32>,
        %mul3A_1038 = arith.mulf %get3A_1037, %gather3A_1020 : vector<16xf32>
        %swap3A_1039 = arith.index_cast %scan3A_1018 : i32 to index
        %swap3A_1040 = arith.constant 32 : index
        %swap3A_1041 = tpu.vector_load %arg18[%swap3A_1039, %swap3A_1040] {strides = array<i32>} : memref<240x64xf32, #tpu.memory_space<vmem>>, vector<16xf32>,
        tpu.vector_store %arg18[%swap3A_1039, %swap3A_1040], %mul3A_1038 {strides = array<i32>} : memref<240x64xf32, #tpu.memory_space<vmem>>, vector<16xf32>,
        %get3A_1042 = arith.index_cast %scan3A_1018 : i32 to index
        %get3A_1043 = arith.constant 48 : index
        %get3A_1044 = tpu.vector_load %arg18[%get3A_1042, %get3A_1043] {strides = array<i32>} : memref<240x64xf32, #tpu.memory_space<vmem>>, vector<16xf32>,
        %mul3A_1045 = arith.mulf %get3A_1044, %gather3A_1020 : vector<16xf32>
        %swap3A_1046 = arith.index_cast %scan3A_1018 : i32 to index
        %swap3A_1047 = arith.constant 48 : index
        %swap3A_1048 = tpu.vector_load %arg18[%swap3A_1046, %swap3A_1047] {strides = array<i32>} : memref<240x64xf32, #tpu.memory_space<vmem>>, vector<16xf32>,
        tpu.vector_store %arg18[%swap3A_1046, %swap3A_1047], %mul3A_1045 {strides = array<i32>} : memref<240x64xf32, #tpu.memory_space<vmem>>, vector<16xf32>,
      }
      %scan3A_704 = arith.constant 240 : i32
      %dma_start3A_705 = arith.constant 0 : i32
      %dma_start3A_706 = arith.constant 0 : i32
      %dma_start3A_707 = tpu.memref_slice %arg24[%dma_start3A_705, %dma_start3A_706] : memref<10240x64xf32, #tpu.memory_space<vmem_shared>> -> memref<10240x64xf32, #tpu.memory_space<vmem_shared>>
      tpu.enqueue_indirect_dma source(%arg18 : memref<240x64xf32, #tpu.memory_space<vmem>>) target(%dma_start3A_707 : memref<10240x64xf32, #tpu.memory_space<vmem_shared>>) offsets(%arg15 : memref<240xi32, #tpu.memory_space<vmem>>) semaphore(%arg30 : memref<!tpu.dma_semaphore, #tpu.memory_space<semaphore_mem>>) {add = true}
      %dma_start3A_708 = arith.constant 0 : i32
      %dma_start3A_709 = tpu.memref_slice %arg25[%dma_start3A_708] : memref<10240xf32, #tpu.memory_space<vmem_shared>> -> memref<10240xf32, #tpu.memory_space<vmem_shared>>
      tpu.enqueue_indirect_dma source(%arg21 : memref<240xf32, #tpu.memory_space<vmem>>) target(%dma_start3A_709 : memref<10240xf32, #tpu.memory_space<vmem_shared>>) offsets(%arg15 : memref<240xi32, #tpu.memory_space<vmem>>) semaphore(%arg33 : memref<!tpu.dma_semaphore, #tpu.memory_space<semaphore_mem>>) {add = true}
      %ge3A_710 = arith.constant 1 : i32
      %ge3A_711 = arith.cmpi sge, %add3A_429, %ge3A_710 : i32
      %convert_element_type3A_712 = arith.extui %ge3A_711 : i1 to i32
      %cond3A_713 = arith.constant 0 : i32
      %cond3A_714 = arith.cmpi ne, %convert_element_type3A_712, %cond3A_713 : i32
      scf.if %cond3A_714 {
        %dma_wait3A_1018 = arith.constant 0 : i32
        %dma_wait3A_1019 = arith.constant 0 : i32
        %dma_wait3A_1020 = tpu.memref_slice %arg24[%dma_wait3A_1018, %dma_wait3A_1019] : memref<10240x64xf32, #tpu.memory_space<vmem_shared>> -> memref<10240x64xf32, #tpu.memory_space<vmem_shared>>
        tpu.wait_indirect_dma semaphore(%arg29 : memref<!tpu.dma_semaphore, #tpu.memory_space<semaphore_mem>>) src(%arg17 : memref<240x64xf32, #tpu.memory_space<vmem>>) dst(%dma_wait3A_1020 : memref<10240x64xf32, #tpu.memory_space<vmem_shared>>)
        %dma_wait3A_1021 = arith.constant 0 : i32
        %dma_wait3A_1022 = tpu.memref_slice %arg25[%dma_wait3A_1021] : memref<10240xf32, #tpu.memory_space<vmem_shared>> -> memref<10240xf32, #tpu.memory_space<vmem_shared>>
        tpu.wait_indirect_dma semaphore(%arg32 : memref<!tpu.dma_semaphore, #tpu.memory_space<semaphore_mem>>) src(%arg20 : memref<240xf32, #tpu.memory_space<vmem>>) dst(%dma_wait3A_1022 : memref<10240xf32, #tpu.memory_space<vmem_shared>>)
      } else {
      }
      %add3A_715 = arith.constant 2 : i32
      %add3A_716 = arith.addi %add3A_429, %add3A_715 : i32
      %lt3A_717 = arith.constant 87 : i32
      %lt3A_718 = arith.cmpi slt, %add3A_716, %lt3A_717 : i32
      %convert_element_type3A_719 = arith.extui %lt3A_718 : i1 to i32
      %cond3A_720 = arith.constant 0 : i32
      %cond3A_721 = arith.cmpi ne, %convert_element_type3A_719, %cond3A_720 : i32
      scf.if %cond3A_721 {
        %add3A_1018 = arith.constant 2 : i32
        %add3A_1019 = arith.addi %add3A_429, %add3A_1018 : i32
        %mul3A_1020 = arith.constant 240 : i32
        %mul3A_1021 = arith.muli %add3A_1019, %mul3A_1020 : i32
        %add3A_1022 = arith.addi %multiple_of3A_93, %mul3A_1021 : i32
        %multiple_of3A_1023 = tpu.assume_multiple %add3A_1022, 8 : i32
        %dma_start3A_1024 = tpu.memref_slice %arg5[%multiple_of3A_1023] : memref<334080xi32, #tpu.memory_space<hbm>> -> memref<240xi32, #tpu.memory_space<hbm>>
        %dma_start3A_1025 = tpu.memref_slice %arg5[%multiple_of3A_1023] : memref<334080xi32, #tpu.memory_space<hbm>> -> memref<240xi32, #tpu.memory_space<hbm>>
        tpu.enqueue_dma source(%dma_start3A_1025 : memref<240xi32, #tpu.memory_space<hbm>>) target(%arg11 : memref<240xi32, #tpu.memory_space<vmem>>) target_semaphore(%arg35 : memref<!tpu.dma_semaphore, #tpu.memory_space<semaphore_mem>>)
        %dma_start3A_1026 = tpu.memref_slice %arg6[%multiple_of3A_1023] : memref<334080xi32, #tpu.memory_space<hbm>> -> memref<240xi32, #tpu.memory_space<hbm>>
        %dma_start3A_1027 = tpu.memref_slice %arg6[%multiple_of3A_1023] : memref<334080xi32, #tpu.memory_space<hbm>> -> memref<240xi32, #tpu.memory_space<hbm>>
        tpu.enqueue_dma source(%dma_start3A_1027 : memref<240xi32, #tpu.memory_space<hbm>>) target(%arg14 : memref<240xi32, #tpu.memory_space<vmem>>) target_semaphore(%arg35 : memref<!tpu.dma_semaphore, #tpu.memory_space<semaphore_mem>>)
      } else {
      }
      %mul3A_722 = arith.constant 3 : i32
      %mul3A_723 = arith.muli %scan3A_135, %mul3A_722 : i32
      %add3A_724 = arith.constant 2 : i32
      %add3A_725 = arith.addi %mul3A_723, %add3A_724 : i32
      %add3A_726 = arith.constant 1 : i32
      %add3A_727 = arith.addi %add3A_725, %add3A_726 : i32
      %lt3A_728 = arith.constant 87 : i32
      %lt3A_729 = arith.cmpi slt, %add3A_727, %lt3A_728 : i32
      %convert_element_type3A_730 = arith.extui %lt3A_729 : i1 to i32
      %cond3A_731 = arith.constant 0 : i32
      %cond3A_732 = arith.cmpi ne, %convert_element_type3A_730, %cond3A_731 : i32
      scf.if %cond3A_732 {
        %dma_wait3A_1018 = arith.constant 0 : i32
        %dma_wait3A_1019 = tpu.memref_slice %arg5[%dma_wait3A_1018] : memref<334080xi32, #tpu.memory_space<hbm>> -> memref<240xi32, #tpu.memory_space<hbm>>
        %dma_wait3A_1020 = arith.constant 0 : i32
        %dma_wait3A_1021 = tpu.memref_slice %arg5[%dma_wait3A_1020] : memref<334080xi32, #tpu.memory_space<hbm>> -> memref<240xi32, #tpu.memory_space<hbm>>
        tpu.wait_dma2 semaphore(%arg35 : memref<!tpu.dma_semaphore, #tpu.memory_space<semaphore_mem>>) src(%dma_wait3A_1021 : memref<240xi32, #tpu.memory_space<hbm>>) dst(%arg11 : memref<240xi32, #tpu.memory_space<vmem>>)
        %dma_wait3A_1022 = arith.constant 0 : i32
        %dma_wait3A_1023 = tpu.memref_slice %arg6[%dma_wait3A_1022] : memref<334080xi32, #tpu.memory_space<hbm>> -> memref<240xi32, #tpu.memory_space<hbm>>
        %dma_wait3A_1024 = arith.constant 0 : i32
        %dma_wait3A_1025 = tpu.memref_slice %arg6[%dma_wait3A_1024] : memref<334080xi32, #tpu.memory_space<hbm>> -> memref<240xi32, #tpu.memory_space<hbm>>
        tpu.wait_dma2 semaphore(%arg35 : memref<!tpu.dma_semaphore, #tpu.memory_space<semaphore_mem>>) src(%dma_wait3A_1025 : memref<240xi32, #tpu.memory_space<hbm>>) dst(%arg14 : memref<240xi32, #tpu.memory_space<vmem>>)
        %dma_start3A_1026 = arith.constant 0 : i32
        %dma_start3A_1027 = arith.constant 0 : i32
        %dma_start3A_1028 = tpu.memref_slice %arg2[%arg0, %dma_start3A_1026, %dma_start3A_1027] : memref<2x10240x64xf32, #tpu.memory_space<hbm>> -> memref<1x10240x64xf32, #tpu.memory_space<hbm>>
        %dma_start3A_1029 = tpu.memref_squeeze %dma_start3A_1028 : memref<1x10240x64xf32, #tpu.memory_space<hbm>> -> memref<10240x64xf32, #tpu.memory_space<hbm>>
        %dma_start3A_1030 = arith.constant 0 : i32
        %dma_start3A_1031 = arith.constant 0 : i32
        %dma_start3A_1032 = tpu.memref_slice %dma_start3A_1029[%dma_start3A_1030, %dma_start3A_1031] : memref<10240x64xf32, #tpu.memory_space<hbm>> -> memref<10240x64xf32, #tpu.memory_space<hbm>>
        tpu.enqueue_indirect_dma source(%dma_start3A_1032 : memref<10240x64xf32, #tpu.memory_space<hbm>>) target(%arg17 : memref<240x64xf32, #tpu.memory_space<vmem>>) offsets(%arg11 : memref<240xi32, #tpu.memory_space<vmem>>) semaphore(%arg26 : memref<!tpu.dma_semaphore, #tpu.memory_space<semaphore_mem>>)
      } else {
      }
      %dma_wait3A_733 = arith.constant 0 : i32
      %dma_wait3A_734 = arith.constant 0 : i32
      %dma_wait3A_735 = tpu.memref_slice %arg2[%arg0, %dma_wait3A_733, %dma_wait3A_734] : memref<2x10240x64xf32, #tpu.memory_space<hbm>> -> memref<1x10240x64xf32, #tpu.memory_space<hbm>>
      %dma_wait3A_736 = tpu.memref_squeeze %dma_wait3A_735 : memref<1x10240x64xf32, #tpu.memory_space<hbm>> -> memref<10240x64xf32, #tpu.memory_space<hbm>>
      %dma_wait3A_737 = arith.constant 0 : i32
      %dma_wait3A_738 = arith.constant 0 : i32
      %dma_wait3A_739 = tpu.memref_slice %dma_wait3A_736[%dma_wait3A_737, %dma_wait3A_738] : memref<10240x64xf32, #tpu.memory_space<hbm>> -> memref<10240x64xf32, #tpu.memory_space<hbm>>
      tpu.wait_indirect_dma semaphore(%arg28 : memref<!tpu.dma_semaphore, #tpu.memory_space<semaphore_mem>>) src(%dma_wait3A_739 : memref<10240x64xf32, #tpu.memory_space<hbm>>) dst(%arg19 : memref<240x64xf32, #tpu.memory_space<vmem>>)
      %get3A_740 = arith.constant 0 : index
      %get3A_741 = tpu.vector_load %arg13[%get3A_740] {strides = array<i32>} : memref<240xi32, #tpu.memory_space<vmem>>, vector<16xi32>,
      %get3A_742 = arith.constant 0 : index
      %get3A_743 = tpu.vector_load %arg16[%get3A_742] {strides = array<i32>} : memref<240xi32, #tpu.memory_space<vmem>>, vector<16xi32>,
      %gather3A_744 = tpu.vector_load_idx %arg9[%get3A_741] : memref<10240xf32, #tpu.memory_space<vmem>>[vector<16xi32>], vector<16xf32>,
      %gather3A_745 = tpu.vector_load_idx %arg10[%get3A_743] : memref<10240xf32, #tpu.memory_space<vmem>>[vector<16xi32>], vector<16xf32>,
      %add3A_746 = arith.addf %gather3A_744, %gather3A_745 : vector<16xf32>
      %ge3A_747 = arith.constant 0.000000e+00 : f32
      %ge3A_748 = vector.broadcast %ge3A_747 : f32 to vector<16xf32>
      %ge3A_749 = arith.cmpf oge, %add3A_746, %ge3A_748 : vector<16xf32>
      %mul3A_750 = arith.constant 2.000000e-01 : f32
      %mul3A_751 = vector.broadcast %mul3A_750 : f32 to vector<16xf32>
      %mul3A_752 = arith.mulf %add3A_746, %mul3A_751 : vector<16xf32>
      %select_n3A_753 = arith.select %ge3A_749, %add3A_746, %mul3A_752 : vector<16xi1>, vector<16xf32>
      %exp3A_754 = math.exp %select_n3A_753 : vector<16xf32>
      %swap3A_755 = arith.constant 0 : index
      %swap3A_756 = tpu.vector_load %arg22[%swap3A_755] {strides = array<i32>} : memref<240xf32, #tpu.memory_space<vmem>>, vector<16xf32>,
      tpu.vector_store %arg22[%swap3A_755], %exp3A_754 {strides = array<i32>} : memref<240xf32, #tpu.memory_space<vmem>>, vector<16xf32>,
      %get3A_757 = arith.constant 16 : index
      %get3A_758 = tpu.vector_load %arg13[%get3A_757] {strides = array<i32>} : memref<240xi32, #tpu.memory_space<vmem>>, vector<16xi32>,
      %get3A_759 = arith.constant 16 : index
      %get3A_760 = tpu.vector_load %arg16[%get3A_759] {strides = array<i32>} : memref<240xi32, #tpu.memory_space<vmem>>, vector<16xi32>,
      %gather3A_761 = tpu.vector_load_idx %arg9[%get3A_758] : memref<10240xf32, #tpu.memory_space<vmem>>[vector<16xi32>], vector<16xf32>,
      %gather3A_762 = tpu.vector_load_idx %arg10[%get3A_760] : memref<10240xf32, #tpu.memory_space<vmem>>[vector<16xi32>], vector<16xf32>,
      %add3A_763 = arith.addf %gather3A_761, %gather3A_762 : vector<16xf32>
      %ge3A_764 = arith.constant 0.000000e+00 : f32
      %ge3A_765 = vector.broadcast %ge3A_764 : f32 to vector<16xf32>
      %ge3A_766 = arith.cmpf oge, %add3A_763, %ge3A_765 : vector<16xf32>
      %mul3A_767 = arith.constant 2.000000e-01 : f32
      %mul3A_768 = vector.broadcast %mul3A_767 : f32 to vector<16xf32>
      %mul3A_769 = arith.mulf %add3A_763, %mul3A_768 : vector<16xf32>
      %select_n3A_770 = arith.select %ge3A_766, %add3A_763, %mul3A_769 : vector<16xi1>, vector<16xf32>
      %exp3A_771 = math.exp %select_n3A_770 : vector<16xf32>
      %swap3A_772 = arith.constant 16 : index
      %swap3A_773 = tpu.vector_load %arg22[%swap3A_772] {strides = array<i32>} : memref<240xf32, #tpu.memory_space<vmem>>, vector<16xf32>,
      tpu.vector_store %arg22[%swap3A_772], %exp3A_771 {strides = array<i32>} : memref<240xf32, #tpu.memory_space<vmem>>, vector<16xf32>,
      %get3A_774 = arith.constant 32 : index
      %get3A_775 = tpu.vector_load %arg13[%get3A_774] {strides = array<i32>} : memref<240xi32, #tpu.memory_space<vmem>>, vector<16xi32>,
      %get3A_776 = arith.constant 32 : index
      %get3A_777 = tpu.vector_load %arg16[%get3A_776] {strides = array<i32>} : memref<240xi32, #tpu.memory_space<vmem>>, vector<16xi32>,
      %gather3A_778 = tpu.vector_load_idx %arg9[%get3A_775] : memref<10240xf32, #tpu.memory_space<vmem>>[vector<16xi32>], vector<16xf32>,
      %gather3A_779 = tpu.vector_load_idx %arg10[%get3A_777] : memref<10240xf32, #tpu.memory_space<vmem>>[vector<16xi32>], vector<16xf32>,
      %add3A_780 = arith.addf %gather3A_778, %gather3A_779 : vector<16xf32>
      %ge3A_781 = arith.constant 0.000000e+00 : f32
      %ge3A_782 = vector.broadcast %ge3A_781 : f32 to vector<16xf32>
      %ge3A_783 = arith.cmpf oge, %add3A_780, %ge3A_782 : vector<16xf32>
      %mul3A_784 = arith.constant 2.000000e-01 : f32
      %mul3A_785 = vector.broadcast %mul3A_784 : f32 to vector<16xf32>
      %mul3A_786 = arith.mulf %add3A_780, %mul3A_785 : vector<16xf32>
      %select_n3A_787 = arith.select %ge3A_783, %add3A_780, %mul3A_786 : vector<16xi1>, vector<16xf32>
      %exp3A_788 = math.exp %select_n3A_787 : vector<16xf32>
      %swap3A_789 = arith.constant 32 : index
      %swap3A_790 = tpu.vector_load %arg22[%swap3A_789] {strides = array<i32>} : memref<240xf32, #tpu.memory_space<vmem>>, vector<16xf32>,
      tpu.vector_store %arg22[%swap3A_789], %exp3A_788 {strides = array<i32>} : memref<240xf32, #tpu.memory_space<vmem>>, vector<16xf32>,
      %get3A_791 = arith.constant 48 : index
      %get3A_792 = tpu.vector_load %arg13[%get3A_791] {strides = array<i32>} : memref<240xi32, #tpu.memory_space<vmem>>, vector<16xi32>,
      %get3A_793 = arith.constant 48 : index
      %get3A_794 = tpu.vector_load %arg16[%get3A_793] {strides = array<i32>} : memref<240xi32, #tpu.memory_space<vmem>>, vector<16xi32>,
      %gather3A_795 = tpu.vector_load_idx %arg9[%get3A_792] : memref<10240xf32, #tpu.memory_space<vmem>>[vector<16xi32>], vector<16xf32>,
      %gather3A_796 = tpu.vector_load_idx %arg10[%get3A_794] : memref<10240xf32, #tpu.memory_space<vmem>>[vector<16xi32>], vector<16xf32>,
      %add3A_797 = arith.addf %gather3A_795, %gather3A_796 : vector<16xf32>
      %ge3A_798 = arith.constant 0.000000e+00 : f32
      %ge3A_799 = vector.broadcast %ge3A_798 : f32 to vector<16xf32>
      %ge3A_800 = arith.cmpf oge, %add3A_797, %ge3A_799 : vector<16xf32>
      %mul3A_801 = arith.constant 2.000000e-01 : f32
      %mul3A_802 = vector.broadcast %mul3A_801 : f32 to vector<16xf32>
      %mul3A_803 = arith.mulf %add3A_797, %mul3A_802 : vector<16xf32>
      %select_n3A_804 = arith.select %ge3A_800, %add3A_797, %mul3A_803 : vector<16xi1>, vector<16xf32>
      %exp3A_805 = math.exp %select_n3A_804 : vector<16xf32>
      %swap3A_806 = arith.constant 48 : index
      %swap3A_807 = tpu.vector_load %arg22[%swap3A_806] {strides = array<i32>} : memref<240xf32, #tpu.memory_space<vmem>>, vector<16xf32>,
      tpu.vector_store %arg22[%swap3A_806], %exp3A_805 {strides = array<i32>} : memref<240xf32, #tpu.memory_space<vmem>>, vector<16xf32>,
      %get3A_808 = arith.constant 64 : index
      %get3A_809 = tpu.vector_load %arg13[%get3A_808] {strides = array<i32>} : memref<240xi32, #tpu.memory_space<vmem>>, vector<16xi32>,
      %get3A_810 = arith.constant 64 : index
      %get3A_811 = tpu.vector_load %arg16[%get3A_810] {strides = array<i32>} : memref<240xi32, #tpu.memory_space<vmem>>, vector<16xi32>,
      %gather3A_812 = tpu.vector_load_idx %arg9[%get3A_809] : memref<10240xf32, #tpu.memory_space<vmem>>[vector<16xi32>], vector<16xf32>,
      %gather3A_813 = tpu.vector_load_idx %arg10[%get3A_811] : memref<10240xf32, #tpu.memory_space<vmem>>[vector<16xi32>], vector<16xf32>,
      %add3A_814 = arith.addf %gather3A_812, %gather3A_813 : vector<16xf32>
      %ge3A_815 = arith.constant 0.000000e+00 : f32
      %ge3A_816 = vector.broadcast %ge3A_815 : f32 to vector<16xf32>
      %ge3A_817 = arith.cmpf oge, %add3A_814, %ge3A_816 : vector<16xf32>
      %mul3A_818 = arith.constant 2.000000e-01 : f32
      %mul3A_819 = vector.broadcast %mul3A_818 : f32 to vector<16xf32>
      %mul3A_820 = arith.mulf %add3A_814, %mul3A_819 : vector<16xf32>
      %select_n3A_821 = arith.select %ge3A_817, %add3A_814, %mul3A_820 : vector<16xi1>, vector<16xf32>
      %exp3A_822 = math.exp %select_n3A_821 : vector<16xf32>
      %swap3A_823 = arith.constant 64 : index
      %swap3A_824 = tpu.vector_load %arg22[%swap3A_823] {strides = array<i32>} : memref<240xf32, #tpu.memory_space<vmem>>, vector<16xf32>,
      tpu.vector_store %arg22[%swap3A_823], %exp3A_822 {strides = array<i32>} : memref<240xf32, #tpu.memory_space<vmem>>, vector<16xf32>,
      %get3A_825 = arith.constant 80 : index
      %get3A_826 = tpu.vector_load %arg13[%get3A_825] {strides = array<i32>} : memref<240xi32, #tpu.memory_space<vmem>>, vector<16xi32>,
      %get3A_827 = arith.constant 80 : index
      %get3A_828 = tpu.vector_load %arg16[%get3A_827] {strides = array<i32>} : memref<240xi32, #tpu.memory_space<vmem>>, vector<16xi32>,
      %gather3A_829 = tpu.vector_load_idx %arg9[%get3A_826] : memref<10240xf32, #tpu.memory_space<vmem>>[vector<16xi32>], vector<16xf32>,
      %gather3A_830 = tpu.vector_load_idx %arg10[%get3A_828] : memref<10240xf32, #tpu.memory_space<vmem>>[vector<16xi32>], vector<16xf32>,
      %add3A_831 = arith.addf %gather3A_829, %gather3A_830 : vector<16xf32>
      %ge3A_832 = arith.constant 0.000000e+00 : f32
      %ge3A_833 = vector.broadcast %ge3A_832 : f32 to vector<16xf32>
      %ge3A_834 = arith.cmpf oge, %add3A_831, %ge3A_833 : vector<16xf32>
      %mul3A_835 = arith.constant 2.000000e-01 : f32
      %mul3A_836 = vector.broadcast %mul3A_835 : f32 to vector<16xf32>
      %mul3A_837 = arith.mulf %add3A_831, %mul3A_836 : vector<16xf32>
      %select_n3A_838 = arith.select %ge3A_834, %add3A_831, %mul3A_837 : vector<16xi1>, vector<16xf32>
      %exp3A_839 = math.exp %select_n3A_838 : vector<16xf32>
      %swap3A_840 = arith.constant 80 : index
      %swap3A_841 = tpu.vector_load %arg22[%swap3A_840] {strides = array<i32>} : memref<240xf32, #tpu.memory_space<vmem>>, vector<16xf32>,
      tpu.vector_store %arg22[%swap3A_840], %exp3A_839 {strides = array<i32>} : memref<240xf32, #tpu.memory_space<vmem>>, vector<16xf32>,
      %get3A_842 = arith.constant 96 : index
      %get3A_843 = tpu.vector_load %arg13[%get3A_842] {strides = array<i32>} : memref<240xi32, #tpu.memory_space<vmem>>, vector<16xi32>,
      %get3A_844 = arith.constant 96 : index
      %get3A_845 = tpu.vector_load %arg16[%get3A_844] {strides = array<i32>} : memref<240xi32, #tpu.memory_space<vmem>>, vector<16xi32>,
      %gather3A_846 = tpu.vector_load_idx %arg9[%get3A_843] : memref<10240xf32, #tpu.memory_space<vmem>>[vector<16xi32>], vector<16xf32>,
      %gather3A_847 = tpu.vector_load_idx %arg10[%get3A_845] : memref<10240xf32, #tpu.memory_space<vmem>>[vector<16xi32>], vector<16xf32>,
      %add3A_848 = arith.addf %gather3A_846, %gather3A_847 : vector<16xf32>
      %ge3A_849 = arith.constant 0.000000e+00 : f32
      %ge3A_850 = vector.broadcast %ge3A_849 : f32 to vector<16xf32>
      %ge3A_851 = arith.cmpf oge, %add3A_848, %ge3A_850 : vector<16xf32>
      %mul3A_852 = arith.constant 2.000000e-01 : f32
      %mul3A_853 = vector.broadcast %mul3A_852 : f32 to vector<16xf32>
      %mul3A_854 = arith.mulf %add3A_848, %mul3A_853 : vector<16xf32>
      %select_n3A_855 = arith.select %ge3A_851, %add3A_848, %mul3A_854 : vector<16xi1>, vector<16xf32>
      %exp3A_856 = math.exp %select_n3A_855 : vector<16xf32>
      %swap3A_857 = arith.constant 96 : index
      %swap3A_858 = tpu.vector_load %arg22[%swap3A_857] {strides = array<i32>} : memref<240xf32, #tpu.memory_space<vmem>>, vector<16xf32>,
      tpu.vector_store %arg22[%swap3A_857], %exp3A_856 {strides = array<i32>} : memref<240xf32, #tpu.memory_space<vmem>>, vector<16xf32>,
      %get3A_859 = arith.constant 112 : index
      %get3A_860 = tpu.vector_load %arg13[%get3A_859] {strides = array<i32>} : memref<240xi32, #tpu.memory_space<vmem>>, vector<16xi32>,
      %get3A_861 = arith.constant 112 : index
      %get3A_862 = tpu.vector_load %arg16[%get3A_861] {strides = array<i32>} : memref<240xi32, #tpu.memory_space<vmem>>, vector<16xi32>,
      %gather3A_863 = tpu.vector_load_idx %arg9[%get3A_860] : memref<10240xf32, #tpu.memory_space<vmem>>[vector<16xi32>], vector<16xf32>,
      %gather3A_864 = tpu.vector_load_idx %arg10[%get3A_862] : memref<10240xf32, #tpu.memory_space<vmem>>[vector<16xi32>], vector<16xf32>,
      %add3A_865 = arith.addf %gather3A_863, %gather3A_864 : vector<16xf32>
      %ge3A_866 = arith.constant 0.000000e+00 : f32
      %ge3A_867 = vector.broadcast %ge3A_866 : f32 to vector<16xf32>
      %ge3A_868 = arith.cmpf oge, %add3A_865, %ge3A_867 : vector<16xf32>
      %mul3A_869 = arith.constant 2.000000e-01 : f32
      %mul3A_870 = vector.broadcast %mul3A_869 : f32 to vector<16xf32>
      %mul3A_871 = arith.mulf %add3A_865, %mul3A_870 : vector<16xf32>
      %select_n3A_872 = arith.select %ge3A_868, %add3A_865, %mul3A_871 : vector<16xi1>, vector<16xf32>
      %exp3A_873 = math.exp %select_n3A_872 : vector<16xf32>
      %swap3A_874 = arith.constant 112 : index
      %swap3A_875 = tpu.vector_load %arg22[%swap3A_874] {strides = array<i32>} : memref<240xf32, #tpu.memory_space<vmem>>, vector<16xf32>,
      tpu.vector_store %arg22[%swap3A_874], %exp3A_873 {strides = array<i32>} : memref<240xf32, #tpu.memory_space<vmem>>, vector<16xf32>,
      %get3A_876 = arith.constant 128 : index
      %get3A_877 = tpu.vector_load %arg13[%get3A_876] {strides = array<i32>} : memref<240xi32, #tpu.memory_space<vmem>>, vector<16xi32>,
      %get3A_878 = arith.constant 128 : index
      %get3A_879 = tpu.vector_load %arg16[%get3A_878] {strides = array<i32>} : memref<240xi32, #tpu.memory_space<vmem>>, vector<16xi32>,
      %gather3A_880 = tpu.vector_load_idx %arg9[%get3A_877] : memref<10240xf32, #tpu.memory_space<vmem>>[vector<16xi32>], vector<16xf32>,
      %gather3A_881 = tpu.vector_load_idx %arg10[%get3A_879] : memref<10240xf32, #tpu.memory_space<vmem>>[vector<16xi32>], vector<16xf32>,
      %add3A_882 = arith.addf %gather3A_880, %gather3A_881 : vector<16xf32>
      %ge3A_883 = arith.constant 0.000000e+00 : f32
      %ge3A_884 = vector.broadcast %ge3A_883 : f32 to vector<16xf32>
      %ge3A_885 = arith.cmpf oge, %add3A_882, %ge3A_884 : vector<16xf32>
      %mul3A_886 = arith.constant 2.000000e-01 : f32
      %mul3A_887 = vector.broadcast %mul3A_886 : f32 to vector<16xf32>
      %mul3A_888 = arith.mulf %add3A_882, %mul3A_887 : vector<16xf32>
      %select_n3A_889 = arith.select %ge3A_885, %add3A_882, %mul3A_888 : vector<16xi1>, vector<16xf32>
      %exp3A_890 = math.exp %select_n3A_889 : vector<16xf32>
      %swap3A_891 = arith.constant 128 : index
      %swap3A_892 = tpu.vector_load %arg22[%swap3A_891] {strides = array<i32>} : memref<240xf32, #tpu.memory_space<vmem>>, vector<16xf32>,
      tpu.vector_store %arg22[%swap3A_891], %exp3A_890 {strides = array<i32>} : memref<240xf32, #tpu.memory_space<vmem>>, vector<16xf32>,
      %get3A_893 = arith.constant 144 : index
      %get3A_894 = tpu.vector_load %arg13[%get3A_893] {strides = array<i32>} : memref<240xi32, #tpu.memory_space<vmem>>, vector<16xi32>,
      %get3A_895 = arith.constant 144 : index
      %get3A_896 = tpu.vector_load %arg16[%get3A_895] {strides = array<i32>} : memref<240xi32, #tpu.memory_space<vmem>>, vector<16xi32>,
      %gather3A_897 = tpu.vector_load_idx %arg9[%get3A_894] : memref<10240xf32, #tpu.memory_space<vmem>>[vector<16xi32>], vector<16xf32>,
      %gather3A_898 = tpu.vector_load_idx %arg10[%get3A_896] : memref<10240xf32, #tpu.memory_space<vmem>>[vector<16xi32>], vector<16xf32>,
      %add3A_899 = arith.addf %gather3A_897, %gather3A_898 : vector<16xf32>
      %ge3A_900 = arith.constant 0.000000e+00 : f32
      %ge3A_901 = vector.broadcast %ge3A_900 : f32 to vector<16xf32>
      %ge3A_902 = arith.cmpf oge, %add3A_899, %ge3A_901 : vector<16xf32>
      %mul3A_903 = arith.constant 2.000000e-01 : f32
      %mul3A_904 = vector.broadcast %mul3A_903 : f32 to vector<16xf32>
      %mul3A_905 = arith.mulf %add3A_899, %mul3A_904 : vector<16xf32>
      %select_n3A_906 = arith.select %ge3A_902, %add3A_899, %mul3A_905 : vector<16xi1>, vector<16xf32>
      %exp3A_907 = math.exp %select_n3A_906 : vector<16xf32>
      %swap3A_908 = arith.constant 144 : index
      %swap3A_909 = tpu.vector_load %arg22[%swap3A_908] {strides = array<i32>} : memref<240xf32, #tpu.memory_space<vmem>>, vector<16xf32>,
      tpu.vector_store %arg22[%swap3A_908], %exp3A_907 {strides = array<i32>} : memref<240xf32, #tpu.memory_space<vmem>>, vector<16xf32>,
      %get3A_910 = arith.constant 160 : index
      %get3A_911 = tpu.vector_load %arg13[%get3A_910] {strides = array<i32>} : memref<240xi32, #tpu.memory_space<vmem>>, vector<16xi32>,
      %get3A_912 = arith.constant 160 : index
      %get3A_913 = tpu.vector_load %arg16[%get3A_912] {strides = array<i32>} : memref<240xi32, #tpu.memory_space<vmem>>, vector<16xi32>,
      %gather3A_914 = tpu.vector_load_idx %arg9[%get3A_911] : memref<10240xf32, #tpu.memory_space<vmem>>[vector<16xi32>], vector<16xf32>,
      %gather3A_915 = tpu.vector_load_idx %arg10[%get3A_913] : memref<10240xf32, #tpu.memory_space<vmem>>[vector<16xi32>], vector<16xf32>,
      %add3A_916 = arith.addf %gather3A_914, %gather3A_915 : vector<16xf32>
      %ge3A_917 = arith.constant 0.000000e+00 : f32
      %ge3A_918 = vector.broadcast %ge3A_917 : f32 to vector<16xf32>
      %ge3A_919 = arith.cmpf oge, %add3A_916, %ge3A_918 : vector<16xf32>
      %mul3A_920 = arith.constant 2.000000e-01 : f32
      %mul3A_921 = vector.broadcast %mul3A_920 : f32 to vector<16xf32>
      %mul3A_922 = arith.mulf %add3A_916, %mul3A_921 : vector<16xf32>
      %select_n3A_923 = arith.select %ge3A_919, %add3A_916, %mul3A_922 : vector<16xi1>, vector<16xf32>
      %exp3A_924 = math.exp %select_n3A_923 : vector<16xf32>
      %swap3A_925 = arith.constant 160 : index
      %swap3A_926 = tpu.vector_load %arg22[%swap3A_925] {strides = array<i32>} : memref<240xf32, #tpu.memory_space<vmem>>, vector<16xf32>,
      tpu.vector_store %arg22[%swap3A_925], %exp3A_924 {strides = array<i32>} : memref<240xf32, #tpu.memory_space<vmem>>, vector<16xf32>,
      %get3A_927 = arith.constant 176 : index
      %get3A_928 = tpu.vector_load %arg13[%get3A_927] {strides = array<i32>} : memref<240xi32, #tpu.memory_space<vmem>>, vector<16xi32>,
      %get3A_929 = arith.constant 176 : index
      %get3A_930 = tpu.vector_load %arg16[%get3A_929] {strides = array<i32>} : memref<240xi32, #tpu.memory_space<vmem>>, vector<16xi32>,
      %gather3A_931 = tpu.vector_load_idx %arg9[%get3A_928] : memref<10240xf32, #tpu.memory_space<vmem>>[vector<16xi32>], vector<16xf32>,
      %gather3A_932 = tpu.vector_load_idx %arg10[%get3A_930] : memref<10240xf32, #tpu.memory_space<vmem>>[vector<16xi32>], vector<16xf32>,
      %add3A_933 = arith.addf %gather3A_931, %gather3A_932 : vector<16xf32>
      %ge3A_934 = arith.constant 0.000000e+00 : f32
      %ge3A_935 = vector.broadcast %ge3A_934 : f32 to vector<16xf32>
      %ge3A_936 = arith.cmpf oge, %add3A_933, %ge3A_935 : vector<16xf32>
      %mul3A_937 = arith.constant 2.000000e-01 : f32
      %mul3A_938 = vector.broadcast %mul3A_937 : f32 to vector<16xf32>
      %mul3A_939 = arith.mulf %add3A_933, %mul3A_938 : vector<16xf32>
      %select_n3A_940 = arith.select %ge3A_936, %add3A_933, %mul3A_939 : vector<16xi1>, vector<16xf32>
      %exp3A_941 = math.exp %select_n3A_940 : vector<16xf32>
      %swap3A_942 = arith.constant 176 : index
      %swap3A_943 = tpu.vector_load %arg22[%swap3A_942] {strides = array<i32>} : memref<240xf32, #tpu.memory_space<vmem>>, vector<16xf32>,
      tpu.vector_store %arg22[%swap3A_942], %exp3A_941 {strides = array<i32>} : memref<240xf32, #tpu.memory_space<vmem>>, vector<16xf32>,
      %get3A_944 = arith.constant 192 : index
      %get3A_945 = tpu.vector_load %arg13[%get3A_944] {strides = array<i32>} : memref<240xi32, #tpu.memory_space<vmem>>, vector<16xi32>,
      %get3A_946 = arith.constant 192 : index
      %get3A_947 = tpu.vector_load %arg16[%get3A_946] {strides = array<i32>} : memref<240xi32, #tpu.memory_space<vmem>>, vector<16xi32>,
      %gather3A_948 = tpu.vector_load_idx %arg9[%get3A_945] : memref<10240xf32, #tpu.memory_space<vmem>>[vector<16xi32>], vector<16xf32>,
      %gather3A_949 = tpu.vector_load_idx %arg10[%get3A_947] : memref<10240xf32, #tpu.memory_space<vmem>>[vector<16xi32>], vector<16xf32>,
      %add3A_950 = arith.addf %gather3A_948, %gather3A_949 : vector<16xf32>
      %ge3A_951 = arith.constant 0.000000e+00 : f32
      %ge3A_952 = vector.broadcast %ge3A_951 : f32 to vector<16xf32>
      %ge3A_953 = arith.cmpf oge, %add3A_950, %ge3A_952 : vector<16xf32>
      %mul3A_954 = arith.constant 2.000000e-01 : f32
      %mul3A_955 = vector.broadcast %mul3A_954 : f32 to vector<16xf32>
      %mul3A_956 = arith.mulf %add3A_950, %mul3A_955 : vector<16xf32>
      %select_n3A_957 = arith.select %ge3A_953, %add3A_950, %mul3A_956 : vector<16xi1>, vector<16xf32>
      %exp3A_958 = math.exp %select_n3A_957 : vector<16xf32>
      %swap3A_959 = arith.constant 192 : index
      %swap3A_960 = tpu.vector_load %arg22[%swap3A_959] {strides = array<i32>} : memref<240xf32, #tpu.memory_space<vmem>>, vector<16xf32>,
      tpu.vector_store %arg22[%swap3A_959], %exp3A_958 {strides = array<i32>} : memref<240xf32, #tpu.memory_space<vmem>>, vector<16xf32>,
      %get3A_961 = arith.constant 208 : index
      %get3A_962 = tpu.vector_load %arg13[%get3A_961] {strides = array<i32>} : memref<240xi32, #tpu.memory_space<vmem>>, vector<16xi32>,
      %get3A_963 = arith.constant 208 : index
      %get3A_964 = tpu.vector_load %arg16[%get3A_963] {strides = array<i32>} : memref<240xi32, #tpu.memory_space<vmem>>, vector<16xi32>,
      %gather3A_965 = tpu.vector_load_idx %arg9[%get3A_962] : memref<10240xf32, #tpu.memory_space<vmem>>[vector<16xi32>], vector<16xf32>,
      %gather3A_966 = tpu.vector_load_idx %arg10[%get3A_964] : memref<10240xf32, #tpu.memory_space<vmem>>[vector<16xi32>], vector<16xf32>,
      %add3A_967 = arith.addf %gather3A_965, %gather3A_966 : vector<16xf32>
      %ge3A_968 = arith.constant 0.000000e+00 : f32
      %ge3A_969 = vector.broadcast %ge3A_968 : f32 to vector<16xf32>
      %ge3A_970 = arith.cmpf oge, %add3A_967, %ge3A_969 : vector<16xf32>
      %mul3A_971 = arith.constant 2.000000e-01 : f32
      %mul3A_972 = vector.broadcast %mul3A_971 : f32 to vector<16xf32>
      %mul3A_973 = arith.mulf %add3A_967, %mul3A_972 : vector<16xf32>
      %select_n3A_974 = arith.select %ge3A_970, %add3A_967, %mul3A_973 : vector<16xi1>, vector<16xf32>
      %exp3A_975 = math.exp %select_n3A_974 : vector<16xf32>
      %swap3A_976 = arith.constant 208 : index
      %swap3A_977 = tpu.vector_load %arg22[%swap3A_976] {strides = array<i32>} : memref<240xf32, #tpu.memory_space<vmem>>, vector<16xf32>,
      tpu.vector_store %arg22[%swap3A_976], %exp3A_975 {strides = array<i32>} : memref<240xf32, #tpu.memory_space<vmem>>, vector<16xf32>,
      %get3A_978 = arith.constant 224 : index
      %get3A_979 = tpu.vector_load %arg13[%get3A_978] {strides = array<i32>} : memref<240xi32, #tpu.memory_space<vmem>>, vector<16xi32>,
      %get3A_980 = arith.constant 224 : index
      %get3A_981 = tpu.vector_load %arg16[%get3A_980] {strides = array<i32>} : memref<240xi32, #tpu.memory_space<vmem>>, vector<16xi32>,
      %gather3A_982 = tpu.vector_load_idx %arg9[%get3A_979] : memref<10240xf32, #tpu.memory_space<vmem>>[vector<16xi32>], vector<16xf32>,
      %gather3A_983 = tpu.vector_load_idx %arg10[%get3A_981] : memref<10240xf32, #tpu.memory_space<vmem>>[vector<16xi32>], vector<16xf32>,
      %add3A_984 = arith.addf %gather3A_982, %gather3A_983 : vector<16xf32>
      %ge3A_985 = arith.constant 0.000000e+00 : f32
      %ge3A_986 = vector.broadcast %ge3A_985 : f32 to vector<16xf32>
      %ge3A_987 = arith.cmpf oge, %add3A_984, %ge3A_986 : vector<16xf32>
      %mul3A_988 = arith.constant 2.000000e-01 : f32
      %mul3A_989 = vector.broadcast %mul3A_988 : f32 to vector<16xf32>
      %mul3A_990 = arith.mulf %add3A_984, %mul3A_989 : vector<16xf32>
      %select_n3A_991 = arith.select %ge3A_987, %add3A_984, %mul3A_990 : vector<16xi1>, vector<16xf32>
      %exp3A_992 = math.exp %select_n3A_991 : vector<16xf32>
      %swap3A_993 = arith.constant 224 : index
      %swap3A_994 = tpu.vector_load %arg22[%swap3A_993] {strides = array<i32>} : memref<240xf32, #tpu.memory_space<vmem>>, vector<16xf32>,
      tpu.vector_store %arg22[%swap3A_993], %exp3A_992 {strides = array<i32>} : memref<240xf32, #tpu.memory_space<vmem>>, vector<16xf32>,
      %scan3A_995 = arith.constant 0 : i32
      %scan3A_996 = arith.constant 0 : i32
      %scan3A_997 = arith.constant 240 : i32
      %scan3A_998 = arith.addi %scan3A_996, %scan3A_997 : i32
      %scan3A_999 = arith.constant 1 : i32
      scf.for %scan3A_1018 = %scan3A_996 to %scan3A_998 step %scan3A_999  : i32 {
        %broadcast_in_dim3A_1019 = vector.broadcast %scan3A_1018 : i32 to vector<16xi32>
        %gather3A_1020 = tpu.vector_load_idx %arg22[%broadcast_in_dim3A_1019] : memref<240xf32, #tpu.memory_space<vmem>>[vector<16xi32>], vector<16xf32>,
        %get3A_1021 = arith.index_cast %scan3A_1018 : i32 to index
        %get3A_1022 = arith.constant 0 : index
        %get3A_1023 = tpu.vector_load %arg19[%get3A_1021, %get3A_1022] {strides = array<i32>} : memref<240x64xf32, #tpu.memory_space<vmem>>, vector<16xf32>,
        %mul3A_1024 = arith.mulf %get3A_1023, %gather3A_1020 : vector<16xf32>
        %swap3A_1025 = arith.index_cast %scan3A_1018 : i32 to index
        %swap3A_1026 = arith.constant 0 : index
        %swap3A_1027 = tpu.vector_load %arg19[%swap3A_1025, %swap3A_1026] {strides = array<i32>} : memref<240x64xf32, #tpu.memory_space<vmem>>, vector<16xf32>,
        tpu.vector_store %arg19[%swap3A_1025, %swap3A_1026], %mul3A_1024 {strides = array<i32>} : memref<240x64xf32, #tpu.memory_space<vmem>>, vector<16xf32>,
        %get3A_1028 = arith.index_cast %scan3A_1018 : i32 to index
        %get3A_1029 = arith.constant 16 : index
        %get3A_1030 = tpu.vector_load %arg19[%get3A_1028, %get3A_1029] {strides = array<i32>} : memref<240x64xf32, #tpu.memory_space<vmem>>, vector<16xf32>,
        %mul3A_1031 = arith.mulf %get3A_1030, %gather3A_1020 : vector<16xf32>
        %swap3A_1032 = arith.index_cast %scan3A_1018 : i32 to index
        %swap3A_1033 = arith.constant 16 : index
        %swap3A_1034 = tpu.vector_load %arg19[%swap3A_1032, %swap3A_1033] {strides = array<i32>} : memref<240x64xf32, #tpu.memory_space<vmem>>, vector<16xf32>,
        tpu.vector_store %arg19[%swap3A_1032, %swap3A_1033], %mul3A_1031 {strides = array<i32>} : memref<240x64xf32, #tpu.memory_space<vmem>>, vector<16xf32>,
        %get3A_1035 = arith.index_cast %scan3A_1018 : i32 to index
        %get3A_1036 = arith.constant 32 : index
        %get3A_1037 = tpu.vector_load %arg19[%get3A_1035, %get3A_1036] {strides = array<i32>} : memref<240x64xf32, #tpu.memory_space<vmem>>, vector<16xf32>,
        %mul3A_1038 = arith.mulf %get3A_1037, %gather3A_1020 : vector<16xf32>
        %swap3A_1039 = arith.index_cast %scan3A_1018 : i32 to index
        %swap3A_1040 = arith.constant 32 : index
        %swap3A_1041 = tpu.vector_load %arg19[%swap3A_1039, %swap3A_1040] {strides = array<i32>} : memref<240x64xf32, #tpu.memory_space<vmem>>, vector<16xf32>,
        tpu.vector_store %arg19[%swap3A_1039, %swap3A_1040], %mul3A_1038 {strides = array<i32>} : memref<240x64xf32, #tpu.memory_space<vmem>>, vector<16xf32>,
        %get3A_1042 = arith.index_cast %scan3A_1018 : i32 to index
        %get3A_1043 = arith.constant 48 : index
        %get3A_1044 = tpu.vector_load %arg19[%get3A_1042, %get3A_1043] {strides = array<i32>} : memref<240x64xf32, #tpu.memory_space<vmem>>, vector<16xf32>,
        %mul3A_1045 = arith.mulf %get3A_1044, %gather3A_1020 : vector<16xf32>
        %swap3A_1046 = arith.index_cast %scan3A_1018 : i32 to index
        %swap3A_1047 = arith.constant 48 : index
        %swap3A_1048 = tpu.vector_load %arg19[%swap3A_1046, %swap3A_1047] {strides = array<i32>} : memref<240x64xf32, #tpu.memory_space<vmem>>, vector<16xf32>,
        tpu.vector_store %arg19[%swap3A_1046, %swap3A_1047], %mul3A_1045 {strides = array<i32>} : memref<240x64xf32, #tpu.memory_space<vmem>>, vector<16xf32>,
      }
      %scan3A_1000 = arith.constant 240 : i32
      %dma_start3A_1001 = arith.constant 0 : i32
      %dma_start3A_1002 = arith.constant 0 : i32
      %dma_start3A_1003 = tpu.memref_slice %arg24[%dma_start3A_1001, %dma_start3A_1002] : memref<10240x64xf32, #tpu.memory_space<vmem_shared>> -> memref<10240x64xf32, #tpu.memory_space<vmem_shared>>
      tpu.enqueue_indirect_dma source(%arg19 : memref<240x64xf32, #tpu.memory_space<vmem>>) target(%dma_start3A_1003 : memref<10240x64xf32, #tpu.memory_space<vmem_shared>>) offsets(%arg16 : memref<240xi32, #tpu.memory_space<vmem>>) semaphore(%arg31 : memref<!tpu.dma_semaphore, #tpu.memory_space<semaphore_mem>>) {add = true}
      %dma_start3A_1004 = arith.constant 0 : i32
      %dma_start3A_1005 = tpu.memref_slice %arg25[%dma_start3A_1004] : memref<10240xf32, #tpu.memory_space<vmem_shared>> -> memref<10240xf32, #tpu.memory_space<vmem_shared>>
      tpu.enqueue_indirect_dma source(%arg22 : memref<240xf32, #tpu.memory_space<vmem>>) target(%dma_start3A_1005 : memref<10240xf32, #tpu.memory_space<vmem_shared>>) offsets(%arg16 : memref<240xi32, #tpu.memory_space<vmem>>) semaphore(%arg34 : memref<!tpu.dma_semaphore, #tpu.memory_space<semaphore_mem>>) {add = true}
      %ge3A_1006 = arith.constant 1 : i32
      %ge3A_1007 = arith.cmpi sge, %add3A_725, %ge3A_1006 : i32
      %convert_element_type3A_1008 = arith.extui %ge3A_1007 : i1 to i32
      %cond3A_1009 = arith.constant 0 : i32
      %cond3A_1010 = arith.cmpi ne, %convert_element_type3A_1008, %cond3A_1009 : i32
      scf.if %cond3A_1010 {
        %dma_wait3A_1018 = arith.constant 0 : i32
        %dma_wait3A_1019 = arith.constant 0 : i32
        %dma_wait3A_1020 = tpu.memref_slice %arg24[%dma_wait3A_1018, %dma_wait3A_1019] : memref<10240x64xf32, #tpu.memory_space<vmem_shared>> -> memref<10240x64xf32, #tpu.memory_space<vmem_shared>>
        tpu.wait_indirect_dma semaphore(%arg30 : memref<!tpu.dma_semaphore, #tpu.memory_space<semaphore_mem>>) src(%arg18 : memref<240x64xf32, #tpu.memory_space<vmem>>) dst(%dma_wait3A_1020 : memref<10240x64xf32, #tpu.memory_space<vmem_shared>>)
        %dma_wait3A_1021 = arith.constant 0 : i32
        %dma_wait3A_1022 = tpu.memref_slice %arg25[%dma_wait3A_1021] : memref<10240xf32, #tpu.memory_space<vmem_shared>> -> memref<10240xf32, #tpu.memory_space<vmem_shared>>
        tpu.wait_indirect_dma semaphore(%arg33 : memref<!tpu.dma_semaphore, #tpu.memory_space<semaphore_mem>>) src(%arg21 : memref<240xf32, #tpu.memory_space<vmem>>) dst(%dma_wait3A_1022 : memref<10240xf32, #tpu.memory_space<vmem_shared>>)
      } else {
      }
      %add3A_1011 = arith.constant 2 : i32
      %add3A_1012 = arith.addi %add3A_725, %add3A_1011 : i32
      %lt3A_1013 = arith.constant 87 : i32
      %lt3A_1014 = arith.cmpi slt, %add3A_1012, %lt3A_1013 : i32
      %convert_element_type3A_1015 = arith.extui %lt3A_1014 : i1 to i32
      %cond3A_1016 = arith.constant 0 : i32
      %cond3A_1017 = arith.cmpi ne, %convert_element_type3A_1015, %cond3A_1016 : i32
      scf.if %cond3A_1017 {
        %add3A_1018 = arith.constant 2 : i32
        %add3A_1019 = arith.addi %add3A_725, %add3A_1018 : i32
        %mul3A_1020 = arith.constant 240 : i32
        %mul3A_1021 = arith.muli %add3A_1019, %mul3A_1020 : i32
        %add3A_1022 = arith.addi %multiple_of3A_93, %mul3A_1021 : i32
        %multiple_of3A_1023 = tpu.assume_multiple %add3A_1022, 8 : i32
        %dma_start3A_1024 = tpu.memref_slice %arg5[%multiple_of3A_1023] : memref<334080xi32, #tpu.memory_space<hbm>> -> memref<240xi32, #tpu.memory_space<hbm>>
        %dma_start3A_1025 = tpu.memref_slice %arg5[%multiple_of3A_1023] : memref<334080xi32, #tpu.memory_space<hbm>> -> memref<240xi32, #tpu.memory_space<hbm>>
        tpu.enqueue_dma source(%dma_start3A_1025 : memref<240xi32, #tpu.memory_space<hbm>>) target(%arg12 : memref<240xi32, #tpu.memory_space<vmem>>) target_semaphore(%arg36 : memref<!tpu.dma_semaphore, #tpu.memory_space<semaphore_mem>>)
        %dma_start3A_1026 = tpu.memref_slice %arg6[%multiple_of3A_1023] : memref<334080xi32, #tpu.memory_space<hbm>> -> memref<240xi32, #tpu.memory_space<hbm>>
        %dma_start3A_1027 = tpu.memref_slice %arg6[%multiple_of3A_1023] : memref<334080xi32, #tpu.memory_space<hbm>> -> memref<240xi32, #tpu.memory_space<hbm>>
        tpu.enqueue_dma source(%dma_start3A_1027 : memref<240xi32, #tpu.memory_space<hbm>>) target(%arg15 : memref<240xi32, #tpu.memory_space<vmem>>) target_semaphore(%arg36 : memref<!tpu.dma_semaphore, #tpu.memory_space<semaphore_mem>>)
      } else {
      }
    }
    %scan3A_126 = arith.constant 29 : i32
    %dma_wait3A_127 = arith.constant 0 : i32
    %dma_wait3A_128 = arith.constant 0 : i32
    %dma_wait3A_129 = tpu.memref_slice %arg24[%dma_wait3A_127, %dma_wait3A_128] : memref<10240x64xf32, #tpu.memory_space<vmem_shared>> -> memref<10240x64xf32, #tpu.memory_space<vmem_shared>>
    tpu.wait_indirect_dma semaphore(%arg31 : memref<!tpu.dma_semaphore, #tpu.memory_space<semaphore_mem>>) src(%arg19 : memref<240x64xf32, #tpu.memory_space<vmem>>) dst(%dma_wait3A_129 : memref<10240x64xf32, #tpu.memory_space<vmem_shared>>)
    %dma_wait3A_130 = arith.constant 0 : i32
    %dma_wait3A_131 = tpu.memref_slice %arg25[%dma_wait3A_130] : memref<10240xf32, #tpu.memory_space<vmem_shared>> -> memref<10240xf32, #tpu.memory_space<vmem_shared>>
    tpu.wait_indirect_dma semaphore(%arg34 : memref<!tpu.dma_semaphore, #tpu.memory_space<semaphore_mem>>) src(%arg22 : memref<240xf32, #tpu.memory_space<vmem>>) dst(%dma_wait3A_131 : memref<10240xf32, #tpu.memory_space<vmem_shared>>)
    %barrier3A_132 = arith.constant 0 : index
    tpu.barrier barrier_id(%barrier3A_132)
    "tpu.region"() ({
      %run_scoped3A = tpu.sem_alloc : memref<!tpu.dma_semaphore, #tpu.memory_space<semaphore_mem>>
      %dma_start3A_135 = arith.constant 0 : i32
      %dma_start3A_136 = tpu.memref_slice %arg7[%arg0, %multiple_of3A, %dma_start3A_135] : memref<2x10240x64xf32, #tpu.memory_space<hbm>> -> memref<1x640x64xf32, #tpu.memory_space<hbm>>
      %dma_start3A_137 = tpu.memref_squeeze %dma_start3A_136 : memref<1x640x64xf32, #tpu.memory_space<hbm>> -> memref<640x64xf32, #tpu.memory_space<hbm>>
      %dma_start3A_138 = arith.constant 0 : i32
      %dma_start3A_139 = tpu.memref_slice %arg24[%multiple_of3A, %dma_start3A_138] : memref<10240x64xf32, #tpu.memory_space<vmem_shared>> -> memref<640x64xf32, #tpu.memory_space<vmem_shared>>
      tpu.enqueue_dma source(%dma_start3A_139 : memref<640x64xf32, #tpu.memory_space<vmem_shared>>) target(%dma_start3A_137 : memref<640x64xf32, #tpu.memory_space<hbm>>) target_semaphore(%run_scoped3A : memref<!tpu.dma_semaphore, #tpu.memory_space<semaphore_mem>>)
      %dma_wait3A_140 = arith.constant 0 : i32
      %dma_wait3A_141 = tpu.memref_slice %arg7[%arg0, %multiple_of3A, %dma_wait3A_140] : memref<2x10240x64xf32, #tpu.memory_space<hbm>> -> memref<1x640x64xf32, #tpu.memory_space<hbm>>
      %dma_wait3A_142 = tpu.memref_squeeze %dma_wait3A_141 : memref<1x640x64xf32, #tpu.memory_space<hbm>> -> memref<640x64xf32, #tpu.memory_space<hbm>>
      %dma_wait3A_143 = arith.constant 0 : i32
      %dma_wait3A_144 = tpu.memref_slice %arg24[%multiple_of3A, %dma_wait3A_143] : memref<10240x64xf32, #tpu.memory_space<vmem_shared>> -> memref<640x64xf32, #tpu.memory_space<vmem_shared>>
      tpu.wait_dma2 semaphore(%run_scoped3A : memref<!tpu.dma_semaphore, #tpu.memory_space<semaphore_mem>>) src(%dma_wait3A_144 : memref<640x64xf32, #tpu.memory_space<vmem_shared>>) dst(%dma_wait3A_142 : memref<640x64xf32, #tpu.memory_space<hbm>>)
      tpu.yield
    }) : () -> ()
    %eq3A = arith.constant 0 : i32
    %eq3A_133 = arith.cmpi eq, %arg0, %eq3A : i32
    %convert_element_type3A = arith.extui %eq3A_133 : i1 to i32
    %cond3A = arith.constant 0 : i32
    %cond3A_134 = arith.cmpi ne, %convert_element_type3A, %cond3A : i32
    scf.if %cond3A_134 {
      "tpu.region"() ({
        %run_scoped3A = tpu.sem_alloc : memref<!tpu.dma_semaphore, #tpu.memory_space<semaphore_mem>>
        %dma_start3A_135 = tpu.memref_slice %arg8[%multiple_of3A] : memref<10240xf32, #tpu.memory_space<hbm>> -> memref<640xf32, #tpu.memory_space<hbm>>
        %dma_start3A_136 = tpu.memref_slice %arg25[%multiple_of3A] : memref<10240xf32, #tpu.memory_space<vmem_shared>> -> memref<640xf32, #tpu.memory_space<vmem_shared>>
        tpu.enqueue_dma source(%dma_start3A_136 : memref<640xf32, #tpu.memory_space<vmem_shared>>) target(%dma_start3A_135 : memref<640xf32, #tpu.memory_space<hbm>>) target_semaphore(%run_scoped3A : memref<!tpu.dma_semaphore, #tpu.memory_space<semaphore_mem>>)
        %dma_wait3A_137 = tpu.memref_slice %arg8[%multiple_of3A] : memref<10240xf32, #tpu.memory_space<hbm>> -> memref<640xf32, #tpu.memory_space<hbm>>
        %dma_wait3A_138 = tpu.memref_slice %arg25[%multiple_of3A] : memref<10240xf32, #tpu.memory_space<vmem_shared>> -> memref<640xf32, #tpu.memory_space<vmem_shared>>
        tpu.wait_dma2 semaphore(%run_scoped3A : memref<!tpu.dma_semaphore, #tpu.memory_space<semaphore_mem>>) src(%dma_wait3A_138 : memref<640xf32, #tpu.memory_space<vmem_shared>>) dst(%dma_wait3A_137 : memref<640xf32, #tpu.memory_space<hbm>>)
        tpu.yield
      }) : () -> ()
    } else {
    }
    return
  }
}

#map = affine_map<(d0, d1) -> (0, 0, 0)>
#map1 = affine_map<(d0, d1) -> (0)>
module attributes {stable_mosaic.version = 14 : i64} {
  func.func @_edge_pass(%arg0: i32, %arg1: i32, %arg2: memref<2x10240x64xf32, #tpu.memory_space<hbm>>, %arg3: memref<10240xf32, #tpu.memory_space<hbm>>, %arg4: memref<10240xf32, #tpu.memory_space<hbm>>, %arg5: memref<334080xi32, #tpu.memory_space<hbm>>, %arg6: memref<334080xi32, #tpu.memory_space<hbm>>, %arg7: memref<2x10240x64xf32, #tpu.memory_space<hbm>>, %arg8: memref<10240xf32, #tpu.memory_space<hbm>>, %arg9: memref<10240xf32, #tpu.memory_space<vmem>>, %arg10: memref<10240xf32, #tpu.memory_space<vmem>>, %arg11: memref<240xi32, #tpu.memory_space<vmem>>, %arg12: memref<240xi32, #tpu.memory_space<vmem>>, %arg13: memref<240xi32, #tpu.memory_space<vmem>>, %arg14: memref<240xi32, #tpu.memory_space<vmem>>, %arg15: memref<240xi32, #tpu.memory_space<vmem>>, %arg16: memref<240xi32, #tpu.memory_space<vmem>>, %arg17: memref<240x64xf32, #tpu.memory_space<vmem>>, %arg18: memref<240x64xf32, #tpu.memory_space<vmem>>, %arg19: memref<240x64xf32, #tpu.memory_space<vmem>>, %arg20: memref<240xf32, #tpu.memory_space<vmem>>, %arg21: memref<240xf32, #tpu.memory_space<vmem>>, %arg22: memref<240xf32, #tpu.memory_space<vmem>>, %arg23: memref<640xf32, #tpu.memory_space<vmem>>, %arg24: memref<10240x64xf32, #tpu.memory_space<vmem_shared>>, %arg25: memref<10240xf32, #tpu.memory_space<vmem_shared>>, %arg26: memref<!tpu.dma_semaphore, #tpu.memory_space<semaphore_mem>>, %arg27: memref<!tpu.dma_semaphore, #tpu.memory_space<semaphore_mem>>, %arg28: memref<!tpu.dma_semaphore, #tpu.memory_space<semaphore_mem>>, %arg29: memref<!tpu.dma_semaphore, #tpu.memory_space<semaphore_mem>>, %arg30: memref<!tpu.dma_semaphore, #tpu.memory_space<semaphore_mem>>, %arg31: memref<!tpu.dma_semaphore, #tpu.memory_space<semaphore_mem>>, %arg32: memref<!tpu.dma_semaphore, #tpu.memory_space<semaphore_mem>>, %arg33: memref<!tpu.dma_semaphore, #tpu.memory_space<semaphore_mem>>, %arg34: memref<!tpu.dma_semaphore, #tpu.memory_space<semaphore_mem>>, %arg35: memref<!tpu.dma_semaphore, #tpu.memory_space<semaphore_mem>>, %arg36: memref<!tpu.dma_semaphore, #tpu.memory_space<semaphore_mem>>, %arg37: memref<!tpu.dma_semaphore, #tpu.memory_space<semaphore_mem>>) attributes {dimension_semantics = [#tpu.dimension_semantics<core_parallel>, #tpu.dimension_semantics<subcore_parallel>], iteration_bounds = array<i64: 2, 16>, scalar_prefetch = 0 : i64, scratch_operands = 29 : i64, tpu.core_type = #tpu.core_type<sc_vector_subcore>, window_params = [{transform_indices = #map}, {transform_indices = #map1}, {transform_indices = #map1}, {transform_indices = #map1}, {transform_indices = #map1}, {transform_indices = #map}, {transform_indices = #map1}]} {
    %broadcast_in_dim3A = arith.constant 0.000000e+00 : f32
    %broadcast_in_dim3A_0 = vector.broadcast %broadcast_in_dim3A : f32 to vector<16xf32>
    %scan3A = arith.constant 0 : i32
    %scan3A_1 = arith.constant 0 : i32
    %scan3A_2 = arith.constant 240 : i32
    %scan3A_3 = arith.addi %scan3A_1, %scan3A_2 : i32
    %scan3A_4 = arith.constant 1 : i32
    scf.for %scan3A_135 = %scan3A_1 to %scan3A_3 step %scan3A_4  : i32 {
      %swap3A_136 = arith.index_cast %scan3A_135 : i32 to index
      %swap3A_137 = arith.constant 0 : index
      %swap3A_138 = tpu.vector_load %arg17[%swap3A_136, %swap3A_137] {strides = array<i32>} : memref<240x64xf32, #tpu.memory_space<vmem>>, vector<16xf32>,
      tpu.vector_store %arg17[%swap3A_136, %swap3A_137], %broadcast_in_dim3A_0 {strides = array<i32>} : memref<240x64xf32, #tpu.memory_space<vmem>>, vector<16xf32>,
      %swap3A_139 = arith.index_cast %scan3A_135 : i32 to index
      %swap3A_140 = arith.constant 16 : index
      %swap3A_141 = tpu.vector_load %arg17[%swap3A_139, %swap3A_140] {strides = array<i32>} : memref<240x64xf32, #tpu.memory_space<vmem>>, vector<16xf32>,
      tpu.vector_store %arg17[%swap3A_139, %swap3A_140], %broadcast_in_dim3A_0 {strides = array<i32>} : memref<240x64xf32, #tpu.memory_space<vmem>>, vector<16xf32>,
      %swap3A_142 = arith.index_cast %scan3A_135 : i32 to index
      %swap3A_143 = arith.constant 32 : index
      %swap3A_144 = tpu.vector_load %arg17[%swap3A_142, %swap3A_143] {strides = array<i32>} : memref<240x64xf32, #tpu.memory_space<vmem>>, vector<16xf32>,
      tpu.vector_store %arg17[%swap3A_142, %swap3A_143], %broadcast_in_dim3A_0 {strides = array<i32>} : memref<240x64xf32, #tpu.memory_space<vmem>>, vector<16xf32>,
      %swap3A_145 = arith.index_cast %scan3A_135 : i32 to index
      %swap3A_146 = arith.constant 48 : index
      %swap3A_147 = tpu.vector_load %arg17[%swap3A_145, %swap3A_146] {strides = array<i32>} : memref<240x64xf32, #tpu.memory_space<vmem>>, vector<16xf32>,
      tpu.vector_store %arg17[%swap3A_145, %swap3A_146], %broadcast_in_dim3A_0 {strides = array<i32>} : memref<240x64xf32, #tpu.memory_space<vmem>>, vector<16xf32>,
    }
    %scan3A_5 = arith.constant 240 : i32
    %swap3A = arith.constant 0 : index
    %swap3A_6 = tpu.vector_load %arg23[%swap3A] {strides = array<i32>} : memref<640xf32, #tpu.memory_space<vmem>>, vector<16xf32>,
    tpu.vector_store %arg23[%swap3A], %broadcast_in_dim3A_0 {strides = array<i32>} : memref<640xf32, #tpu.memory_space<vmem>>, vector<16xf32>,
    %swap3A_7 = arith.constant 16 : index
    %swap3A_8 = tpu.vector_load %arg23[%swap3A_7] {strides = array<i32>} : memref<640xf32, #tpu.memory_space<vmem>>, vector<16xf32>,
    tpu.vector_store %arg23[%swap3A_7], %broadcast_in_dim3A_0 {strides = array<i32>} : memref<640xf32, #tpu.memory_space<vmem>>, vector<16xf32>,
    %swap3A_9 = arith.constant 32 : index
    %swap3A_10 = tpu.vector_load %arg23[%swap3A_9] {strides = array<i32>} : memref<640xf32, #tpu.memory_space<vmem>>, vector<16xf32>,
    tpu.vector_store %arg23[%swap3A_9], %broadcast_in_dim3A_0 {strides = array<i32>} : memref<640xf32, #tpu.memory_space<vmem>>, vector<16xf32>,
    %swap3A_11 = arith.constant 48 : index
    %swap3A_12 = tpu.vector_load %arg23[%swap3A_11] {strides = array<i32>} : memref<640xf32, #tpu.memory_space<vmem>>, vector<16xf32>,
    tpu.vector_store %arg23[%swap3A_11], %broadcast_in_dim3A_0 {strides = array<i32>} : memref<640xf32, #tpu.memory_space<vmem>>, vector<16xf32>,
    %swap3A_13 = arith.constant 64 : index
    %swap3A_14 = tpu.vector_load %arg23[%swap3A_13] {strides = array<i32>} : memref<640xf32, #tpu.memory_space<vmem>>, vector<16xf32>,
    tpu.vector_store %arg23[%swap3A_13], %broadcast_in_dim3A_0 {strides = array<i32>} : memref<640xf32, #tpu.memory_space<vmem>>, vector<16xf32>,
    %swap3A_15 = arith.constant 80 : index
    %swap3A_16 = tpu.vector_load %arg23[%swap3A_15] {strides = array<i32>} : memref<640xf32, #tpu.memory_space<vmem>>, vector<16xf32>,
    tpu.vector_store %arg23[%swap3A_15], %broadcast_in_dim3A_0 {strides = array<i32>} : memref<640xf32, #tpu.memory_space<vmem>>, vector<16xf32>,
    %swap3A_17 = arith.constant 96 : index
    %swap3A_18 = tpu.vector_load %arg23[%swap3A_17] {strides = array<i32>} : memref<640xf32, #tpu.memory_space<vmem>>, vector<16xf32>,
    tpu.vector_store %arg23[%swap3A_17], %broadcast_in_dim3A_0 {strides = array<i32>} : memref<640xf32, #tpu.memory_space<vmem>>, vector<16xf32>,
    %swap3A_19 = arith.constant 112 : index
    %swap3A_20 = tpu.vector_load %arg23[%swap3A_19] {strides = array<i32>} : memref<640xf32, #tpu.memory_space<vmem>>, vector<16xf32>,
    tpu.vector_store %arg23[%swap3A_19], %broadcast_in_dim3A_0 {strides = array<i32>} : memref<640xf32, #tpu.memory_space<vmem>>, vector<16xf32>,
    %swap3A_21 = arith.constant 128 : index
    %swap3A_22 = tpu.vector_load %arg23[%swap3A_21] {strides = array<i32>} : memref<640xf32, #tpu.memory_space<vmem>>, vector<16xf32>,
    tpu.vector_store %arg23[%swap3A_21], %broadcast_in_dim3A_0 {strides = array<i32>} : memref<640xf32, #tpu.memory_space<vmem>>, vector<16xf32>,
    %swap3A_23 = arith.constant 144 : index
    %swap3A_24 = tpu.vector_load %arg23[%swap3A_23] {strides = array<i32>} : memref<640xf32, #tpu.memory_space<vmem>>, vector<16xf32>,
    tpu.vector_store %arg23[%swap3A_23], %broadcast_in_dim3A_0 {strides = array<i32>} : memref<640xf32, #tpu.memory_space<vmem>>, vector<16xf32>,
    %swap3A_25 = arith.constant 160 : index
    %swap3A_26 = tpu.vector_load %arg23[%swap3A_25] {strides = array<i32>} : memref<640xf32, #tpu.memory_space<vmem>>, vector<16xf32>,
    tpu.vector_store %arg23[%swap3A_25], %broadcast_in_dim3A_0 {strides = array<i32>} : memref<640xf32, #tpu.memory_space<vmem>>, vector<16xf32>,
    %swap3A_27 = arith.constant 176 : index
    %swap3A_28 = tpu.vector_load %arg23[%swap3A_27] {strides = array<i32>} : memref<640xf32, #tpu.memory_space<vmem>>, vector<16xf32>,
    tpu.vector_store %arg23[%swap3A_27], %broadcast_in_dim3A_0 {strides = array<i32>} : memref<640xf32, #tpu.memory_space<vmem>>, vector<16xf32>,
    %swap3A_29 = arith.constant 192 : index
    %swap3A_30 = tpu.vector_load %arg23[%swap3A_29] {strides = array<i32>} : memref<640xf32, #tpu.memory_space<vmem>>, vector<16xf32>,
    tpu.vector_store %arg23[%swap3A_29], %broadcast_in_dim3A_0 {strides = array<i32>} : memref<640xf32, #tpu.memory_space<vmem>>, vector<16xf32>,
    %swap3A_31 = arith.constant 208 : index
    %swap3A_32 = tpu.vector_load %arg23[%swap3A_31] {strides = array<i32>} : memref<640xf32, #tpu.memory_space<vmem>>, vector<16xf32>,
    tpu.vector_store %arg23[%swap3A_31], %broadcast_in_dim3A_0 {strides = array<i32>} : memref<640xf32, #tpu.memory_space<vmem>>, vector<16xf32>,
    %swap3A_33 = arith.constant 224 : index
    %swap3A_34 = tpu.vector_load %arg23[%swap3A_33] {strides = array<i32>} : memref<640xf32, #tpu.memory_space<vmem>>, vector<16xf32>,
    tpu.vector_store %arg23[%swap3A_33], %broadcast_in_dim3A_0 {strides = array<i32>} : memref<640xf32, #tpu.memory_space<vmem>>, vector<16xf32>,
    %swap3A_35 = arith.constant 240 : index
    %swap3A_36 = tpu.vector_load %arg23[%swap3A_35] {strides = array<i32>} : memref<640xf32, #tpu.memory_space<vmem>>, vector<16xf32>,
    tpu.vector_store %arg23[%swap3A_35], %broadcast_in_dim3A_0 {strides = array<i32>} : memref<640xf32, #tpu.memory_space<vmem>>, vector<16xf32>,
    %swap3A_37 = arith.constant 256 : index
    %swap3A_38 = tpu.vector_load %arg23[%swap3A_37] {strides = array<i32>} : memref<640xf32, #tpu.memory_space<vmem>>, vector<16xf32>,
    tpu.vector_store %arg23[%swap3A_37], %broadcast_in_dim3A_0 {strides = array<i32>} : memref<640xf32, #tpu.memory_space<vmem>>, vector<16xf32>,
    %swap3A_39 = arith.constant 272 : index
    %swap3A_40 = tpu.vector_load %arg23[%swap3A_39] {strides = array<i32>} : memref<640xf32, #tpu.memory_space<vmem>>, vector<16xf32>,
    tpu.vector_store %arg23[%swap3A_39], %broadcast_in_dim3A_0 {strides = array<i32>} : memref<640xf32, #tpu.memory_space<vmem>>, vector<16xf32>,
    %swap3A_41 = arith.constant 288 : index
    %swap3A_42 = tpu.vector_load %arg23[%swap3A_41] {strides = array<i32>} : memref<640xf32, #tpu.memory_space<vmem>>, vector<16xf32>,
    tpu.vector_store %arg23[%swap3A_41], %broadcast_in_dim3A_0 {strides = array<i32>} : memref<640xf32, #tpu.memory_space<vmem>>, vector<16xf32>,
    %swap3A_43 = arith.constant 304 : index
    %swap3A_44 = tpu.vector_load %arg23[%swap3A_43] {strides = array<i32>} : memref<640xf32, #tpu.memory_space<vmem>>, vector<16xf32>,
    tpu.vector_store %arg23[%swap3A_43], %broadcast_in_dim3A_0 {strides = array<i32>} : memref<640xf32, #tpu.memory_space<vmem>>, vector<16xf32>,
    %swap3A_45 = arith.constant 320 : index
    %swap3A_46 = tpu.vector_load %arg23[%swap3A_45] {strides = array<i32>} : memref<640xf32, #tpu.memory_space<vmem>>, vector<16xf32>,
    tpu.vector_store %arg23[%swap3A_45], %broadcast_in_dim3A_0 {strides = array<i32>} : memref<640xf32, #tpu.memory_space<vmem>>, vector<16xf32>,
    %swap3A_47 = arith.constant 336 : index
    %swap3A_48 = tpu.vector_load %arg23[%swap3A_47] {strides = array<i32>} : memref<640xf32, #tpu.memory_space<vmem>>, vector<16xf32>,
    tpu.vector_store %arg23[%swap3A_47], %broadcast_in_dim3A_0 {strides = array<i32>} : memref<640xf32, #tpu.memory_space<vmem>>, vector<16xf32>,
    %swap3A_49 = arith.constant 352 : index
    %swap3A_50 = tpu.vector_load %arg23[%swap3A_49] {strides = array<i32>} : memref<640xf32, #tpu.memory_space<vmem>>, vector<16xf32>,
    tpu.vector_store %arg23[%swap3A_49], %broadcast_in_dim3A_0 {strides = array<i32>} : memref<640xf32, #tpu.memory_space<vmem>>, vector<16xf32>,
    %swap3A_51 = arith.constant 368 : index
    %swap3A_52 = tpu.vector_load %arg23[%swap3A_51] {strides = array<i32>} : memref<640xf32, #tpu.memory_space<vmem>>, vector<16xf32>,
    tpu.vector_store %arg23[%swap3A_51], %broadcast_in_dim3A_0 {strides = array<i32>} : memref<640xf32, #tpu.memory_space<vmem>>, vector<16xf32>,
    %swap3A_53 = arith.constant 384 : index
    %swap3A_54 = tpu.vector_load %arg23[%swap3A_53] {strides = array<i32>} : memref<640xf32, #tpu.memory_space<vmem>>, vector<16xf32>,
    tpu.vector_store %arg23[%swap3A_53], %broadcast_in_dim3A_0 {strides = array<i32>} : memref<640xf32, #tpu.memory_space<vmem>>, vector<16xf32>,
    %swap3A_55 = arith.constant 400 : index
    %swap3A_56 = tpu.vector_load %arg23[%swap3A_55] {strides = array<i32>} : memref<640xf32, #tpu.memory_space<vmem>>, vector<16xf32>,
    tpu.vector_store %arg23[%swap3A_55], %broadcast_in_dim3A_0 {strides = array<i32>} : memref<640xf32, #tpu.memory_space<vmem>>, vector<16xf32>,
    %swap3A_57 = arith.constant 416 : index
    %swap3A_58 = tpu.vector_load %arg23[%swap3A_57] {strides = array<i32>} : memref<640xf32, #tpu.memory_space<vmem>>, vector<16xf32>,
    tpu.vector_store %arg23[%swap3A_57], %broadcast_in_dim3A_0 {strides = array<i32>} : memref<640xf32, #tpu.memory_space<vmem>>, vector<16xf32>,
    %swap3A_59 = arith.constant 432 : index
    %swap3A_60 = tpu.vector_load %arg23[%swap3A_59] {strides = array<i32>} : memref<640xf32, #tpu.memory_space<vmem>>, vector<16xf32>,
    tpu.vector_store %arg23[%swap3A_59], %broadcast_in_dim3A_0 {strides = array<i32>} : memref<640xf32, #tpu.memory_space<vmem>>, vector<16xf32>,
    %swap3A_61 = arith.constant 448 : index
    %swap3A_62 = tpu.vector_load %arg23[%swap3A_61] {strides = array<i32>} : memref<640xf32, #tpu.memory_space<vmem>>, vector<16xf32>,
    tpu.vector_store %arg23[%swap3A_61], %broadcast_in_dim3A_0 {strides = array<i32>} : memref<640xf32, #tpu.memory_space<vmem>>, vector<16xf32>,
    %swap3A_63 = arith.constant 464 : index
    %swap3A_64 = tpu.vector_load %arg23[%swap3A_63] {strides = array<i32>} : memref<640xf32, #tpu.memory_space<vmem>>, vector<16xf32>,
    tpu.vector_store %arg23[%swap3A_63], %broadcast_in_dim3A_0 {strides = array<i32>} : memref<640xf32, #tpu.memory_space<vmem>>, vector<16xf32>,
    %swap3A_65 = arith.constant 480 : index
    %swap3A_66 = tpu.vector_load %arg23[%swap3A_65] {strides = array<i32>} : memref<640xf32, #tpu.memory_space<vmem>>, vector<16xf32>,
    tpu.vector_store %arg23[%swap3A_65], %broadcast_in_dim3A_0 {strides = array<i32>} : memref<640xf32, #tpu.memory_space<vmem>>, vector<16xf32>,
    %swap3A_67 = arith.constant 496 : index
    %swap3A_68 = tpu.vector_load %arg23[%swap3A_67] {strides = array<i32>} : memref<640xf32, #tpu.memory_space<vmem>>, vector<16xf32>,
    tpu.vector_store %arg23[%swap3A_67], %broadcast_in_dim3A_0 {strides = array<i32>} : memref<640xf32, #tpu.memory_space<vmem>>, vector<16xf32>,
    %swap3A_69 = arith.constant 512 : index
    %swap3A_70 = tpu.vector_load %arg23[%swap3A_69] {strides = array<i32>} : memref<640xf32, #tpu.memory_space<vmem>>, vector<16xf32>,
    tpu.vector_store %arg23[%swap3A_69], %broadcast_in_dim3A_0 {strides = array<i32>} : memref<640xf32, #tpu.memory_space<vmem>>, vector<16xf32>,
    %swap3A_71 = arith.constant 528 : index
    %swap3A_72 = tpu.vector_load %arg23[%swap3A_71] {strides = array<i32>} : memref<640xf32, #tpu.memory_space<vmem>>, vector<16xf32>,
    tpu.vector_store %arg23[%swap3A_71], %broadcast_in_dim3A_0 {strides = array<i32>} : memref<640xf32, #tpu.memory_space<vmem>>, vector<16xf32>,
    %swap3A_73 = arith.constant 544 : index
    %swap3A_74 = tpu.vector_load %arg23[%swap3A_73] {strides = array<i32>} : memref<640xf32, #tpu.memory_space<vmem>>, vector<16xf32>,
    tpu.vector_store %arg23[%swap3A_73], %broadcast_in_dim3A_0 {strides = array<i32>} : memref<640xf32, #tpu.memory_space<vmem>>, vector<16xf32>,
    %swap3A_75 = arith.constant 560 : index
    %swap3A_76 = tpu.vector_load %arg23[%swap3A_75] {strides = array<i32>} : memref<640xf32, #tpu.memory_space<vmem>>, vector<16xf32>,
    tpu.vector_store %arg23[%swap3A_75], %broadcast_in_dim3A_0 {strides = array<i32>} : memref<640xf32, #tpu.memory_space<vmem>>, vector<16xf32>,
    %swap3A_77 = arith.constant 576 : index
    %swap3A_78 = tpu.vector_load %arg23[%swap3A_77] {strides = array<i32>} : memref<640xf32, #tpu.memory_space<vmem>>, vector<16xf32>,
    tpu.vector_store %arg23[%swap3A_77], %broadcast_in_dim3A_0 {strides = array<i32>} : memref<640xf32, #tpu.memory_space<vmem>>, vector<16xf32>,
    %swap3A_79 = arith.constant 592 : index
    %swap3A_80 = tpu.vector_load %arg23[%swap3A_79] {strides = array<i32>} : memref<640xf32, #tpu.memory_space<vmem>>, vector<16xf32>,
    tpu.vector_store %arg23[%swap3A_79], %broadcast_in_dim3A_0 {strides = array<i32>} : memref<640xf32, #tpu.memory_space<vmem>>, vector<16xf32>,
    %swap3A_81 = arith.constant 608 : index
    %swap3A_82 = tpu.vector_load %arg23[%swap3A_81] {strides = array<i32>} : memref<640xf32, #tpu.memory_space<vmem>>, vector<16xf32>,
    tpu.vector_store %arg23[%swap3A_81], %broadcast_in_dim3A_0 {strides = array<i32>} : memref<640xf32, #tpu.memory_space<vmem>>, vector<16xf32>,
    %swap3A_83 = arith.constant 624 : index
    %swap3A_84 = tpu.vector_load %arg23[%swap3A_83] {strides = array<i32>} : memref<640xf32, #tpu.memory_space<vmem>>, vector<16xf32>,
    tpu.vector_store %arg23[%swap3A_83], %broadcast_in_dim3A_0 {strides = array<i32>} : memref<640xf32, #tpu.memory_space<vmem>>, vector<16xf32>,
    %mul3A = arith.constant 640 : i32
    %mul3A_85 = arith.muli %arg1, %mul3A : i32
    %multiple_of3A = tpu.assume_multiple %mul3A_85, 8 : i32
    %add3A = arith.constant 0 : i32
    %add3A_86 = arith.addi %multiple_of3A, %add3A : i32
    "tpu.region"() ({
      %run_scoped3A = tpu.sem_alloc : memref<!tpu.dma_semaphore, #tpu.memory_space<semaphore_mem>>
      %dma_start3A_135 = arith.constant 0 : i32
      %dma_start3A_136 = tpu.memref_slice %arg24[%add3A_86, %dma_start3A_135] : memref<10240x64xf32, #tpu.memory_space<vmem_shared>> -> memref<240x64xf32, #tpu.memory_space<vmem_shared>>
      %dma_start3A_137 = arith.constant 0 : i32
      %dma_start3A_138 = tpu.memref_slice %arg24[%add3A_86, %dma_start3A_137] : memref<10240x64xf32, #tpu.memory_space<vmem_shared>> -> memref<240x64xf32, #tpu.memory_space<vmem_shared>>
      tpu.enqueue_dma source(%arg17 : memref<240x64xf32, #tpu.memory_space<vmem>>) target(%dma_start3A_138 : memref<240x64xf32, #tpu.memory_space<vmem_shared>>) target_semaphore(%run_scoped3A : memref<!tpu.dma_semaphore, #tpu.memory_space<semaphore_mem>>)
      %dma_wait3A_139 = arith.constant 0 : i32
      %dma_wait3A_140 = tpu.memref_slice %arg24[%add3A_86, %dma_wait3A_139] : memref<10240x64xf32, #tpu.memory_space<vmem_shared>> -> memref<240x64xf32, #tpu.memory_space<vmem_shared>>
      %dma_wait3A_141 = arith.constant 0 : i32
      %dma_wait3A_142 = tpu.memref_slice %arg24[%add3A_86, %dma_wait3A_141] : memref<10240x64xf32, #tpu.memory_space<vmem_shared>> -> memref<240x64xf32, #tpu.memory_space<vmem_shared>>
      tpu.wait_dma2 semaphore(%run_scoped3A : memref<!tpu.dma_semaphore, #tpu.memory_space<semaphore_mem>>) src(%arg17 : memref<240x64xf32, #tpu.memory_space<vmem>>) dst(%dma_wait3A_142 : memref<240x64xf32, #tpu.memory_space<vmem_shared>>)
      tpu.yield
    }) : () -> ()
    %add3A_87 = arith.constant 240 : i32
    %add3A_88 = arith.addi %multiple_of3A, %add3A_87 : i32
    "tpu.region"() ({
      %run_scoped3A = tpu.sem_alloc : memref<!tpu.dma_semaphore, #tpu.memory_space<semaphore_mem>>
      %dma_start3A_135 = arith.constant 0 : i32
      %dma_start3A_136 = tpu.memref_slice %arg24[%add3A_88, %dma_start3A_135] : memref<10240x64xf32, #tpu.memory_space<vmem_shared>> -> memref<240x64xf32, #tpu.memory_space<vmem_shared>>
      %dma_start3A_137 = arith.constant 0 : i32
      %dma_start3A_138 = tpu.memref_slice %arg24[%add3A_88, %dma_start3A_137] : memref<10240x64xf32, #tpu.memory_space<vmem_shared>> -> memref<240x64xf32, #tpu.memory_space<vmem_shared>>
      tpu.enqueue_dma source(%arg17 : memref<240x64xf32, #tpu.memory_space<vmem>>) target(%dma_start3A_138 : memref<240x64xf32, #tpu.memory_space<vmem_shared>>) target_semaphore(%run_scoped3A : memref<!tpu.dma_semaphore, #tpu.memory_space<semaphore_mem>>)
      %dma_wait3A_139 = arith.constant 0 : i32
      %dma_wait3A_140 = tpu.memref_slice %arg24[%add3A_88, %dma_wait3A_139] : memref<10240x64xf32, #tpu.memory_space<vmem_shared>> -> memref<240x64xf32, #tpu.memory_space<vmem_shared>>
      %dma_wait3A_141 = arith.constant 0 : i32
      %dma_wait3A_142 = tpu.memref_slice %arg24[%add3A_88, %dma_wait3A_141] : memref<10240x64xf32, #tpu.memory_space<vmem_shared>> -> memref<240x64xf32, #tpu.memory_space<vmem_shared>>
      tpu.wait_dma2 semaphore(%run_scoped3A : memref<!tpu.dma_semaphore, #tpu.memory_space<semaphore_mem>>) src(%arg17 : memref<240x64xf32, #tpu.memory_space<vmem>>) dst(%dma_wait3A_142 : memref<240x64xf32, #tpu.memory_space<vmem_shared>>)
      tpu.yield
    }) : () -> ()
    %add3A_89 = arith.constant 480 : i32
    %add3A_90 = arith.addi %multiple_of3A, %add3A_89 : i32
    "tpu.region"() ({
      %run_scoped3A = tpu.sem_alloc : memref<!tpu.dma_semaphore, #tpu.memory_space<semaphore_mem>>
      %dma_start3A_135 = arith.constant 0 : i32
      %dma_start3A_136 = arith.constant 0 : i32
      %dma_start3A_137 = tpu.memref_slice %arg17[%dma_start3A_135, %dma_start3A_136] : memref<240x64xf32, #tpu.memory_space<vmem>> -> memref<160x64xf32, #tpu.memory_space<vmem>>
      %dma_start3A_138 = arith.constant 0 : i32
      %dma_start3A_139 = tpu.memref_slice %arg24[%add3A_90, %dma_start3A_138] : memref<10240x64xf32, #tpu.memory_space<vmem_shared>> -> memref<160x64xf32, #tpu.memory_space<vmem_shared>>
      %dma_start3A_140 = arith.constant 0 : i32
      %dma_start3A_141 = tpu.memref_slice %arg24[%add3A_90, %dma_start3A_140] : memref<10240x64xf32, #tpu.memory_space<vmem_shared>> -> memref<160x64xf32, #tpu.memory_space<vmem_shared>>
      %dma_start3A_142 = arith.constant 0 : i32
      %dma_start3A_143 = arith.constant 0 : i32
      %dma_start3A_144 = tpu.memref_slice %arg17[%dma_start3A_142, %dma_start3A_143] : memref<240x64xf32, #tpu.memory_space<vmem>> -> memref<160x64xf32, #tpu.memory_space<vmem>>
      tpu.enqueue_dma source(%dma_start3A_144 : memref<160x64xf32, #tpu.memory_space<vmem>>) target(%dma_start3A_141 : memref<160x64xf32, #tpu.memory_space<vmem_shared>>) target_semaphore(%run_scoped3A : memref<!tpu.dma_semaphore, #tpu.memory_space<semaphore_mem>>)
      %dma_wait3A_145 = arith.constant 0 : i32
      %dma_wait3A_146 = arith.constant 0 : i32
      %dma_wait3A_147 = tpu.memref_slice %arg17[%dma_wait3A_145, %dma_wait3A_146] : memref<240x64xf32, #tpu.memory_space<vmem>> -> memref<160x64xf32, #tpu.memory_space<vmem>>
      %dma_wait3A_148 = arith.constant 0 : i32
      %dma_wait3A_149 = tpu.memref_slice %arg24[%add3A_90, %dma_wait3A_148] : memref<10240x64xf32, #tpu.memory_space<vmem_shared>> -> memref<160x64xf32, #tpu.memory_space<vmem_shared>>
      %dma_wait3A_150 = arith.constant 0 : i32
      %dma_wait3A_151 = tpu.memref_slice %arg24[%add3A_90, %dma_wait3A_150] : memref<10240x64xf32, #tpu.memory_space<vmem_shared>> -> memref<160x64xf32, #tpu.memory_space<vmem_shared>>
      %dma_wait3A_152 = arith.constant 0 : i32
      %dma_wait3A_153 = arith.constant 0 : i32
      %dma_wait3A_154 = tpu.memref_slice %arg17[%dma_wait3A_152, %dma_wait3A_153] : memref<240x64xf32, #tpu.memory_space<vmem>> -> memref<160x64xf32, #tpu.memory_space<vmem>>
      tpu.wait_dma2 semaphore(%run_scoped3A : memref<!tpu.dma_semaphore, #tpu.memory_space<semaphore_mem>>) src(%dma_wait3A_154 : memref<160x64xf32, #tpu.memory_space<vmem>>) dst(%dma_wait3A_151 : memref<160x64xf32, #tpu.memory_space<vmem_shared>>)
      tpu.yield
    }) : () -> ()
    "tpu.region"() ({
      %run_scoped3A = tpu.sem_alloc : memref<!tpu.dma_semaphore, #tpu.memory_space<semaphore_mem>>
      %dma_start3A_135 = tpu.memref_slice %arg25[%multiple_of3A] : memref<10240xf32, #tpu.memory_space<vmem_shared>> -> memref<640xf32, #tpu.memory_space<vmem_shared>>
      %dma_start3A_136 = tpu.memref_slice %arg25[%multiple_of3A] : memref<10240xf32, #tpu.memory_space<vmem_shared>> -> memref<640xf32, #tpu.memory_space<vmem_shared>>
      tpu.enqueue_dma source(%arg23 : memref<640xf32, #tpu.memory_space<vmem>>) target(%dma_start3A_136 : memref<640xf32, #tpu.memory_space<vmem_shared>>) target_semaphore(%run_scoped3A : memref<!tpu.dma_semaphore, #tpu.memory_space<semaphore_mem>>)
      %dma_wait3A_137 = tpu.memref_slice %arg25[%multiple_of3A] : memref<10240xf32, #tpu.memory_space<vmem_shared>> -> memref<640xf32, #tpu.memory_space<vmem_shared>>
      %dma_wait3A_138 = tpu.memref_slice %arg25[%multiple_of3A] : memref<10240xf32, #tpu.memory_space<vmem_shared>> -> memref<640xf32, #tpu.memory_space<vmem_shared>>
      tpu.wait_dma2 semaphore(%run_scoped3A : memref<!tpu.dma_semaphore, #tpu.memory_space<semaphore_mem>>) src(%arg23 : memref<640xf32, #tpu.memory_space<vmem>>) dst(%dma_wait3A_138 : memref<640xf32, #tpu.memory_space<vmem_shared>>)
      tpu.yield
    }) : () -> ()
    "tpu.region"() ({
      %run_scoped3A = tpu.sem_alloc : memref<!tpu.dma_semaphore, #tpu.memory_space<semaphore_mem>>
      tpu.enqueue_dma source(%arg3 : memref<10240xf32, #tpu.memory_space<hbm>>) target(%arg9 : memref<10240xf32, #tpu.memory_space<vmem>>) target_semaphore(%run_scoped3A : memref<!tpu.dma_semaphore, #tpu.memory_space<semaphore_mem>>)
      tpu.wait_dma2 semaphore(%run_scoped3A : memref<!tpu.dma_semaphore, #tpu.memory_space<semaphore_mem>>) src(%arg3 : memref<10240xf32, #tpu.memory_space<hbm>>) dst(%arg9 : memref<10240xf32, #tpu.memory_space<vmem>>)
      tpu.yield
    }) : () -> ()
    "tpu.region"() ({
      %run_scoped3A = tpu.sem_alloc : memref<!tpu.dma_semaphore, #tpu.memory_space<semaphore_mem>>
      tpu.enqueue_dma source(%arg4 : memref<10240xf32, #tpu.memory_space<hbm>>) target(%arg10 : memref<10240xf32, #tpu.memory_space<vmem>>) target_semaphore(%run_scoped3A : memref<!tpu.dma_semaphore, #tpu.memory_space<semaphore_mem>>)
      tpu.wait_dma2 semaphore(%run_scoped3A : memref<!tpu.dma_semaphore, #tpu.memory_space<semaphore_mem>>) src(%arg4 : memref<10240xf32, #tpu.memory_space<hbm>>) dst(%arg10 : memref<10240xf32, #tpu.memory_space<vmem>>)
      tpu.yield
    }) : () -> ()
    %barrier3A = arith.constant 0 : index
    tpu.barrier barrier_id(%barrier3A)
    %mul3A_91 = arith.constant 20880 : i32
    %mul3A_92 = arith.muli %arg1, %mul3A_91 : i32
    %multiple_of3A_93 = tpu.assume_multiple %mul3A_92, 8 : i32
    %add3A_94 = arith.constant 0 : i32
    %add3A_95 = arith.addi %multiple_of3A_93, %add3A_94 : i32
    %multiple_of3A_96 = tpu.assume_multiple %add3A_95, 8 : i32
    %dma_start3A = tpu.memref_slice %arg5[%multiple_of3A_96] : memref<334080xi32, #tpu.memory_space<hbm>> -> memref<240xi32, #tpu.memory_space<hbm>>
    %dma_start3A_97 = tpu.memref_slice %arg5[%multiple_of3A_96] : memref<334080xi32, #tpu.memory_space<hbm>> -> memref<240xi32, #tpu.memory_space<hbm>>
    tpu.enqueue_dma source(%dma_start3A_97 : memref<240xi32, #tpu.memory_space<hbm>>) target(%arg11 : memref<240xi32, #tpu.memory_space<vmem>>) target_semaphore(%arg35 : memref<!tpu.dma_semaphore, #tpu.memory_space<semaphore_mem>>)
    %dma_start3A_98 = tpu.memref_slice %arg6[%multiple_of3A_96] : memref<334080xi32, #tpu.memory_space<hbm>> -> memref<240xi32, #tpu.memory_space<hbm>>
    %dma_start3A_99 = tpu.memref_slice %arg6[%multiple_of3A_96] : memref<334080xi32, #tpu.memory_space<hbm>> -> memref<240xi32, #tpu.memory_space<hbm>>
    tpu.enqueue_dma source(%dma_start3A_99 : memref<240xi32, #tpu.memory_space<hbm>>) target(%arg14 : memref<240xi32, #tpu.memory_space<vmem>>) target_semaphore(%arg35 : memref<!tpu.dma_semaphore, #tpu.memory_space<semaphore_mem>>)
    %add3A_100 = arith.constant 240 : i32
    %add3A_101 = arith.addi %multiple_of3A_93, %add3A_100 : i32
    %multiple_of3A_102 = tpu.assume_multiple %add3A_101, 8 : i32
    %dma_start3A_103 = tpu.memref_slice %arg5[%multiple_of3A_102] : memref<334080xi32, #tpu.memory_space<hbm>> -> memref<240xi32, #tpu.memory_space<hbm>>
    %dma_start3A_104 = tpu.memref_slice %arg5[%multiple_of3A_102] : memref<334080xi32, #tpu.memory_space<hbm>> -> memref<240xi32, #tpu.memory_space<hbm>>
    tpu.enqueue_dma source(%dma_start3A_104 : memref<240xi32, #tpu.memory_space<hbm>>) target(%arg12 : memref<240xi32, #tpu.memory_space<vmem>>) target_semaphore(%arg36 : memref<!tpu.dma_semaphore, #tpu.memory_space<semaphore_mem>>)
    %dma_start3A_105 = tpu.memref_slice %arg6[%multiple_of3A_102] : memref<334080xi32, #tpu.memory_space<hbm>> -> memref<240xi32, #tpu.memory_space<hbm>>
    %dma_start3A_106 = tpu.memref_slice %arg6[%multiple_of3A_102] : memref<334080xi32, #tpu.memory_space<hbm>> -> memref<240xi32, #tpu.memory_space<hbm>>
    tpu.enqueue_dma source(%dma_start3A_106 : memref<240xi32, #tpu.memory_space<hbm>>) target(%arg15 : memref<240xi32, #tpu.memory_space<vmem>>) target_semaphore(%arg36 : memref<!tpu.dma_semaphore, #tpu.memory_space<semaphore_mem>>)
    %dma_wait3A = arith.constant 0 : i32
    %dma_wait3A_107 = tpu.memref_slice %arg5[%dma_wait3A] : memref<334080xi32, #tpu.memory_space<hbm>> -> memref<240xi32, #tpu.memory_space<hbm>>
    %dma_wait3A_108 = arith.constant 0 : i32
    %dma_wait3A_109 = tpu.memref_slice %arg5[%dma_wait3A_108] : memref<334080xi32, #tpu.memory_space<hbm>> -> memref<240xi32, #tpu.memory_space<hbm>>
    tpu.wait_dma2 semaphore(%arg35 : memref<!tpu.dma_semaphore, #tpu.memory_space<semaphore_mem>>) src(%dma_wait3A_109 : memref<240xi32, #tpu.memory_space<hbm>>) dst(%arg11 : memref<240xi32, #tpu.memory_space<vmem>>)
    %dma_wait3A_110 = arith.constant 0 : i32
    %dma_wait3A_111 = tpu.memref_slice %arg6[%dma_wait3A_110] : memref<334080xi32, #tpu.memory_space<hbm>> -> memref<240xi32, #tpu.memory_space<hbm>>
    %dma_wait3A_112 = arith.constant 0 : i32
    %dma_wait3A_113 = tpu.memref_slice %arg6[%dma_wait3A_112] : memref<334080xi32, #tpu.memory_space<hbm>> -> memref<240xi32, #tpu.memory_space<hbm>>
    tpu.wait_dma2 semaphore(%arg35 : memref<!tpu.dma_semaphore, #tpu.memory_space<semaphore_mem>>) src(%dma_wait3A_113 : memref<240xi32, #tpu.memory_space<hbm>>) dst(%arg14 : memref<240xi32, #tpu.memory_space<vmem>>)
    %dma_start3A_114 = arith.constant 0 : i32
    %dma_start3A_115 = arith.constant 0 : i32
    %dma_start3A_116 = tpu.memref_slice %arg2[%arg0, %dma_start3A_114, %dma_start3A_115] : memref<2x10240x64xf32, #tpu.memory_space<hbm>> -> memref<1x10240x64xf32, #tpu.memory_space<hbm>>
    %dma_start3A_117 = tpu.memref_squeeze %dma_start3A_116 : memref<1x10240x64xf32, #tpu.memory_space<hbm>> -> memref<10240x64xf32, #tpu.memory_space<hbm>>
    %dma_start3A_118 = arith.constant 0 : i32
    %dma_start3A_119 = arith.constant 0 : i32
    %dma_start3A_120 = tpu.memref_slice %dma_start3A_117[%dma_start3A_118, %dma_start3A_119] : memref<10240x64xf32, #tpu.memory_space<hbm>> -> memref<10240x64xf32, #tpu.memory_space<hbm>>
    tpu.enqueue_indirect_dma source(%dma_start3A_120 : memref<10240x64xf32, #tpu.memory_space<hbm>>) target(%arg17 : memref<240x64xf32, #tpu.memory_space<vmem>>) offsets(%arg11 : memref<240xi32, #tpu.memory_space<vmem>>) semaphore(%arg26 : memref<!tpu.dma_semaphore, #tpu.memory_space<semaphore_mem>>)
    %scan3A_121 = arith.constant 0 : i32
    %scan3A_122 = arith.constant 0 : i32
    %scan3A_123 = arith.constant 29 : i32
    %scan3A_124 = arith.addi %scan3A_122, %scan3A_123 : i32
    %scan3A_125 = arith.constant 1 : i32
    scf.for %scan3A_135 = %scan3A_122 to %scan3A_124 step %scan3A_125  : i32 {
      %mul3A_136 = arith.constant 3 : i32
      %mul3A_137 = arith.muli %scan3A_135, %mul3A_136 : i32
      %add3A_138 = arith.constant 0 : i32
      %add3A_139 = arith.addi %mul3A_137, %add3A_138 : i32
      %add3A_140 = arith.constant 1 : i32
      %add3A_141 = arith.addi %add3A_139, %add3A_140 : i32
      %lt3A = arith.constant 87 : i32
      %lt3A_142 = arith.cmpi slt, %add3A_141, %lt3A : i32
      %convert_element_type3A_143 = arith.extui %lt3A_142 : i1 to i32
      %cond3A_144 = arith.constant 0 : i32
      %cond3A_145 = arith.cmpi ne, %convert_element_type3A_143, %cond3A_144 : i32
      scf.if %cond3A_145 {
        %dma_wait3A_1018 = arith.constant 0 : i32
        %dma_wait3A_1019 = tpu.memref_slice %arg5[%dma_wait3A_1018] : memref<334080xi32, #tpu.memory_space<hbm>> -> memref<240xi32, #tpu.memory_space<hbm>>
        %dma_wait3A_1020 = arith.constant 0 : i32
        %dma_wait3A_1021 = tpu.memref_slice %arg5[%dma_wait3A_1020] : memref<334080xi32, #tpu.memory_space<hbm>> -> memref<240xi32, #tpu.memory_space<hbm>>
        tpu.wait_dma2 semaphore(%arg36 : memref<!tpu.dma_semaphore, #tpu.memory_space<semaphore_mem>>) src(%dma_wait3A_1021 : memref<240xi32, #tpu.memory_space<hbm>>) dst(%arg12 : memref<240xi32, #tpu.memory_space<vmem>>)
        %dma_wait3A_1022 = arith.constant 0 : i32
        %dma_wait3A_1023 = tpu.memref_slice %arg6[%dma_wait3A_1022] : memref<334080xi32, #tpu.memory_space<hbm>> -> memref<240xi32, #tpu.memory_space<hbm>>
        %dma_wait3A_1024 = arith.constant 0 : i32
        %dma_wait3A_1025 = tpu.memref_slice %arg6[%dma_wait3A_1024] : memref<334080xi32, #tpu.memory_space<hbm>> -> memref<240xi32, #tpu.memory_space<hbm>>
        tpu.wait_dma2 semaphore(%arg36 : memref<!tpu.dma_semaphore, #tpu.memory_space<semaphore_mem>>) src(%dma_wait3A_1025 : memref<240xi32, #tpu.memory_space<hbm>>) dst(%arg15 : memref<240xi32, #tpu.memory_space<vmem>>)
        %dma_start3A_1026 = arith.constant 0 : i32
        %dma_start3A_1027 = arith.constant 0 : i32
        %dma_start3A_1028 = tpu.memref_slice %arg2[%arg0, %dma_start3A_1026, %dma_start3A_1027] : memref<2x10240x64xf32, #tpu.memory_space<hbm>> -> memref<1x10240x64xf32, #tpu.memory_space<hbm>>
        %dma_start3A_1029 = tpu.memref_squeeze %dma_start3A_1028 : memref<1x10240x64xf32, #tpu.memory_space<hbm>> -> memref<10240x64xf32, #tpu.memory_space<hbm>>
        %dma_start3A_1030 = arith.constant 0 : i32
        %dma_start3A_1031 = arith.constant 0 : i32
        %dma_start3A_1032 = tpu.memref_slice %dma_start3A_1029[%dma_start3A_1030, %dma_start3A_1031] : memref<10240x64xf32, #tpu.memory_space<hbm>> -> memref<10240x64xf32, #tpu.memory_space<hbm>>
        tpu.enqueue_indirect_dma source(%dma_start3A_1032 : memref<10240x64xf32, #tpu.memory_space<hbm>>) target(%arg18 : memref<240x64xf32, #tpu.memory_space<vmem>>) offsets(%arg12 : memref<240xi32, #tpu.memory_space<vmem>>) semaphore(%arg27 : memref<!tpu.dma_semaphore, #tpu.memory_space<semaphore_mem>>)
      } else {
      }
      %dma_wait3A_146 = arith.constant 0 : i32
      %dma_wait3A_147 = arith.constant 0 : i32
      %dma_wait3A_148 = tpu.memref_slice %arg2[%arg0, %dma_wait3A_146, %dma_wait3A_147] : memref<2x10240x64xf32, #tpu.memory_space<hbm>> -> memref<1x10240x64xf32, #tpu.memory_space<hbm>>
      %dma_wait3A_149 = tpu.memref_squeeze %dma_wait3A_148 : memref<1x10240x64xf32, #tpu.memory_space<hbm>> -> memref<10240x64xf32, #tpu.memory_space<hbm>>
      %dma_wait3A_150 = arith.constant 0 : i32
      %dma_wait3A_151 = arith.constant 0 : i32
      %dma_wait3A_152 = tpu.memref_slice %dma_wait3A_149[%dma_wait3A_150, %dma_wait3A_151] : memref<10240x64xf32, #tpu.memory_space<hbm>> -> memref<10240x64xf32, #tpu.memory_space<hbm>>
      tpu.wait_indirect_dma semaphore(%arg26 : memref<!tpu.dma_semaphore, #tpu.memory_space<semaphore_mem>>) src(%dma_wait3A_152 : memref<10240x64xf32, #tpu.memory_space<hbm>>) dst(%arg17 : memref<240x64xf32, #tpu.memory_space<vmem>>)
      %get3A = arith.constant 0 : index
      %get3A_153 = tpu.vector_load %arg11[%get3A] {strides = array<i32>} : memref<240xi32, #tpu.memory_space<vmem>>, vector<16xi32>,
      %get3A_154 = arith.constant 0 : index
      %get3A_155 = tpu.vector_load %arg14[%get3A_154] {strides = array<i32>} : memref<240xi32, #tpu.memory_space<vmem>>, vector<16xi32>,
      %gather3A = tpu.vector_load_idx %arg9[%get3A_153] : memref<10240xf32, #tpu.memory_space<vmem>>[vector<16xi32>], vector<16xf32>,
      %gather3A_156 = tpu.vector_load_idx %arg10[%get3A_155] : memref<10240xf32, #tpu.memory_space<vmem>>[vector<16xi32>], vector<16xf32>,
      %add3A_157 = arith.addf %gather3A, %gather3A_156 : vector<16xf32>
      %ge3A = arith.constant 0.000000e+00 : f32
      %ge3A_158 = vector.broadcast %ge3A : f32 to vector<16xf32>
      %ge3A_159 = arith.cmpf oge, %add3A_157, %ge3A_158 : vector<16xf32>
      %mul3A_160 = arith.constant 2.000000e-01 : f32
      %mul3A_161 = vector.broadcast %mul3A_160 : f32 to vector<16xf32>
      %mul3A_162 = arith.mulf %add3A_157, %mul3A_161 : vector<16xf32>
      %select_n3A = arith.select %ge3A_159, %add3A_157, %mul3A_162 : vector<16xi1>, vector<16xf32>
      %exp3A = math.exp %select_n3A : vector<16xf32>
      %swap3A_163 = arith.constant 0 : index
      %swap3A_164 = tpu.vector_load %arg20[%swap3A_163] {strides = array<i32>} : memref<240xf32, #tpu.memory_space<vmem>>, vector<16xf32>,
      tpu.vector_store %arg20[%swap3A_163], %exp3A {strides = array<i32>} : memref<240xf32, #tpu.memory_space<vmem>>, vector<16xf32>,
      %get3A_165 = arith.constant 16 : index
      %get3A_166 = tpu.vector_load %arg11[%get3A_165] {strides = array<i32>} : memref<240xi32, #tpu.memory_space<vmem>>, vector<16xi32>,
      %get3A_167 = arith.constant 16 : index
      %get3A_168 = tpu.vector_load %arg14[%get3A_167] {strides = array<i32>} : memref<240xi32, #tpu.memory_space<vmem>>, vector<16xi32>,
      %gather3A_169 = tpu.vector_load_idx %arg9[%get3A_166] : memref<10240xf32, #tpu.memory_space<vmem>>[vector<16xi32>], vector<16xf32>,
      %gather3A_170 = tpu.vector_load_idx %arg10[%get3A_168] : memref<10240xf32, #tpu.memory_space<vmem>>[vector<16xi32>], vector<16xf32>,
      %add3A_171 = arith.addf %gather3A_169, %gather3A_170 : vector<16xf32>
      %ge3A_172 = arith.constant 0.000000e+00 : f32
      %ge3A_173 = vector.broadcast %ge3A_172 : f32 to vector<16xf32>
      %ge3A_174 = arith.cmpf oge, %add3A_171, %ge3A_173 : vector<16xf32>
      %mul3A_175 = arith.constant 2.000000e-01 : f32
      %mul3A_176 = vector.broadcast %mul3A_175 : f32 to vector<16xf32>
      %mul3A_177 = arith.mulf %add3A_171, %mul3A_176 : vector<16xf32>
      %select_n3A_178 = arith.select %ge3A_174, %add3A_171, %mul3A_177 : vector<16xi1>, vector<16xf32>
      %exp3A_179 = math.exp %select_n3A_178 : vector<16xf32>
      %swap3A_180 = arith.constant 16 : index
      %swap3A_181 = tpu.vector_load %arg20[%swap3A_180] {strides = array<i32>} : memref<240xf32, #tpu.memory_space<vmem>>, vector<16xf32>,
      tpu.vector_store %arg20[%swap3A_180], %exp3A_179 {strides = array<i32>} : memref<240xf32, #tpu.memory_space<vmem>>, vector<16xf32>,
      %get3A_182 = arith.constant 32 : index
      %get3A_183 = tpu.vector_load %arg11[%get3A_182] {strides = array<i32>} : memref<240xi32, #tpu.memory_space<vmem>>, vector<16xi32>,
      %get3A_184 = arith.constant 32 : index
      %get3A_185 = tpu.vector_load %arg14[%get3A_184] {strides = array<i32>} : memref<240xi32, #tpu.memory_space<vmem>>, vector<16xi32>,
      %gather3A_186 = tpu.vector_load_idx %arg9[%get3A_183] : memref<10240xf32, #tpu.memory_space<vmem>>[vector<16xi32>], vector<16xf32>,
      %gather3A_187 = tpu.vector_load_idx %arg10[%get3A_185] : memref<10240xf32, #tpu.memory_space<vmem>>[vector<16xi32>], vector<16xf32>,
      %add3A_188 = arith.addf %gather3A_186, %gather3A_187 : vector<16xf32>
      %ge3A_189 = arith.constant 0.000000e+00 : f32
      %ge3A_190 = vector.broadcast %ge3A_189 : f32 to vector<16xf32>
      %ge3A_191 = arith.cmpf oge, %add3A_188, %ge3A_190 : vector<16xf32>
      %mul3A_192 = arith.constant 2.000000e-01 : f32
      %mul3A_193 = vector.broadcast %mul3A_192 : f32 to vector<16xf32>
      %mul3A_194 = arith.mulf %add3A_188, %mul3A_193 : vector<16xf32>
      %select_n3A_195 = arith.select %ge3A_191, %add3A_188, %mul3A_194 : vector<16xi1>, vector<16xf32>
      %exp3A_196 = math.exp %select_n3A_195 : vector<16xf32>
      %swap3A_197 = arith.constant 32 : index
      %swap3A_198 = tpu.vector_load %arg20[%swap3A_197] {strides = array<i32>} : memref<240xf32, #tpu.memory_space<vmem>>, vector<16xf32>,
      tpu.vector_store %arg20[%swap3A_197], %exp3A_196 {strides = array<i32>} : memref<240xf32, #tpu.memory_space<vmem>>, vector<16xf32>,
      %get3A_199 = arith.constant 48 : index
      %get3A_200 = tpu.vector_load %arg11[%get3A_199] {strides = array<i32>} : memref<240xi32, #tpu.memory_space<vmem>>, vector<16xi32>,
      %get3A_201 = arith.constant 48 : index
      %get3A_202 = tpu.vector_load %arg14[%get3A_201] {strides = array<i32>} : memref<240xi32, #tpu.memory_space<vmem>>, vector<16xi32>,
      %gather3A_203 = tpu.vector_load_idx %arg9[%get3A_200] : memref<10240xf32, #tpu.memory_space<vmem>>[vector<16xi32>], vector<16xf32>,
      %gather3A_204 = tpu.vector_load_idx %arg10[%get3A_202] : memref<10240xf32, #tpu.memory_space<vmem>>[vector<16xi32>], vector<16xf32>,
      %add3A_205 = arith.addf %gather3A_203, %gather3A_204 : vector<16xf32>
      %ge3A_206 = arith.constant 0.000000e+00 : f32
      %ge3A_207 = vector.broadcast %ge3A_206 : f32 to vector<16xf32>
      %ge3A_208 = arith.cmpf oge, %add3A_205, %ge3A_207 : vector<16xf32>
      %mul3A_209 = arith.constant 2.000000e-01 : f32
      %mul3A_210 = vector.broadcast %mul3A_209 : f32 to vector<16xf32>
      %mul3A_211 = arith.mulf %add3A_205, %mul3A_210 : vector<16xf32>
      %select_n3A_212 = arith.select %ge3A_208, %add3A_205, %mul3A_211 : vector<16xi1>, vector<16xf32>
      %exp3A_213 = math.exp %select_n3A_212 : vector<16xf32>
      %swap3A_214 = arith.constant 48 : index
      %swap3A_215 = tpu.vector_load %arg20[%swap3A_214] {strides = array<i32>} : memref<240xf32, #tpu.memory_space<vmem>>, vector<16xf32>,
      tpu.vector_store %arg20[%swap3A_214], %exp3A_213 {strides = array<i32>} : memref<240xf32, #tpu.memory_space<vmem>>, vector<16xf32>,
      %get3A_216 = arith.constant 64 : index
      %get3A_217 = tpu.vector_load %arg11[%get3A_216] {strides = array<i32>} : memref<240xi32, #tpu.memory_space<vmem>>, vector<16xi32>,
      %get3A_218 = arith.constant 64 : index
      %get3A_219 = tpu.vector_load %arg14[%get3A_218] {strides = array<i32>} : memref<240xi32, #tpu.memory_space<vmem>>, vector<16xi32>,
      %gather3A_220 = tpu.vector_load_idx %arg9[%get3A_217] : memref<10240xf32, #tpu.memory_space<vmem>>[vector<16xi32>], vector<16xf32>,
      %gather3A_221 = tpu.vector_load_idx %arg10[%get3A_219] : memref<10240xf32, #tpu.memory_space<vmem>>[vector<16xi32>], vector<16xf32>,
      %add3A_222 = arith.addf %gather3A_220, %gather3A_221 : vector<16xf32>
      %ge3A_223 = arith.constant 0.000000e+00 : f32
      %ge3A_224 = vector.broadcast %ge3A_223 : f32 to vector<16xf32>
      %ge3A_225 = arith.cmpf oge, %add3A_222, %ge3A_224 : vector<16xf32>
      %mul3A_226 = arith.constant 2.000000e-01 : f32
      %mul3A_227 = vector.broadcast %mul3A_226 : f32 to vector<16xf32>
      %mul3A_228 = arith.mulf %add3A_222, %mul3A_227 : vector<16xf32>
      %select_n3A_229 = arith.select %ge3A_225, %add3A_222, %mul3A_228 : vector<16xi1>, vector<16xf32>
      %exp3A_230 = math.exp %select_n3A_229 : vector<16xf32>
      %swap3A_231 = arith.constant 64 : index
      %swap3A_232 = tpu.vector_load %arg20[%swap3A_231] {strides = array<i32>} : memref<240xf32, #tpu.memory_space<vmem>>, vector<16xf32>,
      tpu.vector_store %arg20[%swap3A_231], %exp3A_230 {strides = array<i32>} : memref<240xf32, #tpu.memory_space<vmem>>, vector<16xf32>,
      %get3A_233 = arith.constant 80 : index
      %get3A_234 = tpu.vector_load %arg11[%get3A_233] {strides = array<i32>} : memref<240xi32, #tpu.memory_space<vmem>>, vector<16xi32>,
      %get3A_235 = arith.constant 80 : index
      %get3A_236 = tpu.vector_load %arg14[%get3A_235] {strides = array<i32>} : memref<240xi32, #tpu.memory_space<vmem>>, vector<16xi32>,
      %gather3A_237 = tpu.vector_load_idx %arg9[%get3A_234] : memref<10240xf32, #tpu.memory_space<vmem>>[vector<16xi32>], vector<16xf32>,
      %gather3A_238 = tpu.vector_load_idx %arg10[%get3A_236] : memref<10240xf32, #tpu.memory_space<vmem>>[vector<16xi32>], vector<16xf32>,
      %add3A_239 = arith.addf %gather3A_237, %gather3A_238 : vector<16xf32>
      %ge3A_240 = arith.constant 0.000000e+00 : f32
      %ge3A_241 = vector.broadcast %ge3A_240 : f32 to vector<16xf32>
      %ge3A_242 = arith.cmpf oge, %add3A_239, %ge3A_241 : vector<16xf32>
      %mul3A_243 = arith.constant 2.000000e-01 : f32
      %mul3A_244 = vector.broadcast %mul3A_243 : f32 to vector<16xf32>
      %mul3A_245 = arith.mulf %add3A_239, %mul3A_244 : vector<16xf32>
      %select_n3A_246 = arith.select %ge3A_242, %add3A_239, %mul3A_245 : vector<16xi1>, vector<16xf32>
      %exp3A_247 = math.exp %select_n3A_246 : vector<16xf32>
      %swap3A_248 = arith.constant 80 : index
      %swap3A_249 = tpu.vector_load %arg20[%swap3A_248] {strides = array<i32>} : memref<240xf32, #tpu.memory_space<vmem>>, vector<16xf32>,
      tpu.vector_store %arg20[%swap3A_248], %exp3A_247 {strides = array<i32>} : memref<240xf32, #tpu.memory_space<vmem>>, vector<16xf32>,
      %get3A_250 = arith.constant 96 : index
      %get3A_251 = tpu.vector_load %arg11[%get3A_250] {strides = array<i32>} : memref<240xi32, #tpu.memory_space<vmem>>, vector<16xi32>,
      %get3A_252 = arith.constant 96 : index
      %get3A_253 = tpu.vector_load %arg14[%get3A_252] {strides = array<i32>} : memref<240xi32, #tpu.memory_space<vmem>>, vector<16xi32>,
      %gather3A_254 = tpu.vector_load_idx %arg9[%get3A_251] : memref<10240xf32, #tpu.memory_space<vmem>>[vector<16xi32>], vector<16xf32>,
      %gather3A_255 = tpu.vector_load_idx %arg10[%get3A_253] : memref<10240xf32, #tpu.memory_space<vmem>>[vector<16xi32>], vector<16xf32>,
      %add3A_256 = arith.addf %gather3A_254, %gather3A_255 : vector<16xf32>
      %ge3A_257 = arith.constant 0.000000e+00 : f32
      %ge3A_258 = vector.broadcast %ge3A_257 : f32 to vector<16xf32>
      %ge3A_259 = arith.cmpf oge, %add3A_256, %ge3A_258 : vector<16xf32>
      %mul3A_260 = arith.constant 2.000000e-01 : f32
      %mul3A_261 = vector.broadcast %mul3A_260 : f32 to vector<16xf32>
      %mul3A_262 = arith.mulf %add3A_256, %mul3A_261 : vector<16xf32>
      %select_n3A_263 = arith.select %ge3A_259, %add3A_256, %mul3A_262 : vector<16xi1>, vector<16xf32>
      %exp3A_264 = math.exp %select_n3A_263 : vector<16xf32>
      %swap3A_265 = arith.constant 96 : index
      %swap3A_266 = tpu.vector_load %arg20[%swap3A_265] {strides = array<i32>} : memref<240xf32, #tpu.memory_space<vmem>>, vector<16xf32>,
      tpu.vector_store %arg20[%swap3A_265], %exp3A_264 {strides = array<i32>} : memref<240xf32, #tpu.memory_space<vmem>>, vector<16xf32>,
      %get3A_267 = arith.constant 112 : index
      %get3A_268 = tpu.vector_load %arg11[%get3A_267] {strides = array<i32>} : memref<240xi32, #tpu.memory_space<vmem>>, vector<16xi32>,
      %get3A_269 = arith.constant 112 : index
      %get3A_270 = tpu.vector_load %arg14[%get3A_269] {strides = array<i32>} : memref<240xi32, #tpu.memory_space<vmem>>, vector<16xi32>,
      %gather3A_271 = tpu.vector_load_idx %arg9[%get3A_268] : memref<10240xf32, #tpu.memory_space<vmem>>[vector<16xi32>], vector<16xf32>,
      %gather3A_272 = tpu.vector_load_idx %arg10[%get3A_270] : memref<10240xf32, #tpu.memory_space<vmem>>[vector<16xi32>], vector<16xf32>,
      %add3A_273 = arith.addf %gather3A_271, %gather3A_272 : vector<16xf32>
      %ge3A_274 = arith.constant 0.000000e+00 : f32
      %ge3A_275 = vector.broadcast %ge3A_274 : f32 to vector<16xf32>
      %ge3A_276 = arith.cmpf oge, %add3A_273, %ge3A_275 : vector<16xf32>
      %mul3A_277 = arith.constant 2.000000e-01 : f32
      %mul3A_278 = vector.broadcast %mul3A_277 : f32 to vector<16xf32>
      %mul3A_279 = arith.mulf %add3A_273, %mul3A_278 : vector<16xf32>
      %select_n3A_280 = arith.select %ge3A_276, %add3A_273, %mul3A_279 : vector<16xi1>, vector<16xf32>
      %exp3A_281 = math.exp %select_n3A_280 : vector<16xf32>
      %swap3A_282 = arith.constant 112 : index
      %swap3A_283 = tpu.vector_load %arg20[%swap3A_282] {strides = array<i32>} : memref<240xf32, #tpu.memory_space<vmem>>, vector<16xf32>,
      tpu.vector_store %arg20[%swap3A_282], %exp3A_281 {strides = array<i32>} : memref<240xf32, #tpu.memory_space<vmem>>, vector<16xf32>,
      %get3A_284 = arith.constant 128 : index
      %get3A_285 = tpu.vector_load %arg11[%get3A_284] {strides = array<i32>} : memref<240xi32, #tpu.memory_space<vmem>>, vector<16xi32>,
      %get3A_286 = arith.constant 128 : index
      %get3A_287 = tpu.vector_load %arg14[%get3A_286] {strides = array<i32>} : memref<240xi32, #tpu.memory_space<vmem>>, vector<16xi32>,
      %gather3A_288 = tpu.vector_load_idx %arg9[%get3A_285] : memref<10240xf32, #tpu.memory_space<vmem>>[vector<16xi32>], vector<16xf32>,
      %gather3A_289 = tpu.vector_load_idx %arg10[%get3A_287] : memref<10240xf32, #tpu.memory_space<vmem>>[vector<16xi32>], vector<16xf32>,
      %add3A_290 = arith.addf %gather3A_288, %gather3A_289 : vector<16xf32>
      %ge3A_291 = arith.constant 0.000000e+00 : f32
      %ge3A_292 = vector.broadcast %ge3A_291 : f32 to vector<16xf32>
      %ge3A_293 = arith.cmpf oge, %add3A_290, %ge3A_292 : vector<16xf32>
      %mul3A_294 = arith.constant 2.000000e-01 : f32
      %mul3A_295 = vector.broadcast %mul3A_294 : f32 to vector<16xf32>
      %mul3A_296 = arith.mulf %add3A_290, %mul3A_295 : vector<16xf32>
      %select_n3A_297 = arith.select %ge3A_293, %add3A_290, %mul3A_296 : vector<16xi1>, vector<16xf32>
      %exp3A_298 = math.exp %select_n3A_297 : vector<16xf32>
      %swap3A_299 = arith.constant 128 : index
      %swap3A_300 = tpu.vector_load %arg20[%swap3A_299] {strides = array<i32>} : memref<240xf32, #tpu.memory_space<vmem>>, vector<16xf32>,
      tpu.vector_store %arg20[%swap3A_299], %exp3A_298 {strides = array<i32>} : memref<240xf32, #tpu.memory_space<vmem>>, vector<16xf32>,
      %get3A_301 = arith.constant 144 : index
      %get3A_302 = tpu.vector_load %arg11[%get3A_301] {strides = array<i32>} : memref<240xi32, #tpu.memory_space<vmem>>, vector<16xi32>,
      %get3A_303 = arith.constant 144 : index
      %get3A_304 = tpu.vector_load %arg14[%get3A_303] {strides = array<i32>} : memref<240xi32, #tpu.memory_space<vmem>>, vector<16xi32>,
      %gather3A_305 = tpu.vector_load_idx %arg9[%get3A_302] : memref<10240xf32, #tpu.memory_space<vmem>>[vector<16xi32>], vector<16xf32>,
      %gather3A_306 = tpu.vector_load_idx %arg10[%get3A_304] : memref<10240xf32, #tpu.memory_space<vmem>>[vector<16xi32>], vector<16xf32>,
      %add3A_307 = arith.addf %gather3A_305, %gather3A_306 : vector<16xf32>
      %ge3A_308 = arith.constant 0.000000e+00 : f32
      %ge3A_309 = vector.broadcast %ge3A_308 : f32 to vector<16xf32>
      %ge3A_310 = arith.cmpf oge, %add3A_307, %ge3A_309 : vector<16xf32>
      %mul3A_311 = arith.constant 2.000000e-01 : f32
      %mul3A_312 = vector.broadcast %mul3A_311 : f32 to vector<16xf32>
      %mul3A_313 = arith.mulf %add3A_307, %mul3A_312 : vector<16xf32>
      %select_n3A_314 = arith.select %ge3A_310, %add3A_307, %mul3A_313 : vector<16xi1>, vector<16xf32>
      %exp3A_315 = math.exp %select_n3A_314 : vector<16xf32>
      %swap3A_316 = arith.constant 144 : index
      %swap3A_317 = tpu.vector_load %arg20[%swap3A_316] {strides = array<i32>} : memref<240xf32, #tpu.memory_space<vmem>>, vector<16xf32>,
      tpu.vector_store %arg20[%swap3A_316], %exp3A_315 {strides = array<i32>} : memref<240xf32, #tpu.memory_space<vmem>>, vector<16xf32>,
      %get3A_318 = arith.constant 160 : index
      %get3A_319 = tpu.vector_load %arg11[%get3A_318] {strides = array<i32>} : memref<240xi32, #tpu.memory_space<vmem>>, vector<16xi32>,
      %get3A_320 = arith.constant 160 : index
      %get3A_321 = tpu.vector_load %arg14[%get3A_320] {strides = array<i32>} : memref<240xi32, #tpu.memory_space<vmem>>, vector<16xi32>,
      %gather3A_322 = tpu.vector_load_idx %arg9[%get3A_319] : memref<10240xf32, #tpu.memory_space<vmem>>[vector<16xi32>], vector<16xf32>,
      %gather3A_323 = tpu.vector_load_idx %arg10[%get3A_321] : memref<10240xf32, #tpu.memory_space<vmem>>[vector<16xi32>], vector<16xf32>,
      %add3A_324 = arith.addf %gather3A_322, %gather3A_323 : vector<16xf32>
      %ge3A_325 = arith.constant 0.000000e+00 : f32
      %ge3A_326 = vector.broadcast %ge3A_325 : f32 to vector<16xf32>
      %ge3A_327 = arith.cmpf oge, %add3A_324, %ge3A_326 : vector<16xf32>
      %mul3A_328 = arith.constant 2.000000e-01 : f32
      %mul3A_329 = vector.broadcast %mul3A_328 : f32 to vector<16xf32>
      %mul3A_330 = arith.mulf %add3A_324, %mul3A_329 : vector<16xf32>
      %select_n3A_331 = arith.select %ge3A_327, %add3A_324, %mul3A_330 : vector<16xi1>, vector<16xf32>
      %exp3A_332 = math.exp %select_n3A_331 : vector<16xf32>
      %swap3A_333 = arith.constant 160 : index
      %swap3A_334 = tpu.vector_load %arg20[%swap3A_333] {strides = array<i32>} : memref<240xf32, #tpu.memory_space<vmem>>, vector<16xf32>,
      tpu.vector_store %arg20[%swap3A_333], %exp3A_332 {strides = array<i32>} : memref<240xf32, #tpu.memory_space<vmem>>, vector<16xf32>,
      %get3A_335 = arith.constant 176 : index
      %get3A_336 = tpu.vector_load %arg11[%get3A_335] {strides = array<i32>} : memref<240xi32, #tpu.memory_space<vmem>>, vector<16xi32>,
      %get3A_337 = arith.constant 176 : index
      %get3A_338 = tpu.vector_load %arg14[%get3A_337] {strides = array<i32>} : memref<240xi32, #tpu.memory_space<vmem>>, vector<16xi32>,
      %gather3A_339 = tpu.vector_load_idx %arg9[%get3A_336] : memref<10240xf32, #tpu.memory_space<vmem>>[vector<16xi32>], vector<16xf32>,
      %gather3A_340 = tpu.vector_load_idx %arg10[%get3A_338] : memref<10240xf32, #tpu.memory_space<vmem>>[vector<16xi32>], vector<16xf32>,
      %add3A_341 = arith.addf %gather3A_339, %gather3A_340 : vector<16xf32>
      %ge3A_342 = arith.constant 0.000000e+00 : f32
      %ge3A_343 = vector.broadcast %ge3A_342 : f32 to vector<16xf32>
      %ge3A_344 = arith.cmpf oge, %add3A_341, %ge3A_343 : vector<16xf32>
      %mul3A_345 = arith.constant 2.000000e-01 : f32
      %mul3A_346 = vector.broadcast %mul3A_345 : f32 to vector<16xf32>
      %mul3A_347 = arith.mulf %add3A_341, %mul3A_346 : vector<16xf32>
      %select_n3A_348 = arith.select %ge3A_344, %add3A_341, %mul3A_347 : vector<16xi1>, vector<16xf32>
      %exp3A_349 = math.exp %select_n3A_348 : vector<16xf32>
      %swap3A_350 = arith.constant 176 : index
      %swap3A_351 = tpu.vector_load %arg20[%swap3A_350] {strides = array<i32>} : memref<240xf32, #tpu.memory_space<vmem>>, vector<16xf32>,
      tpu.vector_store %arg20[%swap3A_350], %exp3A_349 {strides = array<i32>} : memref<240xf32, #tpu.memory_space<vmem>>, vector<16xf32>,
      %get3A_352 = arith.constant 192 : index
      %get3A_353 = tpu.vector_load %arg11[%get3A_352] {strides = array<i32>} : memref<240xi32, #tpu.memory_space<vmem>>, vector<16xi32>,
      %get3A_354 = arith.constant 192 : index
      %get3A_355 = tpu.vector_load %arg14[%get3A_354] {strides = array<i32>} : memref<240xi32, #tpu.memory_space<vmem>>, vector<16xi32>,
      %gather3A_356 = tpu.vector_load_idx %arg9[%get3A_353] : memref<10240xf32, #tpu.memory_space<vmem>>[vector<16xi32>], vector<16xf32>,
      %gather3A_357 = tpu.vector_load_idx %arg10[%get3A_355] : memref<10240xf32, #tpu.memory_space<vmem>>[vector<16xi32>], vector<16xf32>,
      %add3A_358 = arith.addf %gather3A_356, %gather3A_357 : vector<16xf32>
      %ge3A_359 = arith.constant 0.000000e+00 : f32
      %ge3A_360 = vector.broadcast %ge3A_359 : f32 to vector<16xf32>
      %ge3A_361 = arith.cmpf oge, %add3A_358, %ge3A_360 : vector<16xf32>
      %mul3A_362 = arith.constant 2.000000e-01 : f32
      %mul3A_363 = vector.broadcast %mul3A_362 : f32 to vector<16xf32>
      %mul3A_364 = arith.mulf %add3A_358, %mul3A_363 : vector<16xf32>
      %select_n3A_365 = arith.select %ge3A_361, %add3A_358, %mul3A_364 : vector<16xi1>, vector<16xf32>
      %exp3A_366 = math.exp %select_n3A_365 : vector<16xf32>
      %swap3A_367 = arith.constant 192 : index
      %swap3A_368 = tpu.vector_load %arg20[%swap3A_367] {strides = array<i32>} : memref<240xf32, #tpu.memory_space<vmem>>, vector<16xf32>,
      tpu.vector_store %arg20[%swap3A_367], %exp3A_366 {strides = array<i32>} : memref<240xf32, #tpu.memory_space<vmem>>, vector<16xf32>,
      %get3A_369 = arith.constant 208 : index
      %get3A_370 = tpu.vector_load %arg11[%get3A_369] {strides = array<i32>} : memref<240xi32, #tpu.memory_space<vmem>>, vector<16xi32>,
      %get3A_371 = arith.constant 208 : index
      %get3A_372 = tpu.vector_load %arg14[%get3A_371] {strides = array<i32>} : memref<240xi32, #tpu.memory_space<vmem>>, vector<16xi32>,
      %gather3A_373 = tpu.vector_load_idx %arg9[%get3A_370] : memref<10240xf32, #tpu.memory_space<vmem>>[vector<16xi32>], vector<16xf32>,
      %gather3A_374 = tpu.vector_load_idx %arg10[%get3A_372] : memref<10240xf32, #tpu.memory_space<vmem>>[vector<16xi32>], vector<16xf32>,
      %add3A_375 = arith.addf %gather3A_373, %gather3A_374 : vector<16xf32>
      %ge3A_376 = arith.constant 0.000000e+00 : f32
      %ge3A_377 = vector.broadcast %ge3A_376 : f32 to vector<16xf32>
      %ge3A_378 = arith.cmpf oge, %add3A_375, %ge3A_377 : vector<16xf32>
      %mul3A_379 = arith.constant 2.000000e-01 : f32
      %mul3A_380 = vector.broadcast %mul3A_379 : f32 to vector<16xf32>
      %mul3A_381 = arith.mulf %add3A_375, %mul3A_380 : vector<16xf32>
      %select_n3A_382 = arith.select %ge3A_378, %add3A_375, %mul3A_381 : vector<16xi1>, vector<16xf32>
      %exp3A_383 = math.exp %select_n3A_382 : vector<16xf32>
      %swap3A_384 = arith.constant 208 : index
      %swap3A_385 = tpu.vector_load %arg20[%swap3A_384] {strides = array<i32>} : memref<240xf32, #tpu.memory_space<vmem>>, vector<16xf32>,
      tpu.vector_store %arg20[%swap3A_384], %exp3A_383 {strides = array<i32>} : memref<240xf32, #tpu.memory_space<vmem>>, vector<16xf32>,
      %get3A_386 = arith.constant 224 : index
      %get3A_387 = tpu.vector_load %arg11[%get3A_386] {strides = array<i32>} : memref<240xi32, #tpu.memory_space<vmem>>, vector<16xi32>,
      %get3A_388 = arith.constant 224 : index
      %get3A_389 = tpu.vector_load %arg14[%get3A_388] {strides = array<i32>} : memref<240xi32, #tpu.memory_space<vmem>>, vector<16xi32>,
      %gather3A_390 = tpu.vector_load_idx %arg9[%get3A_387] : memref<10240xf32, #tpu.memory_space<vmem>>[vector<16xi32>], vector<16xf32>,
      %gather3A_391 = tpu.vector_load_idx %arg10[%get3A_389] : memref<10240xf32, #tpu.memory_space<vmem>>[vector<16xi32>], vector<16xf32>,
      %add3A_392 = arith.addf %gather3A_390, %gather3A_391 : vector<16xf32>
      %ge3A_393 = arith.constant 0.000000e+00 : f32
      %ge3A_394 = vector.broadcast %ge3A_393 : f32 to vector<16xf32>
      %ge3A_395 = arith.cmpf oge, %add3A_392, %ge3A_394 : vector<16xf32>
      %mul3A_396 = arith.constant 2.000000e-01 : f32
      %mul3A_397 = vector.broadcast %mul3A_396 : f32 to vector<16xf32>
      %mul3A_398 = arith.mulf %add3A_392, %mul3A_397 : vector<16xf32>
      %select_n3A_399 = arith.select %ge3A_395, %add3A_392, %mul3A_398 : vector<16xi1>, vector<16xf32>
      %exp3A_400 = math.exp %select_n3A_399 : vector<16xf32>
      %swap3A_401 = arith.constant 224 : index
      %swap3A_402 = tpu.vector_load %arg20[%swap3A_401] {strides = array<i32>} : memref<240xf32, #tpu.memory_space<vmem>>, vector<16xf32>,
      tpu.vector_store %arg20[%swap3A_401], %exp3A_400 {strides = array<i32>} : memref<240xf32, #tpu.memory_space<vmem>>, vector<16xf32>,
      %scan3A_403 = arith.constant 0 : i32
      %scan3A_404 = arith.constant 0 : i32
      %scan3A_405 = arith.constant 240 : i32
      %scan3A_406 = arith.addi %scan3A_404, %scan3A_405 : i32
      %scan3A_407 = arith.constant 1 : i32
      scf.for %scan3A_1018 = %scan3A_404 to %scan3A_406 step %scan3A_407  : i32 {
        %broadcast_in_dim3A_1019 = vector.broadcast %scan3A_1018 : i32 to vector<16xi32>
        %gather3A_1020 = tpu.vector_load_idx %arg20[%broadcast_in_dim3A_1019] : memref<240xf32, #tpu.memory_space<vmem>>[vector<16xi32>], vector<16xf32>,
        %get3A_1021 = arith.index_cast %scan3A_1018 : i32 to index
        %get3A_1022 = arith.constant 0 : index
        %get3A_1023 = tpu.vector_load %arg17[%get3A_1021, %get3A_1022] {strides = array<i32>} : memref<240x64xf32, #tpu.memory_space<vmem>>, vector<16xf32>,
        %mul3A_1024 = arith.mulf %get3A_1023, %gather3A_1020 : vector<16xf32>
        %swap3A_1025 = arith.index_cast %scan3A_1018 : i32 to index
        %swap3A_1026 = arith.constant 0 : index
        %swap3A_1027 = tpu.vector_load %arg17[%swap3A_1025, %swap3A_1026] {strides = array<i32>} : memref<240x64xf32, #tpu.memory_space<vmem>>, vector<16xf32>,
        tpu.vector_store %arg17[%swap3A_1025, %swap3A_1026], %mul3A_1024 {strides = array<i32>} : memref<240x64xf32, #tpu.memory_space<vmem>>, vector<16xf32>,
        %get3A_1028 = arith.index_cast %scan3A_1018 : i32 to index
        %get3A_1029 = arith.constant 16 : index
        %get3A_1030 = tpu.vector_load %arg17[%get3A_1028, %get3A_1029] {strides = array<i32>} : memref<240x64xf32, #tpu.memory_space<vmem>>, vector<16xf32>,
        %mul3A_1031 = arith.mulf %get3A_1030, %gather3A_1020 : vector<16xf32>
        %swap3A_1032 = arith.index_cast %scan3A_1018 : i32 to index
        %swap3A_1033 = arith.constant 16 : index
        %swap3A_1034 = tpu.vector_load %arg17[%swap3A_1032, %swap3A_1033] {strides = array<i32>} : memref<240x64xf32, #tpu.memory_space<vmem>>, vector<16xf32>,
        tpu.vector_store %arg17[%swap3A_1032, %swap3A_1033], %mul3A_1031 {strides = array<i32>} : memref<240x64xf32, #tpu.memory_space<vmem>>, vector<16xf32>,
        %get3A_1035 = arith.index_cast %scan3A_1018 : i32 to index
        %get3A_1036 = arith.constant 32 : index
        %get3A_1037 = tpu.vector_load %arg17[%get3A_1035, %get3A_1036] {strides = array<i32>} : memref<240x64xf32, #tpu.memory_space<vmem>>, vector<16xf32>,
        %mul3A_1038 = arith.mulf %get3A_1037, %gather3A_1020 : vector<16xf32>
        %swap3A_1039 = arith.index_cast %scan3A_1018 : i32 to index
        %swap3A_1040 = arith.constant 32 : index
        %swap3A_1041 = tpu.vector_load %arg17[%swap3A_1039, %swap3A_1040] {strides = array<i32>} : memref<240x64xf32, #tpu.memory_space<vmem>>, vector<16xf32>,
        tpu.vector_store %arg17[%swap3A_1039, %swap3A_1040], %mul3A_1038 {strides = array<i32>} : memref<240x64xf32, #tpu.memory_space<vmem>>, vector<16xf32>,
        %get3A_1042 = arith.index_cast %scan3A_1018 : i32 to index
        %get3A_1043 = arith.constant 48 : index
        %get3A_1044 = tpu.vector_load %arg17[%get3A_1042, %get3A_1043] {strides = array<i32>} : memref<240x64xf32, #tpu.memory_space<vmem>>, vector<16xf32>,
        %mul3A_1045 = arith.mulf %get3A_1044, %gather3A_1020 : vector<16xf32>
        %swap3A_1046 = arith.index_cast %scan3A_1018 : i32 to index
        %swap3A_1047 = arith.constant 48 : index
        %swap3A_1048 = tpu.vector_load %arg17[%swap3A_1046, %swap3A_1047] {strides = array<i32>} : memref<240x64xf32, #tpu.memory_space<vmem>>, vector<16xf32>,
        tpu.vector_store %arg17[%swap3A_1046, %swap3A_1047], %mul3A_1045 {strides = array<i32>} : memref<240x64xf32, #tpu.memory_space<vmem>>, vector<16xf32>,
      }
      %scan3A_408 = arith.constant 240 : i32
      %dma_start3A_409 = arith.constant 0 : i32
      %dma_start3A_410 = arith.constant 0 : i32
      %dma_start3A_411 = tpu.memref_slice %arg24[%dma_start3A_409, %dma_start3A_410] : memref<10240x64xf32, #tpu.memory_space<vmem_shared>> -> memref<10240x64xf32, #tpu.memory_space<vmem_shared>>
      tpu.enqueue_indirect_dma source(%arg17 : memref<240x64xf32, #tpu.memory_space<vmem>>) target(%dma_start3A_411 : memref<10240x64xf32, #tpu.memory_space<vmem_shared>>) offsets(%arg14 : memref<240xi32, #tpu.memory_space<vmem>>) semaphore(%arg29 : memref<!tpu.dma_semaphore, #tpu.memory_space<semaphore_mem>>) {add = true}
      %dma_start3A_412 = arith.constant 0 : i32
      %dma_start3A_413 = tpu.memref_slice %arg25[%dma_start3A_412] : memref<10240xf32, #tpu.memory_space<vmem_shared>> -> memref<10240xf32, #tpu.memory_space<vmem_shared>>
      tpu.enqueue_indirect_dma source(%arg20 : memref<240xf32, #tpu.memory_space<vmem>>) target(%dma_start3A_413 : memref<10240xf32, #tpu.memory_space<vmem_shared>>) offsets(%arg14 : memref<240xi32, #tpu.memory_space<vmem>>) semaphore(%arg32 : memref<!tpu.dma_semaphore, #tpu.memory_space<semaphore_mem>>) {add = true}
      %ge3A_414 = arith.constant 1 : i32
      %ge3A_415 = arith.cmpi sge, %add3A_139, %ge3A_414 : i32
      %convert_element_type3A_416 = arith.extui %ge3A_415 : i1 to i32
      %cond3A_417 = arith.constant 0 : i32
      %cond3A_418 = arith.cmpi ne, %convert_element_type3A_416, %cond3A_417 : i32
      scf.if %cond3A_418 {
        %dma_wait3A_1018 = arith.constant 0 : i32
        %dma_wait3A_1019 = arith.constant 0 : i32
        %dma_wait3A_1020 = tpu.memref_slice %arg24[%dma_wait3A_1018, %dma_wait3A_1019] : memref<10240x64xf32, #tpu.memory_space<vmem_shared>> -> memref<10240x64xf32, #tpu.memory_space<vmem_shared>>
        tpu.wait_indirect_dma semaphore(%arg31 : memref<!tpu.dma_semaphore, #tpu.memory_space<semaphore_mem>>) src(%arg19 : memref<240x64xf32, #tpu.memory_space<vmem>>) dst(%dma_wait3A_1020 : memref<10240x64xf32, #tpu.memory_space<vmem_shared>>)
        %dma_wait3A_1021 = arith.constant 0 : i32
        %dma_wait3A_1022 = tpu.memref_slice %arg25[%dma_wait3A_1021] : memref<10240xf32, #tpu.memory_space<vmem_shared>> -> memref<10240xf32, #tpu.memory_space<vmem_shared>>
        tpu.wait_indirect_dma semaphore(%arg34 : memref<!tpu.dma_semaphore, #tpu.memory_space<semaphore_mem>>) src(%arg22 : memref<240xf32, #tpu.memory_space<vmem>>) dst(%dma_wait3A_1022 : memref<10240xf32, #tpu.memory_space<vmem_shared>>)
      } else {
      }
      %add3A_419 = arith.constant 2 : i32
      %add3A_420 = arith.addi %add3A_139, %add3A_419 : i32
      %lt3A_421 = arith.constant 87 : i32
      %lt3A_422 = arith.cmpi slt, %add3A_420, %lt3A_421 : i32
      %convert_element_type3A_423 = arith.extui %lt3A_422 : i1 to i32
      %cond3A_424 = arith.constant 0 : i32
      %cond3A_425 = arith.cmpi ne, %convert_element_type3A_423, %cond3A_424 : i32
      scf.if %cond3A_425 {
        %add3A_1018 = arith.constant 2 : i32
        %add3A_1019 = arith.addi %add3A_139, %add3A_1018 : i32
        %mul3A_1020 = arith.constant 240 : i32
        %mul3A_1021 = arith.muli %add3A_1019, %mul3A_1020 : i32
        %add3A_1022 = arith.addi %multiple_of3A_93, %mul3A_1021 : i32
        %multiple_of3A_1023 = tpu.assume_multiple %add3A_1022, 8 : i32
        %dma_start3A_1024 = tpu.memref_slice %arg5[%multiple_of3A_1023] : memref<334080xi32, #tpu.memory_space<hbm>> -> memref<240xi32, #tpu.memory_space<hbm>>
        %dma_start3A_1025 = tpu.memref_slice %arg5[%multiple_of3A_1023] : memref<334080xi32, #tpu.memory_space<hbm>> -> memref<240xi32, #tpu.memory_space<hbm>>
        tpu.enqueue_dma source(%dma_start3A_1025 : memref<240xi32, #tpu.memory_space<hbm>>) target(%arg13 : memref<240xi32, #tpu.memory_space<vmem>>) target_semaphore(%arg37 : memref<!tpu.dma_semaphore, #tpu.memory_space<semaphore_mem>>)
        %dma_start3A_1026 = tpu.memref_slice %arg6[%multiple_of3A_1023] : memref<334080xi32, #tpu.memory_space<hbm>> -> memref<240xi32, #tpu.memory_space<hbm>>
        %dma_start3A_1027 = tpu.memref_slice %arg6[%multiple_of3A_1023] : memref<334080xi32, #tpu.memory_space<hbm>> -> memref<240xi32, #tpu.memory_space<hbm>>
        tpu.enqueue_dma source(%dma_start3A_1027 : memref<240xi32, #tpu.memory_space<hbm>>) target(%arg16 : memref<240xi32, #tpu.memory_space<vmem>>) target_semaphore(%arg37 : memref<!tpu.dma_semaphore, #tpu.memory_space<semaphore_mem>>)
      } else {
      }
      %mul3A_426 = arith.constant 3 : i32
      %mul3A_427 = arith.muli %scan3A_135, %mul3A_426 : i32
      %add3A_428 = arith.constant 1 : i32
      %add3A_429 = arith.addi %mul3A_427, %add3A_428 : i32
      %add3A_430 = arith.constant 1 : i32
      %add3A_431 = arith.addi %add3A_429, %add3A_430 : i32
      %lt3A_432 = arith.constant 87 : i32
      %lt3A_433 = arith.cmpi slt, %add3A_431, %lt3A_432 : i32
      %convert_element_type3A_434 = arith.extui %lt3A_433 : i1 to i32
      %cond3A_435 = arith.constant 0 : i32
      %cond3A_436 = arith.cmpi ne, %convert_element_type3A_434, %cond3A_435 : i32
      scf.if %cond3A_436 {
        %dma_wait3A_1018 = arith.constant 0 : i32
        %dma_wait3A_1019 = tpu.memref_slice %arg5[%dma_wait3A_1018] : memref<334080xi32, #tpu.memory_space<hbm>> -> memref<240xi32, #tpu.memory_space<hbm>>
        %dma_wait3A_1020 = arith.constant 0 : i32
        %dma_wait3A_1021 = tpu.memref_slice %arg5[%dma_wait3A_1020] : memref<334080xi32, #tpu.memory_space<hbm>> -> memref<240xi32, #tpu.memory_space<hbm>>
        tpu.wait_dma2 semaphore(%arg37 : memref<!tpu.dma_semaphore, #tpu.memory_space<semaphore_mem>>) src(%dma_wait3A_1021 : memref<240xi32, #tpu.memory_space<hbm>>) dst(%arg13 : memref<240xi32, #tpu.memory_space<vmem>>)
        %dma_wait3A_1022 = arith.constant 0 : i32
        %dma_wait3A_1023 = tpu.memref_slice %arg6[%dma_wait3A_1022] : memref<334080xi32, #tpu.memory_space<hbm>> -> memref<240xi32, #tpu.memory_space<hbm>>
        %dma_wait3A_1024 = arith.constant 0 : i32
        %dma_wait3A_1025 = tpu.memref_slice %arg6[%dma_wait3A_1024] : memref<334080xi32, #tpu.memory_space<hbm>> -> memref<240xi32, #tpu.memory_space<hbm>>
        tpu.wait_dma2 semaphore(%arg37 : memref<!tpu.dma_semaphore, #tpu.memory_space<semaphore_mem>>) src(%dma_wait3A_1025 : memref<240xi32, #tpu.memory_space<hbm>>) dst(%arg16 : memref<240xi32, #tpu.memory_space<vmem>>)
        %dma_start3A_1026 = arith.constant 0 : i32
        %dma_start3A_1027 = arith.constant 0 : i32
        %dma_start3A_1028 = tpu.memref_slice %arg2[%arg0, %dma_start3A_1026, %dma_start3A_1027] : memref<2x10240x64xf32, #tpu.memory_space<hbm>> -> memref<1x10240x64xf32, #tpu.memory_space<hbm>>
        %dma_start3A_1029 = tpu.memref_squeeze %dma_start3A_1028 : memref<1x10240x64xf32, #tpu.memory_space<hbm>> -> memref<10240x64xf32, #tpu.memory_space<hbm>>
        %dma_start3A_1030 = arith.constant 0 : i32
        %dma_start3A_1031 = arith.constant 0 : i32
        %dma_start3A_1032 = tpu.memref_slice %dma_start3A_1029[%dma_start3A_1030, %dma_start3A_1031] : memref<10240x64xf32, #tpu.memory_space<hbm>> -> memref<10240x64xf32, #tpu.memory_space<hbm>>
        tpu.enqueue_indirect_dma source(%dma_start3A_1032 : memref<10240x64xf32, #tpu.memory_space<hbm>>) target(%arg19 : memref<240x64xf32, #tpu.memory_space<vmem>>) offsets(%arg13 : memref<240xi32, #tpu.memory_space<vmem>>) semaphore(%arg28 : memref<!tpu.dma_semaphore, #tpu.memory_space<semaphore_mem>>)
      } else {
      }
      %dma_wait3A_437 = arith.constant 0 : i32
      %dma_wait3A_438 = arith.constant 0 : i32
      %dma_wait3A_439 = tpu.memref_slice %arg2[%arg0, %dma_wait3A_437, %dma_wait3A_438] : memref<2x10240x64xf32, #tpu.memory_space<hbm>> -> memref<1x10240x64xf32, #tpu.memory_space<hbm>>
      %dma_wait3A_440 = tpu.memref_squeeze %dma_wait3A_439 : memref<1x10240x64xf32, #tpu.memory_space<hbm>> -> memref<10240x64xf32, #tpu.memory_space<hbm>>
      %dma_wait3A_441 = arith.constant 0 : i32
      %dma_wait3A_442 = arith.constant 0 : i32
      %dma_wait3A_443 = tpu.memref_slice %dma_wait3A_440[%dma_wait3A_441, %dma_wait3A_442] : memref<10240x64xf32, #tpu.memory_space<hbm>> -> memref<10240x64xf32, #tpu.memory_space<hbm>>
      tpu.wait_indirect_dma semaphore(%arg27 : memref<!tpu.dma_semaphore, #tpu.memory_space<semaphore_mem>>) src(%dma_wait3A_443 : memref<10240x64xf32, #tpu.memory_space<hbm>>) dst(%arg18 : memref<240x64xf32, #tpu.memory_space<vmem>>)
      %get3A_444 = arith.constant 0 : index
      %get3A_445 = tpu.vector_load %arg12[%get3A_444] {strides = array<i32>} : memref<240xi32, #tpu.memory_space<vmem>>, vector<16xi32>,
      %get3A_446 = arith.constant 0 : index
      %get3A_447 = tpu.vector_load %arg15[%get3A_446] {strides = array<i32>} : memref<240xi32, #tpu.memory_space<vmem>>, vector<16xi32>,
      %gather3A_448 = tpu.vector_load_idx %arg9[%get3A_445] : memref<10240xf32, #tpu.memory_space<vmem>>[vector<16xi32>], vector<16xf32>,
      %gather3A_449 = tpu.vector_load_idx %arg10[%get3A_447] : memref<10240xf32, #tpu.memory_space<vmem>>[vector<16xi32>], vector<16xf32>,
      %add3A_450 = arith.addf %gather3A_448, %gather3A_449 : vector<16xf32>
      %ge3A_451 = arith.constant 0.000000e+00 : f32
      %ge3A_452 = vector.broadcast %ge3A_451 : f32 to vector<16xf32>
      %ge3A_453 = arith.cmpf oge, %add3A_450, %ge3A_452 : vector<16xf32>
      %mul3A_454 = arith.constant 2.000000e-01 : f32
      %mul3A_455 = vector.broadcast %mul3A_454 : f32 to vector<16xf32>
      %mul3A_456 = arith.mulf %add3A_450, %mul3A_455 : vector<16xf32>
      %select_n3A_457 = arith.select %ge3A_453, %add3A_450, %mul3A_456 : vector<16xi1>, vector<16xf32>
      %exp3A_458 = math.exp %select_n3A_457 : vector<16xf32>
      %swap3A_459 = arith.constant 0 : index
      %swap3A_460 = tpu.vector_load %arg21[%swap3A_459] {strides = array<i32>} : memref<240xf32, #tpu.memory_space<vmem>>, vector<16xf32>,
      tpu.vector_store %arg21[%swap3A_459], %exp3A_458 {strides = array<i32>} : memref<240xf32, #tpu.memory_space<vmem>>, vector<16xf32>,
      %get3A_461 = arith.constant 16 : index
      %get3A_462 = tpu.vector_load %arg12[%get3A_461] {strides = array<i32>} : memref<240xi32, #tpu.memory_space<vmem>>, vector<16xi32>,
      %get3A_463 = arith.constant 16 : index
      %get3A_464 = tpu.vector_load %arg15[%get3A_463] {strides = array<i32>} : memref<240xi32, #tpu.memory_space<vmem>>, vector<16xi32>,
      %gather3A_465 = tpu.vector_load_idx %arg9[%get3A_462] : memref<10240xf32, #tpu.memory_space<vmem>>[vector<16xi32>], vector<16xf32>,
      %gather3A_466 = tpu.vector_load_idx %arg10[%get3A_464] : memref<10240xf32, #tpu.memory_space<vmem>>[vector<16xi32>], vector<16xf32>,
      %add3A_467 = arith.addf %gather3A_465, %gather3A_466 : vector<16xf32>
      %ge3A_468 = arith.constant 0.000000e+00 : f32
      %ge3A_469 = vector.broadcast %ge3A_468 : f32 to vector<16xf32>
      %ge3A_470 = arith.cmpf oge, %add3A_467, %ge3A_469 : vector<16xf32>
      %mul3A_471 = arith.constant 2.000000e-01 : f32
      %mul3A_472 = vector.broadcast %mul3A_471 : f32 to vector<16xf32>
      %mul3A_473 = arith.mulf %add3A_467, %mul3A_472 : vector<16xf32>
      %select_n3A_474 = arith.select %ge3A_470, %add3A_467, %mul3A_473 : vector<16xi1>, vector<16xf32>
      %exp3A_475 = math.exp %select_n3A_474 : vector<16xf32>
      %swap3A_476 = arith.constant 16 : index
      %swap3A_477 = tpu.vector_load %arg21[%swap3A_476] {strides = array<i32>} : memref<240xf32, #tpu.memory_space<vmem>>, vector<16xf32>,
      tpu.vector_store %arg21[%swap3A_476], %exp3A_475 {strides = array<i32>} : memref<240xf32, #tpu.memory_space<vmem>>, vector<16xf32>,
      %get3A_478 = arith.constant 32 : index
      %get3A_479 = tpu.vector_load %arg12[%get3A_478] {strides = array<i32>} : memref<240xi32, #tpu.memory_space<vmem>>, vector<16xi32>,
      %get3A_480 = arith.constant 32 : index
      %get3A_481 = tpu.vector_load %arg15[%get3A_480] {strides = array<i32>} : memref<240xi32, #tpu.memory_space<vmem>>, vector<16xi32>,
      %gather3A_482 = tpu.vector_load_idx %arg9[%get3A_479] : memref<10240xf32, #tpu.memory_space<vmem>>[vector<16xi32>], vector<16xf32>,
      %gather3A_483 = tpu.vector_load_idx %arg10[%get3A_481] : memref<10240xf32, #tpu.memory_space<vmem>>[vector<16xi32>], vector<16xf32>,
      %add3A_484 = arith.addf %gather3A_482, %gather3A_483 : vector<16xf32>
      %ge3A_485 = arith.constant 0.000000e+00 : f32
      %ge3A_486 = vector.broadcast %ge3A_485 : f32 to vector<16xf32>
      %ge3A_487 = arith.cmpf oge, %add3A_484, %ge3A_486 : vector<16xf32>
      %mul3A_488 = arith.constant 2.000000e-01 : f32
      %mul3A_489 = vector.broadcast %mul3A_488 : f32 to vector<16xf32>
      %mul3A_490 = arith.mulf %add3A_484, %mul3A_489 : vector<16xf32>
      %select_n3A_491 = arith.select %ge3A_487, %add3A_484, %mul3A_490 : vector<16xi1>, vector<16xf32>
      %exp3A_492 = math.exp %select_n3A_491 : vector<16xf32>
      %swap3A_493 = arith.constant 32 : index
      %swap3A_494 = tpu.vector_load %arg21[%swap3A_493] {strides = array<i32>} : memref<240xf32, #tpu.memory_space<vmem>>, vector<16xf32>,
      tpu.vector_store %arg21[%swap3A_493], %exp3A_492 {strides = array<i32>} : memref<240xf32, #tpu.memory_space<vmem>>, vector<16xf32>,
      %get3A_495 = arith.constant 48 : index
      %get3A_496 = tpu.vector_load %arg12[%get3A_495] {strides = array<i32>} : memref<240xi32, #tpu.memory_space<vmem>>, vector<16xi32>,
      %get3A_497 = arith.constant 48 : index
      %get3A_498 = tpu.vector_load %arg15[%get3A_497] {strides = array<i32>} : memref<240xi32, #tpu.memory_space<vmem>>, vector<16xi32>,
      %gather3A_499 = tpu.vector_load_idx %arg9[%get3A_496] : memref<10240xf32, #tpu.memory_space<vmem>>[vector<16xi32>], vector<16xf32>,
      %gather3A_500 = tpu.vector_load_idx %arg10[%get3A_498] : memref<10240xf32, #tpu.memory_space<vmem>>[vector<16xi32>], vector<16xf32>,
      %add3A_501 = arith.addf %gather3A_499, %gather3A_500 : vector<16xf32>
      %ge3A_502 = arith.constant 0.000000e+00 : f32
      %ge3A_503 = vector.broadcast %ge3A_502 : f32 to vector<16xf32>
      %ge3A_504 = arith.cmpf oge, %add3A_501, %ge3A_503 : vector<16xf32>
      %mul3A_505 = arith.constant 2.000000e-01 : f32
      %mul3A_506 = vector.broadcast %mul3A_505 : f32 to vector<16xf32>
      %mul3A_507 = arith.mulf %add3A_501, %mul3A_506 : vector<16xf32>
      %select_n3A_508 = arith.select %ge3A_504, %add3A_501, %mul3A_507 : vector<16xi1>, vector<16xf32>
      %exp3A_509 = math.exp %select_n3A_508 : vector<16xf32>
      %swap3A_510 = arith.constant 48 : index
      %swap3A_511 = tpu.vector_load %arg21[%swap3A_510] {strides = array<i32>} : memref<240xf32, #tpu.memory_space<vmem>>, vector<16xf32>,
      tpu.vector_store %arg21[%swap3A_510], %exp3A_509 {strides = array<i32>} : memref<240xf32, #tpu.memory_space<vmem>>, vector<16xf32>,
      %get3A_512 = arith.constant 64 : index
      %get3A_513 = tpu.vector_load %arg12[%get3A_512] {strides = array<i32>} : memref<240xi32, #tpu.memory_space<vmem>>, vector<16xi32>,
      %get3A_514 = arith.constant 64 : index
      %get3A_515 = tpu.vector_load %arg15[%get3A_514] {strides = array<i32>} : memref<240xi32, #tpu.memory_space<vmem>>, vector<16xi32>,
      %gather3A_516 = tpu.vector_load_idx %arg9[%get3A_513] : memref<10240xf32, #tpu.memory_space<vmem>>[vector<16xi32>], vector<16xf32>,
      %gather3A_517 = tpu.vector_load_idx %arg10[%get3A_515] : memref<10240xf32, #tpu.memory_space<vmem>>[vector<16xi32>], vector<16xf32>,
      %add3A_518 = arith.addf %gather3A_516, %gather3A_517 : vector<16xf32>
      %ge3A_519 = arith.constant 0.000000e+00 : f32
      %ge3A_520 = vector.broadcast %ge3A_519 : f32 to vector<16xf32>
      %ge3A_521 = arith.cmpf oge, %add3A_518, %ge3A_520 : vector<16xf32>
      %mul3A_522 = arith.constant 2.000000e-01 : f32
      %mul3A_523 = vector.broadcast %mul3A_522 : f32 to vector<16xf32>
      %mul3A_524 = arith.mulf %add3A_518, %mul3A_523 : vector<16xf32>
      %select_n3A_525 = arith.select %ge3A_521, %add3A_518, %mul3A_524 : vector<16xi1>, vector<16xf32>
      %exp3A_526 = math.exp %select_n3A_525 : vector<16xf32>
      %swap3A_527 = arith.constant 64 : index
      %swap3A_528 = tpu.vector_load %arg21[%swap3A_527] {strides = array<i32>} : memref<240xf32, #tpu.memory_space<vmem>>, vector<16xf32>,
      tpu.vector_store %arg21[%swap3A_527], %exp3A_526 {strides = array<i32>} : memref<240xf32, #tpu.memory_space<vmem>>, vector<16xf32>,
      %get3A_529 = arith.constant 80 : index
      %get3A_530 = tpu.vector_load %arg12[%get3A_529] {strides = array<i32>} : memref<240xi32, #tpu.memory_space<vmem>>, vector<16xi32>,
      %get3A_531 = arith.constant 80 : index
      %get3A_532 = tpu.vector_load %arg15[%get3A_531] {strides = array<i32>} : memref<240xi32, #tpu.memory_space<vmem>>, vector<16xi32>,
      %gather3A_533 = tpu.vector_load_idx %arg9[%get3A_530] : memref<10240xf32, #tpu.memory_space<vmem>>[vector<16xi32>], vector<16xf32>,
      %gather3A_534 = tpu.vector_load_idx %arg10[%get3A_532] : memref<10240xf32, #tpu.memory_space<vmem>>[vector<16xi32>], vector<16xf32>,
      %add3A_535 = arith.addf %gather3A_533, %gather3A_534 : vector<16xf32>
      %ge3A_536 = arith.constant 0.000000e+00 : f32
      %ge3A_537 = vector.broadcast %ge3A_536 : f32 to vector<16xf32>
      %ge3A_538 = arith.cmpf oge, %add3A_535, %ge3A_537 : vector<16xf32>
      %mul3A_539 = arith.constant 2.000000e-01 : f32
      %mul3A_540 = vector.broadcast %mul3A_539 : f32 to vector<16xf32>
      %mul3A_541 = arith.mulf %add3A_535, %mul3A_540 : vector<16xf32>
      %select_n3A_542 = arith.select %ge3A_538, %add3A_535, %mul3A_541 : vector<16xi1>, vector<16xf32>
      %exp3A_543 = math.exp %select_n3A_542 : vector<16xf32>
      %swap3A_544 = arith.constant 80 : index
      %swap3A_545 = tpu.vector_load %arg21[%swap3A_544] {strides = array<i32>} : memref<240xf32, #tpu.memory_space<vmem>>, vector<16xf32>,
      tpu.vector_store %arg21[%swap3A_544], %exp3A_543 {strides = array<i32>} : memref<240xf32, #tpu.memory_space<vmem>>, vector<16xf32>,
      %get3A_546 = arith.constant 96 : index
      %get3A_547 = tpu.vector_load %arg12[%get3A_546] {strides = array<i32>} : memref<240xi32, #tpu.memory_space<vmem>>, vector<16xi32>,
      %get3A_548 = arith.constant 96 : index
      %get3A_549 = tpu.vector_load %arg15[%get3A_548] {strides = array<i32>} : memref<240xi32, #tpu.memory_space<vmem>>, vector<16xi32>,
      %gather3A_550 = tpu.vector_load_idx %arg9[%get3A_547] : memref<10240xf32, #tpu.memory_space<vmem>>[vector<16xi32>], vector<16xf32>,
      %gather3A_551 = tpu.vector_load_idx %arg10[%get3A_549] : memref<10240xf32, #tpu.memory_space<vmem>>[vector<16xi32>], vector<16xf32>,
      %add3A_552 = arith.addf %gather3A_550, %gather3A_551 : vector<16xf32>
      %ge3A_553 = arith.constant 0.000000e+00 : f32
      %ge3A_554 = vector.broadcast %ge3A_553 : f32 to vector<16xf32>
      %ge3A_555 = arith.cmpf oge, %add3A_552, %ge3A_554 : vector<16xf32>
      %mul3A_556 = arith.constant 2.000000e-01 : f32
      %mul3A_557 = vector.broadcast %mul3A_556 : f32 to vector<16xf32>
      %mul3A_558 = arith.mulf %add3A_552, %mul3A_557 : vector<16xf32>
      %select_n3A_559 = arith.select %ge3A_555, %add3A_552, %mul3A_558 : vector<16xi1>, vector<16xf32>
      %exp3A_560 = math.exp %select_n3A_559 : vector<16xf32>
      %swap3A_561 = arith.constant 96 : index
      %swap3A_562 = tpu.vector_load %arg21[%swap3A_561] {strides = array<i32>} : memref<240xf32, #tpu.memory_space<vmem>>, vector<16xf32>,
      tpu.vector_store %arg21[%swap3A_561], %exp3A_560 {strides = array<i32>} : memref<240xf32, #tpu.memory_space<vmem>>, vector<16xf32>,
      %get3A_563 = arith.constant 112 : index
      %get3A_564 = tpu.vector_load %arg12[%get3A_563] {strides = array<i32>} : memref<240xi32, #tpu.memory_space<vmem>>, vector<16xi32>,
      %get3A_565 = arith.constant 112 : index
      %get3A_566 = tpu.vector_load %arg15[%get3A_565] {strides = array<i32>} : memref<240xi32, #tpu.memory_space<vmem>>, vector<16xi32>,
      %gather3A_567 = tpu.vector_load_idx %arg9[%get3A_564] : memref<10240xf32, #tpu.memory_space<vmem>>[vector<16xi32>], vector<16xf32>,
      %gather3A_568 = tpu.vector_load_idx %arg10[%get3A_566] : memref<10240xf32, #tpu.memory_space<vmem>>[vector<16xi32>], vector<16xf32>,
      %add3A_569 = arith.addf %gather3A_567, %gather3A_568 : vector<16xf32>
      %ge3A_570 = arith.constant 0.000000e+00 : f32
      %ge3A_571 = vector.broadcast %ge3A_570 : f32 to vector<16xf32>
      %ge3A_572 = arith.cmpf oge, %add3A_569, %ge3A_571 : vector<16xf32>
      %mul3A_573 = arith.constant 2.000000e-01 : f32
      %mul3A_574 = vector.broadcast %mul3A_573 : f32 to vector<16xf32>
      %mul3A_575 = arith.mulf %add3A_569, %mul3A_574 : vector<16xf32>
      %select_n3A_576 = arith.select %ge3A_572, %add3A_569, %mul3A_575 : vector<16xi1>, vector<16xf32>
      %exp3A_577 = math.exp %select_n3A_576 : vector<16xf32>
      %swap3A_578 = arith.constant 112 : index
      %swap3A_579 = tpu.vector_load %arg21[%swap3A_578] {strides = array<i32>} : memref<240xf32, #tpu.memory_space<vmem>>, vector<16xf32>,
      tpu.vector_store %arg21[%swap3A_578], %exp3A_577 {strides = array<i32>} : memref<240xf32, #tpu.memory_space<vmem>>, vector<16xf32>,
      %get3A_580 = arith.constant 128 : index
      %get3A_581 = tpu.vector_load %arg12[%get3A_580] {strides = array<i32>} : memref<240xi32, #tpu.memory_space<vmem>>, vector<16xi32>,
      %get3A_582 = arith.constant 128 : index
      %get3A_583 = tpu.vector_load %arg15[%get3A_582] {strides = array<i32>} : memref<240xi32, #tpu.memory_space<vmem>>, vector<16xi32>,
      %gather3A_584 = tpu.vector_load_idx %arg9[%get3A_581] : memref<10240xf32, #tpu.memory_space<vmem>>[vector<16xi32>], vector<16xf32>,
      %gather3A_585 = tpu.vector_load_idx %arg10[%get3A_583] : memref<10240xf32, #tpu.memory_space<vmem>>[vector<16xi32>], vector<16xf32>,
      %add3A_586 = arith.addf %gather3A_584, %gather3A_585 : vector<16xf32>
      %ge3A_587 = arith.constant 0.000000e+00 : f32
      %ge3A_588 = vector.broadcast %ge3A_587 : f32 to vector<16xf32>
      %ge3A_589 = arith.cmpf oge, %add3A_586, %ge3A_588 : vector<16xf32>
      %mul3A_590 = arith.constant 2.000000e-01 : f32
      %mul3A_591 = vector.broadcast %mul3A_590 : f32 to vector<16xf32>
      %mul3A_592 = arith.mulf %add3A_586, %mul3A_591 : vector<16xf32>
      %select_n3A_593 = arith.select %ge3A_589, %add3A_586, %mul3A_592 : vector<16xi1>, vector<16xf32>
      %exp3A_594 = math.exp %select_n3A_593 : vector<16xf32>
      %swap3A_595 = arith.constant 128 : index
      %swap3A_596 = tpu.vector_load %arg21[%swap3A_595] {strides = array<i32>} : memref<240xf32, #tpu.memory_space<vmem>>, vector<16xf32>,
      tpu.vector_store %arg21[%swap3A_595], %exp3A_594 {strides = array<i32>} : memref<240xf32, #tpu.memory_space<vmem>>, vector<16xf32>,
      %get3A_597 = arith.constant 144 : index
      %get3A_598 = tpu.vector_load %arg12[%get3A_597] {strides = array<i32>} : memref<240xi32, #tpu.memory_space<vmem>>, vector<16xi32>,
      %get3A_599 = arith.constant 144 : index
      %get3A_600 = tpu.vector_load %arg15[%get3A_599] {strides = array<i32>} : memref<240xi32, #tpu.memory_space<vmem>>, vector<16xi32>,
      %gather3A_601 = tpu.vector_load_idx %arg9[%get3A_598] : memref<10240xf32, #tpu.memory_space<vmem>>[vector<16xi32>], vector<16xf32>,
      %gather3A_602 = tpu.vector_load_idx %arg10[%get3A_600] : memref<10240xf32, #tpu.memory_space<vmem>>[vector<16xi32>], vector<16xf32>,
      %add3A_603 = arith.addf %gather3A_601, %gather3A_602 : vector<16xf32>
      %ge3A_604 = arith.constant 0.000000e+00 : f32
      %ge3A_605 = vector.broadcast %ge3A_604 : f32 to vector<16xf32>
      %ge3A_606 = arith.cmpf oge, %add3A_603, %ge3A_605 : vector<16xf32>
      %mul3A_607 = arith.constant 2.000000e-01 : f32
      %mul3A_608 = vector.broadcast %mul3A_607 : f32 to vector<16xf32>
      %mul3A_609 = arith.mulf %add3A_603, %mul3A_608 : vector<16xf32>
      %select_n3A_610 = arith.select %ge3A_606, %add3A_603, %mul3A_609 : vector<16xi1>, vector<16xf32>
      %exp3A_611 = math.exp %select_n3A_610 : vector<16xf32>
      %swap3A_612 = arith.constant 144 : index
      %swap3A_613 = tpu.vector_load %arg21[%swap3A_612] {strides = array<i32>} : memref<240xf32, #tpu.memory_space<vmem>>, vector<16xf32>,
      tpu.vector_store %arg21[%swap3A_612], %exp3A_611 {strides = array<i32>} : memref<240xf32, #tpu.memory_space<vmem>>, vector<16xf32>,
      %get3A_614 = arith.constant 160 : index
      %get3A_615 = tpu.vector_load %arg12[%get3A_614] {strides = array<i32>} : memref<240xi32, #tpu.memory_space<vmem>>, vector<16xi32>,
      %get3A_616 = arith.constant 160 : index
      %get3A_617 = tpu.vector_load %arg15[%get3A_616] {strides = array<i32>} : memref<240xi32, #tpu.memory_space<vmem>>, vector<16xi32>,
      %gather3A_618 = tpu.vector_load_idx %arg9[%get3A_615] : memref<10240xf32, #tpu.memory_space<vmem>>[vector<16xi32>], vector<16xf32>,
      %gather3A_619 = tpu.vector_load_idx %arg10[%get3A_617] : memref<10240xf32, #tpu.memory_space<vmem>>[vector<16xi32>], vector<16xf32>,
      %add3A_620 = arith.addf %gather3A_618, %gather3A_619 : vector<16xf32>
      %ge3A_621 = arith.constant 0.000000e+00 : f32
      %ge3A_622 = vector.broadcast %ge3A_621 : f32 to vector<16xf32>
      %ge3A_623 = arith.cmpf oge, %add3A_620, %ge3A_622 : vector<16xf32>
      %mul3A_624 = arith.constant 2.000000e-01 : f32
      %mul3A_625 = vector.broadcast %mul3A_624 : f32 to vector<16xf32>
      %mul3A_626 = arith.mulf %add3A_620, %mul3A_625 : vector<16xf32>
      %select_n3A_627 = arith.select %ge3A_623, %add3A_620, %mul3A_626 : vector<16xi1>, vector<16xf32>
      %exp3A_628 = math.exp %select_n3A_627 : vector<16xf32>
      %swap3A_629 = arith.constant 160 : index
      %swap3A_630 = tpu.vector_load %arg21[%swap3A_629] {strides = array<i32>} : memref<240xf32, #tpu.memory_space<vmem>>, vector<16xf32>,
      tpu.vector_store %arg21[%swap3A_629], %exp3A_628 {strides = array<i32>} : memref<240xf32, #tpu.memory_space<vmem>>, vector<16xf32>,
      %get3A_631 = arith.constant 176 : index
      %get3A_632 = tpu.vector_load %arg12[%get3A_631] {strides = array<i32>} : memref<240xi32, #tpu.memory_space<vmem>>, vector<16xi32>,
      %get3A_633 = arith.constant 176 : index
      %get3A_634 = tpu.vector_load %arg15[%get3A_633] {strides = array<i32>} : memref<240xi32, #tpu.memory_space<vmem>>, vector<16xi32>,
      %gather3A_635 = tpu.vector_load_idx %arg9[%get3A_632] : memref<10240xf32, #tpu.memory_space<vmem>>[vector<16xi32>], vector<16xf32>,
      %gather3A_636 = tpu.vector_load_idx %arg10[%get3A_634] : memref<10240xf32, #tpu.memory_space<vmem>>[vector<16xi32>], vector<16xf32>,
      %add3A_637 = arith.addf %gather3A_635, %gather3A_636 : vector<16xf32>
      %ge3A_638 = arith.constant 0.000000e+00 : f32
      %ge3A_639 = vector.broadcast %ge3A_638 : f32 to vector<16xf32>
      %ge3A_640 = arith.cmpf oge, %add3A_637, %ge3A_639 : vector<16xf32>
      %mul3A_641 = arith.constant 2.000000e-01 : f32
      %mul3A_642 = vector.broadcast %mul3A_641 : f32 to vector<16xf32>
      %mul3A_643 = arith.mulf %add3A_637, %mul3A_642 : vector<16xf32>
      %select_n3A_644 = arith.select %ge3A_640, %add3A_637, %mul3A_643 : vector<16xi1>, vector<16xf32>
      %exp3A_645 = math.exp %select_n3A_644 : vector<16xf32>
      %swap3A_646 = arith.constant 176 : index
      %swap3A_647 = tpu.vector_load %arg21[%swap3A_646] {strides = array<i32>} : memref<240xf32, #tpu.memory_space<vmem>>, vector<16xf32>,
      tpu.vector_store %arg21[%swap3A_646], %exp3A_645 {strides = array<i32>} : memref<240xf32, #tpu.memory_space<vmem>>, vector<16xf32>,
      %get3A_648 = arith.constant 192 : index
      %get3A_649 = tpu.vector_load %arg12[%get3A_648] {strides = array<i32>} : memref<240xi32, #tpu.memory_space<vmem>>, vector<16xi32>,
      %get3A_650 = arith.constant 192 : index
      %get3A_651 = tpu.vector_load %arg15[%get3A_650] {strides = array<i32>} : memref<240xi32, #tpu.memory_space<vmem>>, vector<16xi32>,
      %gather3A_652 = tpu.vector_load_idx %arg9[%get3A_649] : memref<10240xf32, #tpu.memory_space<vmem>>[vector<16xi32>], vector<16xf32>,
      %gather3A_653 = tpu.vector_load_idx %arg10[%get3A_651] : memref<10240xf32, #tpu.memory_space<vmem>>[vector<16xi32>], vector<16xf32>,
      %add3A_654 = arith.addf %gather3A_652, %gather3A_653 : vector<16xf32>
      %ge3A_655 = arith.constant 0.000000e+00 : f32
      %ge3A_656 = vector.broadcast %ge3A_655 : f32 to vector<16xf32>
      %ge3A_657 = arith.cmpf oge, %add3A_654, %ge3A_656 : vector<16xf32>
      %mul3A_658 = arith.constant 2.000000e-01 : f32
      %mul3A_659 = vector.broadcast %mul3A_658 : f32 to vector<16xf32>
      %mul3A_660 = arith.mulf %add3A_654, %mul3A_659 : vector<16xf32>
      %select_n3A_661 = arith.select %ge3A_657, %add3A_654, %mul3A_660 : vector<16xi1>, vector<16xf32>
      %exp3A_662 = math.exp %select_n3A_661 : vector<16xf32>
      %swap3A_663 = arith.constant 192 : index
      %swap3A_664 = tpu.vector_load %arg21[%swap3A_663] {strides = array<i32>} : memref<240xf32, #tpu.memory_space<vmem>>, vector<16xf32>,
      tpu.vector_store %arg21[%swap3A_663], %exp3A_662 {strides = array<i32>} : memref<240xf32, #tpu.memory_space<vmem>>, vector<16xf32>,
      %get3A_665 = arith.constant 208 : index
      %get3A_666 = tpu.vector_load %arg12[%get3A_665] {strides = array<i32>} : memref<240xi32, #tpu.memory_space<vmem>>, vector<16xi32>,
      %get3A_667 = arith.constant 208 : index
      %get3A_668 = tpu.vector_load %arg15[%get3A_667] {strides = array<i32>} : memref<240xi32, #tpu.memory_space<vmem>>, vector<16xi32>,
      %gather3A_669 = tpu.vector_load_idx %arg9[%get3A_666] : memref<10240xf32, #tpu.memory_space<vmem>>[vector<16xi32>], vector<16xf32>,
      %gather3A_670 = tpu.vector_load_idx %arg10[%get3A_668] : memref<10240xf32, #tpu.memory_space<vmem>>[vector<16xi32>], vector<16xf32>,
      %add3A_671 = arith.addf %gather3A_669, %gather3A_670 : vector<16xf32>
      %ge3A_672 = arith.constant 0.000000e+00 : f32
      %ge3A_673 = vector.broadcast %ge3A_672 : f32 to vector<16xf32>
      %ge3A_674 = arith.cmpf oge, %add3A_671, %ge3A_673 : vector<16xf32>
      %mul3A_675 = arith.constant 2.000000e-01 : f32
      %mul3A_676 = vector.broadcast %mul3A_675 : f32 to vector<16xf32>
      %mul3A_677 = arith.mulf %add3A_671, %mul3A_676 : vector<16xf32>
      %select_n3A_678 = arith.select %ge3A_674, %add3A_671, %mul3A_677 : vector<16xi1>, vector<16xf32>
      %exp3A_679 = math.exp %select_n3A_678 : vector<16xf32>
      %swap3A_680 = arith.constant 208 : index
      %swap3A_681 = tpu.vector_load %arg21[%swap3A_680] {strides = array<i32>} : memref<240xf32, #tpu.memory_space<vmem>>, vector<16xf32>,
      tpu.vector_store %arg21[%swap3A_680], %exp3A_679 {strides = array<i32>} : memref<240xf32, #tpu.memory_space<vmem>>, vector<16xf32>,
      %get3A_682 = arith.constant 224 : index
      %get3A_683 = tpu.vector_load %arg12[%get3A_682] {strides = array<i32>} : memref<240xi32, #tpu.memory_space<vmem>>, vector<16xi32>,
      %get3A_684 = arith.constant 224 : index
      %get3A_685 = tpu.vector_load %arg15[%get3A_684] {strides = array<i32>} : memref<240xi32, #tpu.memory_space<vmem>>, vector<16xi32>,
      %gather3A_686 = tpu.vector_load_idx %arg9[%get3A_683] : memref<10240xf32, #tpu.memory_space<vmem>>[vector<16xi32>], vector<16xf32>,
      %gather3A_687 = tpu.vector_load_idx %arg10[%get3A_685] : memref<10240xf32, #tpu.memory_space<vmem>>[vector<16xi32>], vector<16xf32>,
      %add3A_688 = arith.addf %gather3A_686, %gather3A_687 : vector<16xf32>
      %ge3A_689 = arith.constant 0.000000e+00 : f32
      %ge3A_690 = vector.broadcast %ge3A_689 : f32 to vector<16xf32>
      %ge3A_691 = arith.cmpf oge, %add3A_688, %ge3A_690 : vector<16xf32>
      %mul3A_692 = arith.constant 2.000000e-01 : f32
      %mul3A_693 = vector.broadcast %mul3A_692 : f32 to vector<16xf32>
      %mul3A_694 = arith.mulf %add3A_688, %mul3A_693 : vector<16xf32>
      %select_n3A_695 = arith.select %ge3A_691, %add3A_688, %mul3A_694 : vector<16xi1>, vector<16xf32>
      %exp3A_696 = math.exp %select_n3A_695 : vector<16xf32>
      %swap3A_697 = arith.constant 224 : index
      %swap3A_698 = tpu.vector_load %arg21[%swap3A_697] {strides = array<i32>} : memref<240xf32, #tpu.memory_space<vmem>>, vector<16xf32>,
      tpu.vector_store %arg21[%swap3A_697], %exp3A_696 {strides = array<i32>} : memref<240xf32, #tpu.memory_space<vmem>>, vector<16xf32>,
      %scan3A_699 = arith.constant 0 : i32
      %scan3A_700 = arith.constant 0 : i32
      %scan3A_701 = arith.constant 240 : i32
      %scan3A_702 = arith.addi %scan3A_700, %scan3A_701 : i32
      %scan3A_703 = arith.constant 1 : i32
      scf.for %scan3A_1018 = %scan3A_700 to %scan3A_702 step %scan3A_703  : i32 {
        %broadcast_in_dim3A_1019 = vector.broadcast %scan3A_1018 : i32 to vector<16xi32>
        %gather3A_1020 = tpu.vector_load_idx %arg21[%broadcast_in_dim3A_1019] : memref<240xf32, #tpu.memory_space<vmem>>[vector<16xi32>], vector<16xf32>,
        %get3A_1021 = arith.index_cast %scan3A_1018 : i32 to index
        %get3A_1022 = arith.constant 0 : index
        %get3A_1023 = tpu.vector_load %arg18[%get3A_1021, %get3A_1022] {strides = array<i32>} : memref<240x64xf32, #tpu.memory_space<vmem>>, vector<16xf32>,
        %mul3A_1024 = arith.mulf %get3A_1023, %gather3A_1020 : vector<16xf32>
        %swap3A_1025 = arith.index_cast %scan3A_1018 : i32 to index
        %swap3A_1026 = arith.constant 0 : index
        %swap3A_1027 = tpu.vector_load %arg18[%swap3A_1025, %swap3A_1026] {strides = array<i32>} : memref<240x64xf32, #tpu.memory_space<vmem>>, vector<16xf32>,
        tpu.vector_store %arg18[%swap3A_1025, %swap3A_1026], %mul3A_1024 {strides = array<i32>} : memref<240x64xf32, #tpu.memory_space<vmem>>, vector<16xf32>,
        %get3A_1028 = arith.index_cast %scan3A_1018 : i32 to index
        %get3A_1029 = arith.constant 16 : index
        %get3A_1030 = tpu.vector_load %arg18[%get3A_1028, %get3A_1029] {strides = array<i32>} : memref<240x64xf32, #tpu.memory_space<vmem>>, vector<16xf32>,
        %mul3A_1031 = arith.mulf %get3A_1030, %gather3A_1020 : vector<16xf32>
        %swap3A_1032 = arith.index_cast %scan3A_1018 : i32 to index
        %swap3A_1033 = arith.constant 16 : index
        %swap3A_1034 = tpu.vector_load %arg18[%swap3A_1032, %swap3A_1033] {strides = array<i32>} : memref<240x64xf32, #tpu.memory_space<vmem>>, vector<16xf32>,
        tpu.vector_store %arg18[%swap3A_1032, %swap3A_1033], %mul3A_1031 {strides = array<i32>} : memref<240x64xf32, #tpu.memory_space<vmem>>, vector<16xf32>,
        %get3A_1035 = arith.index_cast %scan3A_1018 : i32 to index
        %get3A_1036 = arith.constant 32 : index
        %get3A_1037 = tpu.vector_load %arg18[%get3A_1035, %get3A_1036] {strides = array<i32>} : memref<240x64xf32, #tpu.memory_space<vmem>>, vector<16xf32>,
        %mul3A_1038 = arith.mulf %get3A_1037, %gather3A_1020 : vector<16xf32>
        %swap3A_1039 = arith.index_cast %scan3A_1018 : i32 to index
        %swap3A_1040 = arith.constant 32 : index
        %swap3A_1041 = tpu.vector_load %arg18[%swap3A_1039, %swap3A_1040] {strides = array<i32>} : memref<240x64xf32, #tpu.memory_space<vmem>>, vector<16xf32>,
        tpu.vector_store %arg18[%swap3A_1039, %swap3A_1040], %mul3A_1038 {strides = array<i32>} : memref<240x64xf32, #tpu.memory_space<vmem>>, vector<16xf32>,
        %get3A_1042 = arith.index_cast %scan3A_1018 : i32 to index
        %get3A_1043 = arith.constant 48 : index
        %get3A_1044 = tpu.vector_load %arg18[%get3A_1042, %get3A_1043] {strides = array<i32>} : memref<240x64xf32, #tpu.memory_space<vmem>>, vector<16xf32>,
        %mul3A_1045 = arith.mulf %get3A_1044, %gather3A_1020 : vector<16xf32>
        %swap3A_1046 = arith.index_cast %scan3A_1018 : i32 to index
        %swap3A_1047 = arith.constant 48 : index
        %swap3A_1048 = tpu.vector_load %arg18[%swap3A_1046, %swap3A_1047] {strides = array<i32>} : memref<240x64xf32, #tpu.memory_space<vmem>>, vector<16xf32>,
        tpu.vector_store %arg18[%swap3A_1046, %swap3A_1047], %mul3A_1045 {strides = array<i32>} : memref<240x64xf32, #tpu.memory_space<vmem>>, vector<16xf32>,
      }
      %scan3A_704 = arith.constant 240 : i32
      %dma_start3A_705 = arith.constant 0 : i32
      %dma_start3A_706 = arith.constant 0 : i32
      %dma_start3A_707 = tpu.memref_slice %arg24[%dma_start3A_705, %dma_start3A_706] : memref<10240x64xf32, #tpu.memory_space<vmem_shared>> -> memref<10240x64xf32, #tpu.memory_space<vmem_shared>>
      tpu.enqueue_indirect_dma source(%arg18 : memref<240x64xf32, #tpu.memory_space<vmem>>) target(%dma_start3A_707 : memref<10240x64xf32, #tpu.memory_space<vmem_shared>>) offsets(%arg15 : memref<240xi32, #tpu.memory_space<vmem>>) semaphore(%arg30 : memref<!tpu.dma_semaphore, #tpu.memory_space<semaphore_mem>>) {add = true}
      %dma_start3A_708 = arith.constant 0 : i32
      %dma_start3A_709 = tpu.memref_slice %arg25[%dma_start3A_708] : memref<10240xf32, #tpu.memory_space<vmem_shared>> -> memref<10240xf32, #tpu.memory_space<vmem_shared>>
      tpu.enqueue_indirect_dma source(%arg21 : memref<240xf32, #tpu.memory_space<vmem>>) target(%dma_start3A_709 : memref<10240xf32, #tpu.memory_space<vmem_shared>>) offsets(%arg15 : memref<240xi32, #tpu.memory_space<vmem>>) semaphore(%arg33 : memref<!tpu.dma_semaphore, #tpu.memory_space<semaphore_mem>>) {add = true}
      %ge3A_710 = arith.constant 1 : i32
      %ge3A_711 = arith.cmpi sge, %add3A_429, %ge3A_710 : i32
      %convert_element_type3A_712 = arith.extui %ge3A_711 : i1 to i32
      %cond3A_713 = arith.constant 0 : i32
      %cond3A_714 = arith.cmpi ne, %convert_element_type3A_712, %cond3A_713 : i32
      scf.if %cond3A_714 {
        %dma_wait3A_1018 = arith.constant 0 : i32
        %dma_wait3A_1019 = arith.constant 0 : i32
        %dma_wait3A_1020 = tpu.memref_slice %arg24[%dma_wait3A_1018, %dma_wait3A_1019] : memref<10240x64xf32, #tpu.memory_space<vmem_shared>> -> memref<10240x64xf32, #tpu.memory_space<vmem_shared>>
        tpu.wait_indirect_dma semaphore(%arg29 : memref<!tpu.dma_semaphore, #tpu.memory_space<semaphore_mem>>) src(%arg17 : memref<240x64xf32, #tpu.memory_space<vmem>>) dst(%dma_wait3A_1020 : memref<10240x64xf32, #tpu.memory_space<vmem_shared>>)
        %dma_wait3A_1021 = arith.constant 0 : i32
        %dma_wait3A_1022 = tpu.memref_slice %arg25[%dma_wait3A_1021] : memref<10240xf32, #tpu.memory_space<vmem_shared>> -> memref<10240xf32, #tpu.memory_space<vmem_shared>>
        tpu.wait_indirect_dma semaphore(%arg32 : memref<!tpu.dma_semaphore, #tpu.memory_space<semaphore_mem>>) src(%arg20 : memref<240xf32, #tpu.memory_space<vmem>>) dst(%dma_wait3A_1022 : memref<10240xf32, #tpu.memory_space<vmem_shared>>)
      } else {
      }
      %add3A_715 = arith.constant 2 : i32
      %add3A_716 = arith.addi %add3A_429, %add3A_715 : i32
      %lt3A_717 = arith.constant 87 : i32
      %lt3A_718 = arith.cmpi slt, %add3A_716, %lt3A_717 : i32
      %convert_element_type3A_719 = arith.extui %lt3A_718 : i1 to i32
      %cond3A_720 = arith.constant 0 : i32
      %cond3A_721 = arith.cmpi ne, %convert_element_type3A_719, %cond3A_720 : i32
      scf.if %cond3A_721 {
        %add3A_1018 = arith.constant 2 : i32
        %add3A_1019 = arith.addi %add3A_429, %add3A_1018 : i32
        %mul3A_1020 = arith.constant 240 : i32
        %mul3A_1021 = arith.muli %add3A_1019, %mul3A_1020 : i32
        %add3A_1022 = arith.addi %multiple_of3A_93, %mul3A_1021 : i32
        %multiple_of3A_1023 = tpu.assume_multiple %add3A_1022, 8 : i32
        %dma_start3A_1024 = tpu.memref_slice %arg5[%multiple_of3A_1023] : memref<334080xi32, #tpu.memory_space<hbm>> -> memref<240xi32, #tpu.memory_space<hbm>>
        %dma_start3A_1025 = tpu.memref_slice %arg5[%multiple_of3A_1023] : memref<334080xi32, #tpu.memory_space<hbm>> -> memref<240xi32, #tpu.memory_space<hbm>>
        tpu.enqueue_dma source(%dma_start3A_1025 : memref<240xi32, #tpu.memory_space<hbm>>) target(%arg11 : memref<240xi32, #tpu.memory_space<vmem>>) target_semaphore(%arg35 : memref<!tpu.dma_semaphore, #tpu.memory_space<semaphore_mem>>)
        %dma_start3A_1026 = tpu.memref_slice %arg6[%multiple_of3A_1023] : memref<334080xi32, #tpu.memory_space<hbm>> -> memref<240xi32, #tpu.memory_space<hbm>>
        %dma_start3A_1027 = tpu.memref_slice %arg6[%multiple_of3A_1023] : memref<334080xi32, #tpu.memory_space<hbm>> -> memref<240xi32, #tpu.memory_space<hbm>>
        tpu.enqueue_dma source(%dma_start3A_1027 : memref<240xi32, #tpu.memory_space<hbm>>) target(%arg14 : memref<240xi32, #tpu.memory_space<vmem>>) target_semaphore(%arg35 : memref<!tpu.dma_semaphore, #tpu.memory_space<semaphore_mem>>)
      } else {
      }
      %mul3A_722 = arith.constant 3 : i32
      %mul3A_723 = arith.muli %scan3A_135, %mul3A_722 : i32
      %add3A_724 = arith.constant 2 : i32
      %add3A_725 = arith.addi %mul3A_723, %add3A_724 : i32
      %add3A_726 = arith.constant 1 : i32
      %add3A_727 = arith.addi %add3A_725, %add3A_726 : i32
      %lt3A_728 = arith.constant 87 : i32
      %lt3A_729 = arith.cmpi slt, %add3A_727, %lt3A_728 : i32
      %convert_element_type3A_730 = arith.extui %lt3A_729 : i1 to i32
      %cond3A_731 = arith.constant 0 : i32
      %cond3A_732 = arith.cmpi ne, %convert_element_type3A_730, %cond3A_731 : i32
      scf.if %cond3A_732 {
        %dma_wait3A_1018 = arith.constant 0 : i32
        %dma_wait3A_1019 = tpu.memref_slice %arg5[%dma_wait3A_1018] : memref<334080xi32, #tpu.memory_space<hbm>> -> memref<240xi32, #tpu.memory_space<hbm>>
        %dma_wait3A_1020 = arith.constant 0 : i32
        %dma_wait3A_1021 = tpu.memref_slice %arg5[%dma_wait3A_1020] : memref<334080xi32, #tpu.memory_space<hbm>> -> memref<240xi32, #tpu.memory_space<hbm>>
        tpu.wait_dma2 semaphore(%arg35 : memref<!tpu.dma_semaphore, #tpu.memory_space<semaphore_mem>>) src(%dma_wait3A_1021 : memref<240xi32, #tpu.memory_space<hbm>>) dst(%arg11 : memref<240xi32, #tpu.memory_space<vmem>>)
        %dma_wait3A_1022 = arith.constant 0 : i32
        %dma_wait3A_1023 = tpu.memref_slice %arg6[%dma_wait3A_1022] : memref<334080xi32, #tpu.memory_space<hbm>> -> memref<240xi32, #tpu.memory_space<hbm>>
        %dma_wait3A_1024 = arith.constant 0 : i32
        %dma_wait3A_1025 = tpu.memref_slice %arg6[%dma_wait3A_1024] : memref<334080xi32, #tpu.memory_space<hbm>> -> memref<240xi32, #tpu.memory_space<hbm>>
        tpu.wait_dma2 semaphore(%arg35 : memref<!tpu.dma_semaphore, #tpu.memory_space<semaphore_mem>>) src(%dma_wait3A_1025 : memref<240xi32, #tpu.memory_space<hbm>>) dst(%arg14 : memref<240xi32, #tpu.memory_space<vmem>>)
        %dma_start3A_1026 = arith.constant 0 : i32
        %dma_start3A_1027 = arith.constant 0 : i32
        %dma_start3A_1028 = tpu.memref_slice %arg2[%arg0, %dma_start3A_1026, %dma_start3A_1027] : memref<2x10240x64xf32, #tpu.memory_space<hbm>> -> memref<1x10240x64xf32, #tpu.memory_space<hbm>>
        %dma_start3A_1029 = tpu.memref_squeeze %dma_start3A_1028 : memref<1x10240x64xf32, #tpu.memory_space<hbm>> -> memref<10240x64xf32, #tpu.memory_space<hbm>>
        %dma_start3A_1030 = arith.constant 0 : i32
        %dma_start3A_1031 = arith.constant 0 : i32
        %dma_start3A_1032 = tpu.memref_slice %dma_start3A_1029[%dma_start3A_1030, %dma_start3A_1031] : memref<10240x64xf32, #tpu.memory_space<hbm>> -> memref<10240x64xf32, #tpu.memory_space<hbm>>
        tpu.enqueue_indirect_dma source(%dma_start3A_1032 : memref<10240x64xf32, #tpu.memory_space<hbm>>) target(%arg17 : memref<240x64xf32, #tpu.memory_space<vmem>>) offsets(%arg11 : memref<240xi32, #tpu.memory_space<vmem>>) semaphore(%arg26 : memref<!tpu.dma_semaphore, #tpu.memory_space<semaphore_mem>>)
      } else {
      }
      %dma_wait3A_733 = arith.constant 0 : i32
      %dma_wait3A_734 = arith.constant 0 : i32
      %dma_wait3A_735 = tpu.memref_slice %arg2[%arg0, %dma_wait3A_733, %dma_wait3A_734] : memref<2x10240x64xf32, #tpu.memory_space<hbm>> -> memref<1x10240x64xf32, #tpu.memory_space<hbm>>
      %dma_wait3A_736 = tpu.memref_squeeze %dma_wait3A_735 : memref<1x10240x64xf32, #tpu.memory_space<hbm>> -> memref<10240x64xf32, #tpu.memory_space<hbm>>
      %dma_wait3A_737 = arith.constant 0 : i32
      %dma_wait3A_738 = arith.constant 0 : i32
      %dma_wait3A_739 = tpu.memref_slice %dma_wait3A_736[%dma_wait3A_737, %dma_wait3A_738] : memref<10240x64xf32, #tpu.memory_space<hbm>> -> memref<10240x64xf32, #tpu.memory_space<hbm>>
      tpu.wait_indirect_dma semaphore(%arg28 : memref<!tpu.dma_semaphore, #tpu.memory_space<semaphore_mem>>) src(%dma_wait3A_739 : memref<10240x64xf32, #tpu.memory_space<hbm>>) dst(%arg19 : memref<240x64xf32, #tpu.memory_space<vmem>>)
      %get3A_740 = arith.constant 0 : index
      %get3A_741 = tpu.vector_load %arg13[%get3A_740] {strides = array<i32>} : memref<240xi32, #tpu.memory_space<vmem>>, vector<16xi32>,
      %get3A_742 = arith.constant 0 : index
      %get3A_743 = tpu.vector_load %arg16[%get3A_742] {strides = array<i32>} : memref<240xi32, #tpu.memory_space<vmem>>, vector<16xi32>,
      %gather3A_744 = tpu.vector_load_idx %arg9[%get3A_741] : memref<10240xf32, #tpu.memory_space<vmem>>[vector<16xi32>], vector<16xf32>,
      %gather3A_745 = tpu.vector_load_idx %arg10[%get3A_743] : memref<10240xf32, #tpu.memory_space<vmem>>[vector<16xi32>], vector<16xf32>,
      %add3A_746 = arith.addf %gather3A_744, %gather3A_745 : vector<16xf32>
      %ge3A_747 = arith.constant 0.000000e+00 : f32
      %ge3A_748 = vector.broadcast %ge3A_747 : f32 to vector<16xf32>
      %ge3A_749 = arith.cmpf oge, %add3A_746, %ge3A_748 : vector<16xf32>
      %mul3A_750 = arith.constant 2.000000e-01 : f32
      %mul3A_751 = vector.broadcast %mul3A_750 : f32 to vector<16xf32>
      %mul3A_752 = arith.mulf %add3A_746, %mul3A_751 : vector<16xf32>
      %select_n3A_753 = arith.select %ge3A_749, %add3A_746, %mul3A_752 : vector<16xi1>, vector<16xf32>
      %exp3A_754 = math.exp %select_n3A_753 : vector<16xf32>
      %swap3A_755 = arith.constant 0 : index
      %swap3A_756 = tpu.vector_load %arg22[%swap3A_755] {strides = array<i32>} : memref<240xf32, #tpu.memory_space<vmem>>, vector<16xf32>,
      tpu.vector_store %arg22[%swap3A_755], %exp3A_754 {strides = array<i32>} : memref<240xf32, #tpu.memory_space<vmem>>, vector<16xf32>,
      %get3A_757 = arith.constant 16 : index
      %get3A_758 = tpu.vector_load %arg13[%get3A_757] {strides = array<i32>} : memref<240xi32, #tpu.memory_space<vmem>>, vector<16xi32>,
      %get3A_759 = arith.constant 16 : index
      %get3A_760 = tpu.vector_load %arg16[%get3A_759] {strides = array<i32>} : memref<240xi32, #tpu.memory_space<vmem>>, vector<16xi32>,
      %gather3A_761 = tpu.vector_load_idx %arg9[%get3A_758] : memref<10240xf32, #tpu.memory_space<vmem>>[vector<16xi32>], vector<16xf32>,
      %gather3A_762 = tpu.vector_load_idx %arg10[%get3A_760] : memref<10240xf32, #tpu.memory_space<vmem>>[vector<16xi32>], vector<16xf32>,
      %add3A_763 = arith.addf %gather3A_761, %gather3A_762 : vector<16xf32>
      %ge3A_764 = arith.constant 0.000000e+00 : f32
      %ge3A_765 = vector.broadcast %ge3A_764 : f32 to vector<16xf32>
      %ge3A_766 = arith.cmpf oge, %add3A_763, %ge3A_765 : vector<16xf32>
      %mul3A_767 = arith.constant 2.000000e-01 : f32
      %mul3A_768 = vector.broadcast %mul3A_767 : f32 to vector<16xf32>
      %mul3A_769 = arith.mulf %add3A_763, %mul3A_768 : vector<16xf32>
      %select_n3A_770 = arith.select %ge3A_766, %add3A_763, %mul3A_769 : vector<16xi1>, vector<16xf32>
      %exp3A_771 = math.exp %select_n3A_770 : vector<16xf32>
      %swap3A_772 = arith.constant 16 : index
      %swap3A_773 = tpu.vector_load %arg22[%swap3A_772] {strides = array<i32>} : memref<240xf32, #tpu.memory_space<vmem>>, vector<16xf32>,
      tpu.vector_store %arg22[%swap3A_772], %exp3A_771 {strides = array<i32>} : memref<240xf32, #tpu.memory_space<vmem>>, vector<16xf32>,
      %get3A_774 = arith.constant 32 : index
      %get3A_775 = tpu.vector_load %arg13[%get3A_774] {strides = array<i32>} : memref<240xi32, #tpu.memory_space<vmem>>, vector<16xi32>,
      %get3A_776 = arith.constant 32 : index
      %get3A_777 = tpu.vector_load %arg16[%get3A_776] {strides = array<i32>} : memref<240xi32, #tpu.memory_space<vmem>>, vector<16xi32>,
      %gather3A_778 = tpu.vector_load_idx %arg9[%get3A_775] : memref<10240xf32, #tpu.memory_space<vmem>>[vector<16xi32>], vector<16xf32>,
      %gather3A_779 = tpu.vector_load_idx %arg10[%get3A_777] : memref<10240xf32, #tpu.memory_space<vmem>>[vector<16xi32>], vector<16xf32>,
      %add3A_780 = arith.addf %gather3A_778, %gather3A_779 : vector<16xf32>
      %ge3A_781 = arith.constant 0.000000e+00 : f32
      %ge3A_782 = vector.broadcast %ge3A_781 : f32 to vector<16xf32>
      %ge3A_783 = arith.cmpf oge, %add3A_780, %ge3A_782 : vector<16xf32>
      %mul3A_784 = arith.constant 2.000000e-01 : f32
      %mul3A_785 = vector.broadcast %mul3A_784 : f32 to vector<16xf32>
      %mul3A_786 = arith.mulf %add3A_780, %mul3A_785 : vector<16xf32>
      %select_n3A_787 = arith.select %ge3A_783, %add3A_780, %mul3A_786 : vector<16xi1>, vector<16xf32>
      %exp3A_788 = math.exp %select_n3A_787 : vector<16xf32>
      %swap3A_789 = arith.constant 32 : index
      %swap3A_790 = tpu.vector_load %arg22[%swap3A_789] {strides = array<i32>} : memref<240xf32, #tpu.memory_space<vmem>>, vector<16xf32>,
      tpu.vector_store %arg22[%swap3A_789], %exp3A_788 {strides = array<i32>} : memref<240xf32, #tpu.memory_space<vmem>>, vector<16xf32>,
      %get3A_791 = arith.constant 48 : index
      %get3A_792 = tpu.vector_load %arg13[%get3A_791] {strides = array<i32>} : memref<240xi32, #tpu.memory_space<vmem>>, vector<16xi32>,
      %get3A_793 = arith.constant 48 : index
      %get3A_794 = tpu.vector_load %arg16[%get3A_793] {strides = array<i32>} : memref<240xi32, #tpu.memory_space<vmem>>, vector<16xi32>,
      %gather3A_795 = tpu.vector_load_idx %arg9[%get3A_792] : memref<10240xf32, #tpu.memory_space<vmem>>[vector<16xi32>], vector<16xf32>,
      %gather3A_796 = tpu.vector_load_idx %arg10[%get3A_794] : memref<10240xf32, #tpu.memory_space<vmem>>[vector<16xi32>], vector<16xf32>,
      %add3A_797 = arith.addf %gather3A_795, %gather3A_796 : vector<16xf32>
      %ge3A_798 = arith.constant 0.000000e+00 : f32
      %ge3A_799 = vector.broadcast %ge3A_798 : f32 to vector<16xf32>
      %ge3A_800 = arith.cmpf oge, %add3A_797, %ge3A_799 : vector<16xf32>
      %mul3A_801 = arith.constant 2.000000e-01 : f32
      %mul3A_802 = vector.broadcast %mul3A_801 : f32 to vector<16xf32>
      %mul3A_803 = arith.mulf %add3A_797, %mul3A_802 : vector<16xf32>
      %select_n3A_804 = arith.select %ge3A_800, %add3A_797, %mul3A_803 : vector<16xi1>, vector<16xf32>
      %exp3A_805 = math.exp %select_n3A_804 : vector<16xf32>
      %swap3A_806 = arith.constant 48 : index
      %swap3A_807 = tpu.vector_load %arg22[%swap3A_806] {strides = array<i32>} : memref<240xf32, #tpu.memory_space<vmem>>, vector<16xf32>,
      tpu.vector_store %arg22[%swap3A_806], %exp3A_805 {strides = array<i32>} : memref<240xf32, #tpu.memory_space<vmem>>, vector<16xf32>,
      %get3A_808 = arith.constant 64 : index
      %get3A_809 = tpu.vector_load %arg13[%get3A_808] {strides = array<i32>} : memref<240xi32, #tpu.memory_space<vmem>>, vector<16xi32>,
      %get3A_810 = arith.constant 64 : index
      %get3A_811 = tpu.vector_load %arg16[%get3A_810] {strides = array<i32>} : memref<240xi32, #tpu.memory_space<vmem>>, vector<16xi32>,
      %gather3A_812 = tpu.vector_load_idx %arg9[%get3A_809] : memref<10240xf32, #tpu.memory_space<vmem>>[vector<16xi32>], vector<16xf32>,
      %gather3A_813 = tpu.vector_load_idx %arg10[%get3A_811] : memref<10240xf32, #tpu.memory_space<vmem>>[vector<16xi32>], vector<16xf32>,
      %add3A_814 = arith.addf %gather3A_812, %gather3A_813 : vector<16xf32>
      %ge3A_815 = arith.constant 0.000000e+00 : f32
      %ge3A_816 = vector.broadcast %ge3A_815 : f32 to vector<16xf32>
      %ge3A_817 = arith.cmpf oge, %add3A_814, %ge3A_816 : vector<16xf32>
      %mul3A_818 = arith.constant 2.000000e-01 : f32
      %mul3A_819 = vector.broadcast %mul3A_818 : f32 to vector<16xf32>
      %mul3A_820 = arith.mulf %add3A_814, %mul3A_819 : vector<16xf32>
      %select_n3A_821 = arith.select %ge3A_817, %add3A_814, %mul3A_820 : vector<16xi1>, vector<16xf32>
      %exp3A_822 = math.exp %select_n3A_821 : vector<16xf32>
      %swap3A_823 = arith.constant 64 : index
      %swap3A_824 = tpu.vector_load %arg22[%swap3A_823] {strides = array<i32>} : memref<240xf32, #tpu.memory_space<vmem>>, vector<16xf32>,
      tpu.vector_store %arg22[%swap3A_823], %exp3A_822 {strides = array<i32>} : memref<240xf32, #tpu.memory_space<vmem>>, vector<16xf32>,
      %get3A_825 = arith.constant 80 : index
      %get3A_826 = tpu.vector_load %arg13[%get3A_825] {strides = array<i32>} : memref<240xi32, #tpu.memory_space<vmem>>, vector<16xi32>,
      %get3A_827 = arith.constant 80 : index
      %get3A_828 = tpu.vector_load %arg16[%get3A_827] {strides = array<i32>} : memref<240xi32, #tpu.memory_space<vmem>>, vector<16xi32>,
      %gather3A_829 = tpu.vector_load_idx %arg9[%get3A_826] : memref<10240xf32, #tpu.memory_space<vmem>>[vector<16xi32>], vector<16xf32>,
      %gather3A_830 = tpu.vector_load_idx %arg10[%get3A_828] : memref<10240xf32, #tpu.memory_space<vmem>>[vector<16xi32>], vector<16xf32>,
      %add3A_831 = arith.addf %gather3A_829, %gather3A_830 : vector<16xf32>
      %ge3A_832 = arith.constant 0.000000e+00 : f32
      %ge3A_833 = vector.broadcast %ge3A_832 : f32 to vector<16xf32>
      %ge3A_834 = arith.cmpf oge, %add3A_831, %ge3A_833 : vector<16xf32>
      %mul3A_835 = arith.constant 2.000000e-01 : f32
      %mul3A_836 = vector.broadcast %mul3A_835 : f32 to vector<16xf32>
      %mul3A_837 = arith.mulf %add3A_831, %mul3A_836 : vector<16xf32>
      %select_n3A_838 = arith.select %ge3A_834, %add3A_831, %mul3A_837 : vector<16xi1>, vector<16xf32>
      %exp3A_839 = math.exp %select_n3A_838 : vector<16xf32>
      %swap3A_840 = arith.constant 80 : index
      %swap3A_841 = tpu.vector_load %arg22[%swap3A_840] {strides = array<i32>} : memref<240xf32, #tpu.memory_space<vmem>>, vector<16xf32>,
      tpu.vector_store %arg22[%swap3A_840], %exp3A_839 {strides = array<i32>} : memref<240xf32, #tpu.memory_space<vmem>>, vector<16xf32>,
      %get3A_842 = arith.constant 96 : index
      %get3A_843 = tpu.vector_load %arg13[%get3A_842] {strides = array<i32>} : memref<240xi32, #tpu.memory_space<vmem>>, vector<16xi32>,
      %get3A_844 = arith.constant 96 : index
      %get3A_845 = tpu.vector_load %arg16[%get3A_844] {strides = array<i32>} : memref<240xi32, #tpu.memory_space<vmem>>, vector<16xi32>,
      %gather3A_846 = tpu.vector_load_idx %arg9[%get3A_843] : memref<10240xf32, #tpu.memory_space<vmem>>[vector<16xi32>], vector<16xf32>,
      %gather3A_847 = tpu.vector_load_idx %arg10[%get3A_845] : memref<10240xf32, #tpu.memory_space<vmem>>[vector<16xi32>], vector<16xf32>,
      %add3A_848 = arith.addf %gather3A_846, %gather3A_847 : vector<16xf32>
      %ge3A_849 = arith.constant 0.000000e+00 : f32
      %ge3A_850 = vector.broadcast %ge3A_849 : f32 to vector<16xf32>
      %ge3A_851 = arith.cmpf oge, %add3A_848, %ge3A_850 : vector<16xf32>
      %mul3A_852 = arith.constant 2.000000e-01 : f32
      %mul3A_853 = vector.broadcast %mul3A_852 : f32 to vector<16xf32>
      %mul3A_854 = arith.mulf %add3A_848, %mul3A_853 : vector<16xf32>
      %select_n3A_855 = arith.select %ge3A_851, %add3A_848, %mul3A_854 : vector<16xi1>, vector<16xf32>
      %exp3A_856 = math.exp %select_n3A_855 : vector<16xf32>
      %swap3A_857 = arith.constant 96 : index
      %swap3A_858 = tpu.vector_load %arg22[%swap3A_857] {strides = array<i32>} : memref<240xf32, #tpu.memory_space<vmem>>, vector<16xf32>,
      tpu.vector_store %arg22[%swap3A_857], %exp3A_856 {strides = array<i32>} : memref<240xf32, #tpu.memory_space<vmem>>, vector<16xf32>,
      %get3A_859 = arith.constant 112 : index
      %get3A_860 = tpu.vector_load %arg13[%get3A_859] {strides = array<i32>} : memref<240xi32, #tpu.memory_space<vmem>>, vector<16xi32>,
      %get3A_861 = arith.constant 112 : index
      %get3A_862 = tpu.vector_load %arg16[%get3A_861] {strides = array<i32>} : memref<240xi32, #tpu.memory_space<vmem>>, vector<16xi32>,
      %gather3A_863 = tpu.vector_load_idx %arg9[%get3A_860] : memref<10240xf32, #tpu.memory_space<vmem>>[vector<16xi32>], vector<16xf32>,
      %gather3A_864 = tpu.vector_load_idx %arg10[%get3A_862] : memref<10240xf32, #tpu.memory_space<vmem>>[vector<16xi32>], vector<16xf32>,
      %add3A_865 = arith.addf %gather3A_863, %gather3A_864 : vector<16xf32>
      %ge3A_866 = arith.constant 0.000000e+00 : f32
      %ge3A_867 = vector.broadcast %ge3A_866 : f32 to vector<16xf32>
      %ge3A_868 = arith.cmpf oge, %add3A_865, %ge3A_867 : vector<16xf32>
      %mul3A_869 = arith.constant 2.000000e-01 : f32
      %mul3A_870 = vector.broadcast %mul3A_869 : f32 to vector<16xf32>
      %mul3A_871 = arith.mulf %add3A_865, %mul3A_870 : vector<16xf32>
      %select_n3A_872 = arith.select %ge3A_868, %add3A_865, %mul3A_871 : vector<16xi1>, vector<16xf32>
      %exp3A_873 = math.exp %select_n3A_872 : vector<16xf32>
      %swap3A_874 = arith.constant 112 : index
      %swap3A_875 = tpu.vector_load %arg22[%swap3A_874] {strides = array<i32>} : memref<240xf32, #tpu.memory_space<vmem>>, vector<16xf32>,
      tpu.vector_store %arg22[%swap3A_874], %exp3A_873 {strides = array<i32>} : memref<240xf32, #tpu.memory_space<vmem>>, vector<16xf32>,
      %get3A_876 = arith.constant 128 : index
      %get3A_877 = tpu.vector_load %arg13[%get3A_876] {strides = array<i32>} : memref<240xi32, #tpu.memory_space<vmem>>, vector<16xi32>,
      %get3A_878 = arith.constant 128 : index
      %get3A_879 = tpu.vector_load %arg16[%get3A_878] {strides = array<i32>} : memref<240xi32, #tpu.memory_space<vmem>>, vector<16xi32>,
      %gather3A_880 = tpu.vector_load_idx %arg9[%get3A_877] : memref<10240xf32, #tpu.memory_space<vmem>>[vector<16xi32>], vector<16xf32>,
      %gather3A_881 = tpu.vector_load_idx %arg10[%get3A_879] : memref<10240xf32, #tpu.memory_space<vmem>>[vector<16xi32>], vector<16xf32>,
      %add3A_882 = arith.addf %gather3A_880, %gather3A_881 : vector<16xf32>
      %ge3A_883 = arith.constant 0.000000e+00 : f32
      %ge3A_884 = vector.broadcast %ge3A_883 : f32 to vector<16xf32>
      %ge3A_885 = arith.cmpf oge, %add3A_882, %ge3A_884 : vector<16xf32>
      %mul3A_886 = arith.constant 2.000000e-01 : f32
      %mul3A_887 = vector.broadcast %mul3A_886 : f32 to vector<16xf32>
      %mul3A_888 = arith.mulf %add3A_882, %mul3A_887 : vector<16xf32>
      %select_n3A_889 = arith.select %ge3A_885, %add3A_882, %mul3A_888 : vector<16xi1>, vector<16xf32>
      %exp3A_890 = math.exp %select_n3A_889 : vector<16xf32>
      %swap3A_891 = arith.constant 128 : index
      %swap3A_892 = tpu.vector_load %arg22[%swap3A_891] {strides = array<i32>} : memref<240xf32, #tpu.memory_space<vmem>>, vector<16xf32>,
      tpu.vector_store %arg22[%swap3A_891], %exp3A_890 {strides = array<i32>} : memref<240xf32, #tpu.memory_space<vmem>>, vector<16xf32>,
      %get3A_893 = arith.constant 144 : index
      %get3A_894 = tpu.vector_load %arg13[%get3A_893] {strides = array<i32>} : memref<240xi32, #tpu.memory_space<vmem>>, vector<16xi32>,
      %get3A_895 = arith.constant 144 : index
      %get3A_896 = tpu.vector_load %arg16[%get3A_895] {strides = array<i32>} : memref<240xi32, #tpu.memory_space<vmem>>, vector<16xi32>,
      %gather3A_897 = tpu.vector_load_idx %arg9[%get3A_894] : memref<10240xf32, #tpu.memory_space<vmem>>[vector<16xi32>], vector<16xf32>,
      %gather3A_898 = tpu.vector_load_idx %arg10[%get3A_896] : memref<10240xf32, #tpu.memory_space<vmem>>[vector<16xi32>], vector<16xf32>,
      %add3A_899 = arith.addf %gather3A_897, %gather3A_898 : vector<16xf32>
      %ge3A_900 = arith.constant 0.000000e+00 : f32
      %ge3A_901 = vector.broadcast %ge3A_900 : f32 to vector<16xf32>
      %ge3A_902 = arith.cmpf oge, %add3A_899, %ge3A_901 : vector<16xf32>
      %mul3A_903 = arith.constant 2.000000e-01 : f32
      %mul3A_904 = vector.broadcast %mul3A_903 : f32 to vector<16xf32>
      %mul3A_905 = arith.mulf %add3A_899, %mul3A_904 : vector<16xf32>
      %select_n3A_906 = arith.select %ge3A_902, %add3A_899, %mul3A_905 : vector<16xi1>, vector<16xf32>
      %exp3A_907 = math.exp %select_n3A_906 : vector<16xf32>
      %swap3A_908 = arith.constant 144 : index
      %swap3A_909 = tpu.vector_load %arg22[%swap3A_908] {strides = array<i32>} : memref<240xf32, #tpu.memory_space<vmem>>, vector<16xf32>,
      tpu.vector_store %arg22[%swap3A_908], %exp3A_907 {strides = array<i32>} : memref<240xf32, #tpu.memory_space<vmem>>, vector<16xf32>,
      %get3A_910 = arith.constant 160 : index
      %get3A_911 = tpu.vector_load %arg13[%get3A_910] {strides = array<i32>} : memref<240xi32, #tpu.memory_space<vmem>>, vector<16xi32>,
      %get3A_912 = arith.constant 160 : index
      %get3A_913 = tpu.vector_load %arg16[%get3A_912] {strides = array<i32>} : memref<240xi32, #tpu.memory_space<vmem>>, vector<16xi32>,
      %gather3A_914 = tpu.vector_load_idx %arg9[%get3A_911] : memref<10240xf32, #tpu.memory_space<vmem>>[vector<16xi32>], vector<16xf32>,
      %gather3A_915 = tpu.vector_load_idx %arg10[%get3A_913] : memref<10240xf32, #tpu.memory_space<vmem>>[vector<16xi32>], vector<16xf32>,
      %add3A_916 = arith.addf %gather3A_914, %gather3A_915 : vector<16xf32>
      %ge3A_917 = arith.constant 0.000000e+00 : f32
      %ge3A_918 = vector.broadcast %ge3A_917 : f32 to vector<16xf32>
      %ge3A_919 = arith.cmpf oge, %add3A_916, %ge3A_918 : vector<16xf32>
      %mul3A_920 = arith.constant 2.000000e-01 : f32
      %mul3A_921 = vector.broadcast %mul3A_920 : f32 to vector<16xf32>
      %mul3A_922 = arith.mulf %add3A_916, %mul3A_921 : vector<16xf32>
      %select_n3A_923 = arith.select %ge3A_919, %add3A_916, %mul3A_922 : vector<16xi1>, vector<16xf32>
      %exp3A_924 = math.exp %select_n3A_923 : vector<16xf32>
      %swap3A_925 = arith.constant 160 : index
      %swap3A_926 = tpu.vector_load %arg22[%swap3A_925] {strides = array<i32>} : memref<240xf32, #tpu.memory_space<vmem>>, vector<16xf32>,
      tpu.vector_store %arg22[%swap3A_925], %exp3A_924 {strides = array<i32>} : memref<240xf32, #tpu.memory_space<vmem>>, vector<16xf32>,
      %get3A_927 = arith.constant 176 : index
      %get3A_928 = tpu.vector_load %arg13[%get3A_927] {strides = array<i32>} : memref<240xi32, #tpu.memory_space<vmem>>, vector<16xi32>,
      %get3A_929 = arith.constant 176 : index
      %get3A_930 = tpu.vector_load %arg16[%get3A_929] {strides = array<i32>} : memref<240xi32, #tpu.memory_space<vmem>>, vector<16xi32>,
      %gather3A_931 = tpu.vector_load_idx %arg9[%get3A_928] : memref<10240xf32, #tpu.memory_space<vmem>>[vector<16xi32>], vector<16xf32>,
      %gather3A_932 = tpu.vector_load_idx %arg10[%get3A_930] : memref<10240xf32, #tpu.memory_space<vmem>>[vector<16xi32>], vector<16xf32>,
      %add3A_933 = arith.addf %gather3A_931, %gather3A_932 : vector<16xf32>
      %ge3A_934 = arith.constant 0.000000e+00 : f32
      %ge3A_935 = vector.broadcast %ge3A_934 : f32 to vector<16xf32>
      %ge3A_936 = arith.cmpf oge, %add3A_933, %ge3A_935 : vector<16xf32>
      %mul3A_937 = arith.constant 2.000000e-01 : f32
      %mul3A_938 = vector.broadcast %mul3A_937 : f32 to vector<16xf32>
      %mul3A_939 = arith.mulf %add3A_933, %mul3A_938 : vector<16xf32>
      %select_n3A_940 = arith.select %ge3A_936, %add3A_933, %mul3A_939 : vector<16xi1>, vector<16xf32>
      %exp3A_941 = math.exp %select_n3A_940 : vector<16xf32>
      %swap3A_942 = arith.constant 176 : index
      %swap3A_943 = tpu.vector_load %arg22[%swap3A_942] {strides = array<i32>} : memref<240xf32, #tpu.memory_space<vmem>>, vector<16xf32>,
      tpu.vector_store %arg22[%swap3A_942], %exp3A_941 {strides = array<i32>} : memref<240xf32, #tpu.memory_space<vmem>>, vector<16xf32>,
      %get3A_944 = arith.constant 192 : index
      %get3A_945 = tpu.vector_load %arg13[%get3A_944] {strides = array<i32>} : memref<240xi32, #tpu.memory_space<vmem>>, vector<16xi32>,
      %get3A_946 = arith.constant 192 : index
      %get3A_947 = tpu.vector_load %arg16[%get3A_946] {strides = array<i32>} : memref<240xi32, #tpu.memory_space<vmem>>, vector<16xi32>,
      %gather3A_948 = tpu.vector_load_idx %arg9[%get3A_945] : memref<10240xf32, #tpu.memory_space<vmem>>[vector<16xi32>], vector<16xf32>,
      %gather3A_949 = tpu.vector_load_idx %arg10[%get3A_947] : memref<10240xf32, #tpu.memory_space<vmem>>[vector<16xi32>], vector<16xf32>,
      %add3A_950 = arith.addf %gather3A_948, %gather3A_949 : vector<16xf32>
      %ge3A_951 = arith.constant 0.000000e+00 : f32
      %ge3A_952 = vector.broadcast %ge3A_951 : f32 to vector<16xf32>
      %ge3A_953 = arith.cmpf oge, %add3A_950, %ge3A_952 : vector<16xf32>
      %mul3A_954 = arith.constant 2.000000e-01 : f32
      %mul3A_955 = vector.broadcast %mul3A_954 : f32 to vector<16xf32>
      %mul3A_956 = arith.mulf %add3A_950, %mul3A_955 : vector<16xf32>
      %select_n3A_957 = arith.select %ge3A_953, %add3A_950, %mul3A_956 : vector<16xi1>, vector<16xf32>
      %exp3A_958 = math.exp %select_n3A_957 : vector<16xf32>
      %swap3A_959 = arith.constant 192 : index
      %swap3A_960 = tpu.vector_load %arg22[%swap3A_959] {strides = array<i32>} : memref<240xf32, #tpu.memory_space<vmem>>, vector<16xf32>,
      tpu.vector_store %arg22[%swap3A_959], %exp3A_958 {strides = array<i32>} : memref<240xf32, #tpu.memory_space<vmem>>, vector<16xf32>,
      %get3A_961 = arith.constant 208 : index
      %get3A_962 = tpu.vector_load %arg13[%get3A_961] {strides = array<i32>} : memref<240xi32, #tpu.memory_space<vmem>>, vector<16xi32>,
      %get3A_963 = arith.constant 208 : index
      %get3A_964 = tpu.vector_load %arg16[%get3A_963] {strides = array<i32>} : memref<240xi32, #tpu.memory_space<vmem>>, vector<16xi32>,
      %gather3A_965 = tpu.vector_load_idx %arg9[%get3A_962] : memref<10240xf32, #tpu.memory_space<vmem>>[vector<16xi32>], vector<16xf32>,
      %gather3A_966 = tpu.vector_load_idx %arg10[%get3A_964] : memref<10240xf32, #tpu.memory_space<vmem>>[vector<16xi32>], vector<16xf32>,
      %add3A_967 = arith.addf %gather3A_965, %gather3A_966 : vector<16xf32>
      %ge3A_968 = arith.constant 0.000000e+00 : f32
      %ge3A_969 = vector.broadcast %ge3A_968 : f32 to vector<16xf32>
      %ge3A_970 = arith.cmpf oge, %add3A_967, %ge3A_969 : vector<16xf32>
      %mul3A_971 = arith.constant 2.000000e-01 : f32
      %mul3A_972 = vector.broadcast %mul3A_971 : f32 to vector<16xf32>
      %mul3A_973 = arith.mulf %add3A_967, %mul3A_972 : vector<16xf32>
      %select_n3A_974 = arith.select %ge3A_970, %add3A_967, %mul3A_973 : vector<16xi1>, vector<16xf32>
      %exp3A_975 = math.exp %select_n3A_974 : vector<16xf32>
      %swap3A_976 = arith.constant 208 : index
      %swap3A_977 = tpu.vector_load %arg22[%swap3A_976] {strides = array<i32>} : memref<240xf32, #tpu.memory_space<vmem>>, vector<16xf32>,
      tpu.vector_store %arg22[%swap3A_976], %exp3A_975 {strides = array<i32>} : memref<240xf32, #tpu.memory_space<vmem>>, vector<16xf32>,
      %get3A_978 = arith.constant 224 : index
      %get3A_979 = tpu.vector_load %arg13[%get3A_978] {strides = array<i32>} : memref<240xi32, #tpu.memory_space<vmem>>, vector<16xi32>,
      %get3A_980 = arith.constant 224 : index
      %get3A_981 = tpu.vector_load %arg16[%get3A_980] {strides = array<i32>} : memref<240xi32, #tpu.memory_space<vmem>>, vector<16xi32>,
      %gather3A_982 = tpu.vector_load_idx %arg9[%get3A_979] : memref<10240xf32, #tpu.memory_space<vmem>>[vector<16xi32>], vector<16xf32>,
      %gather3A_983 = tpu.vector_load_idx %arg10[%get3A_981] : memref<10240xf32, #tpu.memory_space<vmem>>[vector<16xi32>], vector<16xf32>,
      %add3A_984 = arith.addf %gather3A_982, %gather3A_983 : vector<16xf32>
      %ge3A_985 = arith.constant 0.000000e+00 : f32
      %ge3A_986 = vector.broadcast %ge3A_985 : f32 to vector<16xf32>
      %ge3A_987 = arith.cmpf oge, %add3A_984, %ge3A_986 : vector<16xf32>
      %mul3A_988 = arith.constant 2.000000e-01 : f32
      %mul3A_989 = vector.broadcast %mul3A_988 : f32 to vector<16xf32>
      %mul3A_990 = arith.mulf %add3A_984, %mul3A_989 : vector<16xf32>
      %select_n3A_991 = arith.select %ge3A_987, %add3A_984, %mul3A_990 : vector<16xi1>, vector<16xf32>
      %exp3A_992 = math.exp %select_n3A_991 : vector<16xf32>
      %swap3A_993 = arith.constant 224 : index
      %swap3A_994 = tpu.vector_load %arg22[%swap3A_993] {strides = array<i32>} : memref<240xf32, #tpu.memory_space<vmem>>, vector<16xf32>,
      tpu.vector_store %arg22[%swap3A_993], %exp3A_992 {strides = array<i32>} : memref<240xf32, #tpu.memory_space<vmem>>, vector<16xf32>,
      %scan3A_995 = arith.constant 0 : i32
      %scan3A_996 = arith.constant 0 : i32
      %scan3A_997 = arith.constant 240 : i32
      %scan3A_998 = arith.addi %scan3A_996, %scan3A_997 : i32
      %scan3A_999 = arith.constant 1 : i32
      scf.for %scan3A_1018 = %scan3A_996 to %scan3A_998 step %scan3A_999  : i32 {
        %broadcast_in_dim3A_1019 = vector.broadcast %scan3A_1018 : i32 to vector<16xi32>
        %gather3A_1020 = tpu.vector_load_idx %arg22[%broadcast_in_dim3A_1019] : memref<240xf32, #tpu.memory_space<vmem>>[vector<16xi32>], vector<16xf32>,
        %get3A_1021 = arith.index_cast %scan3A_1018 : i32 to index
        %get3A_1022 = arith.constant 0 : index
        %get3A_1023 = tpu.vector_load %arg19[%get3A_1021, %get3A_1022] {strides = array<i32>} : memref<240x64xf32, #tpu.memory_space<vmem>>, vector<16xf32>,
        %mul3A_1024 = arith.mulf %get3A_1023, %gather3A_1020 : vector<16xf32>
        %swap3A_1025 = arith.index_cast %scan3A_1018 : i32 to index
        %swap3A_1026 = arith.constant 0 : index
        %swap3A_1027 = tpu.vector_load %arg19[%swap3A_1025, %swap3A_1026] {strides = array<i32>} : memref<240x64xf32, #tpu.memory_space<vmem>>, vector<16xf32>,
        tpu.vector_store %arg19[%swap3A_1025, %swap3A_1026], %mul3A_1024 {strides = array<i32>} : memref<240x64xf32, #tpu.memory_space<vmem>>, vector<16xf32>,
        %get3A_1028 = arith.index_cast %scan3A_1018 : i32 to index
        %get3A_1029 = arith.constant 16 : index
        %get3A_1030 = tpu.vector_load %arg19[%get3A_1028, %get3A_1029] {strides = array<i32>} : memref<240x64xf32, #tpu.memory_space<vmem>>, vector<16xf32>,
        %mul3A_1031 = arith.mulf %get3A_1030, %gather3A_1020 : vector<16xf32>
        %swap3A_1032 = arith.index_cast %scan3A_1018 : i32 to index
        %swap3A_1033 = arith.constant 16 : index
        %swap3A_1034 = tpu.vector_load %arg19[%swap3A_1032, %swap3A_1033] {strides = array<i32>} : memref<240x64xf32, #tpu.memory_space<vmem>>, vector<16xf32>,
        tpu.vector_store %arg19[%swap3A_1032, %swap3A_1033], %mul3A_1031 {strides = array<i32>} : memref<240x64xf32, #tpu.memory_space<vmem>>, vector<16xf32>,
        %get3A_1035 = arith.index_cast %scan3A_1018 : i32 to index
        %get3A_1036 = arith.constant 32 : index
        %get3A_1037 = tpu.vector_load %arg19[%get3A_1035, %get3A_1036] {strides = array<i32>} : memref<240x64xf32, #tpu.memory_space<vmem>>, vector<16xf32>,
        %mul3A_1038 = arith.mulf %get3A_1037, %gather3A_1020 : vector<16xf32>
        %swap3A_1039 = arith.index_cast %scan3A_1018 : i32 to index
        %swap3A_1040 = arith.constant 32 : index
        %swap3A_1041 = tpu.vector_load %arg19[%swap3A_1039, %swap3A_1040] {strides = array<i32>} : memref<240x64xf32, #tpu.memory_space<vmem>>, vector<16xf32>,
        tpu.vector_store %arg19[%swap3A_1039, %swap3A_1040], %mul3A_1038 {strides = array<i32>} : memref<240x64xf32, #tpu.memory_space<vmem>>, vector<16xf32>,
        %get3A_1042 = arith.index_cast %scan3A_1018 : i32 to index
        %get3A_1043 = arith.constant 48 : index
        %get3A_1044 = tpu.vector_load %arg19[%get3A_1042, %get3A_1043] {strides = array<i32>} : memref<240x64xf32, #tpu.memory_space<vmem>>, vector<16xf32>,
        %mul3A_1045 = arith.mulf %get3A_1044, %gather3A_1020 : vector<16xf32>
        %swap3A_1046 = arith.index_cast %scan3A_1018 : i32 to index
        %swap3A_1047 = arith.constant 48 : index
        %swap3A_1048 = tpu.vector_load %arg19[%swap3A_1046, %swap3A_1047] {strides = array<i32>} : memref<240x64xf32, #tpu.memory_space<vmem>>, vector<16xf32>,
        tpu.vector_store %arg19[%swap3A_1046, %swap3A_1047], %mul3A_1045 {strides = array<i32>} : memref<240x64xf32, #tpu.memory_space<vmem>>, vector<16xf32>,
      }
      %scan3A_1000 = arith.constant 240 : i32
      %dma_start3A_1001 = arith.constant 0 : i32
      %dma_start3A_1002 = arith.constant 0 : i32
      %dma_start3A_1003 = tpu.memref_slice %arg24[%dma_start3A_1001, %dma_start3A_1002] : memref<10240x64xf32, #tpu.memory_space<vmem_shared>> -> memref<10240x64xf32, #tpu.memory_space<vmem_shared>>
      tpu.enqueue_indirect_dma source(%arg19 : memref<240x64xf32, #tpu.memory_space<vmem>>) target(%dma_start3A_1003 : memref<10240x64xf32, #tpu.memory_space<vmem_shared>>) offsets(%arg16 : memref<240xi32, #tpu.memory_space<vmem>>) semaphore(%arg31 : memref<!tpu.dma_semaphore, #tpu.memory_space<semaphore_mem>>) {add = true}
      %dma_start3A_1004 = arith.constant 0 : i32
      %dma_start3A_1005 = tpu.memref_slice %arg25[%dma_start3A_1004] : memref<10240xf32, #tpu.memory_space<vmem_shared>> -> memref<10240xf32, #tpu.memory_space<vmem_shared>>
      tpu.enqueue_indirect_dma source(%arg22 : memref<240xf32, #tpu.memory_space<vmem>>) target(%dma_start3A_1005 : memref<10240xf32, #tpu.memory_space<vmem_shared>>) offsets(%arg16 : memref<240xi32, #tpu.memory_space<vmem>>) semaphore(%arg34 : memref<!tpu.dma_semaphore, #tpu.memory_space<semaphore_mem>>) {add = true}
      %ge3A_1006 = arith.constant 1 : i32
      %ge3A_1007 = arith.cmpi sge, %add3A_725, %ge3A_1006 : i32
      %convert_element_type3A_1008 = arith.extui %ge3A_1007 : i1 to i32
      %cond3A_1009 = arith.constant 0 : i32
      %cond3A_1010 = arith.cmpi ne, %convert_element_type3A_1008, %cond3A_1009 : i32
      scf.if %cond3A_1010 {
        %dma_wait3A_1018 = arith.constant 0 : i32
        %dma_wait3A_1019 = arith.constant 0 : i32
        %dma_wait3A_1020 = tpu.memref_slice %arg24[%dma_wait3A_1018, %dma_wait3A_1019] : memref<10240x64xf32, #tpu.memory_space<vmem_shared>> -> memref<10240x64xf32, #tpu.memory_space<vmem_shared>>
        tpu.wait_indirect_dma semaphore(%arg30 : memref<!tpu.dma_semaphore, #tpu.memory_space<semaphore_mem>>) src(%arg18 : memref<240x64xf32, #tpu.memory_space<vmem>>) dst(%dma_wait3A_1020 : memref<10240x64xf32, #tpu.memory_space<vmem_shared>>)
        %dma_wait3A_1021 = arith.constant 0 : i32
        %dma_wait3A_1022 = tpu.memref_slice %arg25[%dma_wait3A_1021] : memref<10240xf32, #tpu.memory_space<vmem_shared>> -> memref<10240xf32, #tpu.memory_space<vmem_shared>>
        tpu.wait_indirect_dma semaphore(%arg33 : memref<!tpu.dma_semaphore, #tpu.memory_space<semaphore_mem>>) src(%arg21 : memref<240xf32, #tpu.memory_space<vmem>>) dst(%dma_wait3A_1022 : memref<10240xf32, #tpu.memory_space<vmem_shared>>)
      } else {
      }
      %add3A_1011 = arith.constant 2 : i32
      %add3A_1012 = arith.addi %add3A_725, %add3A_1011 : i32
      %lt3A_1013 = arith.constant 87 : i32
      %lt3A_1014 = arith.cmpi slt, %add3A_1012, %lt3A_1013 : i32
      %convert_element_type3A_1015 = arith.extui %lt3A_1014 : i1 to i32
      %cond3A_1016 = arith.constant 0 : i32
      %cond3A_1017 = arith.cmpi ne, %convert_element_type3A_1015, %cond3A_1016 : i32
      scf.if %cond3A_1017 {
        %add3A_1018 = arith.constant 2 : i32
        %add3A_1019 = arith.addi %add3A_725, %add3A_1018 : i32
        %mul3A_1020 = arith.constant 240 : i32
        %mul3A_1021 = arith.muli %add3A_1019, %mul3A_1020 : i32
        %add3A_1022 = arith.addi %multiple_of3A_93, %mul3A_1021 : i32
        %multiple_of3A_1023 = tpu.assume_multiple %add3A_1022, 8 : i32
        %dma_start3A_1024 = tpu.memref_slice %arg5[%multiple_of3A_1023] : memref<334080xi32, #tpu.memory_space<hbm>> -> memref<240xi32, #tpu.memory_space<hbm>>
        %dma_start3A_1025 = tpu.memref_slice %arg5[%multiple_of3A_1023] : memref<334080xi32, #tpu.memory_space<hbm>> -> memref<240xi32, #tpu.memory_space<hbm>>
        tpu.enqueue_dma source(%dma_start3A_1025 : memref<240xi32, #tpu.memory_space<hbm>>) target(%arg12 : memref<240xi32, #tpu.memory_space<vmem>>) target_semaphore(%arg36 : memref<!tpu.dma_semaphore, #tpu.memory_space<semaphore_mem>>)
        %dma_start3A_1026 = tpu.memref_slice %arg6[%multiple_of3A_1023] : memref<334080xi32, #tpu.memory_space<hbm>> -> memref<240xi32, #tpu.memory_space<hbm>>
        %dma_start3A_1027 = tpu.memref_slice %arg6[%multiple_of3A_1023] : memref<334080xi32, #tpu.memory_space<hbm>> -> memref<240xi32, #tpu.memory_space<hbm>>
        tpu.enqueue_dma source(%dma_start3A_1027 : memref<240xi32, #tpu.memory_space<hbm>>) target(%arg15 : memref<240xi32, #tpu.memory_space<vmem>>) target_semaphore(%arg36 : memref<!tpu.dma_semaphore, #tpu.memory_space<semaphore_mem>>)
      } else {
      }
    }
    %scan3A_126 = arith.constant 29 : i32
    %dma_wait3A_127 = arith.constant 0 : i32
    %dma_wait3A_128 = arith.constant 0 : i32
    %dma_wait3A_129 = tpu.memref_slice %arg24[%dma_wait3A_127, %dma_wait3A_128] : memref<10240x64xf32, #tpu.memory_space<vmem_shared>> -> memref<10240x64xf32, #tpu.memory_space<vmem_shared>>
    tpu.wait_indirect_dma semaphore(%arg31 : memref<!tpu.dma_semaphore, #tpu.memory_space<semaphore_mem>>) src(%arg19 : memref<240x64xf32, #tpu.memory_space<vmem>>) dst(%dma_wait3A_129 : memref<10240x64xf32, #tpu.memory_space<vmem_shared>>)
    %dma_wait3A_130 = arith.constant 0 : i32
    %dma_wait3A_131 = tpu.memref_slice %arg25[%dma_wait3A_130] : memref<10240xf32, #tpu.memory_space<vmem_shared>> -> memref<10240xf32, #tpu.memory_space<vmem_shared>>
    tpu.wait_indirect_dma semaphore(%arg34 : memref<!tpu.dma_semaphore, #tpu.memory_space<semaphore_mem>>) src(%arg22 : memref<240xf32, #tpu.memory_space<vmem>>) dst(%dma_wait3A_131 : memref<10240xf32, #tpu.memory_space<vmem_shared>>)
    %barrier3A_132 = arith.constant 0 : index
    tpu.barrier barrier_id(%barrier3A_132)
    "tpu.region"() ({
      %run_scoped3A = tpu.sem_alloc : memref<!tpu.dma_semaphore, #tpu.memory_space<semaphore_mem>>
      %dma_start3A_135 = arith.constant 0 : i32
      %dma_start3A_136 = tpu.memref_slice %arg7[%arg0, %multiple_of3A, %dma_start3A_135] : memref<2x10240x64xf32, #tpu.memory_space<hbm>> -> memref<1x640x64xf32, #tpu.memory_space<hbm>>
      %dma_start3A_137 = tpu.memref_squeeze %dma_start3A_136 : memref<1x640x64xf32, #tpu.memory_space<hbm>> -> memref<640x64xf32, #tpu.memory_space<hbm>>
      %dma_start3A_138 = arith.constant 0 : i32
      %dma_start3A_139 = tpu.memref_slice %arg24[%multiple_of3A, %dma_start3A_138] : memref<10240x64xf32, #tpu.memory_space<vmem_shared>> -> memref<640x64xf32, #tpu.memory_space<vmem_shared>>
      tpu.enqueue_dma source(%dma_start3A_139 : memref<640x64xf32, #tpu.memory_space<vmem_shared>>) target(%dma_start3A_137 : memref<640x64xf32, #tpu.memory_space<hbm>>) target_semaphore(%run_scoped3A : memref<!tpu.dma_semaphore, #tpu.memory_space<semaphore_mem>>)
      %dma_wait3A_140 = arith.constant 0 : i32
      %dma_wait3A_141 = tpu.memref_slice %arg7[%arg0, %multiple_of3A, %dma_wait3A_140] : memref<2x10240x64xf32, #tpu.memory_space<hbm>> -> memref<1x640x64xf32, #tpu.memory_space<hbm>>
      %dma_wait3A_142 = tpu.memref_squeeze %dma_wait3A_141 : memref<1x640x64xf32, #tpu.memory_space<hbm>> -> memref<640x64xf32, #tpu.memory_space<hbm>>
      %dma_wait3A_143 = arith.constant 0 : i32
      %dma_wait3A_144 = tpu.memref_slice %arg24[%multiple_of3A, %dma_wait3A_143] : memref<10240x64xf32, #tpu.memory_space<vmem_shared>> -> memref<640x64xf32, #tpu.memory_space<vmem_shared>>
      tpu.wait_dma2 semaphore(%run_scoped3A : memref<!tpu.dma_semaphore, #tpu.memory_space<semaphore_mem>>) src(%dma_wait3A_144 : memref<640x64xf32, #tpu.memory_space<vmem_shared>>) dst(%dma_wait3A_142 : memref<640x64xf32, #tpu.memory_space<hbm>>)
      tpu.yield
    }) : () -> ()
    %eq3A = arith.constant 0 : i32
    %eq3A_133 = arith.cmpi eq, %arg0, %eq3A : i32
    %convert_element_type3A = arith.extui %eq3A_133 : i1 to i32
    %cond3A = arith.constant 0 : i32
    %cond3A_134 = arith.cmpi ne, %convert_element_type3A, %cond3A : i32
    scf.if %cond3A_134 {
      "tpu.region"() ({
        %run_scoped3A = tpu.sem_alloc : memref<!tpu.dma_semaphore, #tpu.memory_space<semaphore_mem>>
        %dma_start3A_135 = tpu.memref_slice %arg8[%multiple_of3A] : memref<10240xf32, #tpu.memory_space<hbm>> -> memref<640xf32, #tpu.memory_space<hbm>>
        %dma_start3A_136 = tpu.memref_slice %arg25[%multiple_of3A] : memref<10240xf32, #tpu.memory_space<vmem_shared>> -> memref<640xf32, #tpu.memory_space<vmem_shared>>
        tpu.enqueue_dma source(%dma_start3A_136 : memref<640xf32, #tpu.memory_space<vmem_shared>>) target(%dma_start3A_135 : memref<640xf32, #tpu.memory_space<hbm>>) target_semaphore(%run_scoped3A : memref<!tpu.dma_semaphore, #tpu.memory_space<semaphore_mem>>)
        %dma_wait3A_137 = tpu.memref_slice %arg8[%multiple_of3A] : memref<10240xf32, #tpu.memory_space<hbm>> -> memref<640xf32, #tpu.memory_space<hbm>>
        %dma_wait3A_138 = tpu.memref_slice %arg25[%multiple_of3A] : memref<10240xf32, #tpu.memory_space<vmem_shared>> -> memref<640xf32, #tpu.memory_space<vmem_shared>>
        tpu.wait_dma2 semaphore(%run_scoped3A : memref<!tpu.dma_semaphore, #tpu.memory_space<semaphore_mem>>) src(%dma_wait3A_138 : memref<640xf32, #tpu.memory_space<vmem_shared>>) dst(%dma_wait3A_137 : memref<640xf32, #tpu.memory_space<hbm>>)
        tpu.yield
      }) : () -> ()
    } else {
    }
    return
  }
}

module attributes {stable_mosaic.version = 14 : i64} {
  func.func @_tc_in_body(%arg0: i32, %arg1: memref<512x128xf32, #tpu.memory_space<vmem>>, %arg2: memref<128x128xf32, #tpu.memory_space<vmem>>, %arg3: memref<1x128xf32, #tpu.memory_space<vmem>>, %arg4: memref<1x128xf32, #tpu.memory_space<vmem>>, %arg5: memref<2x512x64xf32, #tpu.memory_space<vmem>>, %arg6: memref<512x1xf32, #tpu.memory_space<vmem>>, %arg7: memref<512x1xf32, #tpu.memory_space<vmem>>) attributes {dimension_semantics = [#tpu.dimension_semantics<arbitrary>], iteration_bounds = array<i64: 20>, scalar_prefetch = 0 : i64, scratch_operands = 0 : i64, tpu.core_type = #tpu.core_type<tc>, window_params = [{transform_indices = @transform_0, window_bounds = array<i64: 512, 128>}, {pipeline_mode = #tpu.pipeline_mode<synchronous>, transform_indices = @transform_1, window_bounds = array<i64: 128, 128>}, {pipeline_mode = #tpu.pipeline_mode<synchronous>, transform_indices = @transform_2, window_bounds = array<i64: 1, 128>}, {pipeline_mode = #tpu.pipeline_mode<synchronous>, transform_indices = @transform_3, window_bounds = array<i64: 1, 128>}, {transform_indices = @transform_4, window_bounds = array<i64: 2, 512, 64>}, {transform_indices = @transform_5, window_bounds = array<i64: 512, 1>}, {transform_indices = @transform_6, window_bounds = array<i64: 512, 1>}]} {
    %get3A = arith.constant 0 : index
    %get3A_0 = arith.constant 0 : index
    %get3A_1 = vector.load %arg1[%get3A, %get3A_0] : memref<512x128xf32, #tpu.memory_space<vmem>>, vector<512x128xf32>
    %get3A_2 = arith.constant 0 : index
    %get3A_3 = arith.constant 0 : index
    %get3A_4 = vector.load %arg2[%get3A_2, %get3A_3] : memref<128x128xf32, #tpu.memory_space<vmem>>, vector<128x128xf32>
    %dot_general3A = arith.constant dense<0.000000e+00> : vector<512x128xf32>
    %dot_general3A_5 = tpu.matmul %get3A_1, %get3A_4, %dot_general3A {dimension_numbers = #tpu.dot_dimension_numbers<[1], [0], [0], [1], [0, 0, 1, 1], [], []>, transpose_lhs_hint = false} : vector<512x128xf32>, vector<128x128xf32>, vector<512x128xf32> -> vector<512x128xf32>
    %slice3A = vector.extract_strided_slice %dot_general3A_5 {offsets = [0, 0], sizes = [512, 64], strides = [1, 1]} : vector<512x128xf32> to vector<512x64xf32>
    %swap3A = arith.constant 0 : index
    %swap3A_6 = arith.constant 0 : index
    %swap3A_7 = arith.constant 0 : index
    %swap3A_8 = vector.load %arg5[%swap3A, %swap3A_6, %swap3A_7] : memref<2x512x64xf32, #tpu.memory_space<vmem>>, vector<1x512x64xf32>
    %swap3A_9 = vector.shape_cast %swap3A_8 : vector<1x512x64xf32> to vector<512x64xf32>
    %swap3A_10 = vector.shape_cast %slice3A : vector<512x64xf32> to vector<1x512x64xf32>
    tpu.vector_store %arg5[%swap3A, %swap3A_6, %swap3A_7], %swap3A_10 {strides = array<i32>} : memref<2x512x64xf32, #tpu.memory_space<vmem>>, vector<1x512x64xf32>,
    %slice3A_11 = vector.extract_strided_slice %dot_general3A_5 {offsets = [0, 64], sizes = [512, 64], strides = [1, 1]} : vector<512x128xf32> to vector<512x64xf32>
    %swap3A_12 = arith.constant 1 : index
    %swap3A_13 = arith.constant 0 : index
    %swap3A_14 = arith.constant 0 : index
    %swap3A_15 = vector.load %arg5[%swap3A_12, %swap3A_13, %swap3A_14] : memref<2x512x64xf32, #tpu.memory_space<vmem>>, vector<1x512x64xf32>
    %swap3A_16 = vector.shape_cast %swap3A_15 : vector<1x512x64xf32> to vector<512x64xf32>
    %swap3A_17 = vector.shape_cast %slice3A_11 : vector<512x64xf32> to vector<1x512x64xf32>
    tpu.vector_store %arg5[%swap3A_12, %swap3A_13, %swap3A_14], %swap3A_17 {strides = array<i32>} : memref<2x512x64xf32, #tpu.memory_space<vmem>>, vector<1x512x64xf32>,
    %get3A_18 = arith.constant 0 : index
    %get3A_19 = arith.constant 0 : index
    %get3A_20 = vector.load %arg3[%get3A_18, %get3A_19] : memref<1x128xf32, #tpu.memory_space<vmem>>, vector<1x128xf32>
    %mul3A = vector.broadcast %get3A_20 : vector<1x128xf32> to vector<512x128xf32>
    %mul3A_21 = arith.mulf %dot_general3A_5, %mul3A : vector<512x128xf32>
    %reduce_sum3A = arith.constant dense<0.000000e+00> : vector<512xf32>
    %reduce_sum3A_22 = vector.multi_reduction <add>, %mul3A_21, %reduce_sum3A [1] : vector<512x128xf32> to vector<512xf32>
    %broadcast_in_dim3A = vector.shape_cast %reduce_sum3A_22 : vector<512xf32> to vector<512x1xf32>
    %swap3A_23 = arith.constant 0 : index
    %swap3A_24 = arith.constant 0 : index
    %swap3A_25 = vector.load %arg6[%swap3A_23, %swap3A_24] : memref<512x1xf32, #tpu.memory_space<vmem>>, vector<512x1xf32>
    tpu.vector_store %arg6[%swap3A_23, %swap3A_24], %broadcast_in_dim3A {strides = array<i32>} : memref<512x1xf32, #tpu.memory_space<vmem>>, vector<512x1xf32>,
    %get3A_26 = arith.constant 0 : index
    %get3A_27 = arith.constant 0 : index
    %get3A_28 = vector.load %arg4[%get3A_26, %get3A_27] : memref<1x128xf32, #tpu.memory_space<vmem>>, vector<1x128xf32>
    %mul3A_29 = vector.broadcast %get3A_28 : vector<1x128xf32> to vector<512x128xf32>
    %mul3A_30 = arith.mulf %dot_general3A_5, %mul3A_29 : vector<512x128xf32>
    %reduce_sum3A_31 = arith.constant dense<0.000000e+00> : vector<512xf32>
    %reduce_sum3A_32 = vector.multi_reduction <add>, %mul3A_30, %reduce_sum3A_31 [1] : vector<512x128xf32> to vector<512xf32>
    %broadcast_in_dim3A_33 = vector.shape_cast %reduce_sum3A_32 : vector<512xf32> to vector<512x1xf32>
    %swap3A_34 = arith.constant 0 : index
    %swap3A_35 = arith.constant 0 : index
    %swap3A_36 = vector.load %arg7[%swap3A_34, %swap3A_35] : memref<512x1xf32, #tpu.memory_space<vmem>>, vector<512x1xf32>
    tpu.vector_store %arg7[%swap3A_34, %swap3A_35], %broadcast_in_dim3A_33 {strides = array<i32>} : memref<512x1xf32, #tpu.memory_space<vmem>>, vector<512x1xf32>,
    return
  }
  func.func @transform_0(%arg0: i32) -> (i32, i32) {
    %c0_i32 = arith.constant 0 : i32
    %c0_i32_0 = arith.constant 0 : i32
    return %arg0, %c0_i32 : i32, i32
  }
  func.func @transform_1(%arg0: i32) -> (i32, i32) {
    %c0_i32 = arith.constant 0 : i32
    %c0_i32_0 = arith.constant 0 : i32
    %c0_i32_1 = arith.constant 0 : i32
    return %c0_i32, %c0_i32_0 : i32, i32
  }
  func.func @transform_2(%arg0: i32) -> (i32, i32) {
    %c0_i32 = arith.constant 0 : i32
    %c0_i32_0 = arith.constant 0 : i32
    %c0_i32_1 = arith.constant 0 : i32
    return %c0_i32, %c0_i32_0 : i32, i32
  }
  func.func @transform_3(%arg0: i32) -> (i32, i32) {
    %c0_i32 = arith.constant 0 : i32
    %c0_i32_0 = arith.constant 0 : i32
    %c0_i32_1 = arith.constant 0 : i32
    return %c0_i32, %c0_i32_0 : i32, i32
  }
  func.func @transform_4(%arg0: i32) -> (i32, i32, i32) {
    %c0_i32 = arith.constant 0 : i32
    %c0_i32_0 = arith.constant 0 : i32
    %c0_i32_1 = arith.constant 0 : i32
    return %c0_i32, %arg0, %c0_i32_0 : i32, i32, i32
  }
  func.func @transform_5(%arg0: i32) -> (i32, i32) {
    %c0_i32 = arith.constant 0 : i32
    %c0_i32_0 = arith.constant 0 : i32
    return %arg0, %c0_i32 : i32, i32
  }
  func.func @transform_6(%arg0: i32) -> (i32, i32) {
    %c0_i32 = arith.constant 0 : i32
    %c0_i32_0 = arith.constant 0 : i32
    return %arg0, %c0_i32 : i32, i32
  }
}

module attributes {stable_mosaic.version = 14 : i64} {
  func.func @_tc_mid_body(%arg0: i32, %arg1: memref<2x512x64xf32, #tpu.memory_space<vmem>>, %arg2: memref<512x1xf32, #tpu.memory_space<vmem>>, %arg3: memref<128x128xf32, #tpu.memory_space<vmem>>, %arg4: memref<1x128xf32, #tpu.memory_space<vmem>>, %arg5: memref<1x128xf32, #tpu.memory_space<vmem>>, %arg6: memref<2x512x64xf32, #tpu.memory_space<vmem>>, %arg7: memref<512x1xf32, #tpu.memory_space<vmem>>, %arg8: memref<512x1xf32, #tpu.memory_space<vmem>>) attributes {dimension_semantics = [#tpu.dimension_semantics<arbitrary>], iteration_bounds = array<i64: 20>, scalar_prefetch = 0 : i64, scratch_operands = 0 : i64, tpu.core_type = #tpu.core_type<tc>, window_params = [{transform_indices = @transform_0, window_bounds = array<i64: 2, 512, 64>}, {transform_indices = @transform_1, window_bounds = array<i64: 512, 1>}, {pipeline_mode = #tpu.pipeline_mode<synchronous>, transform_indices = @transform_2, window_bounds = array<i64: 128, 128>}, {pipeline_mode = #tpu.pipeline_mode<synchronous>, transform_indices = @transform_3, window_bounds = array<i64: 1, 128>}, {pipeline_mode = #tpu.pipeline_mode<synchronous>, transform_indices = @transform_4, window_bounds = array<i64: 1, 128>}, {transform_indices = @transform_5, window_bounds = array<i64: 2, 512, 64>}, {transform_indices = @transform_6, window_bounds = array<i64: 512, 1>}, {transform_indices = @transform_7, window_bounds = array<i64: 512, 1>}]} {
    %get3A = arith.constant 0 : index
    %get3A_0 = arith.constant 0 : index
    %get3A_1 = vector.load %arg2[%get3A, %get3A_0] : memref<512x1xf32, #tpu.memory_space<vmem>>, vector<512x1xf32>
    %max3A = arith.constant 1.000000e-30 : f32
    %max3A_2 = vector.broadcast %max3A : f32 to vector<512x1xf32>
    %max3A_3 = arith.maximumf %get3A_1, %max3A_2 : vector<512x1xf32>
    %get3A_4 = arith.constant 0 : index
    %get3A_5 = arith.constant 0 : index
    %get3A_6 = arith.constant 0 : index
    %get3A_7 = vector.load %arg1[%get3A_4, %get3A_5, %get3A_6] : memref<2x512x64xf32, #tpu.memory_space<vmem>>, vector<1x512x64xf32>
    %get3A_8 = vector.shape_cast %get3A_7 : vector<1x512x64xf32> to vector<512x64xf32>
    %get3A_9 = arith.constant 1 : index
    %get3A_10 = arith.constant 0 : index
    %get3A_11 = arith.constant 0 : index
    %get3A_12 = vector.load %arg1[%get3A_9, %get3A_10, %get3A_11] : memref<2x512x64xf32, #tpu.memory_space<vmem>>, vector<1x512x64xf32>
    %get3A_13 = vector.shape_cast %get3A_12 : vector<1x512x64xf32> to vector<512x64xf32>
    %concatenate3A = tpu.concatenate %get3A_8, %get3A_13 in 1 : vector<512x64xf32>, vector<512x64xf32> -> vector<512x128xf32>
    %max3A_14 = arith.constant 0.000000e+00 : f32
    %max3A_15 = vector.broadcast %max3A_14 : f32 to vector<512x128xf32>
    %max3A_16 = arith.maximumf %concatenate3A, %max3A_15 : vector<512x128xf32>
    %div3A = vector.broadcast %max3A_3 : vector<512x1xf32> to vector<512x128xf32>
    %div3A_17 = arith.divf %max3A_16, %div3A : vector<512x128xf32>
    %get3A_18 = arith.constant 0 : index
    %get3A_19 = arith.constant 0 : index
    %get3A_20 = vector.load %arg3[%get3A_18, %get3A_19] : memref<128x128xf32, #tpu.memory_space<vmem>>, vector<128x128xf32>
    %dot_general3A = arith.constant dense<0.000000e+00> : vector<512x128xf32>
    %dot_general3A_21 = tpu.matmul %div3A_17, %get3A_20, %dot_general3A {dimension_numbers = #tpu.dot_dimension_numbers<[1], [0], [0], [1], [0, 0, 1, 1], [], []>, transpose_lhs_hint = false} : vector<512x128xf32>, vector<128x128xf32>, vector<512x128xf32> -> vector<512x128xf32>
    %slice3A = vector.extract_strided_slice %dot_general3A_21 {offsets = [0, 0], sizes = [512, 64], strides = [1, 1]} : vector<512x128xf32> to vector<512x64xf32>
    %swap3A = arith.constant 0 : index
    %swap3A_22 = arith.constant 0 : index
    %swap3A_23 = arith.constant 0 : index
    %swap3A_24 = vector.load %arg6[%swap3A, %swap3A_22, %swap3A_23] : memref<2x512x64xf32, #tpu.memory_space<vmem>>, vector<1x512x64xf32>
    %swap3A_25 = vector.shape_cast %swap3A_24 : vector<1x512x64xf32> to vector<512x64xf32>
    %swap3A_26 = vector.shape_cast %slice3A : vector<512x64xf32> to vector<1x512x64xf32>
    tpu.vector_store %arg6[%swap3A, %swap3A_22, %swap3A_23], %swap3A_26 {strides = array<i32>} : memref<2x512x64xf32, #tpu.memory_space<vmem>>, vector<1x512x64xf32>,
    %slice3A_27 = vector.extract_strided_slice %dot_general3A_21 {offsets = [0, 64], sizes = [512, 64], strides = [1, 1]} : vector<512x128xf32> to vector<512x64xf32>
    %swap3A_28 = arith.constant 1 : index
    %swap3A_29 = arith.constant 0 : index
    %swap3A_30 = arith.constant 0 : index
    %swap3A_31 = vector.load %arg6[%swap3A_28, %swap3A_29, %swap3A_30] : memref<2x512x64xf32, #tpu.memory_space<vmem>>, vector<1x512x64xf32>
    %swap3A_32 = vector.shape_cast %swap3A_31 : vector<1x512x64xf32> to vector<512x64xf32>
    %swap3A_33 = vector.shape_cast %slice3A_27 : vector<512x64xf32> to vector<1x512x64xf32>
    tpu.vector_store %arg6[%swap3A_28, %swap3A_29, %swap3A_30], %swap3A_33 {strides = array<i32>} : memref<2x512x64xf32, #tpu.memory_space<vmem>>, vector<1x512x64xf32>,
    %get3A_34 = arith.constant 0 : index
    %get3A_35 = arith.constant 0 : index
    %get3A_36 = vector.load %arg4[%get3A_34, %get3A_35] : memref<1x128xf32, #tpu.memory_space<vmem>>, vector<1x128xf32>
    %mul3A = vector.broadcast %get3A_36 : vector<1x128xf32> to vector<512x128xf32>
    %mul3A_37 = arith.mulf %dot_general3A_21, %mul3A : vector<512x128xf32>
    %reduce_sum3A = arith.constant dense<0.000000e+00> : vector<512xf32>
    %reduce_sum3A_38 = vector.multi_reduction <add>, %mul3A_37, %reduce_sum3A [1] : vector<512x128xf32> to vector<512xf32>
    %broadcast_in_dim3A = vector.shape_cast %reduce_sum3A_38 : vector<512xf32> to vector<512x1xf32>
    %swap3A_39 = arith.constant 0 : index
    %swap3A_40 = arith.constant 0 : index
    %swap3A_41 = vector.load %arg7[%swap3A_39, %swap3A_40] : memref<512x1xf32, #tpu.memory_space<vmem>>, vector<512x1xf32>
    tpu.vector_store %arg7[%swap3A_39, %swap3A_40], %broadcast_in_dim3A {strides = array<i32>} : memref<512x1xf32, #tpu.memory_space<vmem>>, vector<512x1xf32>,
    %get3A_42 = arith.constant 0 : index
    %get3A_43 = arith.constant 0 : index
    %get3A_44 = vector.load %arg5[%get3A_42, %get3A_43] : memref<1x128xf32, #tpu.memory_space<vmem>>, vector<1x128xf32>
    %mul3A_45 = vector.broadcast %get3A_44 : vector<1x128xf32> to vector<512x128xf32>
    %mul3A_46 = arith.mulf %dot_general3A_21, %mul3A_45 : vector<512x128xf32>
    %reduce_sum3A_47 = arith.constant dense<0.000000e+00> : vector<512xf32>
    %reduce_sum3A_48 = vector.multi_reduction <add>, %mul3A_46, %reduce_sum3A_47 [1] : vector<512x128xf32> to vector<512xf32>
    %broadcast_in_dim3A_49 = vector.shape_cast %reduce_sum3A_48 : vector<512xf32> to vector<512x1xf32>
    %swap3A_50 = arith.constant 0 : index
    %swap3A_51 = arith.constant 0 : index
    %swap3A_52 = vector.load %arg8[%swap3A_50, %swap3A_51] : memref<512x1xf32, #tpu.memory_space<vmem>>, vector<512x1xf32>
    tpu.vector_store %arg8[%swap3A_50, %swap3A_51], %broadcast_in_dim3A_49 {strides = array<i32>} : memref<512x1xf32, #tpu.memory_space<vmem>>, vector<512x1xf32>,
    return
  }
  func.func @transform_0(%arg0: i32) -> (i32, i32, i32) {
    %c0_i32 = arith.constant 0 : i32
    %c0_i32_0 = arith.constant 0 : i32
    %c0_i32_1 = arith.constant 0 : i32
    return %c0_i32, %arg0, %c0_i32_0 : i32, i32, i32
  }
  func.func @transform_1(%arg0: i32) -> (i32, i32) {
    %c0_i32 = arith.constant 0 : i32
    %c0_i32_0 = arith.constant 0 : i32
    return %arg0, %c0_i32 : i32, i32
  }
  func.func @transform_2(%arg0: i32) -> (i32, i32) {
    %c0_i32 = arith.constant 0 : i32
    %c0_i32_0 = arith.constant 0 : i32
    %c0_i32_1 = arith.constant 0 : i32
    return %c0_i32, %c0_i32_0 : i32, i32
  }
  func.func @transform_3(%arg0: i32) -> (i32, i32) {
    %c0_i32 = arith.constant 0 : i32
    %c0_i32_0 = arith.constant 0 : i32
    %c0_i32_1 = arith.constant 0 : i32
    return %c0_i32, %c0_i32_0 : i32, i32
  }
  func.func @transform_4(%arg0: i32) -> (i32, i32) {
    %c0_i32 = arith.constant 0 : i32
    %c0_i32_0 = arith.constant 0 : i32
    %c0_i32_1 = arith.constant 0 : i32
    return %c0_i32, %c0_i32_0 : i32, i32
  }
  func.func @transform_5(%arg0: i32) -> (i32, i32, i32) {
    %c0_i32 = arith.constant 0 : i32
    %c0_i32_0 = arith.constant 0 : i32
    %c0_i32_1 = arith.constant 0 : i32
    return %c0_i32, %arg0, %c0_i32_0 : i32, i32, i32
  }
  func.func @transform_6(%arg0: i32) -> (i32, i32) {
    %c0_i32 = arith.constant 0 : i32
    %c0_i32_0 = arith.constant 0 : i32
    return %arg0, %c0_i32 : i32, i32
  }
  func.func @transform_7(%arg0: i32) -> (i32, i32) {
    %c0_i32 = arith.constant 0 : i32
    %c0_i32_0 = arith.constant 0 : i32
    return %arg0, %c0_i32 : i32, i32
  }
}

module attributes {stable_mosaic.version = 14 : i64} {
  func.func @_tc_out_body(%arg0: i32, %arg1: memref<2x400x64xf32, #tpu.memory_space<vmem>>, %arg2: memref<400x1xf32, #tpu.memory_space<vmem>>, %arg3: memref<400x128xf32, #tpu.memory_space<vmem>>) attributes {dimension_semantics = [#tpu.dimension_semantics<arbitrary>], iteration_bounds = array<i64: 25>, scalar_prefetch = 0 : i64, scratch_operands = 0 : i64, tpu.core_type = #tpu.core_type<tc>, window_params = [{transform_indices = @transform_0, window_bounds = array<i64: 2, 400, 64>}, {transform_indices = @transform_1, window_bounds = array<i64: 400, 1>}, {transform_indices = @transform_2, window_bounds = array<i64: 400, 128>}]} {
    %get3A = arith.constant 0 : index
    %get3A_0 = arith.constant 0 : index
    %get3A_1 = vector.load %arg2[%get3A, %get3A_0] : memref<400x1xf32, #tpu.memory_space<vmem>>, vector<400x1xf32>
    %max3A = arith.constant 1.000000e-30 : f32
    %max3A_2 = vector.broadcast %max3A : f32 to vector<400x1xf32>
    %max3A_3 = arith.maximumf %get3A_1, %max3A_2 : vector<400x1xf32>
    %get3A_4 = arith.constant 0 : index
    %get3A_5 = arith.constant 0 : index
    %get3A_6 = arith.constant 0 : index
    %get3A_7 = vector.load %arg1[%get3A_4, %get3A_5, %get3A_6] : memref<2x400x64xf32, #tpu.memory_space<vmem>>, vector<1x400x64xf32>
    %get3A_8 = vector.shape_cast %get3A_7 : vector<1x400x64xf32> to vector<400x64xf32>
    %get3A_9 = arith.constant 1 : index
    %get3A_10 = arith.constant 0 : index
    %get3A_11 = arith.constant 0 : index
    %get3A_12 = vector.load %arg1[%get3A_9, %get3A_10, %get3A_11] : memref<2x400x64xf32, #tpu.memory_space<vmem>>, vector<1x400x64xf32>
    %get3A_13 = vector.shape_cast %get3A_12 : vector<1x400x64xf32> to vector<400x64xf32>
    %concatenate3A = tpu.concatenate %get3A_8, %get3A_13 in 1 : vector<400x64xf32>, vector<400x64xf32> -> vector<400x128xf32>
    %div3A = vector.broadcast %max3A_3 : vector<400x1xf32> to vector<400x128xf32>
    %div3A_14 = arith.divf %concatenate3A, %div3A : vector<400x128xf32>
    %reduce_max3A = arith.constant dense<0xFF800000> : vector<400xf32>
    %reduce_max3A_15 = vector.multi_reduction <maximumf>, %div3A_14, %reduce_max3A [1] : vector<400x128xf32> to vector<400xf32>
    %broadcast_in_dim3A = vector.shape_cast %reduce_max3A_15 : vector<400xf32> to vector<400x1xf32>
    %sub3A = vector.broadcast %broadcast_in_dim3A : vector<400x1xf32> to vector<400x128xf32>
    %sub3A_16 = arith.subf %div3A_14, %sub3A : vector<400x128xf32>
    %exp3A = math.exp %sub3A_16 : vector<400x128xf32>
    %reduce_sum3A = arith.constant dense<0.000000e+00> : vector<400xf32>
    %reduce_sum3A_17 = vector.multi_reduction <add>, %exp3A, %reduce_sum3A [1] : vector<400x128xf32> to vector<400xf32>
    %broadcast_in_dim3A_18 = vector.shape_cast %reduce_sum3A_17 : vector<400xf32> to vector<400x1xf32>
    %log3A = math.log %broadcast_in_dim3A_18 : vector<400x1xf32>
    %sub3A_19 = vector.broadcast %log3A : vector<400x1xf32> to vector<400x128xf32>
    %sub3A_20 = arith.subf %sub3A_16, %sub3A_19 : vector<400x128xf32>
    %swap3A = arith.constant 0 : index
    %swap3A_21 = arith.constant 0 : index
    %swap3A_22 = vector.load %arg3[%swap3A, %swap3A_21] : memref<400x128xf32, #tpu.memory_space<vmem>>, vector<400x128xf32>
    tpu.vector_store %arg3[%swap3A, %swap3A_21], %sub3A_20 {strides = array<i32>} : memref<400x128xf32, #tpu.memory_space<vmem>>, vector<400x128xf32>,
    return
  }
  func.func @transform_0(%arg0: i32) -> (i32, i32, i32) {
    %c0_i32 = arith.constant 0 : i32
    %c0_i32_0 = arith.constant 0 : i32
    %c0_i32_1 = arith.constant 0 : i32
    return %c0_i32, %arg0, %c0_i32_0 : i32, i32, i32
  }
  func.func @transform_1(%arg0: i32) -> (i32, i32) {
    %c0_i32 = arith.constant 0 : i32
    %c0_i32_0 = arith.constant 0 : i32
    return %arg0, %c0_i32 : i32, i32
  }
  func.func @transform_2(%arg0: i32) -> (i32, i32) {
    %c0_i32 = arith.constant 0 : i32
    %c0_i32_0 = arith.constant 0 : i32
    return %arg0, %c0_i32 : i32, i32
  }
}

</mosaic_0001>

<sc_bundles>
// kernel: kernel.10.cloned.1.call-start
scs
__scs_entry_jumppad:
0x0: {  	(pc) =	sbr.rel $0x88, $3  }
0x1: {  	(tag) =	ssettag $0x0;
	lr =	simm.s32 $0x1  }
0x2: {  	[smem:$0x3F99] =	sst lr;
	_ =	strace $0xD0000000  }
0x3: {  	_ = 	snop  }
0x4: {  	_ = 	snop  }
0x5: {  	_ = 	snop  }
0x6: {  	_ = 	snop  }
0x7: {  	_ = 	snop  }
__scs_overlays_trampoline_lowered:
0x8: {  	[smem:$0x3FA8] =	sst s0  }
0x9: {  	[smem:$0x3FA9] =	sst s1  }
0xa: {  	[smem:$0x3FAA] =	sst s2  }
0xb: {  	[smem:$0x3FAB] =	sst s3  }
0xc: {  	[smem:$0x3FAC] =	sst s4  }
0xd: {  	[smem:$0x3FAD] =	sst s5  }
0xe: {  	[smem:$0x3FAE] =	sst s6  }
0xf: {  	[smem:$0x3FAF] =	sst s7  }
0x10: {  	[smem:$0x3FB0] =	sst s8  }
0x11: {  	[smem:$0x3FB1] =	sst s9;
	s0 =	simm.s32 @!p0 $0x0  }
0x12: {  	s1 =	sld [smem:$0x3F97];
	s0 =	simm.s32 @p0 $0x1  }
0x13: {  	[smem:$0x3FB2] =	sst s0;
	s0 =	simm.s32 @!p1 $0x0  }
0x14: {  	s2 =	sld [smem:$0x3F96];
	s0 =	simm.s32 @p1 $0x1  }
0x15: {  	[smem:$0x3FB3] =	sst s0;
	s0 =	simm.s32 @!p2 $0x0  }
0x16: {  	s3 =	sld [smem:$0x3FDB];
	s0 =	simm.s32 @p2 $0x1  }
0x17: {  	s4 =	simm.s32 $0x1BF5;
	[smem:$0x3FB5] =	sst s0  }
0x18: {  	s0 =	sld [smem:$0x3F98];
	_ =	swait.ge [sflag:s4], $0x0  }
0x19: {  	s7 =	sld [smem:$0x3F99]  }
0x1a: {  	s8 =	sadd.s32 $0xFFFFE003, lr  }
0x1b: {  	s9 =	sadd.s32 $0xFFFFFEF7, lr;
	s5 =	simm.s32 $0xFFFFFFFF;
	p2 =	slt.u32 s8, $0xFFFFF086  }
0x1c: {  	p1 =	slt.u32 s9, $0xF7A;
	s5 =	simm.s32 @!p2 $0x0  }
0x1d: {  	s5 =	simm.s32 @p1 $0x1;
	p0 =	seq.s32 s7, s2  }
0x1e: {  	s7 =	smul.u32 @!p0 $0xF7A, s2;
	p2 =	seq.s32 @!p0 s5, $0x0  }
0x1f: {  	s9 =	smul.u32 $0xF7A, s1;
	s8 =	simm.s32 @!p0 $0x1BF5;
	p2 =	por !p2, p0  }
0x20: {  	[sflag:s8] =	ssyncset.s32 @!p0 $0xFFFFF086;
	s6 =	sadd.s32 @!p0 s3, s7;
	s7 =	simm.s32 @!p0 $0x108  }
0x21: {  	s3 =	sadd.s32 s3, s9;
	s6 =	sadd.s32 @!p0 $0x88, s6;
	s7 =	simm.s32 @p2 $0x1082  }
0x22: {  	[simem:s7], [sflag:s8] =	dma.local @!p0 [hbm:s6], $0xF7A  }
0x23: {  	s9 =	sor.u32 $0xD0000000, s2;
	s6 =	simm.s32 $0x108;
	_ =	swait.ge @!p0 [sflag:s8], $0x0  }
0x24: {  	s3 =	sadd.s32 $0x88, s3;
	s6 =	simm.s32 @!p1 $0x1082;
	[sflag:s4] =	ssyncset.s32 $0xFFFFF086  }
0x25: {  	[simem:s6], [sflag:s4] =	dma.local [hbm:s3], $0xF7A  }
0x26: {  	[smem:$0x3F99] =	sst s1;
	(tag) =	ssettag s2;
	_ =	strace s9  }
0x27: {  	s1 =	sld [smem:$0x3FA9]  }
0x28: {  	s2 =	sld [smem:$0x3FAA]  }
0x29: {  	s4 =	sld [smem:$0x3FAC]  }
0x2a: {  	p0 =	seq.s32 s5, $0x0;
	s5 =	sld [smem:$0x3FAD]  }
0x2b: {  	s6 =	sld [smem:$0x3FAE]  }
0x2c: {  	s7 =	sld [smem:$0x3FAF]  }
0x2d: {  	s3 =	simm.s32 $0x108;
	s8 =	sld [smem:$0x3FB0]  }
0x2e: {  	s3 =	simm.s32 @!p0 $0x1082;
	s9 =	sld [smem:$0x3FB1]  }
0x2f: {  	lr =	sadd.s32 s0, s3;
	s0 =	sld [smem:$0x3FA8]  }
0x30: {  	s3 =	sld [smem:$0x3FAB]  }
0x31: {  	[smem:$0x3FB4] =	sst s10  }
0x32: {  	s10 =	sld [smem:$0x3FB2];
	_ =	sdelay $0x3  }
0x33: {  	p0 =	seq.s32 s10, $0x1;
	s10 =	sld [smem:$0x3FB4];
	_ =	sdelay $0x3  }
0x34: {  	[smem:$0x3FB4] =	sst s10  }
0x35: {  	s10 =	sld [smem:$0x3FB3];
	_ =	sdelay $0x3  }
0x36: {  	p1 =	seq.s32 s10, $0x1;
	s10 =	sld [smem:$0x3FB4];
	_ =	sdelay $0x3  }
0x37: {  	[smem:$0x3FB4] =	sst s10  }
0x38: {  	s10 =	sld [smem:$0x3FB5]  }
0x39: {  	_ = 	snop;
	(pc) =	sbr.ind lr, $3  }
0x3a: {  	_ = 	snop  }
0x3b: {  	_ = 	snop  }
0x3c: {  	p2 =	seq.s32 s10, $0x1;
	s10 =	sld [smem:$0x3FB4]  }
0x3d: {  	_ =	shalt  }
0x3e: {  	_ =	shalt  }
0x3f: {  	_ =	shalt  }
0x40: {  	_ =	shalt  }
0x41: {  	_ =	shalt  }
0x42: {  	_ =	shalt  }
0x43: {  	_ =	shalt  }
0x44: {  	_ =	shalt  }
0x45: {  	_ =	shalt  }
0x46: {  	_ =	shalt  }
0x47: {  	_ =	shalt  }
0x48: {  	_ =	shalt  }
0x49: {  	_ =	shalt  }
0x4a: {  	_ =	shalt  }
0x4b: {  	_ =	shalt  }
0x4c: {  	_ =	shalt  }
0x4d: {  	_ =	shalt  }
0x4e: {  	_ =	shalt  }
0x4f: {  	_ =	shalt  }
0x50: {  	_ =	shalt  }
0x51: {  	_ =	shalt  }
0x52: {  	_ =	shalt  }
0x53: {  	_ =	shalt  }
0x54: {  	_ =	shalt  }
0x55: {  	_ =	shalt  }
0x56: {  	_ =	shalt  }
0x57: {  	_ =	shalt  }
0x58: {  	_ =	shalt  }
0x59: {  	_ =	shalt  }
0x5a: {  	_ =	shalt  }
0x5b: {  	_ =	shalt  }
0x5c: {  	_ =	shalt  }
0x5d: {  	_ =	shalt  }
0x5e: {  	_ =	shalt  }
0x5f: {  	_ =	shalt  }
0x60: {  	_ =	shalt  }
0x61: {  	_ =	shalt  }
0x62: {  	_ =	shalt  }
0x63: {  	_ =	shalt  }
0x64: {  	_ =	shalt  }
0x65: {  	_ =	shalt  }
0x66: {  	_ =	shalt  }
0x67: {  	_ =	shalt  }
0x68: {  	_ =	shalt  }
0x69: {  	_ =	shalt  }
0x6a: {  	_ =	shalt  }
0x6b: {  	_ =	shalt  }
0x6c: {  	_ =	shalt  }
0x6d: {  	_ =	shalt  }
0x6e: {  	_ =	shalt  }
0x6f: {  	_ =	shalt  }
0x70: {  	_ =	shalt  }
0x71: {  	_ =	shalt  }
0x72: {  	_ =	shalt  }
0x73: {  	_ =	shalt  }
0x74: {  	_ =	shalt  }
0x75: {  	_ =	shalt  }
0x76: {  	_ =	shalt  }
0x77: {  	_ =	shalt  }
0x78: {  	_ =	shalt  }
0x79: {  	_ =	shalt  }
0x7a: {  	_ =	shalt  }
0x7b: {  	_ =	shalt  }
0x7c: {  	_ =	shalt  }
0x7d: {  	_ =	shalt  }
0x7e: {  	_ =	shalt  }
0x7f: {  	_ =	shalt  }
0x80: {  	_ =	shalt  }
0x81: {  	_ =	shalt  }
0x82: {  	_ =	shalt  }
0x83: {  	_ =	shalt  }
0x84: {  	_ =	shalt  }
0x85: {  	_ =	shalt  }
0x86: {  	_ =	shalt  }
0x87: {  	_ =	shalt  }
.Lfunc_end0:
.L_simem_size_0:
called_computation.1_lowered:
.L_overlay_start_0:
0x88: {  	s2 =	sld [smem:$0x3FD9]  }
0x89: {  	s3 =	sld [smem:$0x3FFE];
	_ =	sdelay $0x1  }
0x8a: {  	s1 =	srdreg.scid  }
0x8b: {  	s0 =	sand.u32 $0x1, s1  }
0x8c: {  	s17 =	sshll.u32 s0, $0xA;
	s2 =	sadd.s32 s3, s2  }
0x8d: {  	s2 =	sadd.s32 s2, s17  }
0x8e: {  	[smem:$0x3FC0] =	sst s2  }
0x8f: {  	_ = 	snop  }
0x90: {  	s2 =	sld [smem:$0x3FD0];
	(tm) =	ssettm $0x1  }
0x91: {  	s18 =	sld [smem:$0x3FFB];
	_ =	sdelay $0x3  }
0x92: {  	_ =	strace s18  }
0x93: {  	s3 =	sld [smem:$0x3FFC];
	_ =	sdelay $0x3  }
0x94: {  	_ =	strace s3  }
0x95: {  	s3 =	sld [smem:$0x3FFD];
	_ =	sdelay $0x3  }
0x96: {  	_ =	strace s3  }
0x97: {  	_ =	strace $0x8FFFFFFF  }
0x98: {  	s19 =	sld [smem:$0x3FDB];
	_ =	sdelay $0x1  }
0x99: {  	s4 =	simm.s32 $_scs_section_size  }
0x9a: {  	s5 =	simm.s32 $_size__tile_overlayer_lowered;
	s6 =	simm.s32 $_tile_overlayer_lowered  }
0x9b: {  	s22 =	simm.s32 $0x1BFF;
	s21 =	sshll.u32 s6, $0x1;
	s3 =	sadd.s32 s4, s19  }
0x9c: {  	s7 =	simm.s32 $0x0;
	s20 =	sshll.u32 s5, $0x1;
	s5 =	sadd.s32 s21, s3  }
0x9d: {  	[timem:s7], [sflag:s22] =	dma.local [hbm:s5], s20  }
0x9e: {  	_ =	swait.ge [sflag:s22], s20  }
0x9f: {  	s4 =	ssub.s32 $0x0, s20;
	[sflag:s22] =	ssyncset.done $0x0  }
0xa0: {  	[sflag:s22] =	ssyncadd.s32 s4;
	_ =	sdelay $0x1  }
0xa1: {  	s23 =	simm.s32 $0x1B8B  }
0xa2: {  	_ =	swait.ge [sflag:s23], $0x1  }
0xa3: {  	[sflag:s23] =	ssyncset.done $0x0  }
0xa4: {  	s25 =	simm.s32 $0x1B8E;
	s24 =	sld [smem:$0x3FFE];
	[sflag:s23] =	ssyncadd.s32 $0xFFFFFFFF  }
0xa5: {  	s26 =	simm.s32 $execute0_lowered;
	[smem:$0x3FD2] =	sst s25  }
0xa6: {  	s5 =	sshll.u32 s26, $0x1;
	_ =	strace $0x80000049;
	[dreg:$0x1] =	wrdreg $0xFFFFFFFF  }
0xa7: {  	s28 =	simm.s32 $_size_execute0_lowered;
	s3 =	sadd.s32 s3, s5;
	[dreg:$0x0] =	wrdreg $0x0  }
0xa8: {  	s5 =	sshll.u32 s28, $0x1;
	[dreg:$0x2] =	wrdreg s3  }
0xa9: {  	[dreg:$0x3] =	wrdreg s5  }
0xaa: {  	[dreg:$0x4] =	wrdreg $0xC0  }
0xab: {  	_ =	task [dreg:s7], $0x5FFFF  }
0xac: {  	[dreg:$0x1] =	wrdreg $0xFFFFFFFF  }
0xad: {  	[dreg:$0x0] =	wrdreg $0x60  }
0xae: {  	[dreg:$0x2] =	wrdreg s24  }
0xaf: {  	[dreg:$0x3] =	wrdreg s2  }
0xb0: {  	[dreg:$0x4] =	wrdreg $0x10EF00  }
0xb1: {  	[dreg:$0x5] =	wrdreg $0x1AEF00  }
0xb2: {  	[dreg:$0x6] =	wrdreg $0x9  }
0xb3: {  	_ =	task.clear_ibuf [dreg:s7], $0x7FFFF;
	_ =	strace $0x90000049  }
0xb4: {  	s29 =	simm.s32 $0x9;
	_ =	strace $0x8000004B  }
0xb5: {  	_ =	swait.ge [sflag:s29], $0x1  }
0xb6: {  	[sflag:s29] =	ssyncadd.s32 $0xFFFFFFFF  }
0xb7: {  	_ =	strace $0x9000004B  }
0xb8: {  	_ =	sfence  }
0xb9: {  	s30 =	sld [smem:$0x0];
	_ =	sdelay $0x2  }
0xba: {  	s31 =	sshll.u32 s1, $0xD;
	s1 =	sshrl.u32 s1, $0x2  }
0xbb: {  	s3 =	sand.u32 $0x4000, s31;
	s1 =	sadd.s32 s1, s30  }
0xbc: {  	s0 =	sor.u32 s3, s0;
	s1 =	sshll.u32 s1, $0x11  }
0xbd: {  	s0 =	sor.u32 s1, s0  }
0xbe: {  	s0 =	sadd.s32 $0x8F2B, s0  }
0xbf: {  	[sflag:s0] =	ssyncadd.remote.s32 $0x1  }
0xc0: {  	_ =	sfence.sel $0xFFFF  }
0xc1: {  	[dreg:$0x0] =	wrdreg $0xFFFFFFFF;
	(pc) =	sbr.abs _section_cstart, $3  }
0xc2: {  	[dreg:$0x1] =	wrdreg $0xFFFFFFFF  }
0xc3: {  	_ =	task.clear_ibuf [dreg:s7], $0x2FFFF;
	_ =	strace $0x9FFFFFFF  }
0xc4: {  	(tm) =	ssettm $0x7FFFFFFF  }
0xc5: {  	_ =	shalt  }
tec
execute0_lowered:
.L_overlay_start_1:
0x0: {  	(tag) =	ssettag $0x1  }
0x1: {  	s0 =	rddreg [dreg:$0x0]  }
0x2: {  	s1 =	rddreg [dreg:$0x1]  }
0x3: {  	s2 =	rddreg [dreg:$0x2]  }
0x4: {  	s3 =	srdreg.scid;
	s4 =	rddreg [dreg:$0x3]  }
0x5: {  	s6 =	simm.s32 $0x0;
	s13 =	stileid.u32;
	s31 =	simm.s32 $0xD  }
0x6: {  	s28 =	simm.s32 $0x2800;
	s30 =	simm.s32 $0x52D0;
	s7 =	smul.u32 $0xA000, s13  }
0x7: {  	s3 =	sand.u32 $0x1, s3;
	[smem:$0x7FF] =	sst s6;
	s9 =	smul.u32 $0x280, s13  }
0x8: {  	s8 =	sadd.s32 $0x32A00, s0;
	s12 =	sadd.s32 $0x33000, s0;
	s10 =	smul.u32 $0x28000, s13  }
0x9: {  	s13 =	smul.u32 $0x5190, s13;
	_ =	strace $0x8000004A;
	[dreg:$0x5] =	wrdreg s8  }
0xa: {  	s29 =	simm.s32 $0xC;
	s5 =	smul.u32 $0xA0000, s3;
	[dreg:$0x6] =	wrdreg s12  }
0xb: {  	s8 =	sadd.s32 $0x600, s0;
	s14 =	ssub.s32 $0x2, s3;
	p0 =	sne.s32 s3, $0x0  }
0xc: {  	s3 =	simm.s32 $0xF0;
	s10 =	sshrl.u32 s10, $0x2;
	s12 =	sshrl.u32 s14, $0x1  }
0xd: {  	s20 =	sadd.s32 s7, s2;
	s24 =	sadd.s32 s9, s4;
	s17 =	sshrl.u32 s13, $0x3  }
0xe: {  	s22 =	sadd.s32 $0x1E0, s13;
	s23 =	sadd.s32 $0x2D0, s13;
	s25 =	sadd.s32 $0x3C0, s13  }
0xf: {  	s13 =	simm.s32 $0x51E0;
	s11 =	sshrl.u32 s5, $0x3;
	[dreg:$0xf] =	wrdreg s22  }
0x10: {  	s5 =	sadd.s32 s7, s5;
	s10 =	sadd.s32 s10, s2;
	[dreg:$0x10] =	wrdreg s23  }
0x11: {  	s18 =	sadd.s32 s1, s17;
	s19 =	sadd.s32 s8, s17;
	[dreg:$0x11] =	wrdreg s25  }
0x12: {  	s7 =	sadd.s32 $0x1E, s17;
	s22 =	simm.s32 $0x4;
	[dreg:$0x7] =	wrdreg s20  }
0x13: {  	s23 =	simm.s32 $0x7;
	s25 =	simm.s32 $0x8;
	[dreg:$0xa] =	wrdreg s24  }
0x14: {  	s6 =	sadd.s32 s11, s0;
	s5 =	sshrl.u32 s5, $0x3;
	s11 =	sshrl.u32 s9, $0x3  }
0x15: {  	s15 =	sadd.s32 $0x3C00, s10;
	s16 =	sadd.s32 $0x7800, s10;
	[dreg:$0xb] =	wrdreg s18  }
0x16: {  	[dreg:$0xc] =	wrdreg s19;
	s21 =	sadd.s32 s1, s7;
	s7 =	sadd.s32 s8, s7  }
0x17: {  	s10 =	simm.s32 $0x1;
	s9 =	simm.s32 $0x3;
	[dreg:$0x8] =	wrdreg s15  }
0x18: {  	s18 =	simm.s32 $0x0;
	s5 =	sadd.s32 s5, s0;
	[dreg:$0x9] =	wrdreg s16  }
0x19: {  	s0 =	sadd.s32 s11, s0;
	s11 =	ssub.s32 s14, s12;
	[dreg:$0xd] =	wrdreg s21  }
0x1a: {  	[dreg:$0xe] =	wrdreg s7;
	s17 =	sadd.s32 $0xAA00, s6;
	s6 =	simm.s32 $0xB  }
.Ltmp0:
0x1b: {  	s14 =	simm.s32 $0x54B0;
	s15 =	simm.s32 $0xCDA0;
	(pc) =	sbr.rel .LBB2_1-.Ltmp0, $4  }
0x1c: {  	s16 =	simm.s32 $0x2;
	s21 =	simm.s32 $0x10A90;
	s5 =	sadd.s32 $0x33C00, s5  }
0x1d: {  	s12 =	simm.s32 $0x10B80;
	s0 =	sadd.s32 $0x33600, s0;
	[dreg:$0x12] =	wrdreg s5  }
0x1e: {  	s26 =	smax.u32 s11, $0x1;
	s11 =	simm.s32 $0x109A0;
	[dreg:$0x13] =	wrdreg s0  }
0x1f: {  	v0 =	vimm.f32 $0.0e+00;
	[dreg:$0x14] =	wrdreg s26;
	s0 =	simm.s32 $0x53C0;
	s26 =	simm.s32 $0x5  }
.LBB2_12:
0x20: {  	s5 =	simm.s32 $0x6  }
0x21: {  	_ =	swait.ge [sflag:s5], $0x3C00  }
0x22: {  	[sflag:s5] =	ssyncset.done $0x0  }
0x23: {  	s20 =	simm.s32 $0x9;
	[sflag:s5] =	ssyncadd.s32 $0xFFFFC400  }
0x24: {  	_ =	swait.ge [sflag:s20], $0xF0  }
0x25: {  	[sflag:s20] =	ssyncset.done $0x0  }
0x26: {  	[sflag:s20] =	ssyncadd.s32 $0xFFFFFF10  }
0x27: {  	s24 =	stileid.u32;
	[bflag:$0x0] =	sbarrier.arrive $0xFFFF  }
0x28: {  	s31 =	simm.s32 $0xD;
	s5 =	sshll.u32 s24, $0x6;
	s20 =	rddreg [dreg:$0x7]  }
0x29: {  	s5 =	sor.u32 $0x1C0D, s5;
	s18 =	rddreg [dreg:$0x12];
	s7 =	sshrl.u32 s20, $0x3  }
0x2a: {  	[hbm:s18], [sflag:s5] =	dma.local [spmem:s7], $0x1400  }
0x2b: {  	_ =	swait.ge [sflag:s31], $0x1400  }
0x2c: {  	[sflag:s31] =	ssyncset.done $0x0;
	s24 =	rddreg [dreg:$0xa]  }
0x2d: {  	s18 =	rddreg [dreg:$0x13];
	[sflag:s31] =	ssyncadd.s32 $0xFFFFEC00;
	s7 =	sshrl.u32 @!p0 s24, $0x3  }
0x2e: {  	[hbm:s18], [sflag:s5] =	dma.local @!p0 [spmem:s7], $0x50  }
0x2f: {  	s5 =	simm.s32 @!p0 $0xD  }
0x30: {  	_ =	swait.ge @!p0 [sflag:s5], $0x50  }
0x31: {  	s7 =	rddreg [dreg:$0x15]  }
0x32: {  	s19 =	rddreg [dreg:$0x14];
	s18 =	sadd.s32 $0x1, s7  }
0x33: {  	p1 =	sne.s32 s18, s19  }
.Ltmp1:
0x34: {  	_ = 	snop;
	(pc) =	sbr.rel @!p1 .LBB2_13-.Ltmp1, $3  }
0x35: {  	_ =	sdelay $0x1  }
0x36: {  	[sflag:s5] =	ssyncset.done @!p0 $0x0  }
0x37: {  	[sflag:s5] =	ssyncadd.s32 @!p0 $0xFFFFFFB0  }
.LBB2_1:
0x38: {  	[dreg:$0x15] =	wrdreg s18;
	s18 =	simm.s32 $0x100;
	s5 =	simm.s32 $0x0  }
.LBB2_2:
0x39: {  	p1 =	sne.s32 s18, $0xEF00;
	[tilespmem:s5+$0x55D0] =	vst v0;
	s19 =	smov.u32 s18;
	s18 =	sadd.s32 $0x100, s18  }
.Ltmp2:
0x3a: {  	[tilespmem:s5+$0x55C0] =	vst v0;
	(pc) =	sbr.rel @p1 .LBB2_2-.Ltmp2, $3  }
0x3b: {  	[tilespmem:s5+$0x55A0] =	vst v0  }
0x3c: {  	[tilespmem:s5+$0x55B0] =	vst v0;
	_ =	sdelay $0x1  }
0x3d: {  	s5 =	sshra.s32 s19, $0x2  }
0x3e: {  	[tilespmem:s5+$0x55D0] =	vst v0  }
0x3f: {  	[tilespmem:s5+$0x55C0] =	vst v0  }
0x40: {  	[tilespmem:s5+$0x55A0] =	vst v0  }
0x41: {  	[tilespmem:s5+$0x55B0] =	vst v0  }
0x42: {  	[tilespmem:$0x10C70] =	vst v0  }
0x43: {  	[tilespmem:$0x10C80] =	vst v0  }
0x44: {  	[tilespmem:$0x10C90] =	vst v0  }
0x45: {  	[tilespmem:$0x10CA0] =	vst v0  }
0x46: {  	[tilespmem:$0x10CB0] =	vst v0  }
0x47: {  	[tilespmem:$0x10CC0] =	vst v0  }
0x48: {  	[tilespmem:$0x10CD0] =	vst v0  }
0x49: {  	[tilespmem:$0x10CE0] =	vst v0  }
0x4a: {  	[tilespmem:$0x10CF0] =	vst v0  }
0x4b: {  	[tilespmem:$0x10D00] =	vst v0  }
0x4c: {  	[tilespmem:$0x10D10] =	vst v0  }
0x4d: {  	[tilespmem:$0x10D20] =	vst v0  }
0x4e: {  	[tilespmem:$0x10D30] =	vst v0  }
0x4f: {  	[tilespmem:$0x10D40] =	vst v0  }
0x50: {  	[tilespmem:$0x10D50] =	vst v0  }
0x51: {  	[tilespmem:$0x10D60] =	vst v0  }
0x52: {  	[tilespmem:$0x10D70] =	vst v0  }
0x53: {  	[tilespmem:$0x10D80] =	vst v0  }
0x54: {  	[tilespmem:$0x10D90] =	vst v0  }
0x55: {  	[tilespmem:$0x10DA0] =	vst v0  }
0x56: {  	[tilespmem:$0x10DB0] =	vst v0  }
0x57: {  	[tilespmem:$0x10DC0] =	vst v0  }
0x58: {  	[tilespmem:$0x10DD0] =	vst v0  }
0x59: {  	[tilespmem:$0x10DE0] =	vst v0  }
0x5a: {  	[tilespmem:$0x10DF0] =	vst v0  }
0x5b: {  	[tilespmem:$0x10E00] =	vst v0  }
0x5c: {  	[tilespmem:$0x10E10] =	vst v0  }
0x5d: {  	[tilespmem:$0x10E20] =	vst v0  }
0x5e: {  	[tilespmem:$0x10E30] =	vst v0  }
0x5f: {  	[tilespmem:$0x10E40] =	vst v0  }
0x60: {  	[tilespmem:$0x10E50] =	vst v0  }
0x61: {  	[tilespmem:$0x10E60] =	vst v0  }
0x62: {  	[tilespmem:$0x10E70] =	vst v0  }
0x63: {  	[tilespmem:$0x10E80] =	vst v0  }
0x64: {  	[tilespmem:$0x10E90] =	vst v0  }
0x65: {  	[tilespmem:$0x10EA0] =	vst v0  }
0x66: {  	[tilespmem:$0x10EB0] =	vst v0  }
0x67: {  	[tilespmem:$0x10EC0] =	vst v0  }
0x68: {  	[tilespmem:$0x10ED0] =	vst v0  }
0x69: {  	s7 =	simm.s32 $0x55A0;
	[tilespmem:$0x10EE0] =	vst v0  }
0x6a: {  	[spmem:s20] =	stream.linear.scatter [tilespmem:s7], [sflag:$0xD], $0x3C00, $0x38;
	[tilespmem:$0x1B170] =	vst v63  }
0x6b: {  	_ =	swait.ge [sflag:s31], $0x3C00  }
0x6c: {  	[sflag:s31] =	ssyncset.done $0x0  }
0x6d: {  	s20 =	rddreg [dreg:$0x8];
	[sflag:s31] =	ssyncadd.s32 $0xFFFFC400  }
0x6e: {  	[spmem:s20] =	stream.linear.scatter [tilespmem:s7], [sflag:$0xD], $0x3C00, $0x38;
	[tilespmem:$0x1B170] =	vst v63  }
0x6f: {  	_ =	swait.ge [sflag:s31], $0x3C00  }
0x70: {  	[sflag:s31] =	ssyncset.done $0x0  }
0x71: {  	s18 =	rddreg [dreg:$0x9];
	[sflag:s31] =	ssyncadd.s32 $0xFFFFC400  }
0x72: {  	[spmem:s18] =	stream.linear.scatter [tilespmem:s7], [sflag:$0xD], $0x2800, $0x38;
	[tilespmem:$0x1B170] =	vst v63  }
0x73: {  	_ =	swait.ge [sflag:s31], $0x2800  }
0x74: {  	[sflag:s31] =	ssyncset.done $0x0  }
0x75: {  	s19 =	simm.s32 $0x10C70;
	[sflag:s31] =	ssyncadd.s32 $0xFFFFD800  }
0x76: {  	[spmem:s24] =	stream.linear.scatter [tilespmem:s19], [sflag:$0xD], $0x280, $0x38;
	[tilespmem:$0x1B170] =	vst v63  }
0x77: {  	_ =	swait.ge [sflag:s31], $0x280  }
0x78: {  	[sflag:s31] =	ssyncset.done $0x0  }
0x79: {  	s24 =	simm.s32 $0x0;
	s20 =	rddreg [dreg:$0x5];
	[sflag:s31] =	ssyncadd.s32 $0xFFFFFD80  }
0x7a: {  	[tilespmem:s24], [sflag:$0xD] =	stream.linear.gather [hbm4b:s20+s24], $0x2800, $0x38;
	[tilespmem:$0x1B170] =	vst v63  }
0x7b: {  	_ =	swait.ge [sflag:s31], $0x2800  }
0x7c: {  	[sflag:s31] =	ssyncset.done $0x0  }
0x7d: {  	s18 =	rddreg [dreg:$0x6];
	[sflag:s31] =	ssyncadd.s32 $0xFFFFD800  }
0x7e: {  	[tilespmem:s28], [sflag:$0xD] =	stream.linear.gather [hbm4b:s18+s24], $0x2800, $0x38;
	[tilespmem:$0x1B170] =	vst v63  }
0x7f: {  	_ =	swait.ge [sflag:s31], $0x2800  }
0x80: {  	[sflag:s31] =	ssyncset.done $0x0  }
0x81: {  	[sflag:s31] =	ssyncadd.s32 $0xFFFFD800  }
0x82: {  	[bflag:$0x0] =	sbarrier.arrive $0xFFFF  }
0x83: {  	s18 =	simm.s32 $0x5000;
	s19 =	rddreg [dreg:$0xb]  }
0x84: {  	[tilespmem:s18], [sflag:$0xA] =	stream.linear.gather [hbm4b:s19+s24], $0xF0, $0x38;
	[tilespmem:$0x1B170] =	vst v63  }
0x85: {  	s20 =	rddreg [dreg:$0xc]  }
0x86: {  	[tilespmem:s30], [sflag:$0xA] =	stream.linear.gather [hbm4b:s20+s24], $0xF0, $0x38;
	[tilespmem:$0x1B170] =	vst v63  }
0x87: {  	s31 =	rddreg [dreg:$0xd];
	s20 =	simm.s32 $0x50F0  }
0x88: {  	[tilespmem:s20], [sflag:$0xB] =	stream.linear.gather [hbm4b:s31+s24], $0xF0, $0x38;
	[tilespmem:$0x1B170] =	vst v63  }
0x89: {  	s19 =	rddreg [dreg:$0xe];
	s31 =	simm.s32 $0xA  }
0x8a: {  	[tilespmem:s0], [sflag:$0xB] =	stream.linear.gather [hbm4b:s19+s24], $0xF0, $0x38;
	[tilespmem:$0x1B170] =	vst v63  }
0x8b: {  	_ =	swait.ge [sflag:s31], $0xF0  }
0x8c: {  	[sflag:s31] =	ssyncset.done $0x0  }
0x8d: {  	[sflag:s31] =	ssyncadd.s32 $0xFFFFFF10  }
0x8e: {  	_ =	swait.ge [sflag:s31], $0xF0  }
0x8f: {  	[sflag:s31] =	ssyncset.done $0x0  }
0x90: {  	s5 =	simm.s32 $0x0;
	[sflag:s31] =	ssyncadd.s32 $0xFFFFFF10  }
0x91: {  	[tilespmem:s7], [sflag:$0x1] =	stream.indirect.gather [hbm4b:s17+s3], $0x40, s18, s3, $0xb8;
	[tilespmem:$0x1B170] =	vst v63  }
.LBB2_4:
0x92: {  	_ =	swait.ge [sflag:s6], $0xF0  }
0x93: {  	[sflag:s6] =	ssyncset.done $0x0  }
0x94: {  	[sflag:s6] =	ssyncadd.s32 $0xFFFFFF10  }
0x95: {  	_ =	swait.ge [sflag:s6], $0xF0  }
0x96: {  	[sflag:s6] =	ssyncset.done $0x0  }
0x97: {  	s7 =	simm.s32 $0x91A0;
	[sflag:s6] =	ssyncadd.s32 $0xFFFFFF10  }
0x98: {  	[tilespmem:s7], [sflag:$0x2] =	stream.indirect.gather [hbm4b:s17+s3], $0x40, s20, s3, $0xb8;
	[tilespmem:$0x1B170] =	vst v63  }
0x99: {  	_ =	swait.ge [sflag:s10], $0x3C00  }
0x9a: {  	[sflag:s10] =	ssyncset.done $0x0  }
0x9b: {  	[sflag:s10] =	ssyncadd.s32 $0xFFFFC400  }
0x9c: {  	v1 =	vld [tilespmem:$0x5000]  }
0x9d: {  	v2 =	vld [tilespmem:$0x52D0];
	_ =	sdelay $0x6  }
0x9e: {  	v1 =	vld.idx.msk [tilespmem:v1+s24+$0x0], $0xffff  }
0x9f: {  	v2 =	vld.idx.msk [tilespmem:v2+s28+$0x0], $0xffff;
	_ =	sdelay $0x4  }
0xa0: {  	v1 =	vadd.f32 v2, v1;
	_ =	sdelay $0x1  }
0xa1: {  	v2 =	vmul.f32 $2.000000030e-01, v1  }
0xa2: {  	vm0 =	vge.f32 v1, $0.0e+00  }
0xa3: {  	v1 =	vsel vm0, v1, v2  }
0xa4: {  	v1 =	vmul.f32 $1.442695020e+00, v1;
	_ =	sdelay $0x1  }
0xa5: {  	(erf) = vpow2.f32 v1;
	_ =	sdelay $0x2  }
0xa6: {  	v1 =	vld [tilespmem:$0x5010]  }
0xa7: {  	v2 =	vld [tilespmem:$0x52E0];
	_ =	sdelay $0x4  }
0xa8: {  	v3 =	vpop (erf)  }
0xa9: {  	[tilespmem:$0x109A0] =	vst v3  }
0xaa: {  	v1 =	vld.idx.msk [tilespmem:v1+s24+$0x0], $0xffff  }
0xab: {  	v2 =	vld.idx.msk [tilespmem:v2+s28+$0x0], $0xffff;
	_ =	sdelay $0x4  }
0xac: {  	v1 =	vadd.f32 v2, v1;
	_ =	sdelay $0x1  }
0xad: {  	v2 =	vmul.f32 $2.000000030e-01, v1  }
0xae: {  	vm14 =	vge.f32 v1, $0.0e+00  }
0xaf: {  	v1 =	vsel vm14, v1, v2  }
0xb0: {  	v1 =	vmul.f32 $1.442695020e+00, v1;
	_ =	sdelay $0x1  }
0xb1: {  	(erf) = vpow2.f32 v1;
	_ =	sdelay $0x2  }
0xb2: {  	v1 =	vld [tilespmem:$0x5020]  }
0xb3: {  	v2 =	vld [tilespmem:$0x52F0];
	_ =	sdelay $0x4  }
0xb4: {  	v3 =	vpop (erf)  }
0xb5: {  	[tilespmem:$0x109B0] =	vst v3  }
0xb6: {  	v1 =	vld.idx.msk [tilespmem:v1+s24+$0x0], $0xffff  }
0xb7: {  	v2 =	vld.idx.msk [tilespmem:v2+s28+$0x0], $0xffff;
	_ =	sdelay $0x4  }
0xb8: {  	v1 =	vadd.f32 v2, v1;
	_ =	sdelay $0x1  }
0xb9: {  	v2 =	vmul.f32 $2.000000030e-01, v1  }
0xba: {  	vm15 =	vge.f32 v1, $0.0e+00  }
0xbb: {  	v1 =	vsel vm15, v1, v2  }
0xbc: {  	v1 =	vmul.f32 $1.442695020e+00, v1;
	_ =	sdelay $0x1  }
0xbd: {  	(erf) = vpow2.f32 v1;
	_ =	sdelay $0x2  }
0xbe: {  	v1 =	vld [tilespmem:$0x5030]  }
0xbf: {  	v2 =	vld [tilespmem:$0x5300];
	_ =	sdelay $0x4  }
0xc0: {  	v3 =	vpop (erf)  }
0xc1: {  	[tilespmem:$0x109C0] =	vst v3  }
0xc2: {  	v1 =	vld.idx.msk [tilespmem:v1+s24+$0x0], $0xffff  }
0xc3: {  	v2 =	vld.idx.msk [tilespmem:v2+s28+$0x0], $0xffff;
	_ =	sdelay $0x4  }
0xc4: {  	v1 =	vadd.f32 v2, v1;
	_ =	sdelay $0x1  }
0xc5: {  	v2 =	vmul.f32 $2.000000030e-01, v1  }
0xc6: {  	vm4 =	vge.f32 v1, $0.0e+00  }
0xc7: {  	v1 =	vsel vm4, v1, v2  }
0xc8: {  	v1 =	vmul.f32 $1.442695020e+00, v1;
	_ =	sdelay $0x1  }
0xc9: {  	(erf) = vpow2.f32 v1;
	_ =	sdelay $0x2  }
0xca: {  	v1 =	vld [tilespmem:$0x5040]  }
0xcb: {  	v2 =	vld [tilespmem:$0x5310];
	_ =	sdelay $0x4  }
0xcc: {  	v3 =	vpop (erf)  }
0xcd: {  	[tilespmem:$0x109D0] =	vst v3  }
0xce: {  	v1 =	vld.idx.msk [tilespmem:v1+s24+$0x0], $0xffff  }
0xcf: {  	v2 =	vld.idx.msk [tilespmem:v2+s28+$0x0], $0xffff;
	_ =	sdelay $0x4  }
0xd0: {  	v1 =	vadd.f32 v2, v1;
	_ =	sdelay $0x1  }
0xd1: {  	v2 =	vmul.f32 $2.000000030e-01, v1  }
0xd2: {  	vm5 =	vge.f32 v1, $0.0e+00  }
0xd3: {  	v1 =	vsel vm5, v1, v2  }
0xd4: {  	v1 =	vmul.f32 $1.442695020e+00, v1;
	_ =	sdelay $0x1  }
0xd5: {  	(erf) = vpow2.f32 v1;
	_ =	sdelay $0x2  }
0xd6: {  	v1 =	vld [tilespmem:$0x5050]  }
0xd7: {  	v2 =	vld [tilespmem:$0x5320];
	_ =	sdelay $0x4  }
0xd8: {  	v3 =	vpop (erf)  }
0xd9: {  	[tilespmem:$0x109E0] =	vst v3  }
0xda: {  	v1 =	vld.idx.msk [tilespmem:v1+s24+$0x0], $0xffff  }
0xdb: {  	v2 =	vld.idx.msk [tilespmem:v2+s28+$0x0], $0xffff;
	_ =	sdelay $0x4  }
0xdc: {  	v1 =	vadd.f32 v2, v1;
	_ =	sdelay $0x1  }
0xdd: {  	v2 =	vmul.f32 $2.000000030e-01, v1  }
0xde: {  	vm6 =	vge.f32 v1, $0.0e+00  }
0xdf: {  	v1 =	vsel vm6, v1, v2  }
0xe0: {  	v1 =	vmul.f32 $1.442695020e+00, v1;
	_ =	sdelay $0x1  }
0xe1: {  	(erf) = vpow2.f32 v1;
	_ =	sdelay $0x2  }
0xe2: {  	v1 =	vld [tilespmem:$0x5060]  }
0xe3: {  	v2 =	vld [tilespmem:$0x5330];
	_ =	sdelay $0x4  }
0xe4: {  	v3 =	vpop (erf)  }
0xe5: {  	[tilespmem:$0x109F0] =	vst v3  }
0xe6: {  	v1 =	vld.idx.msk [tilespmem:v1+s24+$0x0], $0xffff  }
0xe7: {  	v2 =	vld.idx.msk [tilespmem:v2+s28+$0x0], $0xffff;
	_ =	sdelay $0x4  }
0xe8: {  	v1 =	vadd.f32 v2, v1;
	_ =	sdelay $0x1  }
0xe9: {  	v2 =	vmul.f32 $2.000000030e-01, v1  }
0xea: {  	vm7 =	vge.f32 v1, $0.0e+00  }
0xeb: {  	v1 =	vsel vm7, v1, v2  }
0xec: {  	v1 =	vmul.f32 $1.442695020e+00, v1;
	_ =	sdelay $0x1  }
0xed: {  	(erf) = vpow2.f32 v1;
	_ =	sdelay $0x2  }
0xee: {  	v1 =	vld [tilespmem:$0x5070]  }
0xef: {  	v2 =	vld [tilespmem:$0x5340];
	_ =	sdelay $0x4  }
0xf0: {  	v3 =	vpop (erf)  }
0xf1: {  	[tilespmem:$0x10A00] =	vst v3  }
0xf2: {  	v1 =	vld.idx.msk [tilespmem:v1+s24+$0x0], $0xffff  }
0xf3: {  	v2 =	vld.idx.msk [tilespmem:v2+s28+$0x0], $0xffff;
	_ =	sdelay $0x4  }
0xf4: {  	v1 =	vadd.f32 v2, v1;
	_ =	sdelay $0x1  }
0xf5: {  	v2 =	vmul.f32 $2.000000030e-01, v1  }
0xf6: {  	vm8 =	vge.f32 v1, $0.0e+00  }
0xf7: {  	v1 =	vsel vm8, v1, v2  }
0xf8: {  	v1 =	vmul.f32 $1.442695020e+00, v1;
	_ =	sdelay $0x1  }
0xf9: {  	(erf) = vpow2.f32 v1;
	_ =	sdelay $0x2  }
0xfa: {  	v1 =	vld [tilespmem:$0x5080]  }
0xfb: {  	v2 =	vld [tilespmem:$0x5350];
	_ =	sdelay $0x4  }
0xfc: {  	v3 =	vpop (erf)  }
0xfd: {  	[tilespmem:$0x10A10] =	vst v3  }
0xfe: {  	v1 =	vld.idx.msk [tilespmem:v1+s24+$0x0], $0xffff  }
0xff: {  	v2 =	vld.idx.msk [tilespmem:v2+s28+$0x0], $0xffff;
	_ =	sdelay $0x4  }
0x100: {  	v1 =	vadd.f32 v2, v1;
	_ =	sdelay $0x1  }
0x101: {  	v2 =	vmul.f32 $2.000000030e-01, v1  }
0x102: {  	vm9 =	vge.f32 v1, $0.0e+00  }
0x103: {  	v1 =	vsel vm9, v1, v2  }
0x104: {  	v1 =	vmul.f32 $1.442695020e+00, v1;
	_ =	sdelay $0x1  }
0x105: {  	(erf) = vpow2.f32 v1;
	_ =	sdelay $0x2  }
0x106: {  	v1 =	vld [tilespmem:$0x5090]  }
0x107: {  	v2 =	vld [tilespmem:$0x5360];
	_ =	sdelay $0x4  }
0x108: {  	v3 =	vpop (erf)  }
0x109: {  	[tilespmem:$0x10A20] =	vst v3  }
0x10a: {  	v1 =	vld.idx.msk [tilespmem:v1+s24+$0x0], $0xffff  }
0x10b: {  	v2 =	vld.idx.msk [tilespmem:v2+s28+$0x0], $0xffff;
	_ =	sdelay $0x4  }
0x10c: {  	v1 =	vadd.f32 v2, v1;
	_ =	sdelay $0x1  }
0x10d: {  	v2 =	vmul.f32 $2.000000030e-01, v1  }
0x10e: {  	vm10 =	vge.f32 v1, $0.0e+00  }
0x10f: {  	v1 =	vsel vm10, v1, v2  }
0x110: {  	v1 =	vmul.f32 $1.442695020e+00, v1;
	_ =	sdelay $0x1  }
0x111: {  	(erf) = vpow2.f32 v1;
	_ =	sdelay $0x2  }
0x112: {  	v1 =	vld [tilespmem:$0x50A0]  }
0x113: {  	v2 =	vld [tilespmem:$0x5370];
	_ =	sdelay $0x4  }
0x114: {  	v3 =	vpop (erf)  }
0x115: {  	[tilespmem:$0x10A30] =	vst v3  }
0x116: {  	v1 =	vld.idx.msk [tilespmem:v1+s24+$0x0], $0xffff  }
0x117: {  	v2 =	vld.idx.msk [tilespmem:v2+s28+$0x0], $0xffff;
	_ =	sdelay $0x4  }
0x118: {  	v1 =	vadd.f32 v2, v1;
	_ =	sdelay $0x1  }
0x119: {  	v2 =	vmul.f32 $2.000000030e-01, v1  }
0x11a: {  	vm11 =	vge.f32 v1, $0.0e+00  }
0x11b: {  	v1 =	vsel vm11, v1, v2  }
0x11c: {  	v1 =	vmul.f32 $1.442695020e+00, v1;
	_ =	sdelay $0x1  }
0x11d: {  	(erf) = vpow2.f32 v1;
	_ =	sdelay $0x2  }
0x11e: {  	v1 =	vld [tilespmem:$0x50B0]  }
0x11f: {  	v2 =	vld [tilespmem:$0x5380];
	_ =	sdelay $0x4  }
0x120: {  	v3 =	vpop (erf)  }
0x121: {  	[tilespmem:$0x10A40] =	vst v3  }
0x122: {  	v1 =	vld.idx.msk [tilespmem:v1+s24+$0x0], $0xffff  }
0x123: {  	v2 =	vld.idx.msk [tilespmem:v2+s28+$0x0], $0xffff;
	_ =	sdelay $0x4  }
0x124: {  	v1 =	vadd.f32 v2, v1;
	_ =	sdelay $0x1  }
0x125: {  	v2 =	vmul.f32 $2.000000030e-01, v1  }
0x126: {  	vm12 =	vge.f32 v1, $0.0e+00  }
0x127: {  	v1 =	vsel vm12, v1, v2  }
0x128: {  	v1 =	vmul.f32 $1.442695020e+00, v1;
	_ =	sdelay $0x1  }
0x129: {  	(erf) = vpow2.f32 v1;
	_ =	sdelay $0x2  }
0x12a: {  	v1 =	vld [tilespmem:$0x50C0]  }
0x12b: {  	v2 =	vld [tilespmem:$0x5390];
	_ =	sdelay $0x4  }
0x12c: {  	v3 =	vpop (erf)  }
0x12d: {  	[tilespmem:$0x10A50] =	vst v3  }
0x12e: {  	v1 =	vld.idx.msk [tilespmem:v1+s24+$0x0], $0xffff  }
0x12f: {  	v2 =	vld.idx.msk [tilespmem:v2+s28+$0x0], $0xffff;
	_ =	sdelay $0x4  }
0x130: {  	v1 =	vadd.f32 v2, v1;
	_ =	sdelay $0x1  }
0x131: {  	v2 =	vmul.f32 $2.000000030e-01, v1  }
0x132: {  	vm13 =	vge.f32 v1, $0.0e+00  }
0x133: {  	v1 =	vsel vm13, v1, v2  }
0x134: {  	v1 =	vmul.f32 $1.442695020e+00, v1;
	_ =	sdelay $0x1  }
0x135: {  	(erf) = vpow2.f32 v1;
	_ =	sdelay $0x2  }
0x136: {  	v1 =	vld [tilespmem:$0x50D0]  }
0x137: {  	v2 =	vld [tilespmem:$0x53A0];
	_ =	sdelay $0x4  }
0x138: {  	v3 =	vpop (erf)  }
0x139: {  	[tilespmem:$0x10A60] =	vst v3  }
0x13a: {  	v1 =	vld.idx.msk [tilespmem:v1+s24+$0x0], $0xffff  }
0x13b: {  	v2 =	vld.idx.msk [tilespmem:v2+s28+$0x0], $0xffff;
	_ =	sdelay $0x4  }
0x13c: {  	v1 =	vadd.f32 v2, v1;
	_ =	sdelay $0x1  }
0x13d: {  	v2 =	vmul.f32 $2.000000030e-01, v1  }
0x13e: {  	vm14 =	vge.f32 v1, $0.0e+00  }
0x13f: {  	v1 =	vsel vm14, v1, v2  }
0x140: {  	v1 =	vmul.f32 $1.442695020e+00, v1;
	_ =	sdelay $0x1  }
0x141: {  	(erf) = vpow2.f32 v1;
	_ =	sdelay $0x2  }
0x142: {  	v1 =	vld [tilespmem:$0x50E0]  }
0x143: {  	v2 =	vld [tilespmem:$0x53B0];
	_ =	sdelay $0x4  }
0x144: {  	v3 =	vpop (erf)  }
0x145: {  	[tilespmem:$0x10A70] =	vst v3  }
0x146: {  	v1 =	vld.idx.msk [tilespmem:v1+s24+$0x0], $0xffff  }
0x147: {  	v2 =	vld.idx.msk [tilespmem:v2+s28+$0x0], $0xffff;
	_ =	sdelay $0x4  }
0x148: {  	v1 =	vadd.f32 v2, v1;
	_ =	sdelay $0x1  }
0x149: {  	v2 =	vmul.f32 $2.000000030e-01, v1  }
0x14a: {  	vm15 =	vge.f32 v1, $0.0e+00  }
0x14b: {  	v1 =	vsel vm15, v1, v2  }
0x14c: {  	v1 =	vmul.f32 $1.442695020e+00, v1;
	_ =	sdelay $0x1  }
0x14d: {  	(erf) = vpow2.f32 v1;
	_ =	sdelay $0x7  }
0x14e: {  	v1 =	vmov s24  }
0x14f: {  	v2 =	vpop (erf)  }
0x150: {  	s18 =	simm.s32 $0x55C0;
	[tilespmem:$0x10A80] =	vst v2  }
0x151: {  	v3 =	vld [tilespmem:s18+$0xFFFFFFF0]  }
0x152: {  	v4 =	vld [tilespmem:s18+$0x10]  }
0x153: {  	v6 =	vld.idx.msk [tilespmem:v1+s11+$0x0], $0xffff  }
0x154: {  	v1 =	vld [tilespmem:s18+$0xFFFFFFE0]  }
0x155: {  	v7 =	vld [tilespmem:s18+$0x0];
	_ =	sdelay $0x3  }
0x156: {  	s19 =	simm.s32 $0x1;
	v2 =	vmul.f32 v1, v6;
	v5 =	vmul.f32 v4, v6  }
0x157: {  	s20 =	simm.s32 $0x2;
	v1 =	vmov s19;
	v4 =	vmul.f32 v3, v6;
	v3 =	vmul.f32 v7, v6;
	s19 =	simm.s32 $0x55C0  }
.LBB2_5:
0x158: {  	p1 =	sne.s32 s20, $0xEF  }
0x159: {  	[tilespmem:s18+$0x10] =	vst v5;
	s19 =	sadd.s32 $0x40, s19;
	s31 =	smov.u32 s20;
	s20 =	sadd.s32 $0x1, s20  }
0x15a: {  	[tilespmem:s18+$0xFFFFFFE0] =	vst v2  }
0x15b: {  	v6 =	vld [tilespmem:s19+$0xFFFFFFF0];
	[tilespmem:s18+$0xFFFFFFF0] =	vst v4  }
0x15c: {  	v4 =	vld [tilespmem:s19+$0x10];
	[tilespmem:s18+$0x0] =	vst v3;
	s18 =	smov.u32 s19  }
0x15d: {  	v3 =	vld.idx.msk [tilespmem:v1+s11+$0x0], $0xffff  }
0x15e: {  	v1 =	vld [tilespmem:s19+$0xFFFFFFE0]  }
0x15f: {  	v7 =	vld [tilespmem:s19+$0x0]  }
.Ltmp3:
0x160: {  	(pc) =	sbr.rel @p1 .LBB2_5-.Ltmp3, $3  }
0x161: {  	_ =	sdelay $0x1  }
0x162: {  	v5 =	vmul.f32 v4, v3;
	v2 =	vmul.f32 v1, v3  }
0x163: {  	v4 =	vmul.f32 v6, v3;
	v1 =	vmov s31;
	v3 =	vmul.f32 v7, v3  }
0x164: {  	[tilespmem:s18+$0x10] =	vst v5  }
0x165: {  	s19 =	sadd.s32 $0x40, s19;
	[tilespmem:s18+$0xFFFFFFE0] =	vst v2  }
0x166: {  	v2 =	vld [tilespmem:s19+$0xFFFFFFF0];
	[tilespmem:s18+$0xFFFFFFF0] =	vst v4  }
0x167: {  	v4 =	vld [tilespmem:s19+$0x10];
	[tilespmem:s18+$0x0] =	vst v3  }
0x168: {  	v1 =	vld.idx.msk [tilespmem:v1+s11+$0x0], $0xffff  }
0x169: {  	v3 =	vld [tilespmem:s19+$0xFFFFFFE0];
	_ =	sdelay $0x1  }
0x16a: {  	v5 =	vld [tilespmem:s19+$0x0];
	_ =	sdelay $0x1  }
0x16b: {  	v4 =	vmul.f32 v4, v1  }
0x16c: {  	v3 =	vmul.f32 v3, v1  }
0x16d: {  	v2 =	vmul.f32 v2, v1;
	[tilespmem:s19+$0x10] =	vst v4  }
0x16e: {  	v1 =	vmul.f32 v5, v1;
	[tilespmem:s19+$0xFFFFFFE0] =	vst v3  }
0x16f: {  	[tilespmem:s19+$0xFFFFFFF0] =	vst v2  }
0x170: {  	s7 =	simm.s32 $0x55A0;
	p1 =	seq.s32 s5, $0x0;
	[tilespmem:s19+$0x0] =	vst v1  }
0x171: {  	[spmem:s2] =	stream.indirect.scatter.add.f32 [tilespmem:s7], [sflag:$0x4], $0x40, s30, s3, $0xb8;
	[tilespmem:$0x1B170] =	vst v63  }
0x172: {  	s18 =	simm.s32 @!p1 $0x6  }
0x173: {  	[spmem:s4] =	stream.indirect.scatter.add.f32 [tilespmem:s11], [sflag:$0x7], $0x1, s30, s3, $0xb8;
	[tilespmem:$0x1B170] =	vst v63  }
0x174: {  	_ =	swait.ge @!p1 [sflag:s18], $0x3C00  }
0x175: {  	[sflag:s18] =	ssyncset.done @!p1 $0x0  }
0x176: {  	[sflag:s18] =	ssyncadd.s32 @!p1 $0xFFFFC400;
	s18 =	simm.s32 @!p1 $0x9  }
0x177: {  	s20 =	smul.u32 $0x2D0, s5;
	_ =	swait.ge @!p1 [sflag:s18], $0xF0  }
0x178: {  	s19 =	rddreg [dreg:$0xf]  }
0x179: {  	s7 =	sadd.s32 s20, s19  }
0x17a: {  	[sflag:s18] =	ssyncset.done @!p1 $0x0;
	s19 =	sshrl.u32 s7, $0x3  }
0x17b: {  	[sflag:s18] =	ssyncadd.s32 @!p1 $0xFFFFFF10;
	s7 =	simm.s32 $0x0;
	s31 =	sadd.s32 s1, s19  }
0x17c: {  	[tilespmem:s13], [sflag:$0xC] =	stream.linear.gather [hbm4b:s31+s7], $0xF0, $0x38;
	[tilespmem:$0x1B170] =	vst v63  }
0x17d: {  	s19 =	sadd.s32 s8, s19  }
0x17e: {  	[tilespmem:s14], [sflag:$0xC] =	stream.linear.gather [hbm4b:s19+s7], $0xF0, $0x38;
	[tilespmem:$0x1B170] =	vst v63  }
0x17f: {  	_ =	swait.ge [sflag:s29], $0xF0  }
0x180: {  	[sflag:s29] =	ssyncset.done $0x0  }
0x181: {  	[sflag:s29] =	ssyncadd.s32 $0xFFFFFF10  }
0x182: {  	_ =	swait.ge [sflag:s29], $0xF0  }
0x183: {  	[sflag:s29] =	ssyncset.done $0x0  }
0x184: {  	[sflag:s29] =	ssyncadd.s32 $0xFFFFFF10  }
0x185: {  	[tilespmem:s15], [sflag:$0x3] =	stream.indirect.gather [hbm4b:s17+s3], $0x40, s13, s3, $0xb8;
	[tilespmem:$0x1B170] =	vst v63  }
0x186: {  	_ =	swait.ge [sflag:s16], $0x3C00  }
0x187: {  	[sflag:s16] =	ssyncset.done $0x0  }
0x188: {  	[sflag:s16] =	ssyncadd.s32 $0xFFFFC400  }
0x189: {  	v1 =	vld [tilespmem:$0x50F0]  }
0x18a: {  	v2 =	vld [tilespmem:$0x53C0];
	_ =	sdelay $0x6  }
0x18b: {  	v1 =	vld.idx.msk [tilespmem:v1+s7+$0x0], $0xffff  }
0x18c: {  	v2 =	vld.idx.msk [tilespmem:v2+s28+$0x0], $0xffff;
	_ =	sdelay $0x4  }
0x18d: {  	v1 =	vadd.f32 v2, v1;
	_ =	sdelay $0x1  }
0x18e: {  	v2 =	vmul.f32 $2.000000030e-01, v1  }
0x18f: {  	vm0 =	vge.f32 v1, $0.0e+00  }
0x190: {  	v1 =	vsel vm0, v1, v2  }
0x191: {  	v1 =	vmul.f32 $1.442695020e+00, v1;
	_ =	sdelay $0x1  }
0x192: {  	(erf) = vpow2.f32 v1;
	_ =	sdelay $0x2  }
0x193: {  	v1 =	vld [tilespmem:$0x5100]  }
0x194: {  	v2 =	vld [tilespmem:$0x53D0];
	_ =	sdelay $0x4  }
0x195: {  	v3 =	vpop (erf)  }
0x196: {  	[tilespmem:$0x10A90] =	vst v3  }
0x197: {  	v1 =	vld.idx.msk [tilespmem:v1+s7+$0x0], $0xffff  }
0x198: {  	v2 =	vld.idx.msk [tilespmem:v2+s28+$0x0], $0xffff;
	_ =	sdelay $0x4  }
0x199: {  	v1 =	vadd.f32 v2, v1;
	_ =	sdelay $0x1  }
0x19a: {  	v2 =	vmul.f32 $2.000000030e-01, v1  }
0x19b: {  	vm14 =	vge.f32 v1, $0.0e+00  }
0x19c: {  	v1 =	vsel vm14, v1, v2  }
0x19d: {  	v1 =	vmul.f32 $1.442695020e+00, v1;
	_ =	sdelay $0x1  }
0x19e: {  	(erf) = vpow2.f32 v1;
	_ =	sdelay $0x2  }
0x19f: {  	v1 =	vld [tilespmem:$0x5110]  }
0x1a0: {  	v2 =	vld [tilespmem:$0x53E0];
	_ =	sdelay $0x4  }
0x1a1: {  	v3 =	vpop (erf)  }
0x1a2: {  	[tilespmem:$0x10AA0] =	vst v3  }
0x1a3: {  	v1 =	vld.idx.msk [tilespmem:v1+s7+$0x0], $0xffff  }
0x1a4: {  	v2 =	vld.idx.msk [tilespmem:v2+s28+$0x0], $0xffff;
	_ =	sdelay $0x4  }
0x1a5: {  	v1 =	vadd.f32 v2, v1;
	_ =	sdelay $0x1  }
0x1a6: {  	v2 =	vmul.f32 $2.000000030e-01, v1  }
0x1a7: {  	vm15 =	vge.f32 v1, $0.0e+00  }
0x1a8: {  	v1 =	vsel vm15, v1, v2  }
0x1a9: {  	v1 =	vmul.f32 $1.442695020e+00, v1;
	_ =	sdelay $0x1  }
0x1aa: {  	(erf) = vpow2.f32 v1;
	_ =	sdelay $0x2  }
0x1ab: {  	v1 =	vld [tilespmem:$0x5120]  }
0x1ac: {  	v2 =	vld [tilespmem:$0x53F0];
	_ =	sdelay $0x4  }
0x1ad: {  	v3 =	vpop (erf)  }
0x1ae: {  	[tilespmem:$0x10AB0] =	vst v3  }
0x1af: {  	v1 =	vld.idx.msk [tilespmem:v1+s7+$0x0], $0xffff  }
0x1b0: {  	v2 =	vld.idx.msk [tilespmem:v2+s28+$0x0], $0xffff;
	_ =	sdelay $0x4  }
0x1b1: {  	v1 =	vadd.f32 v2, v1;
	_ =	sdelay $0x1  }
0x1b2: {  	v2 =	vmul.f32 $2.000000030e-01, v1  }
0x1b3: {  	vm4 =	vge.f32 v1, $0.0e+00  }
0x1b4: {  	v1 =	vsel vm4, v1, v2  }
0x1b5: {  	v1 =	vmul.f32 $1.442695020e+00, v1;
	_ =	sdelay $0x1  }
0x1b6: {  	(erf) = vpow2.f32 v1;
	_ =	sdelay $0x2  }
0x1b7: {  	v1 =	vld [tilespmem:$0x5130]  }
0x1b8: {  	v2 =	vld [tilespmem:$0x5400];
	_ =	sdelay $0x4  }
0x1b9: {  	v3 =	vpop (erf)  }
0x1ba: {  	[tilespmem:$0x10AC0] =	vst v3  }
0x1bb: {  	v1 =	vld.idx.msk [tilespmem:v1+s7+$0x0], $0xffff  }
0x1bc: {  	v2 =	vld.idx.msk [tilespmem:v2+s28+$0x0], $0xffff;
	_ =	sdelay $0x4  }
0x1bd: {  	v1 =	vadd.f32 v2, v1;
	_ =	sdelay $0x1  }
0x1be: {  	v2 =	vmul.f32 $2.000000030e-01, v1  }
0x1bf: {  	vm5 =	vge.f32 v1, $0.0e+00  }
0x1c0: {  	v1 =	vsel vm5, v1, v2  }
0x1c1: {  	v1 =	vmul.f32 $1.442695020e+00, v1;
	_ =	sdelay $0x1  }
0x1c2: {  	(erf) = vpow2.f32 v1;
	_ =	sdelay $0x2  }
0x1c3: {  	v1 =	vld [tilespmem:$0x5140]  }
0x1c4: {  	v2 =	vld [tilespmem:$0x5410];
	_ =	sdelay $0x4  }
0x1c5: {  	v3 =	vpop (erf)  }
0x1c6: {  	[tilespmem:$0x10AD0] =	vst v3  }
0x1c7: {  	v1 =	vld.idx.msk [tilespmem:v1+s7+$0x0], $0xffff  }
0x1c8: {  	v2 =	vld.idx.msk [tilespmem:v2+s28+$0x0], $0xffff;
	_ =	sdelay $0x4  }
0x1c9: {  	v1 =	vadd.f32 v2, v1;
	_ =	sdelay $0x1  }
0x1ca: {  	v2 =	vmul.f32 $2.000000030e-01, v1  }
0x1cb: {  	vm6 =	vge.f32 v1, $0.0e+00  }
0x1cc: {  	v1 =	vsel vm6, v1, v2  }
0x1cd: {  	v1 =	vmul.f32 $1.442695020e+00, v1;
	_ =	sdelay $0x1  }
0x1ce: {  	(erf) = vpow2.f32 v1;
	_ =	sdelay $0x2  }
0x1cf: {  	v1 =	vld [tilespmem:$0x5150]  }
0x1d0: {  	v2 =	vld [tilespmem:$0x5420];
	_ =	sdelay $0x4  }
0x1d1: {  	v3 =	vpop (erf)  }
0x1d2: {  	[tilespmem:$0x10AE0] =	vst v3  }
0x1d3: {  	v1 =	vld.idx.msk [tilespmem:v1+s7+$0x0], $0xffff  }
0x1d4: {  	v2 =	vld.idx.msk [tilespmem:v2+s28+$0x0], $0xffff;
	_ =	sdelay $0x4  }
0x1d5: {  	v1 =	vadd.f32 v2, v1;
	_ =	sdelay $0x1  }
0x1d6: {  	v2 =	vmul.f32 $2.000000030e-01, v1  }
0x1d7: {  	vm7 =	vge.f32 v1, $0.0e+00  }
0x1d8: {  	v1 =	vsel vm7, v1, v2  }
0x1d9: {  	v1 =	vmul.f32 $1.442695020e+00, v1;
	_ =	sdelay $0x1  }
0x1da: {  	(erf) = vpow2.f32 v1;
	_ =	sdelay $0x2  }
0x1db: {  	v1 =	vld [tilespmem:$0x5160]  }
0x1dc: {  	v2 =	vld [tilespmem:$0x5430];
	_ =	sdelay $0x4  }
0x1dd: {  	v3 =	vpop (erf)  }
0x1de: {  	[tilespmem:$0x10AF0] =	vst v3  }
0x1df: {  	v1 =	vld.idx.msk [tilespmem:v1+s7+$0x0], $0xffff  }
0x1e0: {  	v2 =	vld.idx.msk [tilespmem:v2+s28+$0x0], $0xffff;
	_ =	sdelay $0x4  }
0x1e1: {  	v1 =	vadd.f32 v2, v1;
	_ =	sdelay $0x1  }
0x1e2: {  	v2 =	vmul.f32 $2.000000030e-01, v1  }
0x1e3: {  	vm8 =	vge.f32 v1, $0.0e+00  }
0x1e4: {  	v1 =	vsel vm8, v1, v2  }
0x1e5: {  	v1 =	vmul.f32 $1.442695020e+00, v1;
	_ =	sdelay $0x1  }
0x1e6: {  	(erf) = vpow2.f32 v1;
	_ =	sdelay $0x2  }
0x1e7: {  	v1 =	vld [tilespmem:$0x5170]  }
0x1e8: {  	v2 =	vld [tilespmem:$0x5440];
	_ =	sdelay $0x4  }
0x1e9: {  	v3 =	vpop (erf)  }
0x1ea: {  	[tilespmem:$0x10B00] =	vst v3  }
0x1eb: {  	v1 =	vld.idx.msk [tilespmem:v1+s7+$0x0], $0xffff  }
0x1ec: {  	v2 =	vld.idx.msk [tilespmem:v2+s28+$0x0], $0xffff;
	_ =	sdelay $0x4  }
0x1ed: {  	v1 =	vadd.f32 v2, v1;
	_ =	sdelay $0x1  }
0x1ee: {  	v2 =	vmul.f32 $2.000000030e-01, v1  }
0x1ef: {  	vm9 =	vge.f32 v1, $0.0e+00  }
0x1f0: {  	v1 =	vsel vm9, v1, v2  }
0x1f1: {  	v1 =	vmul.f32 $1.442695020e+00, v1;
	_ =	sdelay $0x1  }
0x1f2: {  	(erf) = vpow2.f32 v1;
	_ =	sdelay $0x2  }
0x1f3: {  	v1 =	vld [tilespmem:$0x5180]  }
0x1f4: {  	v2 =	vld [tilespmem:$0x5450];
	_ =	sdelay $0x4  }
0x1f5: {  	v3 =	vpop (erf)  }
0x1f6: {  	[tilespmem:$0x10B10] =	vst v3  }
0x1f7: {  	v1 =	vld.idx.msk [tilespmem:v1+s7+$0x0], $0xffff  }
0x1f8: {  	v2 =	vld.idx.msk [tilespmem:v2+s28+$0x0], $0xffff;
	_ =	sdelay $0x4  }
0x1f9: {  	v1 =	vadd.f32 v2, v1;
	_ =	sdelay $0x1  }
0x1fa: {  	v2 =	vmul.f32 $2.000000030e-01, v1  }
0x1fb: {  	vm10 =	vge.f32 v1, $0.0e+00  }
0x1fc: {  	v1 =	vsel vm10, v1, v2  }
0x1fd: {  	v1 =	vmul.f32 $1.442695020e+00, v1;
	_ =	sdelay $0x1  }
0x1fe: {  	(erf) = vpow2.f32 v1;
	_ =	sdelay $0x2  }
0x1ff: {  	v1 =	vld [tilespmem:$0x5190]  }
0x200: {  	v2 =	vld [tilespmem:$0x5460];
	_ =	sdelay $0x4  }
0x201: {  	v3 =	vpop (erf)  }
0x202: {  	[tilespmem:$0x10B20] =	vst v3  }
0x203: {  	v1 =	vld.idx.msk [tilespmem:v1+s7+$0x0], $0xffff  }
0x204: {  	v2 =	vld.idx.msk [tilespmem:v2+s28+$0x0], $0xffff;
	_ =	sdelay $0x4  }
0x205: {  	v1 =	vadd.f32 v2, v1;
	_ =	sdelay $0x1  }
0x206: {  	v2 =	vmul.f32 $2.000000030e-01, v1  }
0x207: {  	vm11 =	vge.f32 v1, $0.0e+00  }
0x208: {  	v1 =	vsel vm11, v1, v2  }
0x209: {  	v1 =	vmul.f32 $1.442695020e+00, v1;
	_ =	sdelay $0x1  }
0x20a: {  	(erf) = vpow2.f32 v1;
	_ =	sdelay $0x2  }
0x20b: {  	v1 =	vld [tilespmem:$0x51A0]  }
0x20c: {  	v2 =	vld [tilespmem:$0x5470];
	_ =	sdelay $0x4  }
0x20d: {  	v3 =	vpop (erf)  }
0x20e: {  	[tilespmem:$0x10B30] =	vst v3  }
0x20f: {  	v1 =	vld.idx.msk [tilespmem:v1+s7+$0x0], $0xffff  }
0x210: {  	v2 =	vld.idx.msk [tilespmem:v2+s28+$0x0], $0xffff;
	_ =	sdelay $0x4  }
0x211: {  	v1 =	vadd.f32 v2, v1;
	_ =	sdelay $0x1  }
0x212: {  	v2 =	vmul.f32 $2.000000030e-01, v1  }
0x213: {  	vm12 =	vge.f32 v1, $0.0e+00  }
0x214: {  	v1 =	vsel vm12, v1, v2  }
0x215: {  	v1 =	vmul.f32 $1.442695020e+00, v1;
	_ =	sdelay $0x1  }
0x216: {  	(erf) = vpow2.f32 v1;
	_ =	sdelay $0x2  }
0x217: {  	v1 =	vld [tilespmem:$0x51B0]  }
0x218: {  	v2 =	vld [tilespmem:$0x5480];
	_ =	sdelay $0x4  }
0x219: {  	v3 =	vpop (erf)  }
0x21a: {  	[tilespmem:$0x10B40] =	vst v3  }
0x21b: {  	v1 =	vld.idx.msk [tilespmem:v1+s7+$0x0], $0xffff  }
0x21c: {  	v2 =	vld.idx.msk [tilespmem:v2+s28+$0x0], $0xffff;
	_ =	sdelay $0x4  }
0x21d: {  	v1 =	vadd.f32 v2, v1;
	_ =	sdelay $0x1  }
0x21e: {  	v2 =	vmul.f32 $2.000000030e-01, v1  }
0x21f: {  	vm13 =	vge.f32 v1, $0.0e+00  }
0x220: {  	v1 =	vsel vm13, v1, v2  }
0x221: {  	v1 =	vmul.f32 $1.442695020e+00, v1;
	_ =	sdelay $0x1  }
0x222: {  	(erf) = vpow2.f32 v1;
	_ =	sdelay $0x2  }
0x223: {  	v1 =	vld [tilespmem:$0x51C0]  }
0x224: {  	v2 =	vld [tilespmem:$0x5490];
	_ =	sdelay $0x4  }
0x225: {  	v3 =	vpop (erf)  }
0x226: {  	[tilespmem:$0x10B50] =	vst v3  }
0x227: {  	v1 =	vld.idx.msk [tilespmem:v1+s7+$0x0], $0xffff  }
0x228: {  	v2 =	vld.idx.msk [tilespmem:v2+s28+$0x0], $0xffff;
	_ =	sdelay $0x4  }
0x229: {  	v1 =	vadd.f32 v2, v1;
	_ =	sdelay $0x1  }
0x22a: {  	v2 =	vmul.f32 $2.000000030e-01, v1  }
0x22b: {  	vm14 =	vge.f32 v1, $0.0e+00  }
0x22c: {  	v1 =	vsel vm14, v1, v2  }
0x22d: {  	v1 =	vmul.f32 $1.442695020e+00, v1;
	_ =	sdelay $0x1  }
0x22e: {  	(erf) = vpow2.f32 v1;
	_ =	sdelay $0x2  }
0x22f: {  	v1 =	vld [tilespmem:$0x51D0]  }
0x230: {  	v2 =	vld [tilespmem:$0x54A0];
	_ =	sdelay $0x4  }
0x231: {  	v3 =	vpop (erf)  }
0x232: {  	[tilespmem:$0x10B60] =	vst v3  }
0x233: {  	v1 =	vld.idx.msk [tilespmem:v1+s7+$0x0], $0xffff  }
0x234: {  	v2 =	vld.idx.msk [tilespmem:v2+s28+$0x0], $0xffff;
	_ =	sdelay $0x4  }
0x235: {  	v1 =	vadd.f32 v2, v1;
	_ =	sdelay $0x1  }
0x236: {  	v2 =	vmul.f32 $2.000000030e-01, v1  }
0x237: {  	vm15 =	vge.f32 v1, $0.0e+00  }
0x238: {  	v1 =	vsel vm15, v1, v2  }
0x239: {  	v1 =	vmul.f32 $1.442695020e+00, v1;
	_ =	sdelay $0x1  }
0x23a: {  	(erf) = vpow2.f32 v1;
	_ =	sdelay $0x7  }
0x23b: {  	v1 =	vmov s7  }
0x23c: {  	v2 =	vpop (erf)  }
0x23d: {  	s18 =	simm.s32 $0x91C0;
	[tilespmem:$0x10B70] =	vst v2  }
0x23e: {  	v3 =	vld [tilespmem:s18+$0xFFFFFFF0]  }
0x23f: {  	v4 =	vld [tilespmem:s18+$0x10]  }
0x240: {  	v6 =	vld.idx.msk [tilespmem:v1+s21+$0x0], $0xffff  }
0x241: {  	v1 =	vld [tilespmem:s18+$0xFFFFFFE0]  }
0x242: {  	v7 =	vld [tilespmem:s18+$0x0];
	_ =	sdelay $0x3  }
0x243: {  	s31 =	simm.s32 $0x1;
	v2 =	vmul.f32 v1, v6;
	v5 =	vmul.f32 v4, v6  }
0x244: {  	s19 =	simm.s32 $0x2;
	v1 =	vmov s31;
	v4 =	vmul.f32 v3, v6;
	v3 =	vmul.f32 v7, v6;
	s31 =	simm.s32 $0x91C0  }
.LBB2_7:
0x245: {  	p1 =	sne.s32 s19, $0xEF  }
0x246: {  	[tilespmem:s18+$0x10] =	vst v5;
	s31 =	sadd.s32 $0x40, s31;
	s7 =	smov.u32 s19;
	s19 =	sadd.s32 $0x1, s19  }
0x247: {  	[tilespmem:s18+$0xFFFFFFE0] =	vst v2  }
0x248: {  	v6 =	vld [tilespmem:s31+$0xFFFFFFF0];
	[tilespmem:s18+$0xFFFFFFF0] =	vst v4  }
0x249: {  	v4 =	vld [tilespmem:s31+$0x10];
	[tilespmem:s18+$0x0] =	vst v3;
	s18 =	smov.u32 s31  }
0x24a: {  	v3 =	vld.idx.msk [tilespmem:v1+s21+$0x0], $0xffff  }
0x24b: {  	v1 =	vld [tilespmem:s31+$0xFFFFFFE0]  }
0x24c: {  	v7 =	vld [tilespmem:s31+$0x0]  }
.Ltmp4:
0x24d: {  	(pc) =	sbr.rel @p1 .LBB2_7-.Ltmp4, $3  }
0x24e: {  	_ =	sdelay $0x1  }
0x24f: {  	v5 =	vmul.f32 v4, v3;
	v2 =	vmul.f32 v1, v3  }
0x250: {  	v4 =	vmul.f32 v6, v3;
	v1 =	vmov s7;
	v3 =	vmul.f32 v7, v3  }
0x251: {  	[tilespmem:s18+$0x10] =	vst v5  }
0x252: {  	s7 =	sadd.s32 $0x40, s31;
	[tilespmem:s18+$0xFFFFFFE0] =	vst v2  }
0x253: {  	v2 =	vld [tilespmem:s7+$0xFFFFFFF0];
	[tilespmem:s18+$0xFFFFFFF0] =	vst v4  }
0x254: {  	v4 =	vld [tilespmem:s7+$0x10];
	[tilespmem:s18+$0x0] =	vst v3  }
0x255: {  	v1 =	vld.idx.msk [tilespmem:v1+s21+$0x0], $0xffff  }
0x256: {  	v3 =	vld [tilespmem:s7+$0xFFFFFFE0];
	_ =	sdelay $0x1  }
0x257: {  	v5 =	vld [tilespmem:s7+$0x0];
	_ =	sdelay $0x1  }
0x258: {  	v4 =	vmul.f32 v4, v1  }
0x259: {  	v3 =	vmul.f32 v3, v1  }
0x25a: {  	v2 =	vmul.f32 v2, v1;
	[tilespmem:s7+$0x10] =	vst v4  }
0x25b: {  	v1 =	vmul.f32 v5, v1;
	[tilespmem:s7+$0xFFFFFFE0] =	vst v3  }
0x25c: {  	[tilespmem:s7+$0xFFFFFFF0] =	vst v2  }
0x25d: {  	s18 =	simm.s32 $0x91A0;
	[tilespmem:s7+$0x0] =	vst v1  }
0x25e: {  	[spmem:s2] =	stream.indirect.scatter.add.f32 [tilespmem:s18], [sflag:$0x5], $0x40, s0, s3, $0xb8;
	[tilespmem:$0x1B170] =	vst v63  }
0x25f: {  	_ = 	snop  }
0x260: {  	[spmem:s4] =	stream.indirect.scatter.add.f32 [tilespmem:s21], [sflag:$0x8], $0x1, s0, s3, $0xb8;
	[tilespmem:$0x1B170] =	vst v63  }
0x261: {  	_ =	swait.ge [sflag:s22], $0x3C00  }
0x262: {  	[sflag:s22] =	ssyncset.done $0x0  }
0x263: {  	[sflag:s22] =	ssyncadd.s32 $0xFFFFC400  }
0x264: {  	_ =	swait.ge [sflag:s23], $0xF0  }
0x265: {  	p1 =	seq.s32 s5, $0x1C;
	s7 =	rddreg [dreg:$0x10]  }
0x266: {  	s7 =	sadd.s32 @!p1 s20, s7  }
0x267: {  	s19 =	simm.s32 @!p1 $0x0;
	[sflag:s23] =	ssyncset.done $0x0;
	s7 =	sshrl.u32 @!p1 s7, $0x3  }
0x268: {  	s31 =	simm.s32 @!p1 $0x5000;
	[sflag:s23] =	ssyncadd.s32 $0xFFFFFF10;
	s18 =	sadd.s32 @!p1 s1, s7  }
0x269: {  	[tilespmem:s31], [sflag:$0xA] =	stream.linear.gather @!p1 [hbm4b:s18+s19], $0xF0, $0x38;
	[tilespmem:$0x1B170] =	vst v63  }
0x26a: {  	s7 =	sadd.s32 @!p1 s8, s7;
	s18 =	simm.s32 @!p1 $0x52D0  }
0x26b: {  	[tilespmem:s18], [sflag:$0xA] =	stream.linear.gather @!p1 [hbm4b:s7+s19], $0xF0, $0x38;
	[tilespmem:$0x1B170] =	vst v63  }
0x26c: {  	s7 =	simm.s32 @!p1 $0xA  }
0x26d: {  	_ =	swait.ge @!p1 [sflag:s7], $0xF0  }
0x26e: {  	[sflag:s7] =	ssyncset.done @!p1 $0x0  }
0x26f: {  	[sflag:s7] =	ssyncadd.s32 @!p1 $0xFFFFFF10  }
0x270: {  	_ =	swait.ge @!p1 [sflag:s7], $0xF0  }
0x271: {  	[sflag:s7] =	ssyncset.done @!p1 $0x0  }
0x272: {  	s18 =	simm.s32 @!p1 $0x55A0;
	[sflag:s7] =	ssyncadd.s32 @!p1 $0xFFFFFF10;
	s7 =	simm.s32 @!p1 $0xF0  }
0x273: {  	[tilespmem:s18], [sflag:$0x1] =	stream.indirect.gather @!p1 [hbm4b:s17+s7], $0x40, s31, s7, $0xb8;
	[tilespmem:$0x1B170] =	vst v63  }
0x274: {  	_ =	swait.ge [sflag:s9], $0x3C00  }
0x275: {  	[sflag:s9] =	ssyncset.done $0x0  }
0x276: {  	[sflag:s9] =	ssyncadd.s32 $0xFFFFC400  }
0x277: {  	v1 =	vld [tilespmem:$0x51E0]  }
0x278: {  	v2 =	vld [tilespmem:$0x54B0];
	_ =	sdelay $0x5  }
0x279: {  	s19 =	simm.s32 $0x0  }
0x27a: {  	v1 =	vld.idx.msk [tilespmem:v1+s19+$0x0], $0xffff  }
0x27b: {  	v2 =	vld.idx.msk [tilespmem:v2+s28+$0x0], $0xffff;
	_ =	sdelay $0x4  }
0x27c: {  	v1 =	vadd.f32 v2, v1;
	_ =	sdelay $0x1  }
0x27d: {  	v2 =	vmul.f32 $2.000000030e-01, v1  }
0x27e: {  	vm0 =	vge.f32 v1, $0.0e+00  }
0x27f: {  	v1 =	vsel vm0, v1, v2  }
0x280: {  	v1 =	vmul.f32 $1.442695020e+00, v1;
	_ =	sdelay $0x1  }
0x281: {  	(erf) = vpow2.f32 v1;
	_ =	sdelay $0x2  }
0x282: {  	v1 =	vld [tilespmem:$0x51F0]  }
0x283: {  	v2 =	vld [tilespmem:$0x54C0];
	_ =	sdelay $0x4  }
0x284: {  	v3 =	vpop (erf)  }
0x285: {  	[tilespmem:$0x10B80] =	vst v3  }
0x286: {  	v1 =	vld.idx.msk [tilespmem:v1+s19+$0x0], $0xffff  }
0x287: {  	v2 =	vld.idx.msk [tilespmem:v2+s28+$0x0], $0xffff;
	_ =	sdelay $0x4  }
0x288: {  	v1 =	vadd.f32 v2, v1;
	_ =	sdelay $0x1  }
0x289: {  	v2 =	vmul.f32 $2.000000030e-01, v1  }
0x28a: {  	vm14 =	vge.f32 v1, $0.0e+00  }
0x28b: {  	v1 =	vsel vm14, v1, v2  }
0x28c: {  	v1 =	vmul.f32 $1.442695020e+00, v1;
	_ =	sdelay $0x1  }
0x28d: {  	(erf) = vpow2.f32 v1;
	_ =	sdelay $0x2  }
0x28e: {  	v1 =	vld [tilespmem:$0x5200]  }
0x28f: {  	v2 =	vld [tilespmem:$0x54D0];
	_ =	sdelay $0x4  }
0x290: {  	v3 =	vpop (erf)  }
0x291: {  	[tilespmem:$0x10B90] =	vst v3  }
0x292: {  	v1 =	vld.idx.msk [tilespmem:v1+s19+$0x0], $0xffff  }
0x293: {  	v2 =	vld.idx.msk [tilespmem:v2+s28+$0x0], $0xffff;
	_ =	sdelay $0x4  }
0x294: {  	v1 =	vadd.f32 v2, v1;
	_ =	sdelay $0x1  }
0x295: {  	v2 =	vmul.f32 $2.000000030e-01, v1  }
0x296: {  	vm15 =	vge.f32 v1, $0.0e+00  }
0x297: {  	v1 =	vsel vm15, v1, v2  }
0x298: {  	v1 =	vmul.f32 $1.442695020e+00, v1;
	_ =	sdelay $0x1  }
0x299: {  	(erf) = vpow2.f32 v1;
	_ =	sdelay $0x2  }
0x29a: {  	v1 =	vld [tilespmem:$0x5210]  }
0x29b: {  	v2 =	vld [tilespmem:$0x54E0];
	_ =	sdelay $0x4  }
0x29c: {  	v3 =	vpop (erf)  }
0x29d: {  	[tilespmem:$0x10BA0] =	vst v3  }
0x29e: {  	v1 =	vld.idx.msk [tilespmem:v1+s19+$0x0], $0xffff  }
0x29f: {  	v2 =	vld.idx.msk [tilespmem:v2+s28+$0x0], $0xffff;
	_ =	sdelay $0x4  }
0x2a0: {  	v1 =	vadd.f32 v2, v1;
	_ =	sdelay $0x1  }
0x2a1: {  	v2 =	vmul.f32 $2.000000030e-01, v1  }
0x2a2: {  	vm4 =	vge.f32 v1, $0.0e+00  }
0x2a3: {  	v1 =	vsel vm4, v1, v2  }
0x2a4: {  	v1 =	vmul.f32 $1.442695020e+00, v1;
	_ =	sdelay $0x1  }
0x2a5: {  	(erf) = vpow2.f32 v1;
	_ =	sdelay $0x2  }
0x2a6: {  	v1 =	vld [tilespmem:$0x5220]  }
0x2a7: {  	v2 =	vld [tilespmem:$0x54F0];
	_ =	sdelay $0x4  }
0x2a8: {  	v3 =	vpop (erf)  }
0x2a9: {  	[tilespmem:$0x10BB0] =	vst v3  }
0x2aa: {  	v1 =	vld.idx.msk [tilespmem:v1+s19+$0x0], $0xffff  }
0x2ab: {  	v2 =	vld.idx.msk [tilespmem:v2+s28+$0x0], $0xffff;
	_ =	sdelay $0x4  }
0x2ac: {  	v1 =	vadd.f32 v2, v1;
	_ =	sdelay $0x1  }
0x2ad: {  	v2 =	vmul.f32 $2.000000030e-01, v1  }
0x2ae: {  	vm5 =	vge.f32 v1, $0.0e+00  }
0x2af: {  	v1 =	vsel vm5, v1, v2  }
0x2b0: {  	v1 =	vmul.f32 $1.442695020e+00, v1;
	_ =	sdelay $0x1  }
0x2b1: {  	(erf) = vpow2.f32 v1;
	_ =	sdelay $0x2  }
0x2b2: {  	v1 =	vld [tilespmem:$0x5230]  }
0x2b3: {  	v2 =	vld [tilespmem:$0x5500];
	_ =	sdelay $0x4  }
0x2b4: {  	v3 =	vpop (erf)  }
0x2b5: {  	[tilespmem:$0x10BC0] =	vst v3  }
0x2b6: {  	v1 =	vld.idx.msk [tilespmem:v1+s19+$0x0], $0xffff  }
0x2b7: {  	v2 =	vld.idx.msk [tilespmem:v2+s28+$0x0], $0xffff;
	_ =	sdelay $0x4  }
0x2b8: {  	v1 =	vadd.f32 v2, v1;
	_ =	sdelay $0x1  }
0x2b9: {  	v2 =	vmul.f32 $2.000000030e-01, v1  }
0x2ba: {  	vm6 =	vge.f32 v1, $0.0e+00  }
0x2bb: {  	v1 =	vsel vm6, v1, v2  }
0x2bc: {  	v1 =	vmul.f32 $1.442695020e+00, v1;
	_ =	sdelay $0x1  }
0x2bd: {  	(erf) = vpow2.f32 v1;
	_ =	sdelay $0x2  }
0x2be: {  	v1 =	vld [tilespmem:$0x5240]  }
0x2bf: {  	v2 =	vld [tilespmem:$0x5510];
	_ =	sdelay $0x4  }
0x2c0: {  	v3 =	vpop (erf)  }
0x2c1: {  	[tilespmem:$0x10BD0] =	vst v3  }
0x2c2: {  	v1 =	vld.idx.msk [tilespmem:v1+s19+$0x0], $0xffff  }
0x2c3: {  	v2 =	vld.idx.msk [tilespmem:v2+s28+$0x0], $0xffff;
	_ =	sdelay $0x4  }
0x2c4: {  	v1 =	vadd.f32 v2, v1;
	_ =	sdelay $0x1  }
0x2c5: {  	v2 =	vmul.f32 $2.000000030e-01, v1  }
0x2c6: {  	vm7 =	vge.f32 v1, $0.0e+00  }
0x2c7: {  	v1 =	vsel vm7, v1, v2  }
0x2c8: {  	v1 =	vmul.f32 $1.442695020e+00, v1;
	_ =	sdelay $0x1  }
0x2c9: {  	(erf) = vpow2.f32 v1;
	_ =	sdelay $0x2  }
0x2ca: {  	v1 =	vld [tilespmem:$0x5250]  }
0x2cb: {  	v2 =	vld [tilespmem:$0x5520];
	_ =	sdelay $0x4  }
0x2cc: {  	v3 =	vpop (erf)  }
0x2cd: {  	[tilespmem:$0x10BE0] =	vst v3  }
0x2ce: {  	v1 =	vld.idx.msk [tilespmem:v1+s19+$0x0], $0xffff  }
0x2cf: {  	v2 =	vld.idx.msk [tilespmem:v2+s28+$0x0], $0xffff;
	_ =	sdelay $0x4  }
0x2d0: {  	v1 =	vadd.f32 v2, v1;
	_ =	sdelay $0x1  }
0x2d1: {  	v2 =	vmul.f32 $2.000000030e-01, v1  }
0x2d2: {  	vm8 =	vge.f32 v1, $0.0e+00  }
0x2d3: {  	v1 =	vsel vm8, v1, v2  }
0x2d4: {  	v1 =	vmul.f32 $1.442695020e+00, v1;
	_ =	sdelay $0x1  }
0x2d5: {  	(erf) = vpow2.f32 v1;
	_ =	sdelay $0x2  }
0x2d6: {  	v1 =	vld [tilespmem:$0x5260]  }
0x2d7: {  	v2 =	vld [tilespmem:$0x5530];
	_ =	sdelay $0x4  }
0x2d8: {  	v3 =	vpop (erf)  }
0x2d9: {  	[tilespmem:$0x10BF0] =	vst v3  }
0x2da: {  	v1 =	vld.idx.msk [tilespmem:v1+s19+$0x0], $0xffff  }
0x2db: {  	v2 =	vld.idx.msk [tilespmem:v2+s28+$0x0], $0xffff;
	_ =	sdelay $0x4  }
0x2dc: {  	v1 =	vadd.f32 v2, v1;
	_ =	sdelay $0x1  }
0x2dd: {  	v2 =	vmul.f32 $2.000000030e-01, v1  }
0x2de: {  	vm9 =	vge.f32 v1, $0.0e+00  }
0x2df: {  	v1 =	vsel vm9, v1, v2  }
0x2e0: {  	v1 =	vmul.f32 $1.442695020e+00, v1;
	_ =	sdelay $0x1  }
0x2e1: {  	(erf) = vpow2.f32 v1;
	_ =	sdelay $0x2  }
0x2e2: {  	v1 =	vld [tilespmem:$0x5270]  }
0x2e3: {  	v2 =	vld [tilespmem:$0x5540];
	_ =	sdelay $0x4  }
0x2e4: {  	v3 =	vpop (erf)  }
0x2e5: {  	[tilespmem:$0x10C00] =	vst v3  }
0x2e6: {  	v1 =	vld.idx.msk [tilespmem:v1+s19+$0x0], $0xffff  }
0x2e7: {  	v2 =	vld.idx.msk [tilespmem:v2+s28+$0x0], $0xffff;
	_ =	sdelay $0x4  }
0x2e8: {  	v1 =	vadd.f32 v2, v1;
	_ =	sdelay $0x1  }
0x2e9: {  	v2 =	vmul.f32 $2.000000030e-01, v1  }
0x2ea: {  	vm10 =	vge.f32 v1, $0.0e+00  }
0x2eb: {  	v1 =	vsel vm10, v1, v2  }
0x2ec: {  	v1 =	vmul.f32 $1.442695020e+00, v1;
	_ =	sdelay $0x1  }
0x2ed: {  	(erf) = vpow2.f32 v1;
	_ =	sdelay $0x2  }
0x2ee: {  	v1 =	vld [tilespmem:$0x5280]  }
0x2ef: {  	v2 =	vld [tilespmem:$0x5550];
	_ =	sdelay $0x4  }
0x2f0: {  	v3 =	vpop (erf)  }
0x2f1: {  	[tilespmem:$0x10C10] =	vst v3  }
0x2f2: {  	v1 =	vld.idx.msk [tilespmem:v1+s19+$0x0], $0xffff  }
0x2f3: {  	v2 =	vld.idx.msk [tilespmem:v2+s28+$0x0], $0xffff;
	_ =	sdelay $0x4  }
0x2f4: {  	v1 =	vadd.f32 v2, v1;
	_ =	sdelay $0x1  }
0x2f5: {  	v2 =	vmul.f32 $2.000000030e-01, v1  }
0x2f6: {  	vm11 =	vge.f32 v1, $0.0e+00  }
0x2f7: {  	v1 =	vsel vm11, v1, v2  }
0x2f8: {  	v1 =	vmul.f32 $1.442695020e+00, v1;
	_ =	sdelay $0x1  }
0x2f9: {  	(erf) = vpow2.f32 v1;
	_ =	sdelay $0x2  }
0x2fa: {  	v1 =	vld [tilespmem:$0x5290]  }
0x2fb: {  	v2 =	vld [tilespmem:$0x5560];
	_ =	sdelay $0x4  }
0x2fc: {  	v3 =	vpop (erf)  }
0x2fd: {  	[tilespmem:$0x10C20] =	vst v3  }
0x2fe: {  	v1 =	vld.idx.msk [tilespmem:v1+s19+$0x0], $0xffff  }
0x2ff: {  	v2 =	vld.idx.msk [tilespmem:v2+s28+$0x0], $0xffff;
	_ =	sdelay $0x4  }
0x300: {  	v1 =	vadd.f32 v2, v1;
	_ =	sdelay $0x1  }
0x301: {  	v2 =	vmul.f32 $2.000000030e-01, v1  }
0x302: {  	vm12 =	vge.f32 v1, $0.0e+00  }
0x303: {  	v1 =	vsel vm12, v1, v2  }
0x304: {  	v1 =	vmul.f32 $1.442695020e+00, v1;
	_ =	sdelay $0x1  }
0x305: {  	(erf) = vpow2.f32 v1;
	_ =	sdelay $0x2  }
0x306: {  	v1 =	vld [tilespmem:$0x52A0]  }
0x307: {  	v2 =	vld [tilespmem:$0x5570];
	_ =	sdelay $0x4  }
0x308: {  	v3 =	vpop (erf)  }
0x309: {  	[tilespmem:$0x10C30] =	vst v3  }
0x30a: {  	v1 =	vld.idx.msk [tilespmem:v1+s19+$0x0], $0xffff  }
0x30b: {  	v2 =	vld.idx.msk [tilespmem:v2+s28+$0x0], $0xffff;
	_ =	sdelay $0x4  }
0x30c: {  	v1 =	vadd.f32 v2, v1;
	_ =	sdelay $0x1  }
0x30d: {  	v2 =	vmul.f32 $2.000000030e-01, v1  }
0x30e: {  	vm13 =	vge.f32 v1, $0.0e+00  }
0x30f: {  	v1 =	vsel vm13, v1, v2  }
0x310: {  	v1 =	vmul.f32 $1.442695020e+00, v1;
	_ =	sdelay $0x1  }
0x311: {  	(erf) = vpow2.f32 v1;
	_ =	sdelay $0x2  }
0x312: {  	v1 =	vld [tilespmem:$0x52B0]  }
0x313: {  	v2 =	vld [tilespmem:$0x5580];
	_ =	sdelay $0x4  }
0x314: {  	v3 =	vpop (erf)  }
0x315: {  	[tilespmem:$0x10C40] =	vst v3  }
0x316: {  	v1 =	vld.idx.msk [tilespmem:v1+s19+$0x0], $0xffff  }
0x317: {  	v2 =	vld.idx.msk [tilespmem:v2+s28+$0x0], $0xffff;
	_ =	sdelay $0x4  }
0x318: {  	v1 =	vadd.f32 v2, v1;
	_ =	sdelay $0x1  }
0x319: {  	v2 =	vmul.f32 $2.000000030e-01, v1  }
0x31a: {  	vm14 =	vge.f32 v1, $0.0e+00  }
0x31b: {  	v1 =	vsel vm14, v1, v2  }
0x31c: {  	v1 =	vmul.f32 $1.442695020e+00, v1;
	_ =	sdelay $0x1  }
0x31d: {  	(erf) = vpow2.f32 v1;
	_ =	sdelay $0x2  }
0x31e: {  	v1 =	vld [tilespmem:$0x52C0]  }
0x31f: {  	v2 =	vld [tilespmem:$0x5590];
	_ =	sdelay $0x4  }
0x320: {  	v3 =	vpop (erf)  }
0x321: {  	[tilespmem:$0x10C50] =	vst v3  }
0x322: {  	v1 =	vld.idx.msk [tilespmem:v1+s19+$0x0], $0xffff  }
0x323: {  	v2 =	vld.idx.msk [tilespmem:v2+s28+$0x0], $0xffff;
	_ =	sdelay $0x4  }
0x324: {  	v1 =	vadd.f32 v2, v1;
	_ =	sdelay $0x1  }
0x325: {  	v2 =	vmul.f32 $2.000000030e-01, v1  }
0x326: {  	vm15 =	vge.f32 v1, $0.0e+00  }
0x327: {  	v1 =	vsel vm15, v1, v2  }
0x328: {  	v1 =	vmul.f32 $1.442695020e+00, v1;
	_ =	sdelay $0x1  }
0x329: {  	(erf) = vpow2.f32 v1;
	_ =	sdelay $0x7  }
0x32a: {  	v1 =	vmov s19  }
0x32b: {  	v2 =	vpop (erf)  }
0x32c: {  	s18 =	simm.s32 $0xCDC0;
	[tilespmem:$0x10C60] =	vst v2  }
0x32d: {  	v3 =	vld [tilespmem:s18+$0xFFFFFFF0]  }
0x32e: {  	v4 =	vld [tilespmem:s18+$0x10]  }
0x32f: {  	v6 =	vld.idx.msk [tilespmem:v1+s12+$0x0], $0xffff  }
0x330: {  	v1 =	vld [tilespmem:s18+$0xFFFFFFE0]  }
0x331: {  	v7 =	vld [tilespmem:s18+$0x0];
	_ =	sdelay $0x3  }
0x332: {  	s7 =	simm.s32 $0x1;
	v2 =	vmul.f32 v1, v6;
	v5 =	vmul.f32 v4, v6  }
0x333: {  	s31 =	simm.s32 $0xCDC0;
	s19 =	simm.s32 $0x2;
	v1 =	vmov s7;
	v4 =	vmul.f32 v3, v6;
	v3 =	vmul.f32 v7, v6  }
.LBB2_9:
0x334: {  	p2 =	sne.s32 s19, $0xEF  }
0x335: {  	[tilespmem:s18+$0x10] =	vst v5;
	s31 =	sadd.s32 $0x40, s31;
	s7 =	smov.u32 s19;
	s19 =	sadd.s32 $0x1, s19  }
0x336: {  	[tilespmem:s18+$0xFFFFFFE0] =	vst v2  }
0x337: {  	v6 =	vld [tilespmem:s31+$0xFFFFFFF0];
	[tilespmem:s18+$0xFFFFFFF0] =	vst v4  }
0x338: {  	v4 =	vld [tilespmem:s31+$0x10];
	[tilespmem:s18+$0x0] =	vst v3;
	s18 =	smov.u32 s31  }
0x339: {  	v3 =	vld.idx.msk [tilespmem:v1+s12+$0x0], $0xffff  }
0x33a: {  	v1 =	vld [tilespmem:s31+$0xFFFFFFE0]  }
0x33b: {  	v7 =	vld [tilespmem:s31+$0x0]  }
.Ltmp5:
0x33c: {  	(pc) =	sbr.rel @p2 .LBB2_9-.Ltmp5, $3  }
0x33d: {  	_ =	sdelay $0x1  }
0x33e: {  	v5 =	vmul.f32 v4, v3;
	v2 =	vmul.f32 v1, v3  }
0x33f: {  	v4 =	vmul.f32 v6, v3;
	v1 =	vmov s7;
	v3 =	vmul.f32 v7, v3  }
0x340: {  	[tilespmem:s18+$0x10] =	vst v5  }
0x341: {  	s7 =	sadd.s32 $0x40, s31;
	[tilespmem:s18+$0xFFFFFFE0] =	vst v2  }
0x342: {  	v2 =	vld [tilespmem:s7+$0xFFFFFFF0];
	[tilespmem:s18+$0xFFFFFFF0] =	vst v4  }
0x343: {  	v4 =	vld [tilespmem:s7+$0x10];
	[tilespmem:s18+$0x0] =	vst v3  }
0x344: {  	v1 =	vld.idx.msk [tilespmem:v1+s12+$0x0], $0xffff  }
0x345: {  	v3 =	vld [tilespmem:s7+$0xFFFFFFE0];
	_ =	sdelay $0x1  }
0x346: {  	v5 =	vld [tilespmem:s7+$0x0];
	_ =	sdelay $0x1  }
0x347: {  	v4 =	vmul.f32 v4, v1  }
0x348: {  	v3 =	vmul.f32 v3, v1  }
0x349: {  	v2 =	vmul.f32 v2, v1;
	[tilespmem:s7+$0x10] =	vst v4  }
0x34a: {  	v1 =	vmul.f32 v5, v1;
	[tilespmem:s7+$0xFFFFFFE0] =	vst v3  }
0x34b: {  	[tilespmem:s7+$0xFFFFFFF0] =	vst v2  }
0x34c: {  	[tilespmem:s7+$0x0] =	vst v1  }
0x34d: {  	[spmem:s2] =	stream.indirect.scatter.add.f32 [tilespmem:s15], [sflag:$0x6], $0x40, s14, s3, $0xb8;
	[tilespmem:$0x1B170] =	vst v63  }
0x34e: {  	_ = 	snop  }
0x34f: {  	[spmem:s4] =	stream.indirect.scatter.add.f32 [tilespmem:s12], [sflag:$0x9], $0x1, s14, s3, $0xb8;
	[tilespmem:$0x1B170] =	vst v63  }
0x350: {  	_ =	swait.ge [sflag:s26], $0x3C00  }
.Ltmp6:
0x351: {  	[sflag:s26] =	ssyncset.done $0x0;
	(pc) =	sbr.rel @p1 .LBB2_12-.Ltmp6, $4  }
0x352: {  	[sflag:s26] =	ssyncadd.s32 $0xFFFFC400  }
0x353: {  	_ =	swait.ge [sflag:s25], $0xF0  }
0x354: {  	[sflag:s25] =	ssyncset.done $0x0  }
0x355: {  	[sflag:s25] =	ssyncadd.s32 $0xFFFFFF10  }
0x356: {  	s7 =	rddreg [dreg:$0x11]  }
0x357: {  	s7 =	sadd.s32 s20, s7  }
.Ltmp7:
0x358: {  	s7 =	sshrl.u32 s7, $0x3;
	(pc) =	sbr.rel .LBB2_4-.Ltmp7, $4  }
0x359: {  	s19 =	simm.s32 $0x0;
	s20 =	simm.s32 $0x50F0;
	s18 =	sadd.s32 s1, s7  }
0x35a: {  	[tilespmem:s20], [sflag:$0xB] =	stream.linear.gather [hbm4b:s18+s19], $0xF0, $0x38;
	[tilespmem:$0x1B170] =	vst v63  }
0x35b: {  	s5 =	sadd.s32 $0x1, s5;
	s7 =	sadd.s32 s8, s7  }
0x35c: {  	[tilespmem:s0], [sflag:$0xB] =	stream.linear.gather [hbm4b:s7+s19], $0xF0, $0x38;
	[tilespmem:$0x1B170] =	vst v63  }
.LBB2_13:
0x35d: {  	_ =	sfence.sel $0x180000  }
0x35e: {  	[bflag:$0x0] =	sbarrier.arrive $0xFFFF  }
0x35f: {  	_ =	strace $0x9000004A  }
0x360: {  	s0 =	stileid.u32;
	[bflag:$0x2] =	sbarrier.arrive $0xFFFF  }
0x361: {  	p0 =	sne.s32 s0, $0x0;
	s0 =	rddreg [dreg:$0x4]  }
0x362: {  	s0 =	sadd.s32 @!p0 $0x100000, s0  }
0x363: {  	[sflag:s0] =	ssyncadd.tile.s32 @!p0 $0x1;
	_ =	shalt  }
.Lfunc_end2:
_tile_overlayer_lowered:
.L_overlay_start_2:
0x364: {  	(tag) =	ssettag $0x2  }
0x365: {  	s0 =	rddreg [dreg:$0x0];
	s2 =	stileid.u32  }
0x366: {  	s1 =	rddreg [dreg:$0x1];
	p0 =	sne.s32 s2, $0x0  }
0x367: {  	s3 =	rddreg [dreg:$0x2];
	[bflag:$0x3] =	sbarrier.arrive $0xFFFF;
	s2 =	simm.s32 @!p0 $0x1C0D  }
0x368: {  	[timem:s3], [sflag:s2] =	dma.local @!p0 [hbm:s0], s1  }
0x369: {  	s0 =	simm.s32 @!p0 $0xD  }
0x36a: {  	_ =	swait.ge @!p0 [sflag:s0], s1  }
0x36b: {  	s1 =	ssub.s32 @!p0 $0x0, s1;
	[sflag:s0] =	ssyncset.done @!p0 $0x0  }
0x36c: {  	[sflag:s0] =	ssyncadd.s32 @!p0 s1  }
0x36d: {  	[bflag:$0x3] =	sbarrier.arrive $0xFFFF  }
0x36e: {  	_ =	shalt  }

// kernel: kernel.7.cloned.1.call-start
scs
__scs_entry_jumppad:
0x0: {  	(pc) =	sbr.rel $0x88, $3  }
0x1: {  	(tag) =	ssettag $0x0;
	lr =	simm.s32 $0x1  }
0x2: {  	[smem:$0x3F99] =	sst lr;
	_ =	strace $0xD0000000  }
0x3: {  	_ = 	snop  }
0x4: {  	_ = 	snop  }
0x5: {  	_ = 	snop  }
0x6: {  	_ = 	snop  }
0x7: {  	_ = 	snop  }
__scs_overlays_trampoline_lowered:
0x8: {  	[smem:$0x3FA8] =	sst s0  }
0x9: {  	[smem:$0x3FA9] =	sst s1  }
0xa: {  	[smem:$0x3FAA] =	sst s2  }
0xb: {  	[smem:$0x3FAB] =	sst s3  }
0xc: {  	[smem:$0x3FAC] =	sst s4  }
0xd: {  	[smem:$0x3FAD] =	sst s5  }
0xe: {  	[smem:$0x3FAE] =	sst s6  }
0xf: {  	[smem:$0x3FAF] =	sst s7  }
0x10: {  	[smem:$0x3FB0] =	sst s8  }
0x11: {  	[smem:$0x3FB1] =	sst s9;
	s0 =	simm.s32 @!p0 $0x0  }
0x12: {  	s1 =	sld [smem:$0x3F97];
	s0 =	simm.s32 @p0 $0x1  }
0x13: {  	[smem:$0x3FB2] =	sst s0;
	s0 =	simm.s32 @!p1 $0x0  }
0x14: {  	s2 =	sld [smem:$0x3F96];
	s0 =	simm.s32 @p1 $0x1  }
0x15: {  	[smem:$0x3FB3] =	sst s0;
	s0 =	simm.s32 @!p2 $0x0  }
0x16: {  	s3 =	sld [smem:$0x3FDB];
	s0 =	simm.s32 @p2 $0x1  }
0x17: {  	s4 =	simm.s32 $0x1BF5;
	[smem:$0x3FB5] =	sst s0  }
0x18: {  	s0 =	sld [smem:$0x3F98];
	_ =	swait.ge [sflag:s4], $0x0  }
0x19: {  	s7 =	sld [smem:$0x3F99]  }
0x1a: {  	s8 =	sadd.s32 $0xFFFFE003, lr  }
0x1b: {  	s9 =	sadd.s32 $0xFFFFFEF7, lr;
	s5 =	simm.s32 $0xFFFFFFFF;
	p2 =	slt.u32 s8, $0xFFFFF086  }
0x1c: {  	p1 =	slt.u32 s9, $0xF7A;
	s5 =	simm.s32 @!p2 $0x0  }
0x1d: {  	s5 =	simm.s32 @p1 $0x1;
	p0 =	seq.s32 s7, s2  }
0x1e: {  	s7 =	smul.u32 @!p0 $0xF7A, s2;
	p2 =	seq.s32 @!p0 s5, $0x0  }
0x1f: {  	s9 =	smul.u32 $0xF7A, s1;
	s8 =	simm.s32 @!p0 $0x1BF5;
	p2 =	por !p2, p0  }
0x20: {  	[sflag:s8] =	ssyncset.s32 @!p0 $0xFFFFF086;
	s6 =	sadd.s32 @!p0 s3, s7;
	s7 =	simm.s32 @!p0 $0x108  }
0x21: {  	s3 =	sadd.s32 s3, s9;
	s6 =	sadd.s32 @!p0 $0x88, s6;
	s7 =	simm.s32 @p2 $0x1082  }
0x22: {  	[simem:s7], [sflag:s8] =	dma.local @!p0 [hbm:s6], $0xF7A  }
0x23: {  	s9 =	sor.u32 $0xD0000000, s2;
	s6 =	simm.s32 $0x108;
	_ =	swait.ge @!p0 [sflag:s8], $0x0  }
0x24: {  	s3 =	sadd.s32 $0x88, s3;
	s6 =	simm.s32 @!p1 $0x1082;
	[sflag:s4] =	ssyncset.s32 $0xFFFFF086  }
0x25: {  	[simem:s6], [sflag:s4] =	dma.local [hbm:s3], $0xF7A  }
0x26: {  	[smem:$0x3F99] =	sst s1;
	(tag) =	ssettag s2;
	_ =	strace s9  }
0x27: {  	s1 =	sld [smem:$0x3FA9]  }
0x28: {  	s2 =	sld [smem:$0x3FAA]  }
0x29: {  	s4 =	sld [smem:$0x3FAC]  }
0x2a: {  	p0 =	seq.s32 s5, $0x0;
	s5 =	sld [smem:$0x3FAD]  }
0x2b: {  	s6 =	sld [smem:$0x3FAE]  }
0x2c: {  	s7 =	sld [smem:$0x3FAF]  }
0x2d: {  	s3 =	simm.s32 $0x108;
	s8 =	sld [smem:$0x3FB0]  }
0x2e: {  	s3 =	simm.s32 @!p0 $0x1082;
	s9 =	sld [smem:$0x3FB1]  }
0x2f: {  	lr =	sadd.s32 s0, s3;
	s0 =	sld [smem:$0x3FA8]  }
0x30: {  	s3 =	sld [smem:$0x3FAB]  }
0x31: {  	[smem:$0x3FB4] =	sst s10  }
0x32: {  	s10 =	sld [smem:$0x3FB2];
	_ =	sdelay $0x3  }
0x33: {  	p0 =	seq.s32 s10, $0x1;
	s10 =	sld [smem:$0x3FB4];
	_ =	sdelay $0x3  }
0x34: {  	[smem:$0x3FB4] =	sst s10  }
0x35: {  	s10 =	sld [smem:$0x3FB3];
	_ =	sdelay $0x3  }
0x36: {  	p1 =	seq.s32 s10, $0x1;
	s10 =	sld [smem:$0x3FB4];
	_ =	sdelay $0x3  }
0x37: {  	[smem:$0x3FB4] =	sst s10  }
0x38: {  	s10 =	sld [smem:$0x3FB5]  }
0x39: {  	_ = 	snop;
	(pc) =	sbr.ind lr, $3  }
0x3a: {  	_ = 	snop  }
0x3b: {  	_ = 	snop  }
0x3c: {  	p2 =	seq.s32 s10, $0x1;
	s10 =	sld [smem:$0x3FB4]  }
0x3d: {  	_ =	shalt  }
0x3e: {  	_ =	shalt  }
0x3f: {  	_ =	shalt  }
0x40: {  	_ =	shalt  }
0x41: {  	_ =	shalt  }
0x42: {  	_ =	shalt  }
0x43: {  	_ =	shalt  }
0x44: {  	_ =	shalt  }
0x45: {  	_ =	shalt  }
0x46: {  	_ =	shalt  }
0x47: {  	_ =	shalt  }
0x48: {  	_ =	shalt  }
0x49: {  	_ =	shalt  }
0x4a: {  	_ =	shalt  }
0x4b: {  	_ =	shalt  }
0x4c: {  	_ =	shalt  }
0x4d: {  	_ =	shalt  }
0x4e: {  	_ =	shalt  }
0x4f: {  	_ =	shalt  }
0x50: {  	_ =	shalt  }
0x51: {  	_ =	shalt  }
0x52: {  	_ =	shalt  }
0x53: {  	_ =	shalt  }
0x54: {  	_ =	shalt  }
0x55: {  	_ =	shalt  }
0x56: {  	_ =	shalt  }
0x57: {  	_ =	shalt  }
0x58: {  	_ =	shalt  }
0x59: {  	_ =	shalt  }
0x5a: {  	_ =	shalt  }
0x5b: {  	_ =	shalt  }
0x5c: {  	_ =	shalt  }
0x5d: {  	_ =	shalt  }
0x5e: {  	_ =	shalt  }
0x5f: {  	_ =	shalt  }
0x60: {  	_ =	shalt  }
0x61: {  	_ =	shalt  }
0x62: {  	_ =	shalt  }
0x63: {  	_ =	shalt  }
0x64: {  	_ =	shalt  }
0x65: {  	_ =	shalt  }
0x66: {  	_ =	shalt  }
0x67: {  	_ =	shalt  }
0x68: {  	_ =	shalt  }
0x69: {  	_ =	shalt  }
0x6a: {  	_ =	shalt  }
0x6b: {  	_ =	shalt  }
0x6c: {  	_ =	shalt  }
0x6d: {  	_ =	shalt  }
0x6e: {  	_ =	shalt  }
0x6f: {  	_ =	shalt  }
0x70: {  	_ =	shalt  }
0x71: {  	_ =	shalt  }
0x72: {  	_ =	shalt  }
0x73: {  	_ =	shalt  }
0x74: {  	_ =	shalt  }
0x75: {  	_ =	shalt  }
0x76: {  	_ =	shalt  }
0x77: {  	_ =	shalt  }
0x78: {  	_ =	shalt  }
0x79: {  	_ =	shalt  }
0x7a: {  	_ =	shalt  }
0x7b: {  	_ =	shalt  }
0x7c: {  	_ =	shalt  }
0x7d: {  	_ =	shalt  }
0x7e: {  	_ =	shalt  }
0x7f: {  	_ =	shalt  }
0x80: {  	_ =	shalt  }
0x81: {  	_ =	shalt  }
0x82: {  	_ =	shalt  }
0x83: {  	_ =	shalt  }
0x84: {  	_ =	shalt  }
0x85: {  	_ =	shalt  }
0x86: {  	_ =	shalt  }
0x87: {  	_ =	shalt  }
.Lfunc_end0:
.L_simem_size_0:
called_computation_lowered:
.L_overlay_start_0:
0x88: {  	s2 =	sld [smem:$0x3FD9]  }
0x89: {  	s3 =	sld [smem:$0x3FFE];
	_ =	sdelay $0x1  }
0x8a: {  	s1 =	srdreg.scid  }
0x8b: {  	s0 =	sand.u32 $0x1, s1  }
0x8c: {  	s17 =	sshll.u32 s0, $0xA;
	s2 =	sadd.s32 s3, s2  }
0x8d: {  	s2 =	sadd.s32 s2, s17  }
0x8e: {  	[smem:$0x3FC0] =	sst s2  }
0x8f: {  	_ = 	snop  }
0x90: {  	s2 =	sld [smem:$0x3FD0];
	(tm) =	ssettm $0x1  }
0x91: {  	s18 =	sld [smem:$0x3FFB];
	_ =	sdelay $0x3  }
0x92: {  	_ =	strace s18  }
0x93: {  	s3 =	sld [smem:$0x3FFC];
	_ =	sdelay $0x3  }
0x94: {  	_ =	strace s3  }
0x95: {  	s3 =	sld [smem:$0x3FFD];
	_ =	sdelay $0x3  }
0x96: {  	_ =	strace s3  }
0x97: {  	_ =	strace $0x8FFFFFFF  }
0x98: {  	s19 =	sld [smem:$0x3FDB];
	_ =	sdelay $0x1  }
0x99: {  	s4 =	simm.s32 $_scs_section_size  }
0x9a: {  	s5 =	simm.s32 $_size__tile_overlayer_lowered;
	s6 =	simm.s32 $_tile_overlayer_lowered  }
0x9b: {  	s22 =	simm.s32 $0x1BFF;
	s21 =	sshll.u32 s6, $0x1;
	s3 =	sadd.s32 s4, s19  }
0x9c: {  	s7 =	simm.s32 $0x0;
	s20 =	sshll.u32 s5, $0x1;
	s5 =	sadd.s32 s21, s3  }
0x9d: {  	[timem:s7], [sflag:s22] =	dma.local [hbm:s5], s20  }
0x9e: {  	_ =	swait.ge [sflag:s22], s20  }
0x9f: {  	s4 =	ssub.s32 $0x0, s20;
	[sflag:s22] =	ssyncset.done $0x0  }
0xa0: {  	[sflag:s22] =	ssyncadd.s32 s4;
	_ =	sdelay $0x1  }
0xa1: {  	s23 =	simm.s32 $0x1B8B  }
0xa2: {  	_ =	swait.ge [sflag:s23], $0x1  }
0xa3: {  	[sflag:s23] =	ssyncset.done $0x0  }
0xa4: {  	s25 =	simm.s32 $0x1B8E;
	s24 =	sld [smem:$0x3FFE];
	[sflag:s23] =	ssyncadd.s32 $0xFFFFFFFF  }
0xa5: {  	s26 =	simm.s32 $execute0_lowered;
	[smem:$0x3FD2] =	sst s25  }
0xa6: {  	s5 =	sshll.u32 s26, $0x1;
	_ =	strace $0x80000046;
	[dreg:$0x1] =	wrdreg $0xFFFFFFFF  }
0xa7: {  	s28 =	simm.s32 $_size_execute0_lowered;
	s3 =	sadd.s32 s3, s5;
	[dreg:$0x0] =	wrdreg $0x0  }
0xa8: {  	s5 =	sshll.u32 s28, $0x1;
	[dreg:$0x2] =	wrdreg s3  }
0xa9: {  	[dreg:$0x3] =	wrdreg s5  }
0xaa: {  	[dreg:$0x4] =	wrdreg $0xC0  }
0xab: {  	_ =	task [dreg:s7], $0x5FFFF  }
0xac: {  	[dreg:$0x1] =	wrdreg $0xFFFFFFFF  }
0xad: {  	[dreg:$0x0] =	wrdreg $0x60  }
0xae: {  	[dreg:$0x2] =	wrdreg s24  }
0xaf: {  	[dreg:$0x3] =	wrdreg s2  }
0xb0: {  	[dreg:$0x4] =	wrdreg $0x10EF00  }
0xb1: {  	[dreg:$0x5] =	wrdreg $0x1AEF00  }
0xb2: {  	[dreg:$0x6] =	wrdreg $0x9  }
0xb3: {  	_ =	task.clear_ibuf [dreg:s7], $0x7FFFF;
	_ =	strace $0x90000046  }
0xb4: {  	s29 =	simm.s32 $0x9;
	_ =	strace $0x80000048  }
0xb5: {  	_ =	swait.ge [sflag:s29], $0x1  }
0xb6: {  	[sflag:s29] =	ssyncadd.s32 $0xFFFFFFFF  }
0xb7: {  	_ =	strace $0x90000048  }
0xb8: {  	_ =	sfence  }
0xb9: {  	s30 =	sld [smem:$0x0];
	_ =	sdelay $0x2  }
0xba: {  	s31 =	sshll.u32 s1, $0xD;
	s1 =	sshrl.u32 s1, $0x2  }
0xbb: {  	s3 =	sand.u32 $0x4000, s31;
	s1 =	sadd.s32 s1, s30  }
0xbc: {  	s0 =	sor.u32 s3, s0;
	s1 =	sshll.u32 s1, $0x11  }
0xbd: {  	s0 =	sor.u32 s1, s0  }
0xbe: {  	s0 =	sadd.s32 $0x8F2B, s0  }
0xbf: {  	[sflag:s0] =	ssyncadd.remote.s32 $0x1  }
0xc0: {  	_ =	sfence.sel $0xFFFF  }
0xc1: {  	[dreg:$0x0] =	wrdreg $0xFFFFFFFF;
	(pc) =	sbr.abs _section_cstart, $3  }
0xc2: {  	[dreg:$0x1] =	wrdreg $0xFFFFFFFF  }
0xc3: {  	_ =	task.clear_ibuf [dreg:s7], $0x2FFFF;
	_ =	strace $0x9FFFFFFF  }
0xc4: {  	(tm) =	ssettm $0x7FFFFFFF  }
0xc5: {  	_ =	shalt  }
tec
execute0_lowered:
.L_overlay_start_1:
0x0: {  	(tag) =	ssettag $0x1  }
0x1: {  	s0 =	rddreg [dreg:$0x0]  }
0x2: {  	s1 =	rddreg [dreg:$0x1]  }
0x3: {  	s2 =	rddreg [dreg:$0x2]  }
0x4: {  	s3 =	srdreg.scid;
	s4 =	rddreg [dreg:$0x3]  }
0x5: {  	s6 =	simm.s32 $0x0;
	s13 =	stileid.u32;
	s31 =	simm.s32 $0xD  }
0x6: {  	s28 =	simm.s32 $0x2800;
	s30 =	simm.s32 $0x52D0;
	s7 =	smul.u32 $0xA000, s13  }
0x7: {  	s3 =	sand.u32 $0x1, s3;
	[smem:$0x7FF] =	sst s6;
	s9 =	smul.u32 $0x280, s13  }
0x8: {  	s8 =	sadd.s32 $0xAA00, s0;
	s12 =	sadd.s32 $0xB000, s0;
	s10 =	smul.u32 $0x28000, s13  }
0x9: {  	s13 =	smul.u32 $0x5190, s13;
	_ =	strace $0x80000047;
	[dreg:$0x5] =	wrdreg s8  }
0xa: {  	s29 =	simm.s32 $0xC;
	s5 =	smul.u32 $0xA0000, s3;
	[dreg:$0x6] =	wrdreg s12  }
0xb: {  	s8 =	sadd.s32 $0x600, s0;
	s14 =	ssub.s32 $0x2, s3;
	p0 =	sne.s32 s3, $0x0  }
0xc: {  	s3 =	simm.s32 $0xF0;
	s10 =	sshrl.u32 s10, $0x2;
	s12 =	sshrl.u32 s14, $0x1  }
0xd: {  	s20 =	sadd.s32 s7, s2;
	s24 =	sadd.s32 s9, s4;
	s17 =	sshrl.u32 s13, $0x3  }
0xe: {  	s22 =	sadd.s32 $0x1E0, s13;
	s23 =	sadd.s32 $0x2D0, s13;
	s25 =	sadd.s32 $0x3C0, s13  }
0xf: {  	s13 =	simm.s32 $0x51E0;
	s11 =	sshrl.u32 s5, $0x3;
	[dreg:$0xf] =	wrdreg s22  }
0x10: {  	s5 =	sadd.s32 s7, s5;
	s10 =	sadd.s32 s10, s2;
	[dreg:$0x10] =	wrdreg s23  }
0x11: {  	s18 =	sadd.s32 s1, s17;
	s19 =	sadd.s32 s8, s17;
	[dreg:$0x11] =	wrdreg s25  }
0x12: {  	s7 =	sadd.s32 $0x1E, s17;
	s22 =	simm.s32 $0x4;
	[dreg:$0x7] =	wrdreg s20  }
0x13: {  	s23 =	simm.s32 $0x7;
	s25 =	simm.s32 $0x8;
	[dreg:$0xa] =	wrdreg s24  }
0x14: {  	s6 =	sadd.s32 s11, s0;
	s5 =	sshrl.u32 s5, $0x3;
	s11 =	sshrl.u32 s9, $0x3  }
0x15: {  	s15 =	sadd.s32 $0x3C00, s10;
	s16 =	sadd.s32 $0x7800, s10;
	[dreg:$0xb] =	wrdreg s18  }
0x16: {  	[dreg:$0xc] =	wrdreg s19;
	s21 =	sadd.s32 s1, s7;
	s7 =	sadd.s32 s8, s7  }
0x17: {  	s10 =	simm.s32 $0x1;
	s9 =	simm.s32 $0x3;
	[dreg:$0x8] =	wrdreg s15  }
0x18: {  	s18 =	simm.s32 $0x0;
	s5 =	sadd.s32 s5, s0;
	[dreg:$0x9] =	wrdreg s16  }
0x19: {  	s0 =	sadd.s32 s11, s0;
	s11 =	ssub.s32 s14, s12;
	[dreg:$0xd] =	wrdreg s21  }
0x1a: {  	[dreg:$0xe] =	wrdreg s7;
	s17 =	sadd.s32 $0x5AA00, s6;
	s6 =	simm.s32 $0xB  }
.Ltmp0:
0x1b: {  	s14 =	simm.s32 $0x54B0;
	s15 =	simm.s32 $0xCDA0;
	(pc) =	sbr.rel .LBB2_1-.Ltmp0, $4  }
0x1c: {  	s16 =	simm.s32 $0x2;
	s21 =	simm.s32 $0x10A90;
	s5 =	sadd.s32 $0xBC00, s5  }
0x1d: {  	s12 =	simm.s32 $0x10B80;
	s0 =	sadd.s32 $0xB600, s0;
	[dreg:$0x12] =	wrdreg s5  }
0x1e: {  	s26 =	smax.u32 s11, $0x1;
	s11 =	simm.s32 $0x109A0;
	[dreg:$0x13] =	wrdreg s0  }
0x1f: {  	v0 =	vimm.f32 $0.0e+00;
	[dreg:$0x14] =	wrdreg s26;
	s0 =	simm.s32 $0x53C0;
	s26 =	simm.s32 $0x5  }
.LBB2_12:
0x20: {  	s5 =	simm.s32 $0x6  }
0x21: {  	_ =	swait.ge [sflag:s5], $0x3C00  }
0x22: {  	[sflag:s5] =	ssyncset.done $0x0  }
0x23: {  	s20 =	simm.s32 $0x9;
	[sflag:s5] =	ssyncadd.s32 $0xFFFFC400  }
0x24: {  	_ =	swait.ge [sflag:s20], $0xF0  }
0x25: {  	[sflag:s20] =	ssyncset.done $0x0  }
0x26: {  	[sflag:s20] =	ssyncadd.s32 $0xFFFFFF10  }
0x27: {  	s24 =	stileid.u32;
	[bflag:$0x0] =	sbarrier.arrive $0xFFFF  }
0x28: {  	s31 =	simm.s32 $0xD;
	s5 =	sshll.u32 s24, $0x6;
	s20 =	rddreg [dreg:$0x7]  }
0x29: {  	s5 =	sor.u32 $0x1C0D, s5;
	s18 =	rddreg [dreg:$0x12];
	s7 =	sshrl.u32 s20, $0x3  }
0x2a: {  	[hbm:s18], [sflag:s5] =	dma.local [spmem:s7], $0x1400  }
0x2b: {  	_ =	swait.ge [sflag:s31], $0x1400  }
0x2c: {  	[sflag:s31] =	ssyncset.done $0x0;
	s24 =	rddreg [dreg:$0xa]  }
0x2d: {  	s18 =	rddreg [dreg:$0x13];
	[sflag:s31] =	ssyncadd.s32 $0xFFFFEC00;
	s7 =	sshrl.u32 @!p0 s24, $0x3  }
0x2e: {  	[hbm:s18], [sflag:s5] =	dma.local @!p0 [spmem:s7], $0x50  }
0x2f: {  	s5 =	simm.s32 @!p0 $0xD  }
0x30: {  	_ =	swait.ge @!p0 [sflag:s5], $0x50  }
0x31: {  	s7 =	rddreg [dreg:$0x15]  }
0x32: {  	s19 =	rddreg [dreg:$0x14];
	s18 =	sadd.s32 $0x1, s7  }
0x33: {  	p1 =	sne.s32 s18, s19  }
.Ltmp1:
0x34: {  	_ = 	snop;
	(pc) =	sbr.rel @!p1 .LBB2_13-.Ltmp1, $3  }
0x35: {  	_ =	sdelay $0x1  }
0x36: {  	[sflag:s5] =	ssyncset.done @!p0 $0x0  }
0x37: {  	[sflag:s5] =	ssyncadd.s32 @!p0 $0xFFFFFFB0  }
.LBB2_1:
0x38: {  	[dreg:$0x15] =	wrdreg s18;
	s18 =	simm.s32 $0x100;
	s5 =	simm.s32 $0x0  }
.LBB2_2:
0x39: {  	p1 =	sne.s32 s18, $0xEF00;
	[tilespmem:s5+$0x55D0] =	vst v0;
	s19 =	smov.u32 s18;
	s18 =	sadd.s32 $0x100, s18  }
.Ltmp2:
0x3a: {  	[tilespmem:s5+$0x55C0] =	vst v0;
	(pc) =	sbr.rel @p1 .LBB2_2-.Ltmp2, $3  }
0x3b: {  	[tilespmem:s5+$0x55A0] =	vst v0  }
0x3c: {  	[tilespmem:s5+$0x55B0] =	vst v0;
	_ =	sdelay $0x1  }
0x3d: {  	s5 =	sshra.s32 s19, $0x2  }
0x3e: {  	[tilespmem:s5+$0x55D0] =	vst v0  }
0x3f: {  	[tilespmem:s5+$0x55C0] =	vst v0  }
0x40: {  	[tilespmem:s5+$0x55A0] =	vst v0  }
0x41: {  	[tilespmem:s5+$0x55B0] =	vst v0  }
0x42: {  	[tilespmem:$0x10C70] =	vst v0  }
0x43: {  	[tilespmem:$0x10C80] =	vst v0  }
0x44: {  	[tilespmem:$0x10C90] =	vst v0  }
0x45: {  	[tilespmem:$0x10CA0] =	vst v0  }
0x46: {  	[tilespmem:$0x10CB0] =	vst v0  }
0x47: {  	[tilespmem:$0x10CC0] =	vst v0  }
0x48: {  	[tilespmem:$0x10CD0] =	vst v0  }
0x49: {  	[tilespmem:$0x10CE0] =	vst v0  }
0x4a: {  	[tilespmem:$0x10CF0] =	vst v0  }
0x4b: {  	[tilespmem:$0x10D00] =	vst v0  }
0x4c: {  	[tilespmem:$0x10D10] =	vst v0  }
0x4d: {  	[tilespmem:$0x10D20] =	vst v0  }
0x4e: {  	[tilespmem:$0x10D30] =	vst v0  }
0x4f: {  	[tilespmem:$0x10D40] =	vst v0  }
0x50: {  	[tilespmem:$0x10D50] =	vst v0  }
0x51: {  	[tilespmem:$0x10D60] =	vst v0  }
0x52: {  	[tilespmem:$0x10D70] =	vst v0  }
0x53: {  	[tilespmem:$0x10D80] =	vst v0  }
0x54: {  	[tilespmem:$0x10D90] =	vst v0  }
0x55: {  	[tilespmem:$0x10DA0] =	vst v0  }
0x56: {  	[tilespmem:$0x10DB0] =	vst v0  }
0x57: {  	[tilespmem:$0x10DC0] =	vst v0  }
0x58: {  	[tilespmem:$0x10DD0] =	vst v0  }
0x59: {  	[tilespmem:$0x10DE0] =	vst v0  }
0x5a: {  	[tilespmem:$0x10DF0] =	vst v0  }
0x5b: {  	[tilespmem:$0x10E00] =	vst v0  }
0x5c: {  	[tilespmem:$0x10E10] =	vst v0  }
0x5d: {  	[tilespmem:$0x10E20] =	vst v0  }
0x5e: {  	[tilespmem:$0x10E30] =	vst v0  }
0x5f: {  	[tilespmem:$0x10E40] =	vst v0  }
0x60: {  	[tilespmem:$0x10E50] =	vst v0  }
0x61: {  	[tilespmem:$0x10E60] =	vst v0  }
0x62: {  	[tilespmem:$0x10E70] =	vst v0  }
0x63: {  	[tilespmem:$0x10E80] =	vst v0  }
0x64: {  	[tilespmem:$0x10E90] =	vst v0  }
0x65: {  	[tilespmem:$0x10EA0] =	vst v0  }
0x66: {  	[tilespmem:$0x10EB0] =	vst v0  }
0x67: {  	[tilespmem:$0x10EC0] =	vst v0  }
0x68: {  	[tilespmem:$0x10ED0] =	vst v0  }
0x69: {  	s7 =	simm.s32 $0x55A0;
	[tilespmem:$0x10EE0] =	vst v0  }
0x6a: {  	[spmem:s20] =	stream.linear.scatter [tilespmem:s7], [sflag:$0xD], $0x3C00, $0x38;
	[tilespmem:$0x1B170] =	vst v63  }
0x6b: {  	_ =	swait.ge [sflag:s31], $0x3C00  }
0x6c: {  	[sflag:s31] =	ssyncset.done $0x0  }
0x6d: {  	s20 =	rddreg [dreg:$0x8];
	[sflag:s31] =	ssyncadd.s32 $0xFFFFC400  }
0x6e: {  	[spmem:s20] =	stream.linear.scatter [tilespmem:s7], [sflag:$0xD], $0x3C00, $0x38;
	[tilespmem:$0x1B170] =	vst v63  }
0x6f: {  	_ =	swait.ge [sflag:s31], $0x3C00  }
0x70: {  	[sflag:s31] =	ssyncset.done $0x0  }
0x71: {  	s18 =	rddreg [dreg:$0x9];
	[sflag:s31] =	ssyncadd.s32 $0xFFFFC400  }
0x72: {  	[spmem:s18] =	stream.linear.scatter [tilespmem:s7], [sflag:$0xD], $0x2800, $0x38;
	[tilespmem:$0x1B170] =	vst v63  }
0x73: {  	_ =	swait.ge [sflag:s31], $0x2800  }
0x74: {  	[sflag:s31] =	ssyncset.done $0x0  }
0x75: {  	s19 =	simm.s32 $0x10C70;
	[sflag:s31] =	ssyncadd.s32 $0xFFFFD800  }
0x76: {  	[spmem:s24] =	stream.linear.scatter [tilespmem:s19], [sflag:$0xD], $0x280, $0x38;
	[tilespmem:$0x1B170] =	vst v63  }
0x77: {  	_ =	swait.ge [sflag:s31], $0x280  }
0x78: {  	[sflag:s31] =	ssyncset.done $0x0  }
0x79: {  	s24 =	simm.s32 $0x0;
	s20 =	rddreg [dreg:$0x5];
	[sflag:s31] =	ssyncadd.s32 $0xFFFFFD80  }
0x7a: {  	[tilespmem:s24], [sflag:$0xD] =	stream.linear.gather [hbm4b:s20+s24], $0x2800, $0x38;
	[tilespmem:$0x1B170] =	vst v63  }
0x7b: {  	_ =	swait.ge [sflag:s31], $0x2800  }
0x7c: {  	[sflag:s31] =	ssyncset.done $0x0  }
0x7d: {  	s18 =	rddreg [dreg:$0x6];
	[sflag:s31] =	ssyncadd.s32 $0xFFFFD800  }
0x7e: {  	[tilespmem:s28], [sflag:$0xD] =	stream.linear.gather [hbm4b:s18+s24], $0x2800, $0x38;
	[tilespmem:$0x1B170] =	vst v63  }
0x7f: {  	_ =	swait.ge [sflag:s31], $0x2800  }
0x80: {  	[sflag:s31] =	ssyncset.done $0x0  }
0x81: {  	[sflag:s31] =	ssyncadd.s32 $0xFFFFD800  }
0x82: {  	[bflag:$0x0] =	sbarrier.arrive $0xFFFF  }
0x83: {  	s18 =	simm.s32 $0x5000;
	s19 =	rddreg [dreg:$0xb]  }
0x84: {  	[tilespmem:s18], [sflag:$0xA] =	stream.linear.gather [hbm4b:s19+s24], $0xF0, $0x38;
	[tilespmem:$0x1B170] =	vst v63  }
0x85: {  	s20 =	rddreg [dreg:$0xc]  }
0x86: {  	[tilespmem:s30], [sflag:$0xA] =	stream.linear.gather [hbm4b:s20+s24], $0xF0, $0x38;
	[tilespmem:$0x1B170] =	vst v63  }
0x87: {  	s31 =	rddreg [dreg:$0xd];
	s20 =	simm.s32 $0x50F0  }
0x88: {  	[tilespmem:s20], [sflag:$0xB] =	stream.linear.gather [hbm4b:s31+s24], $0xF0, $0x38;
	[tilespmem:$0x1B170] =	vst v63  }
0x89: {  	s19 =	rddreg [dreg:$0xe];
	s31 =	simm.s32 $0xA  }
0x8a: {  	[tilespmem:s0], [sflag:$0xB] =	stream.linear.gather [hbm4b:s19+s24], $0xF0, $0x38;
	[tilespmem:$0x1B170] =	vst v63  }
0x8b: {  	_ =	swait.ge [sflag:s31], $0xF0  }
0x8c: {  	[sflag:s31] =	ssyncset.done $0x0  }
0x8d: {  	[sflag:s31] =	ssyncadd.s32 $0xFFFFFF10  }
0x8e: {  	_ =	swait.ge [sflag:s31], $0xF0  }
0x8f: {  	[sflag:s31] =	ssyncset.done $0x0  }
0x90: {  	s5 =	simm.s32 $0x0;
	[sflag:s31] =	ssyncadd.s32 $0xFFFFFF10  }
0x91: {  	[tilespmem:s7], [sflag:$0x1] =	stream.indirect.gather [hbm4b:s17+s3], $0x40, s18, s3, $0xb8;
	[tilespmem:$0x1B170] =	vst v63  }
.LBB2_4:
0x92: {  	_ =	swait.ge [sflag:s6], $0xF0  }
0x93: {  	[sflag:s6] =	ssyncset.done $0x0  }
0x94: {  	[sflag:s6] =	ssyncadd.s32 $0xFFFFFF10  }
0x95: {  	_ =	swait.ge [sflag:s6], $0xF0  }
0x96: {  	[sflag:s6] =	ssyncset.done $0x0  }
0x97: {  	s7 =	simm.s32 $0x91A0;
	[sflag:s6] =	ssyncadd.s32 $0xFFFFFF10  }
0x98: {  	[tilespmem:s7], [sflag:$0x2] =	stream.indirect.gather [hbm4b:s17+s3], $0x40, s20, s3, $0xb8;
	[tilespmem:$0x1B170] =	vst v63  }
0x99: {  	_ =	swait.ge [sflag:s10], $0x3C00  }
0x9a: {  	[sflag:s10] =	ssyncset.done $0x0  }
0x9b: {  	[sflag:s10] =	ssyncadd.s32 $0xFFFFC400  }
0x9c: {  	v1 =	vld [tilespmem:$0x5000]  }
0x9d: {  	v2 =	vld [tilespmem:$0x52D0];
	_ =	sdelay $0x6  }
0x9e: {  	v1 =	vld.idx.msk [tilespmem:v1+s24+$0x0], $0xffff  }
0x9f: {  	v2 =	vld.idx.msk [tilespmem:v2+s28+$0x0], $0xffff;
	_ =	sdelay $0x4  }
0xa0: {  	v1 =	vadd.f32 v2, v1;
	_ =	sdelay $0x1  }
0xa1: {  	v2 =	vmul.f32 $2.000000030e-01, v1  }
0xa2: {  	vm0 =	vge.f32 v1, $0.0e+00  }
0xa3: {  	v1 =	vsel vm0, v1, v2  }
0xa4: {  	v1 =	vmul.f32 $1.442695020e+00, v1;
	_ =	sdelay $0x1  }
0xa5: {  	(erf) = vpow2.f32 v1;
	_ =	sdelay $0x2  }
0xa6: {  	v1 =	vld [tilespmem:$0x5010]  }
0xa7: {  	v2 =	vld [tilespmem:$0x52E0];
	_ =	sdelay $0x4  }
0xa8: {  	v3 =	vpop (erf)  }
0xa9: {  	[tilespmem:$0x109A0] =	vst v3  }
0xaa: {  	v1 =	vld.idx.msk [tilespmem:v1+s24+$0x0], $0xffff  }
0xab: {  	v2 =	vld.idx.msk [tilespmem:v2+s28+$0x0], $0xffff;
	_ =	sdelay $0x4  }
0xac: {  	v1 =	vadd.f32 v2, v1;
	_ =	sdelay $0x1  }
0xad: {  	v2 =	vmul.f32 $2.000000030e-01, v1  }
0xae: {  	vm14 =	vge.f32 v1, $0.0e+00  }
0xaf: {  	v1 =	vsel vm14, v1, v2  }
0xb0: {  	v1 =	vmul.f32 $1.442695020e+00, v1;
	_ =	sdelay $0x1  }
0xb1: {  	(erf) = vpow2.f32 v1;
	_ =	sdelay $0x2  }
0xb2: {  	v1 =	vld [tilespmem:$0x5020]  }
0xb3: {  	v2 =	vld [tilespmem:$0x52F0];
	_ =	sdelay $0x4  }
0xb4: {  	v3 =	vpop (erf)  }
0xb5: {  	[tilespmem:$0x109B0] =	vst v3  }
0xb6: {  	v1 =	vld.idx.msk [tilespmem:v1+s24+$0x0], $0xffff  }
0xb7: {  	v2 =	vld.idx.msk [tilespmem:v2+s28+$0x0], $0xffff;
	_ =	sdelay $0x4  }
0xb8: {  	v1 =	vadd.f32 v2, v1;
	_ =	sdelay $0x1  }
0xb9: {  	v2 =	vmul.f32 $2.000000030e-01, v1  }
0xba: {  	vm15 =	vge.f32 v1, $0.0e+00  }
0xbb: {  	v1 =	vsel vm15, v1, v2  }
0xbc: {  	v1 =	vmul.f32 $1.442695020e+00, v1;
	_ =	sdelay $0x1  }
0xbd: {  	(erf) = vpow2.f32 v1;
	_ =	sdelay $0x2  }
0xbe: {  	v1 =	vld [tilespmem:$0x5030]  }
0xbf: {  	v2 =	vld [tilespmem:$0x5300];
	_ =	sdelay $0x4  }
0xc0: {  	v3 =	vpop (erf)  }
0xc1: {  	[tilespmem:$0x109C0] =	vst v3  }
0xc2: {  	v1 =	vld.idx.msk [tilespmem:v1+s24+$0x0], $0xffff  }
0xc3: {  	v2 =	vld.idx.msk [tilespmem:v2+s28+$0x0], $0xffff;
	_ =	sdelay $0x4  }
0xc4: {  	v1 =	vadd.f32 v2, v1;
	_ =	sdelay $0x1  }
0xc5: {  	v2 =	vmul.f32 $2.000000030e-01, v1  }
0xc6: {  	vm4 =	vge.f32 v1, $0.0e+00  }
0xc7: {  	v1 =	vsel vm4, v1, v2  }
0xc8: {  	v1 =	vmul.f32 $1.442695020e+00, v1;
	_ =	sdelay $0x1  }
0xc9: {  	(erf) = vpow2.f32 v1;
	_ =	sdelay $0x2  }
0xca: {  	v1 =	vld [tilespmem:$0x5040]  }
0xcb: {  	v2 =	vld [tilespmem:$0x5310];
	_ =	sdelay $0x4  }
0xcc: {  	v3 =	vpop (erf)  }
0xcd: {  	[tilespmem:$0x109D0] =	vst v3  }
0xce: {  	v1 =	vld.idx.msk [tilespmem:v1+s24+$0x0], $0xffff  }
0xcf: {  	v2 =	vld.idx.msk [tilespmem:v2+s28+$0x0], $0xffff;
	_ =	sdelay $0x4  }
0xd0: {  	v1 =	vadd.f32 v2, v1;
	_ =	sdelay $0x1  }
0xd1: {  	v2 =	vmul.f32 $2.000000030e-01, v1  }
0xd2: {  	vm5 =	vge.f32 v1, $0.0e+00  }
0xd3: {  	v1 =	vsel vm5, v1, v2  }
0xd4: {  	v1 =	vmul.f32 $1.442695020e+00, v1;
	_ =	sdelay $0x1  }
0xd5: {  	(erf) = vpow2.f32 v1;
	_ =	sdelay $0x2  }
0xd6: {  	v1 =	vld [tilespmem:$0x5050]  }
0xd7: {  	v2 =	vld [tilespmem:$0x5320];
	_ =	sdelay $0x4  }
0xd8: {  	v3 =	vpop (erf)  }
0xd9: {  	[tilespmem:$0x109E0] =	vst v3  }
0xda: {  	v1 =	vld.idx.msk [tilespmem:v1+s24+$0x0], $0xffff  }
0xdb: {  	v2 =	vld.idx.msk [tilespmem:v2+s28+$0x0], $0xffff;
	_ =	sdelay $0x4  }
0xdc: {  	v1 =	vadd.f32 v2, v1;
	_ =	sdelay $0x1  }
0xdd: {  	v2 =	vmul.f32 $2.000000030e-01, v1  }
0xde: {  	vm6 =	vge.f32 v1, $0.0e+00  }
0xdf: {  	v1 =	vsel vm6, v1, v2  }
0xe0: {  	v1 =	vmul.f32 $1.442695020e+00, v1;
	_ =	sdelay $0x1  }
0xe1: {  	(erf) = vpow2.f32 v1;
	_ =	sdelay $0x2  }
0xe2: {  	v1 =	vld [tilespmem:$0x5060]  }
0xe3: {  	v2 =	vld [tilespmem:$0x5330];
	_ =	sdelay $0x4  }
0xe4: {  	v3 =	vpop (erf)  }
0xe5: {  	[tilespmem:$0x109F0] =	vst v3  }
0xe6: {  	v1 =	vld.idx.msk [tilespmem:v1+s24+$0x0], $0xffff  }
0xe7: {  	v2 =	vld.idx.msk [tilespmem:v2+s28+$0x0], $0xffff;
	_ =	sdelay $0x4  }
0xe8: {  	v1 =	vadd.f32 v2, v1;
	_ =	sdelay $0x1  }
0xe9: {  	v2 =	vmul.f32 $2.000000030e-01, v1  }
0xea: {  	vm7 =	vge.f32 v1, $0.0e+00  }
0xeb: {  	v1 =	vsel vm7, v1, v2  }
0xec: {  	v1 =	vmul.f32 $1.442695020e+00, v1;
	_ =	sdelay $0x1  }
0xed: {  	(erf) = vpow2.f32 v1;
	_ =	sdelay $0x2  }
0xee: {  	v1 =	vld [tilespmem:$0x5070]  }
0xef: {  	v2 =	vld [tilespmem:$0x5340];
	_ =	sdelay $0x4  }
0xf0: {  	v3 =	vpop (erf)  }
0xf1: {  	[tilespmem:$0x10A00] =	vst v3  }
0xf2: {  	v1 =	vld.idx.msk [tilespmem:v1+s24+$0x0], $0xffff  }
0xf3: {  	v2 =	vld.idx.msk [tilespmem:v2+s28+$0x0], $0xffff;
	_ =	sdelay $0x4  }
0xf4: {  	v1 =	vadd.f32 v2, v1;
	_ =	sdelay $0x1  }
0xf5: {  	v2 =	vmul.f32 $2.000000030e-01, v1  }
0xf6: {  	vm8 =	vge.f32 v1, $0.0e+00  }
0xf7: {  	v1 =	vsel vm8, v1, v2  }
0xf8: {  	v1 =	vmul.f32 $1.442695020e+00, v1;
	_ =	sdelay $0x1  }
0xf9: {  	(erf) = vpow2.f32 v1;
	_ =	sdelay $0x2  }
0xfa: {  	v1 =	vld [tilespmem:$0x5080]  }
0xfb: {  	v2 =	vld [tilespmem:$0x5350];
	_ =	sdelay $0x4  }
0xfc: {  	v3 =	vpop (erf)  }
0xfd: {  	[tilespmem:$0x10A10] =	vst v3  }
0xfe: {  	v1 =	vld.idx.msk [tilespmem:v1+s24+$0x0], $0xffff  }
0xff: {  	v2 =	vld.idx.msk [tilespmem:v2+s28+$0x0], $0xffff;
	_ =	sdelay $0x4  }
0x100: {  	v1 =	vadd.f32 v2, v1;
	_ =	sdelay $0x1  }
0x101: {  	v2 =	vmul.f32 $2.000000030e-01, v1  }
0x102: {  	vm9 =	vge.f32 v1, $0.0e+00  }
0x103: {  	v1 =	vsel vm9, v1, v2  }
0x104: {  	v1 =	vmul.f32 $1.442695020e+00, v1;
	_ =	sdelay $0x1  }
0x105: {  	(erf) = vpow2.f32 v1;
	_ =	sdelay $0x2  }
0x106: {  	v1 =	vld [tilespmem:$0x5090]  }
0x107: {  	v2 =	vld [tilespmem:$0x5360];
	_ =	sdelay $0x4  }
0x108: {  	v3 =	vpop (erf)  }
0x109: {  	[tilespmem:$0x10A20] =	vst v3  }
0x10a: {  	v1 =	vld.idx.msk [tilespmem:v1+s24+$0x0], $0xffff  }
0x10b: {  	v2 =	vld.idx.msk [tilespmem:v2+s28+$0x0], $0xffff;
	_ =	sdelay $0x4  }
0x10c: {  	v1 =	vadd.f32 v2, v1;
	_ =	sdelay $0x1  }
0x10d: {  	v2 =	vmul.f32 $2.000000030e-01, v1  }
0x10e: {  	vm10 =	vge.f32 v1, $0.0e+00  }
0x10f: {  	v1 =	vsel vm10, v1, v2  }
0x110: {  	v1 =	vmul.f32 $1.442695020e+00, v1;
	_ =	sdelay $0x1  }
0x111: {  	(erf) = vpow2.f32 v1;
	_ =	sdelay $0x2  }
0x112: {  	v1 =	vld [tilespmem:$0x50A0]  }
0x113: {  	v2 =	vld [tilespmem:$0x5370];
	_ =	sdelay $0x4  }
0x114: {  	v3 =	vpop (erf)  }
0x115: {  	[tilespmem:$0x10A30] =	vst v3  }
0x116: {  	v1 =	vld.idx.msk [tilespmem:v1+s24+$0x0], $0xffff  }
0x117: {  	v2 =	vld.idx.msk [tilespmem:v2+s28+$0x0], $0xffff;
	_ =	sdelay $0x4  }
0x118: {  	v1 =	vadd.f32 v2, v1;
	_ =	sdelay $0x1  }
0x119: {  	v2 =	vmul.f32 $2.000000030e-01, v1  }
0x11a: {  	vm11 =	vge.f32 v1, $0.0e+00  }
0x11b: {  	v1 =	vsel vm11, v1, v2  }
0x11c: {  	v1 =	vmul.f32 $1.442695020e+00, v1;
	_ =	sdelay $0x1  }
0x11d: {  	(erf) = vpow2.f32 v1;
	_ =	sdelay $0x2  }
0x11e: {  	v1 =	vld [tilespmem:$0x50B0]  }
0x11f: {  	v2 =	vld [tilespmem:$0x5380];
	_ =	sdelay $0x4  }
0x120: {  	v3 =	vpop (erf)  }
0x121: {  	[tilespmem:$0x10A40] =	vst v3  }
0x122: {  	v1 =	vld.idx.msk [tilespmem:v1+s24+$0x0], $0xffff  }
0x123: {  	v2 =	vld.idx.msk [tilespmem:v2+s28+$0x0], $0xffff;
	_ =	sdelay $0x4  }
0x124: {  	v1 =	vadd.f32 v2, v1;
	_ =	sdelay $0x1  }
0x125: {  	v2 =	vmul.f32 $2.000000030e-01, v1  }
0x126: {  	vm12 =	vge.f32 v1, $0.0e+00  }
0x127: {  	v1 =	vsel vm12, v1, v2  }
0x128: {  	v1 =	vmul.f32 $1.442695020e+00, v1;
	_ =	sdelay $0x1  }
0x129: {  	(erf) = vpow2.f32 v1;
	_ =	sdelay $0x2  }
0x12a: {  	v1 =	vld [tilespmem:$0x50C0]  }
0x12b: {  	v2 =	vld [tilespmem:$0x5390];
	_ =	sdelay $0x4  }
0x12c: {  	v3 =	vpop (erf)  }
0x12d: {  	[tilespmem:$0x10A50] =	vst v3  }
0x12e: {  	v1 =	vld.idx.msk [tilespmem:v1+s24+$0x0], $0xffff  }
0x12f: {  	v2 =	vld.idx.msk [tilespmem:v2+s28+$0x0], $0xffff;
	_ =	sdelay $0x4  }
0x130: {  	v1 =	vadd.f32 v2, v1;
	_ =	sdelay $0x1  }
0x131: {  	v2 =	vmul.f32 $2.000000030e-01, v1  }
0x132: {  	vm13 =	vge.f32 v1, $0.0e+00  }
0x133: {  	v1 =	vsel vm13, v1, v2  }
0x134: {  	v1 =	vmul.f32 $1.442695020e+00, v1;
	_ =	sdelay $0x1  }
0x135: {  	(erf) = vpow2.f32 v1;
	_ =	sdelay $0x2  }
0x136: {  	v1 =	vld [tilespmem:$0x50D0]  }
0x137: {  	v2 =	vld [tilespmem:$0x53A0];
	_ =	sdelay $0x4  }
0x138: {  	v3 =	vpop (erf)  }
0x139: {  	[tilespmem:$0x10A60] =	vst v3  }
0x13a: {  	v1 =	vld.idx.msk [tilespmem:v1+s24+$0x0], $0xffff  }
0x13b: {  	v2 =	vld.idx.msk [tilespmem:v2+s28+$0x0], $0xffff;
	_ =	sdelay $0x4  }
0x13c: {  	v1 =	vadd.f32 v2, v1;
	_ =	sdelay $0x1  }
0x13d: {  	v2 =	vmul.f32 $2.000000030e-01, v1  }
0x13e: {  	vm14 =	vge.f32 v1, $0.0e+00  }
0x13f: {  	v1 =	vsel vm14, v1, v2  }
0x140: {  	v1 =	vmul.f32 $1.442695020e+00, v1;
	_ =	sdelay $0x1  }
0x141: {  	(erf) = vpow2.f32 v1;
	_ =	sdelay $0x2  }
0x142: {  	v1 =	vld [tilespmem:$0x50E0]  }
0x143: {  	v2 =	vld [tilespmem:$0x53B0];
	_ =	sdelay $0x4  }
0x144: {  	v3 =	vpop (erf)  }
0x145: {  	[tilespmem:$0x10A70] =	vst v3  }
0x146: {  	v1 =	vld.idx.msk [tilespmem:v1+s24+$0x0], $0xffff  }
0x147: {  	v2 =	vld.idx.msk [tilespmem:v2+s28+$0x0], $0xffff;
	_ =	sdelay $0x4  }
0x148: {  	v1 =	vadd.f32 v2, v1;
	_ =	sdelay $0x1  }
0x149: {  	v2 =	vmul.f32 $2.000000030e-01, v1  }
0x14a: {  	vm15 =	vge.f32 v1, $0.0e+00  }
0x14b: {  	v1 =	vsel vm15, v1, v2  }
0x14c: {  	v1 =	vmul.f32 $1.442695020e+00, v1;
	_ =	sdelay $0x1  }
0x14d: {  	(erf) = vpow2.f32 v1;
	_ =	sdelay $0x7  }
0x14e: {  	v1 =	vmov s24  }
0x14f: {  	v2 =	vpop (erf)  }
0x150: {  	s18 =	simm.s32 $0x55C0;
	[tilespmem:$0x10A80] =	vst v2  }
0x151: {  	v3 =	vld [tilespmem:s18+$0xFFFFFFF0]  }
0x152: {  	v4 =	vld [tilespmem:s18+$0x10]  }
0x153: {  	v6 =	vld.idx.msk [tilespmem:v1+s11+$0x0], $0xffff  }
0x154: {  	v1 =	vld [tilespmem:s18+$0xFFFFFFE0]  }
0x155: {  	v7 =	vld [tilespmem:s18+$0x0];
	_ =	sdelay $0x3  }
0x156: {  	s19 =	simm.s32 $0x1;
	v2 =	vmul.f32 v1, v6;
	v5 =	vmul.f32 v4, v6  }
0x157: {  	s20 =	simm.s32 $0x2;
	v1 =	vmov s19;
	v4 =	vmul.f32 v3, v6;
	v3 =	vmul.f32 v7, v6;
	s19 =	simm.s32 $0x55C0  }
.LBB2_5:
0x158: {  	p1 =	sne.s32 s20, $0xEF  }
0x159: {  	[tilespmem:s18+$0x10] =	vst v5;
	s19 =	sadd.s32 $0x40, s19;
	s31 =	smov.u32 s20;
	s20 =	sadd.s32 $0x1, s20  }
0x15a: {  	[tilespmem:s18+$0xFFFFFFE0] =	vst v2  }
0x15b: {  	v6 =	vld [tilespmem:s19+$0xFFFFFFF0];
	[tilespmem:s18+$0xFFFFFFF0] =	vst v4  }
0x15c: {  	v4 =	vld [tilespmem:s19+$0x10];
	[tilespmem:s18+$0x0] =	vst v3;
	s18 =	smov.u32 s19  }
0x15d: {  	v3 =	vld.idx.msk [tilespmem:v1+s11+$0x0], $0xffff  }
0x15e: {  	v1 =	vld [tilespmem:s19+$0xFFFFFFE0]  }
0x15f: {  	v7 =	vld [tilespmem:s19+$0x0]  }
.Ltmp3:
0x160: {  	(pc) =	sbr.rel @p1 .LBB2_5-.Ltmp3, $3  }
0x161: {  	_ =	sdelay $0x1  }
0x162: {  	v5 =	vmul.f32 v4, v3;
	v2 =	vmul.f32 v1, v3  }
0x163: {  	v4 =	vmul.f32 v6, v3;
	v1 =	vmov s31;
	v3 =	vmul.f32 v7, v3  }
0x164: {  	[tilespmem:s18+$0x10] =	vst v5  }
0x165: {  	s19 =	sadd.s32 $0x40, s19;
	[tilespmem:s18+$0xFFFFFFE0] =	vst v2  }
0x166: {  	v2 =	vld [tilespmem:s19+$0xFFFFFFF0];
	[tilespmem:s18+$0xFFFFFFF0] =	vst v4  }
0x167: {  	v4 =	vld [tilespmem:s19+$0x10];
	[tilespmem:s18+$0x0] =	vst v3  }
0x168: {  	v1 =	vld.idx.msk [tilespmem:v1+s11+$0x0], $0xffff  }
0x169: {  	v3 =	vld [tilespmem:s19+$0xFFFFFFE0];
	_ =	sdelay $0x1  }
0x16a: {  	v5 =	vld [tilespmem:s19+$0x0];
	_ =	sdelay $0x1  }
0x16b: {  	v4 =	vmul.f32 v4, v1  }
0x16c: {  	v3 =	vmul.f32 v3, v1  }
0x16d: {  	v2 =	vmul.f32 v2, v1;
	[tilespmem:s19+$0x10] =	vst v4  }
0x16e: {  	v1 =	vmul.f32 v5, v1;
	[tilespmem:s19+$0xFFFFFFE0] =	vst v3  }
0x16f: {  	[tilespmem:s19+$0xFFFFFFF0] =	vst v2  }
0x170: {  	s7 =	simm.s32 $0x55A0;
	p1 =	seq.s32 s5, $0x0;
	[tilespmem:s19+$0x0] =	vst v1  }
0x171: {  	[spmem:s2] =	stream.indirect.scatter.add.f32 [tilespmem:s7], [sflag:$0x4], $0x40, s30, s3, $0xb8;
	[tilespmem:$0x1B170] =	vst v63  }
0x172: {  	s18 =	simm.s32 @!p1 $0x6  }
0x173: {  	[spmem:s4] =	stream.indirect.scatter.add.f32 [tilespmem:s11], [sflag:$0x7], $0x1, s30, s3, $0xb8;
	[tilespmem:$0x1B170] =	vst v63  }
0x174: {  	_ =	swait.ge @!p1 [sflag:s18], $0x3C00  }
0x175: {  	[sflag:s18] =	ssyncset.done @!p1 $0x0  }
0x176: {  	[sflag:s18] =	ssyncadd.s32 @!p1 $0xFFFFC400;
	s18 =	simm.s32 @!p1 $0x9  }
0x177: {  	s20 =	smul.u32 $0x2D0, s5;
	_ =	swait.ge @!p1 [sflag:s18], $0xF0  }
0x178: {  	s19 =	rddreg [dreg:$0xf]  }
0x179: {  	s7 =	sadd.s32 s20, s19  }
0x17a: {  	[sflag:s18] =	ssyncset.done @!p1 $0x0;
	s19 =	sshrl.u32 s7, $0x3  }
0x17b: {  	[sflag:s18] =	ssyncadd.s32 @!p1 $0xFFFFFF10;
	s7 =	simm.s32 $0x0;
	s31 =	sadd.s32 s1, s19  }
0x17c: {  	[tilespmem:s13], [sflag:$0xC] =	stream.linear.gather [hbm4b:s31+s7], $0xF0, $0x38;
	[tilespmem:$0x1B170] =	vst v63  }
0x17d: {  	s19 =	sadd.s32 s8, s19  }
0x17e: {  	[tilespmem:s14], [sflag:$0xC] =	stream.linear.gather [hbm4b:s19+s7], $0xF0, $0x38;
	[tilespmem:$0x1B170] =	vst v63  }
0x17f: {  	_ =	swait.ge [sflag:s29], $0xF0  }
0x180: {  	[sflag:s29] =	ssyncset.done $0x0  }
0x181: {  	[sflag:s29] =	ssyncadd.s32 $0xFFFFFF10  }
0x182: {  	_ =	swait.ge [sflag:s29], $0xF0  }
0x183: {  	[sflag:s29] =	ssyncset.done $0x0  }
0x184: {  	[sflag:s29] =	ssyncadd.s32 $0xFFFFFF10  }
0x185: {  	[tilespmem:s15], [sflag:$0x3] =	stream.indirect.gather [hbm4b:s17+s3], $0x40, s13, s3, $0xb8;
	[tilespmem:$0x1B170] =	vst v63  }
0x186: {  	_ =	swait.ge [sflag:s16], $0x3C00  }
0x187: {  	[sflag:s16] =	ssyncset.done $0x0  }
0x188: {  	[sflag:s16] =	ssyncadd.s32 $0xFFFFC400  }
0x189: {  	v1 =	vld [tilespmem:$0x50F0]  }
0x18a: {  	v2 =	vld [tilespmem:$0x53C0];
	_ =	sdelay $0x6  }
0x18b: {  	v1 =	vld.idx.msk [tilespmem:v1+s7+$0x0], $0xffff  }
0x18c: {  	v2 =	vld.idx.msk [tilespmem:v2+s28+$0x0], $0xffff;
	_ =	sdelay $0x4  }
0x18d: {  	v1 =	vadd.f32 v2, v1;
	_ =	sdelay $0x1  }
0x18e: {  	v2 =	vmul.f32 $2.000000030e-01, v1  }
0x18f: {  	vm0 =	vge.f32 v1, $0.0e+00  }
0x190: {  	v1 =	vsel vm0, v1, v2  }
0x191: {  	v1 =	vmul.f32 $1.442695020e+00, v1;
	_ =	sdelay $0x1  }
0x192: {  	(erf) = vpow2.f32 v1;
	_ =	sdelay $0x2  }
0x193: {  	v1 =	vld [tilespmem:$0x5100]  }
0x194: {  	v2 =	vld [tilespmem:$0x53D0];
	_ =	sdelay $0x4  }
0x195: {  	v3 =	vpop (erf)  }
0x196: {  	[tilespmem:$0x10A90] =	vst v3  }
0x197: {  	v1 =	vld.idx.msk [tilespmem:v1+s7+$0x0], $0xffff  }
0x198: {  	v2 =	vld.idx.msk [tilespmem:v2+s28+$0x0], $0xffff;
	_ =	sdelay $0x4  }
0x199: {  	v1 =	vadd.f32 v2, v1;
	_ =	sdelay $0x1  }
0x19a: {  	v2 =	vmul.f32 $2.000000030e-01, v1  }
0x19b: {  	vm14 =	vge.f32 v1, $0.0e+00  }
0x19c: {  	v1 =	vsel vm14, v1, v2  }
0x19d: {  	v1 =	vmul.f32 $1.442695020e+00, v1;
	_ =	sdelay $0x1  }
0x19e: {  	(erf) = vpow2.f32 v1;
	_ =	sdelay $0x2  }
0x19f: {  	v1 =	vld [tilespmem:$0x5110]  }
0x1a0: {  	v2 =	vld [tilespmem:$0x53E0];
	_ =	sdelay $0x4  }
0x1a1: {  	v3 =	vpop (erf)  }
0x1a2: {  	[tilespmem:$0x10AA0] =	vst v3  }
0x1a3: {  	v1 =	vld.idx.msk [tilespmem:v1+s7+$0x0], $0xffff  }
0x1a4: {  	v2 =	vld.idx.msk [tilespmem:v2+s28+$0x0], $0xffff;
	_ =	sdelay $0x4  }
0x1a5: {  	v1 =	vadd.f32 v2, v1;
	_ =	sdelay $0x1  }
0x1a6: {  	v2 =	vmul.f32 $2.000000030e-01, v1  }
0x1a7: {  	vm15 =	vge.f32 v1, $0.0e+00  }
0x1a8: {  	v1 =	vsel vm15, v1, v2  }
0x1a9: {  	v1 =	vmul.f32 $1.442695020e+00, v1;
	_ =	sdelay $0x1  }
0x1aa: {  	(erf) = vpow2.f32 v1;
	_ =	sdelay $0x2  }
0x1ab: {  	v1 =	vld [tilespmem:$0x5120]  }
0x1ac: {  	v2 =	vld [tilespmem:$0x53F0];
	_ =	sdelay $0x4  }
0x1ad: {  	v3 =	vpop (erf)  }
0x1ae: {  	[tilespmem:$0x10AB0] =	vst v3  }
0x1af: {  	v1 =	vld.idx.msk [tilespmem:v1+s7+$0x0], $0xffff  }
0x1b0: {  	v2 =	vld.idx.msk [tilespmem:v2+s28+$0x0], $0xffff;
	_ =	sdelay $0x4  }
0x1b1: {  	v1 =	vadd.f32 v2, v1;
	_ =	sdelay $0x1  }
0x1b2: {  	v2 =	vmul.f32 $2.000000030e-01, v1  }
0x1b3: {  	vm4 =	vge.f32 v1, $0.0e+00  }
0x1b4: {  	v1 =	vsel vm4, v1, v2  }
0x1b5: {  	v1 =	vmul.f32 $1.442695020e+00, v1;
	_ =	sdelay $0x1  }
0x1b6: {  	(erf) = vpow2.f32 v1;
	_ =	sdelay $0x2  }
0x1b7: {  	v1 =	vld [tilespmem:$0x5130]  }
0x1b8: {  	v2 =	vld [tilespmem:$0x5400];
	_ =	sdelay $0x4  }
0x1b9: {  	v3 =	vpop (erf)  }
0x1ba: {  	[tilespmem:$0x10AC0] =	vst v3  }
0x1bb: {  	v1 =	vld.idx.msk [tilespmem:v1+s7+$0x0], $0xffff  }
0x1bc: {  	v2 =	vld.idx.msk [tilespmem:v2+s28+$0x0], $0xffff;
	_ =	sdelay $0x4  }
0x1bd: {  	v1 =	vadd.f32 v2, v1;
	_ =	sdelay $0x1  }
0x1be: {  	v2 =	vmul.f32 $2.000000030e-01, v1  }
0x1bf: {  	vm5 =	vge.f32 v1, $0.0e+00  }
0x1c0: {  	v1 =	vsel vm5, v1, v2  }
0x1c1: {  	v1 =	vmul.f32 $1.442695020e+00, v1;
	_ =	sdelay $0x1  }
0x1c2: {  	(erf) = vpow2.f32 v1;
	_ =	sdelay $0x2  }
0x1c3: {  	v1 =	vld [tilespmem:$0x5140]  }
0x1c4: {  	v2 =	vld [tilespmem:$0x5410];
	_ =	sdelay $0x4  }
0x1c5: {  	v3 =	vpop (erf)  }
0x1c6: {  	[tilespmem:$0x10AD0] =	vst v3  }
0x1c7: {  	v1 =	vld.idx.msk [tilespmem:v1+s7+$0x0], $0xffff  }
0x1c8: {  	v2 =	vld.idx.msk [tilespmem:v2+s28+$0x0], $0xffff;
	_ =	sdelay $0x4  }
0x1c9: {  	v1 =	vadd.f32 v2, v1;
	_ =	sdelay $0x1  }
0x1ca: {  	v2 =	vmul.f32 $2.000000030e-01, v1  }
0x1cb: {  	vm6 =	vge.f32 v1, $0.0e+00  }
0x1cc: {  	v1 =	vsel vm6, v1, v2  }
0x1cd: {  	v1 =	vmul.f32 $1.442695020e+00, v1;
	_ =	sdelay $0x1  }
0x1ce: {  	(erf) = vpow2.f32 v1;
	_ =	sdelay $0x2  }
0x1cf: {  	v1 =	vld [tilespmem:$0x5150]  }
0x1d0: {  	v2 =	vld [tilespmem:$0x5420];
	_ =	sdelay $0x4  }
0x1d1: {  	v3 =	vpop (erf)  }
0x1d2: {  	[tilespmem:$0x10AE0] =	vst v3  }
0x1d3: {  	v1 =	vld.idx.msk [tilespmem:v1+s7+$0x0], $0xffff  }
0x1d4: {  	v2 =	vld.idx.msk [tilespmem:v2+s28+$0x0], $0xffff;
	_ =	sdelay $0x4  }
0x1d5: {  	v1 =	vadd.f32 v2, v1;
	_ =	sdelay $0x1  }
0x1d6: {  	v2 =	vmul.f32 $2.000000030e-01, v1  }
0x1d7: {  	vm7 =	vge.f32 v1, $0.0e+00  }
0x1d8: {  	v1 =	vsel vm7, v1, v2  }
0x1d9: {  	v1 =	vmul.f32 $1.442695020e+00, v1;
	_ =	sdelay $0x1  }
0x1da: {  	(erf) = vpow2.f32 v1;
	_ =	sdelay $0x2  }
0x1db: {  	v1 =	vld [tilespmem:$0x5160]  }
0x1dc: {  	v2 =	vld [tilespmem:$0x5430];
	_ =	sdelay $0x4  }
0x1dd: {  	v3 =	vpop (erf)  }
0x1de: {  	[tilespmem:$0x10AF0] =	vst v3  }
0x1df: {  	v1 =	vld.idx.msk [tilespmem:v1+s7+$0x0], $0xffff  }
0x1e0: {  	v2 =	vld.idx.msk [tilespmem:v2+s28+$0x0], $0xffff;
	_ =	sdelay $0x4  }
0x1e1: {  	v1 =	vadd.f32 v2, v1;
	_ =	sdelay $0x1  }
0x1e2: {  	v2 =	vmul.f32 $2.000000030e-01, v1  }
0x1e3: {  	vm8 =	vge.f32 v1, $0.0e+00  }
0x1e4: {  	v1 =	vsel vm8, v1, v2  }
0x1e5: {  	v1 =	vmul.f32 $1.442695020e+00, v1;
	_ =	sdelay $0x1  }
0x1e6: {  	(erf) = vpow2.f32 v1;
	_ =	sdelay $0x2  }
0x1e7: {  	v1 =	vld [tilespmem:$0x5170]  }
0x1e8: {  	v2 =	vld [tilespmem:$0x5440];
	_ =	sdelay $0x4  }
0x1e9: {  	v3 =	vpop (erf)  }
0x1ea: {  	[tilespmem:$0x10B00] =	vst v3  }
0x1eb: {  	v1 =	vld.idx.msk [tilespmem:v1+s7+$0x0], $0xffff  }
0x1ec: {  	v2 =	vld.idx.msk [tilespmem:v2+s28+$0x0], $0xffff;
	_ =	sdelay $0x4  }
0x1ed: {  	v1 =	vadd.f32 v2, v1;
	_ =	sdelay $0x1  }
0x1ee: {  	v2 =	vmul.f32 $2.000000030e-01, v1  }
0x1ef: {  	vm9 =	vge.f32 v1, $0.0e+00  }
0x1f0: {  	v1 =	vsel vm9, v1, v2  }
0x1f1: {  	v1 =	vmul.f32 $1.442695020e+00, v1;
	_ =	sdelay $0x1  }
0x1f2: {  	(erf) = vpow2.f32 v1;
	_ =	sdelay $0x2  }
0x1f3: {  	v1 =	vld [tilespmem:$0x5180]  }
0x1f4: {  	v2 =	vld [tilespmem:$0x5450];
	_ =	sdelay $0x4  }
0x1f5: {  	v3 =	vpop (erf)  }
0x1f6: {  	[tilespmem:$0x10B10] =	vst v3  }
0x1f7: {  	v1 =	vld.idx.msk [tilespmem:v1+s7+$0x0], $0xffff  }
0x1f8: {  	v2 =	vld.idx.msk [tilespmem:v2+s28+$0x0], $0xffff;
	_ =	sdelay $0x4  }
0x1f9: {  	v1 =	vadd.f32 v2, v1;
	_ =	sdelay $0x1  }
0x1fa: {  	v2 =	vmul.f32 $2.000000030e-01, v1  }
0x1fb: {  	vm10 =	vge.f32 v1, $0.0e+00  }
0x1fc: {  	v1 =	vsel vm10, v1, v2  }
0x1fd: {  	v1 =	vmul.f32 $1.442695020e+00, v1;
	_ =	sdelay $0x1  }
0x1fe: {  	(erf) = vpow2.f32 v1;
	_ =	sdelay $0x2  }
0x1ff: {  	v1 =	vld [tilespmem:$0x5190]  }
0x200: {  	v2 =	vld [tilespmem:$0x5460];
	_ =	sdelay $0x4  }
0x201: {  	v3 =	vpop (erf)  }
0x202: {  	[tilespmem:$0x10B20] =	vst v3  }
0x203: {  	v1 =	vld.idx.msk [tilespmem:v1+s7+$0x0], $0xffff  }
0x204: {  	v2 =	vld.idx.msk [tilespmem:v2+s28+$0x0], $0xffff;
	_ =	sdelay $0x4  }
0x205: {  	v1 =	vadd.f32 v2, v1;
	_ =	sdelay $0x1  }
0x206: {  	v2 =	vmul.f32 $2.000000030e-01, v1  }
0x207: {  	vm11 =	vge.f32 v1, $0.0e+00  }
0x208: {  	v1 =	vsel vm11, v1, v2  }
0x209: {  	v1 =	vmul.f32 $1.442695020e+00, v1;
	_ =	sdelay $0x1  }
0x20a: {  	(erf) = vpow2.f32 v1;
	_ =	sdelay $0x2  }
0x20b: {  	v1 =	vld [tilespmem:$0x51A0]  }
0x20c: {  	v2 =	vld [tilespmem:$0x5470];
	_ =	sdelay $0x4  }
0x20d: {  	v3 =	vpop (erf)  }
0x20e: {  	[tilespmem:$0x10B30] =	vst v3  }
0x20f: {  	v1 =	vld.idx.msk [tilespmem:v1+s7+$0x0], $0xffff  }
0x210: {  	v2 =	vld.idx.msk [tilespmem:v2+s28+$0x0], $0xffff;
	_ =	sdelay $0x4  }
0x211: {  	v1 =	vadd.f32 v2, v1;
	_ =	sdelay $0x1  }
0x212: {  	v2 =	vmul.f32 $2.000000030e-01, v1  }
0x213: {  	vm12 =	vge.f32 v1, $0.0e+00  }
0x214: {  	v1 =	vsel vm12, v1, v2  }
0x215: {  	v1 =	vmul.f32 $1.442695020e+00, v1;
	_ =	sdelay $0x1  }
0x216: {  	(erf) = vpow2.f32 v1;
	_ =	sdelay $0x2  }
0x217: {  	v1 =	vld [tilespmem:$0x51B0]  }
0x218: {  	v2 =	vld [tilespmem:$0x5480];
	_ =	sdelay $0x4  }
0x219: {  	v3 =	vpop (erf)  }
0x21a: {  	[tilespmem:$0x10B40] =	vst v3  }
0x21b: {  	v1 =	vld.idx.msk [tilespmem:v1+s7+$0x0], $0xffff  }
0x21c: {  	v2 =	vld.idx.msk [tilespmem:v2+s28+$0x0], $0xffff;
	_ =	sdelay $0x4  }
0x21d: {  	v1 =	vadd.f32 v2, v1;
	_ =	sdelay $0x1  }
0x21e: {  	v2 =	vmul.f32 $2.000000030e-01, v1  }
0x21f: {  	vm13 =	vge.f32 v1, $0.0e+00  }
0x220: {  	v1 =	vsel vm13, v1, v2  }
0x221: {  	v1 =	vmul.f32 $1.442695020e+00, v1;
	_ =	sdelay $0x1  }
0x222: {  	(erf) = vpow2.f32 v1;
	_ =	sdelay $0x2  }
0x223: {  	v1 =	vld [tilespmem:$0x51C0]  }
0x224: {  	v2 =	vld [tilespmem:$0x5490];
	_ =	sdelay $0x4  }
0x225: {  	v3 =	vpop (erf)  }
0x226: {  	[tilespmem:$0x10B50] =	vst v3  }
0x227: {  	v1 =	vld.idx.msk [tilespmem:v1+s7+$0x0], $0xffff  }
0x228: {  	v2 =	vld.idx.msk [tilespmem:v2+s28+$0x0], $0xffff;
	_ =	sdelay $0x4  }
0x229: {  	v1 =	vadd.f32 v2, v1;
	_ =	sdelay $0x1  }
0x22a: {  	v2 =	vmul.f32 $2.000000030e-01, v1  }
0x22b: {  	vm14 =	vge.f32 v1, $0.0e+00  }
0x22c: {  	v1 =	vsel vm14, v1, v2  }
0x22d: {  	v1 =	vmul.f32 $1.442695020e+00, v1;
	_ =	sdelay $0x1  }
0x22e: {  	(erf) = vpow2.f32 v1;
	_ =	sdelay $0x2  }
0x22f: {  	v1 =	vld [tilespmem:$0x51D0]  }
0x230: {  	v2 =	vld [tilespmem:$0x54A0];
	_ =	sdelay $0x4  }
0x231: {  	v3 =	vpop (erf)  }
0x232: {  	[tilespmem:$0x10B60] =	vst v3  }
0x233: {  	v1 =	vld.idx.msk [tilespmem:v1+s7+$0x0], $0xffff  }
0x234: {  	v2 =	vld.idx.msk [tilespmem:v2+s28+$0x0], $0xffff;
	_ =	sdelay $0x4  }
0x235: {  	v1 =	vadd.f32 v2, v1;
	_ =	sdelay $0x1  }
0x236: {  	v2 =	vmul.f32 $2.000000030e-01, v1  }
0x237: {  	vm15 =	vge.f32 v1, $0.0e+00  }
0x238: {  	v1 =	vsel vm15, v1, v2  }
0x239: {  	v1 =	vmul.f32 $1.442695020e+00, v1;
	_ =	sdelay $0x1  }
0x23a: {  	(erf) = vpow2.f32 v1;
	_ =	sdelay $0x7  }
0x23b: {  	v1 =	vmov s7  }
0x23c: {  	v2 =	vpop (erf)  }
0x23d: {  	s18 =	simm.s32 $0x91C0;
	[tilespmem:$0x10B70] =	vst v2  }
0x23e: {  	v3 =	vld [tilespmem:s18+$0xFFFFFFF0]  }
0x23f: {  	v4 =	vld [tilespmem:s18+$0x10]  }
0x240: {  	v6 =	vld.idx.msk [tilespmem:v1+s21+$0x0], $0xffff  }
0x241: {  	v1 =	vld [tilespmem:s18+$0xFFFFFFE0]  }
0x242: {  	v7 =	vld [tilespmem:s18+$0x0];
	_ =	sdelay $0x3  }
0x243: {  	s31 =	simm.s32 $0x1;
	v2 =	vmul.f32 v1, v6;
	v5 =	vmul.f32 v4, v6  }
0x244: {  	s19 =	simm.s32 $0x2;
	v1 =	vmov s31;
	v4 =	vmul.f32 v3, v6;
	v3 =	vmul.f32 v7, v6;
	s31 =	simm.s32 $0x91C0  }
.LBB2_7:
0x245: {  	p1 =	sne.s32 s19, $0xEF  }
0x246: {  	[tilespmem:s18+$0x10] =	vst v5;
	s31 =	sadd.s32 $0x40, s31;
	s7 =	smov.u32 s19;
	s19 =	sadd.s32 $0x1, s19  }
0x247: {  	[tilespmem:s18+$0xFFFFFFE0] =	vst v2  }
0x248: {  	v6 =	vld [tilespmem:s31+$0xFFFFFFF0];
	[tilespmem:s18+$0xFFFFFFF0] =	vst v4  }
0x249: {  	v4 =	vld [tilespmem:s31+$0x10];
	[tilespmem:s18+$0x0] =	vst v3;
	s18 =	smov.u32 s31  }
0x24a: {  	v3 =	vld.idx.msk [tilespmem:v1+s21+$0x0], $0xffff  }
0x24b: {  	v1 =	vld [tilespmem:s31+$0xFFFFFFE0]  }
0x24c: {  	v7 =	vld [tilespmem:s31+$0x0]  }
.Ltmp4:
0x24d: {  	(pc) =	sbr.rel @p1 .LBB2_7-.Ltmp4, $3  }
0x24e: {  	_ =	sdelay $0x1  }
0x24f: {  	v5 =	vmul.f32 v4, v3;
	v2 =	vmul.f32 v1, v3  }
0x250: {  	v4 =	vmul.f32 v6, v3;
	v1 =	vmov s7;
	v3 =	vmul.f32 v7, v3  }
0x251: {  	[tilespmem:s18+$0x10] =	vst v5  }
0x252: {  	s7 =	sadd.s32 $0x40, s31;
	[tilespmem:s18+$0xFFFFFFE0] =	vst v2  }
0x253: {  	v2 =	vld [tilespmem:s7+$0xFFFFFFF0];
	[tilespmem:s18+$0xFFFFFFF0] =	vst v4  }
0x254: {  	v4 =	vld [tilespmem:s7+$0x10];
	[tilespmem:s18+$0x0] =	vst v3  }
0x255: {  	v1 =	vld.idx.msk [tilespmem:v1+s21+$0x0], $0xffff  }
0x256: {  	v3 =	vld [tilespmem:s7+$0xFFFFFFE0];
	_ =	sdelay $0x1  }
0x257: {  	v5 =	vld [tilespmem:s7+$0x0];
	_ =	sdelay $0x1  }
0x258: {  	v4 =	vmul.f32 v4, v1  }
0x259: {  	v3 =	vmul.f32 v3, v1  }
0x25a: {  	v2 =	vmul.f32 v2, v1;
	[tilespmem:s7+$0x10] =	vst v4  }
0x25b: {  	v1 =	vmul.f32 v5, v1;
	[tilespmem:s7+$0xFFFFFFE0] =	vst v3  }
0x25c: {  	[tilespmem:s7+$0xFFFFFFF0] =	vst v2  }
0x25d: {  	s18 =	simm.s32 $0x91A0;
	[tilespmem:s7+$0x0] =	vst v1  }
0x25e: {  	[spmem:s2] =	stream.indirect.scatter.add.f32 [tilespmem:s18], [sflag:$0x5], $0x40, s0, s3, $0xb8;
	[tilespmem:$0x1B170] =	vst v63  }
0x25f: {  	_ = 	snop  }
0x260: {  	[spmem:s4] =	stream.indirect.scatter.add.f32 [tilespmem:s21], [sflag:$0x8], $0x1, s0, s3, $0xb8;
	[tilespmem:$0x1B170] =	vst v63  }
0x261: {  	_ =	swait.ge [sflag:s22], $0x3C00  }
0x262: {  	[sflag:s22] =	ssyncset.done $0x0  }
0x263: {  	[sflag:s22] =	ssyncadd.s32 $0xFFFFC400  }
0x264: {  	_ =	swait.ge [sflag:s23], $0xF0  }
0x265: {  	p1 =	seq.s32 s5, $0x1C;
	s7 =	rddreg [dreg:$0x10]  }
0x266: {  	s7 =	sadd.s32 @!p1 s20, s7  }
0x267: {  	s19 =	simm.s32 @!p1 $0x0;
	[sflag:s23] =	ssyncset.done $0x0;
	s7 =	sshrl.u32 @!p1 s7, $0x3  }
0x268: {  	s31 =	simm.s32 @!p1 $0x5000;
	[sflag:s23] =	ssyncadd.s32 $0xFFFFFF10;
	s18 =	sadd.s32 @!p1 s1, s7  }
0x269: {  	[tilespmem:s31], [sflag:$0xA] =	stream.linear.gather @!p1 [hbm4b:s18+s19], $0xF0, $0x38;
	[tilespmem:$0x1B170] =	vst v63  }
0x26a: {  	s7 =	sadd.s32 @!p1 s8, s7;
	s18 =	simm.s32 @!p1 $0x52D0  }
0x26b: {  	[tilespmem:s18], [sflag:$0xA] =	stream.linear.gather @!p1 [hbm4b:s7+s19], $0xF0, $0x38;
	[tilespmem:$0x1B170] =	vst v63  }
0x26c: {  	s7 =	simm.s32 @!p1 $0xA  }
0x26d: {  	_ =	swait.ge @!p1 [sflag:s7], $0xF0  }
0x26e: {  	[sflag:s7] =	ssyncset.done @!p1 $0x0  }
0x26f: {  	[sflag:s7] =	ssyncadd.s32 @!p1 $0xFFFFFF10  }
0x270: {  	_ =	swait.ge @!p1 [sflag:s7], $0xF0  }
0x271: {  	[sflag:s7] =	ssyncset.done @!p1 $0x0  }
0x272: {  	s18 =	simm.s32 @!p1 $0x55A0;
	[sflag:s7] =	ssyncadd.s32 @!p1 $0xFFFFFF10;
	s7 =	simm.s32 @!p1 $0xF0  }
0x273: {  	[tilespmem:s18], [sflag:$0x1] =	stream.indirect.gather @!p1 [hbm4b:s17+s7], $0x40, s31, s7, $0xb8;
	[tilespmem:$0x1B170] =	vst v63  }
0x274: {  	_ =	swait.ge [sflag:s9], $0x3C00  }
0x275: {  	[sflag:s9] =	ssyncset.done $0x0  }
0x276: {  	[sflag:s9] =	ssyncadd.s32 $0xFFFFC400  }
0x277: {  	v1 =	vld [tilespmem:$0x51E0]  }
0x278: {  	v2 =	vld [tilespmem:$0x54B0];
	_ =	sdelay $0x5  }
0x279: {  	s19 =	simm.s32 $0x0  }
0x27a: {  	v1 =	vld.idx.msk [tilespmem:v1+s19+$0x0], $0xffff  }
0x27b: {  	v2 =	vld.idx.msk [tilespmem:v2+s28+$0x0], $0xffff;
	_ =	sdelay $0x4  }
0x27c: {  	v1 =	vadd.f32 v2, v1;
	_ =	sdelay $0x1  }
0x27d: {  	v2 =	vmul.f32 $2.000000030e-01, v1  }
0x27e: {  	vm0 =	vge.f32 v1, $0.0e+00  }
0x27f: {  	v1 =	vsel vm0, v1, v2  }
0x280: {  	v1 =	vmul.f32 $1.442695020e+00, v1;
	_ =	sdelay $0x1  }
0x281: {  	(erf) = vpow2.f32 v1;
	_ =	sdelay $0x2  }
0x282: {  	v1 =	vld [tilespmem:$0x51F0]  }
0x283: {  	v2 =	vld [tilespmem:$0x54C0];
	_ =	sdelay $0x4  }
0x284: {  	v3 =	vpop (erf)  }
0x285: {  	[tilespmem:$0x10B80] =	vst v3  }
0x286: {  	v1 =	vld.idx.msk [tilespmem:v1+s19+$0x0], $0xffff  }
0x287: {  	v2 =	vld.idx.msk [tilespmem:v2+s28+$0x0], $0xffff;
	_ =	sdelay $0x4  }
0x288: {  	v1 =	vadd.f32 v2, v1;
	_ =	sdelay $0x1  }
0x289: {  	v2 =	vmul.f32 $2.000000030e-01, v1  }
0x28a: {  	vm14 =	vge.f32 v1, $0.0e+00  }
0x28b: {  	v1 =	vsel vm14, v1, v2  }
0x28c: {  	v1 =	vmul.f32 $1.442695020e+00, v1;
	_ =	sdelay $0x1  }
0x28d: {  	(erf) = vpow2.f32 v1;
	_ =	sdelay $0x2  }
0x28e: {  	v1 =	vld [tilespmem:$0x5200]  }
0x28f: {  	v2 =	vld [tilespmem:$0x54D0];
	_ =	sdelay $0x4  }
0x290: {  	v3 =	vpop (erf)  }
0x291: {  	[tilespmem:$0x10B90] =	vst v3  }
0x292: {  	v1 =	vld.idx.msk [tilespmem:v1+s19+$0x0], $0xffff  }
0x293: {  	v2 =	vld.idx.msk [tilespmem:v2+s28+$0x0], $0xffff;
	_ =	sdelay $0x4  }
0x294: {  	v1 =	vadd.f32 v2, v1;
	_ =	sdelay $0x1  }
0x295: {  	v2 =	vmul.f32 $2.000000030e-01, v1  }
0x296: {  	vm15 =	vge.f32 v1, $0.0e+00  }
0x297: {  	v1 =	vsel vm15, v1, v2  }
0x298: {  	v1 =	vmul.f32 $1.442695020e+00, v1;
	_ =	sdelay $0x1  }
0x299: {  	(erf) = vpow2.f32 v1;
	_ =	sdelay $0x2  }
0x29a: {  	v1 =	vld [tilespmem:$0x5210]  }
0x29b: {  	v2 =	vld [tilespmem:$0x54E0];
	_ =	sdelay $0x4  }
0x29c: {  	v3 =	vpop (erf)  }
0x29d: {  	[tilespmem:$0x10BA0] =	vst v3  }
0x29e: {  	v1 =	vld.idx.msk [tilespmem:v1+s19+$0x0], $0xffff  }
0x29f: {  	v2 =	vld.idx.msk [tilespmem:v2+s28+$0x0], $0xffff;
	_ =	sdelay $0x4  }
0x2a0: {  	v1 =	vadd.f32 v2, v1;
	_ =	sdelay $0x1  }
0x2a1: {  	v2 =	vmul.f32 $2.000000030e-01, v1  }
0x2a2: {  	vm4 =	vge.f32 v1, $0.0e+00  }
0x2a3: {  	v1 =	vsel vm4, v1, v2  }
0x2a4: {  	v1 =	vmul.f32 $1.442695020e+00, v1;
	_ =	sdelay $0x1  }
0x2a5: {  	(erf) = vpow2.f32 v1;
	_ =	sdelay $0x2  }
0x2a6: {  	v1 =	vld [tilespmem:$0x5220]  }
0x2a7: {  	v2 =	vld [tilespmem:$0x54F0];
	_ =	sdelay $0x4  }
0x2a8: {  	v3 =	vpop (erf)  }
0x2a9: {  	[tilespmem:$0x10BB0] =	vst v3  }
0x2aa: {  	v1 =	vld.idx.msk [tilespmem:v1+s19+$0x0], $0xffff  }
0x2ab: {  	v2 =	vld.idx.msk [tilespmem:v2+s28+$0x0], $0xffff;
	_ =	sdelay $0x4  }
0x2ac: {  	v1 =	vadd.f32 v2, v1;
	_ =	sdelay $0x1  }
0x2ad: {  	v2 =	vmul.f32 $2.000000030e-01, v1  }
0x2ae: {  	vm5 =	vge.f32 v1, $0.0e+00  }
0x2af: {  	v1 =	vsel vm5, v1, v2  }
0x2b0: {  	v1 =	vmul.f32 $1.442695020e+00, v1;
	_ =	sdelay $0x1  }
0x2b1: {  	(erf) = vpow2.f32 v1;
	_ =	sdelay $0x2  }
0x2b2: {  	v1 =	vld [tilespmem:$0x5230]  }
0x2b3: {  	v2 =	vld [tilespmem:$0x5500];
	_ =	sdelay $0x4  }
0x2b4: {  	v3 =	vpop (erf)  }
0x2b5: {  	[tilespmem:$0x10BC0] =	vst v3  }
0x2b6: {  	v1 =	vld.idx.msk [tilespmem:v1+s19+$0x0], $0xffff  }
0x2b7: {  	v2 =	vld.idx.msk [tilespmem:v2+s28+$0x0], $0xffff;
	_ =	sdelay $0x4  }
0x2b8: {  	v1 =	vadd.f32 v2, v1;
	_ =	sdelay $0x1  }
0x2b9: {  	v2 =	vmul.f32 $2.000000030e-01, v1  }
0x2ba: {  	vm6 =	vge.f32 v1, $0.0e+00  }
0x2bb: {  	v1 =	vsel vm6, v1, v2  }
0x2bc: {  	v1 =	vmul.f32 $1.442695020e+00, v1;
	_ =	sdelay $0x1  }
0x2bd: {  	(erf) = vpow2.f32 v1;
	_ =	sdelay $0x2  }
0x2be: {  	v1 =	vld [tilespmem:$0x5240]  }
0x2bf: {  	v2 =	vld [tilespmem:$0x5510];
	_ =	sdelay $0x4  }
0x2c0: {  	v3 =	vpop (erf)  }
0x2c1: {  	[tilespmem:$0x10BD0] =	vst v3  }
0x2c2: {  	v1 =	vld.idx.msk [tilespmem:v1+s19+$0x0], $0xffff  }
0x2c3: {  	v2 =	vld.idx.msk [tilespmem:v2+s28+$0x0], $0xffff;
	_ =	sdelay $0x4  }
0x2c4: {  	v1 =	vadd.f32 v2, v1;
	_ =	sdelay $0x1  }
0x2c5: {  	v2 =	vmul.f32 $2.000000030e-01, v1  }
0x2c6: {  	vm7 =	vge.f32 v1, $0.0e+00  }
0x2c7: {  	v1 =	vsel vm7, v1, v2  }
0x2c8: {  	v1 =	vmul.f32 $1.442695020e+00, v1;
	_ =	sdelay $0x1  }
0x2c9: {  	(erf) = vpow2.f32 v1;
	_ =	sdelay $0x2  }
0x2ca: {  	v1 =	vld [tilespmem:$0x5250]  }
0x2cb: {  	v2 =	vld [tilespmem:$0x5520];
	_ =	sdelay $0x4  }
0x2cc: {  	v3 =	vpop (erf)  }
0x2cd: {  	[tilespmem:$0x10BE0] =	vst v3  }
0x2ce: {  	v1 =	vld.idx.msk [tilespmem:v1+s19+$0x0], $0xffff  }
0x2cf: {  	v2 =	vld.idx.msk [tilespmem:v2+s28+$0x0], $0xffff;
	_ =	sdelay $0x4  }
0x2d0: {  	v1 =	vadd.f32 v2, v1;
	_ =	sdelay $0x1  }
0x2d1: {  	v2 =	vmul.f32 $2.000000030e-01, v1  }
0x2d2: {  	vm8 =	vge.f32 v1, $0.0e+00  }
0x2d3: {  	v1 =	vsel vm8, v1, v2  }
0x2d4: {  	v1 =	vmul.f32 $1.442695020e+00, v1;
	_ =	sdelay $0x1  }
0x2d5: {  	(erf) = vpow2.f32 v1;
	_ =	sdelay $0x2  }
0x2d6: {  	v1 =	vld [tilespmem:$0x5260]  }
0x2d7: {  	v2 =	vld [tilespmem:$0x5530];
	_ =	sdelay $0x4  }
0x2d8: {  	v3 =	vpop (erf)  }
0x2d9: {  	[tilespmem:$0x10BF0] =	vst v3  }
0x2da: {  	v1 =	vld.idx.msk [tilespmem:v1+s19+$0x0], $0xffff  }
0x2db: {  	v2 =	vld.idx.msk [tilespmem:v2+s28+$0x0], $0xffff;
	_ =	sdelay $0x4  }
0x2dc: {  	v1 =	vadd.f32 v2, v1;
	_ =	sdelay $0x1  }
0x2dd: {  	v2 =	vmul.f32 $2.000000030e-01, v1  }
0x2de: {  	vm9 =	vge.f32 v1, $0.0e+00  }
0x2df: {  	v1 =	vsel vm9, v1, v2  }
0x2e0: {  	v1 =	vmul.f32 $1.442695020e+00, v1;
	_ =	sdelay $0x1  }
0x2e1: {  	(erf) = vpow2.f32 v1;
	_ =	sdelay $0x2  }
0x2e2: {  	v1 =	vld [tilespmem:$0x5270]  }
0x2e3: {  	v2 =	vld [tilespmem:$0x5540];
	_ =	sdelay $0x4  }
0x2e4: {  	v3 =	vpop (erf)  }
0x2e5: {  	[tilespmem:$0x10C00] =	vst v3  }
0x2e6: {  	v1 =	vld.idx.msk [tilespmem:v1+s19+$0x0], $0xffff  }
0x2e7: {  	v2 =	vld.idx.msk [tilespmem:v2+s28+$0x0], $0xffff;
	_ =	sdelay $0x4  }
0x2e8: {  	v1 =	vadd.f32 v2, v1;
	_ =	sdelay $0x1  }
0x2e9: {  	v2 =	vmul.f32 $2.000000030e-01, v1  }
0x2ea: {  	vm10 =	vge.f32 v1, $0.0e+00  }
0x2eb: {  	v1 =	vsel vm10, v1, v2  }
0x2ec: {  	v1 =	vmul.f32 $1.442695020e+00, v1;
	_ =	sdelay $0x1  }
0x2ed: {  	(erf) = vpow2.f32 v1;
	_ =	sdelay $0x2  }
0x2ee: {  	v1 =	vld [tilespmem:$0x5280]  }
0x2ef: {  	v2 =	vld [tilespmem:$0x5550];
	_ =	sdelay $0x4  }
0x2f0: {  	v3 =	vpop (erf)  }
0x2f1: {  	[tilespmem:$0x10C10] =	vst v3  }
0x2f2: {  	v1 =	vld.idx.msk [tilespmem:v1+s19+$0x0], $0xffff  }
0x2f3: {  	v2 =	vld.idx.msk [tilespmem:v2+s28+$0x0], $0xffff;
	_ =	sdelay $0x4  }
0x2f4: {  	v1 =	vadd.f32 v2, v1;
	_ =	sdelay $0x1  }
0x2f5: {  	v2 =	vmul.f32 $2.000000030e-01, v1  }
0x2f6: {  	vm11 =	vge.f32 v1, $0.0e+00  }
0x2f7: {  	v1 =	vsel vm11, v1, v2  }
0x2f8: {  	v1 =	vmul.f32 $1.442695020e+00, v1;
	_ =	sdelay $0x1  }
0x2f9: {  	(erf) = vpow2.f32 v1;
	_ =	sdelay $0x2  }
0x2fa: {  	v1 =	vld [tilespmem:$0x5290]  }
0x2fb: {  	v2 =	vld [tilespmem:$0x5560];
	_ =	sdelay $0x4  }
0x2fc: {  	v3 =	vpop (erf)  }
0x2fd: {  	[tilespmem:$0x10C20] =	vst v3  }
0x2fe: {  	v1 =	vld.idx.msk [tilespmem:v1+s19+$0x0], $0xffff  }
0x2ff: {  	v2 =	vld.idx.msk [tilespmem:v2+s28+$0x0], $0xffff;
	_ =	sdelay $0x4  }
0x300: {  	v1 =	vadd.f32 v2, v1;
	_ =	sdelay $0x1  }
0x301: {  	v2 =	vmul.f32 $2.000000030e-01, v1  }
0x302: {  	vm12 =	vge.f32 v1, $0.0e+00  }
0x303: {  	v1 =	vsel vm12, v1, v2  }
0x304: {  	v1 =	vmul.f32 $1.442695020e+00, v1;
	_ =	sdelay $0x1  }
0x305: {  	(erf) = vpow2.f32 v1;
	_ =	sdelay $0x2  }
0x306: {  	v1 =	vld [tilespmem:$0x52A0]  }
0x307: {  	v2 =	vld [tilespmem:$0x5570];
	_ =	sdelay $0x4  }
0x308: {  	v3 =	vpop (erf)  }
0x309: {  	[tilespmem:$0x10C30] =	vst v3  }
0x30a: {  	v1 =	vld.idx.msk [tilespmem:v1+s19+$0x0], $0xffff  }
0x30b: {  	v2 =	vld.idx.msk [tilespmem:v2+s28+$0x0], $0xffff;
	_ =	sdelay $0x4  }
0x30c: {  	v1 =	vadd.f32 v2, v1;
	_ =	sdelay $0x1  }
0x30d: {  	v2 =	vmul.f32 $2.000000030e-01, v1  }
0x30e: {  	vm13 =	vge.f32 v1, $0.0e+00  }
0x30f: {  	v1 =	vsel vm13, v1, v2  }
0x310: {  	v1 =	vmul.f32 $1.442695020e+00, v1;
	_ =	sdelay $0x1  }
0x311: {  	(erf) = vpow2.f32 v1;
	_ =	sdelay $0x2  }
0x312: {  	v1 =	vld [tilespmem:$0x52B0]  }
0x313: {  	v2 =	vld [tilespmem:$0x5580];
	_ =	sdelay $0x4  }
0x314: {  	v3 =	vpop (erf)  }
0x315: {  	[tilespmem:$0x10C40] =	vst v3  }
0x316: {  	v1 =	vld.idx.msk [tilespmem:v1+s19+$0x0], $0xffff  }
0x317: {  	v2 =	vld.idx.msk [tilespmem:v2+s28+$0x0], $0xffff;
	_ =	sdelay $0x4  }
0x318: {  	v1 =	vadd.f32 v2, v1;
	_ =	sdelay $0x1  }
0x319: {  	v2 =	vmul.f32 $2.000000030e-01, v1  }
0x31a: {  	vm14 =	vge.f32 v1, $0.0e+00  }
0x31b: {  	v1 =	vsel vm14, v1, v2  }
0x31c: {  	v1 =	vmul.f32 $1.442695020e+00, v1;
	_ =	sdelay $0x1  }
0x31d: {  	(erf) = vpow2.f32 v1;
	_ =	sdelay $0x2  }
0x31e: {  	v1 =	vld [tilespmem:$0x52C0]  }
0x31f: {  	v2 =	vld [tilespmem:$0x5590];
	_ =	sdelay $0x4  }
0x320: {  	v3 =	vpop (erf)  }
0x321: {  	[tilespmem:$0x10C50] =	vst v3  }
0x322: {  	v1 =	vld.idx.msk [tilespmem:v1+s19+$0x0], $0xffff  }
0x323: {  	v2 =	vld.idx.msk [tilespmem:v2+s28+$0x0], $0xffff;
	_ =	sdelay $0x4  }
0x324: {  	v1 =	vadd.f32 v2, v1;
	_ =	sdelay $0x1  }
0x325: {  	v2 =	vmul.f32 $2.000000030e-01, v1  }
0x326: {  	vm15 =	vge.f32 v1, $0.0e+00  }
0x327: {  	v1 =	vsel vm15, v1, v2  }
0x328: {  	v1 =	vmul.f32 $1.442695020e+00, v1;
	_ =	sdelay $0x1  }
0x329: {  	(erf) = vpow2.f32 v1;
	_ =	sdelay $0x7  }
0x32a: {  	v1 =	vmov s19  }
0x32b: {  	v2 =	vpop (erf)  }
0x32c: {  	s18 =	simm.s32 $0xCDC0;
	[tilespmem:$0x10C60] =	vst v2  }
0x32d: {  	v3 =	vld [tilespmem:s18+$0xFFFFFFF0]  }
0x32e: {  	v4 =	vld [tilespmem:s18+$0x10]  }
0x32f: {  	v6 =	vld.idx.msk [tilespmem:v1+s12+$0x0], $0xffff  }
0x330: {  	v1 =	vld [tilespmem:s18+$0xFFFFFFE0]  }
0x331: {  	v7 =	vld [tilespmem:s18+$0x0];
	_ =	sdelay $0x3  }
0x332: {  	s7 =	simm.s32 $0x1;
	v2 =	vmul.f32 v1, v6;
	v5 =	vmul.f32 v4, v6  }
0x333: {  	s31 =	simm.s32 $0xCDC0;
	s19 =	simm.s32 $0x2;
	v1 =	vmov s7;
	v4 =	vmul.f32 v3, v6;
	v3 =	vmul.f32 v7, v6  }
.LBB2_9:
0x334: {  	p2 =	sne.s32 s19, $0xEF  }
0x335: {  	[tilespmem:s18+$0x10] =	vst v5;
	s31 =	sadd.s32 $0x40, s31;
	s7 =	smov.u32 s19;
	s19 =	sadd.s32 $0x1, s19  }
0x336: {  	[tilespmem:s18+$0xFFFFFFE0] =	vst v2  }
0x337: {  	v6 =	vld [tilespmem:s31+$0xFFFFFFF0];
	[tilespmem:s18+$0xFFFFFFF0] =	vst v4  }
0x338: {  	v4 =	vld [tilespmem:s31+$0x10];
	[tilespmem:s18+$0x0] =	vst v3;
	s18 =	smov.u32 s31  }
0x339: {  	v3 =	vld.idx.msk [tilespmem:v1+s12+$0x0], $0xffff  }
0x33a: {  	v1 =	vld [tilespmem:s31+$0xFFFFFFE0]  }
0x33b: {  	v7 =	vld [tilespmem:s31+$0x0]  }
.Ltmp5:
0x33c: {  	(pc) =	sbr.rel @p2 .LBB2_9-.Ltmp5, $3  }
0x33d: {  	_ =	sdelay $0x1  }
0x33e: {  	v5 =	vmul.f32 v4, v3;
	v2 =	vmul.f32 v1, v3  }
0x33f: {  	v4 =	vmul.f32 v6, v3;
	v1 =	vmov s7;
	v3 =	vmul.f32 v7, v3  }
0x340: {  	[tilespmem:s18+$0x10] =	vst v5  }
0x341: {  	s7 =	sadd.s32 $0x40, s31;
	[tilespmem:s18+$0xFFFFFFE0] =	vst v2  }
0x342: {  	v2 =	vld [tilespmem:s7+$0xFFFFFFF0];
	[tilespmem:s18+$0xFFFFFFF0] =	vst v4  }
0x343: {  	v4 =	vld [tilespmem:s7+$0x10];
	[tilespmem:s18+$0x0] =	vst v3  }
0x344: {  	v1 =	vld.idx.msk [tilespmem:v1+s12+$0x0], $0xffff  }
0x345: {  	v3 =	vld [tilespmem:s7+$0xFFFFFFE0];
	_ =	sdelay $0x1  }
0x346: {  	v5 =	vld [tilespmem:s7+$0x0];
	_ =	sdelay $0x1  }
0x347: {  	v4 =	vmul.f32 v4, v1  }
0x348: {  	v3 =	vmul.f32 v3, v1  }
0x349: {  	v2 =	vmul.f32 v2, v1;
	[tilespmem:s7+$0x10] =	vst v4  }
0x34a: {  	v1 =	vmul.f32 v5, v1;
	[tilespmem:s7+$0xFFFFFFE0] =	vst v3  }
0x34b: {  	[tilespmem:s7+$0xFFFFFFF0] =	vst v2  }
0x34c: {  	[tilespmem:s7+$0x0] =	vst v1  }
0x34d: {  	[spmem:s2] =	stream.indirect.scatter.add.f32 [tilespmem:s15], [sflag:$0x6], $0x40, s14, s3, $0xb8;
	[tilespmem:$0x1B170] =	vst v63  }
0x34e: {  	_ = 	snop  }
0x34f: {  	[spmem:s4] =	stream.indirect.scatter.add.f32 [tilespmem:s12], [sflag:$0x9], $0x1, s14, s3, $0xb8;
	[tilespmem:$0x1B170] =	vst v63  }
0x350: {  	_ =	swait.ge [sflag:s26], $0x3C00  }
.Ltmp6:
0x351: {  	[sflag:s26] =	ssyncset.done $0x0;
	(pc) =	sbr.rel @p1 .LBB2_12-.Ltmp6, $4  }
0x352: {  	[sflag:s26] =	ssyncadd.s32 $0xFFFFC400  }
0x353: {  	_ =	swait.ge [sflag:s25], $0xF0  }
0x354: {  	[sflag:s25] =	ssyncset.done $0x0  }
0x355: {  	[sflag:s25] =	ssyncadd.s32 $0xFFFFFF10  }
0x356: {  	s7 =	rddreg [dreg:$0x11]  }
0x357: {  	s7 =	sadd.s32 s20, s7  }
.Ltmp7:
0x358: {  	s7 =	sshrl.u32 s7, $0x3;
	(pc) =	sbr.rel .LBB2_4-.Ltmp7, $4  }
0x359: {  	s19 =	simm.s32 $0x0;
	s20 =	simm.s32 $0x50F0;
	s18 =	sadd.s32 s1, s7  }
0x35a: {  	[tilespmem:s20], [sflag:$0xB] =	stream.linear.gather [hbm4b:s18+s19], $0xF0, $0x38;
	[tilespmem:$0x1B170] =	vst v63  }
0x35b: {  	s5 =	sadd.s32 $0x1, s5;
	s7 =	sadd.s32 s8, s7  }
0x35c: {  	[tilespmem:s0], [sflag:$0xB] =	stream.linear.gather [hbm4b:s7+s19], $0xF0, $0x38;
	[tilespmem:$0x1B170] =	vst v63  }
.LBB2_13:
0x35d: {  	_ =	sfence.sel $0x180000  }
0x35e: {  	[bflag:$0x0] =	sbarrier.arrive $0xFFFF  }
0x35f: {  	_ =	strace $0x90000047  }
0x360: {  	s0 =	stileid.u32;
	[bflag:$0x2] =	sbarrier.arrive $0xFFFF  }
0x361: {  	p0 =	sne.s32 s0, $0x0;
	s0 =	rddreg [dreg:$0x4]  }
0x362: {  	s0 =	sadd.s32 @!p0 $0x100000, s0  }
0x363: {  	[sflag:s0] =	ssyncadd.tile.s32 @!p0 $0x1;
	_ =	shalt  }
.Lfunc_end2:
_tile_overlayer_lowered:
.L_overlay_start_2:
0x364: {  	(tag) =	ssettag $0x2  }
0x365: {  	s0 =	rddreg [dreg:$0x0];
	s2 =	stileid.u32  }
0x366: {  	s1 =	rddreg [dreg:$0x1];
	p0 =	sne.s32 s2, $0x0  }
0x367: {  	s3 =	rddreg [dreg:$0x2];
	[bflag:$0x3] =	sbarrier.arrive $0xFFFF;
	s2 =	simm.s32 @!p0 $0x1C0D  }
0x368: {  	[timem:s3], [sflag:s2] =	dma.local @!p0 [hbm:s0], s1  }
0x369: {  	s0 =	simm.s32 @!p0 $0xD  }
0x36a: {  	_ =	swait.ge @!p0 [sflag:s0], s1  }
0x36b: {  	s1 =	ssub.s32 @!p0 $0x0, s1;
	[sflag:s0] =	ssyncset.done @!p0 $0x0  }
0x36c: {  	[sflag:s0] =	ssyncadd.s32 @!p0 s1  }
0x36d: {  	[bflag:$0x3] =	sbarrier.arrive $0xFFFF  }
0x36e: {  	_ =	shalt  }

</sc_bundles>
